<compile_context>
chip_gen: v7x
topology: tpu7x:2x2x1
jax: 0.10.2.dev20260603
libtpu: 0.0.44.dev20260713+nightly
codegen_flags: <defaults>
</compile_context>

<pallas_src>
import functools

import jax
import jax.numpy as jnp
from jax import lax
from jax.experimental import pallas as pl
from jax.experimental.pallas import tpu as pltpu
from jax.experimental.pallas import tpu_sc as plsc

D = 64
F = 2 * D + 1
FP = 144
L = 16
EPS = 1e-5
NC, NS = 2, 16
NW = NC * NS
C = 128


def _sc_embed(xh, xw, gvec, h_table, w_table, pos_pad, gamma_pad, beta_pad, T, N):
    per_w = N // NW
    chunks = per_w // C
    mesh = plsc.VectorSubcoreMesh(core_axis_name="c", subcore_axis_name="s")

    @functools.partial(
        pl.kernel,
        mesh=mesh,
        out_type=jax.ShapeDtypeStruct((N * F,), jnp.float32),
        compiler_params=pltpu.CompilerParams(needs_layout_passes=False,
                                             use_tc_tiling_on_sc=False),
        scratch_types=[
            pltpu.VMEM((C,), jnp.float32),
            pltpu.VMEM((C,), jnp.float32),
            pltpu.VMEM((C,), jnp.int32),
            pltpu.VMEM((C,), jnp.int32),
            pltpu.VMEM((C, D), jnp.float32),
            pltpu.VMEM((C, D), jnp.float32),
            pltpu.VMEM((C * F + L,), jnp.float32),
            pltpu.VMEM((T * FP,), jnp.float32),
            pltpu.VMEM((FP,), jnp.float32),
            pltpu.VMEM((FP,), jnp.float32),
            pltpu.VMEM((2 * L,), jnp.float32),
            pltpu.SemaphoreType.DMA,
            pltpu.SemaphoreType.DMA,
        ],
    )
    def k(xh_hbm, xw_hbm, g_hbm, h_hbm, w_hbm, pos_hbm, gam_hbm, bet_hbm, out_hbm,
          xh_v, xw_v, ih_v, iw_v, hr_v, wr_v, ob_v, pos_v, gam_v, bet_v, g_v,
          sem1, sem2):
        wid = lax.axis_index("s") * NC + lax.axis_index("c")
        base = wid * per_w
        pltpu.sync_copy(pos_hbm, pos_v)
        pltpu.sync_copy(gam_hbm, gam_v)
        pltpu.sync_copy(bet_hbm, bet_v)
        pltpu.sync_copy(g_hbm, g_v)

        iota = lax.iota(jnp.int32, L)
        g0v = g_v[pl.ds(0, L)]
        g1v = g_v[pl.ds(L, L)]
        gks = [gam_v[pl.ds(kk * L, L)] for kk in range(8)]
        bks = [bet_v[pl.ds(kk * L, L)] for kk in range(8)]
        gam128 = gam_v[pl.ds(2 * D, L)][0]
        bet128 = bet_v[pl.ds(2 * D, L)][0]
        inv_f = jnp.float32(1.0 / F)

        def chunk_body(c, carry):
            cbase = pl.multiple_of(base + c * C, C)
            pltpu.sync_copy(xh_hbm.at[pl.ds(cbase, C)], xh_v)
            pltpu.sync_copy(xw_hbm.at[pl.ds(cbase, C)], xw_v)

            def idx_body(i, carry2):
                xv = xh_v[pl.ds(i * L, L)]
                ih_v[pl.ds(i * L, L)] = ((xv + 1.0) / g0v).astype(jnp.int32)
                wv = xw_v[pl.ds(i * L, L)]
                iw_v[pl.ds(i * L, L)] = ((wv + 1.0) / g1v).astype(jnp.int32)
                return carry2

            lax.fori_loop(0, C // L, idx_body, 0)
            cp1 = pltpu.async_copy(h_hbm.at[ih_v], hr_v, sem1)
            cp2 = pltpu.async_copy(w_hbm.at[iw_v], wr_v, sem2)
            cp1.wait()
            cp2.wait()

            def group_body(gi, carry2):
                gp = gi * L
                xg = xh_v[pl.ds(gp, L)]
                u_vec = jnp.where(xg > 1.0, jnp.float32(1.0), jnp.float32(0.0))
                t_vec = lax.rem(cbase + gp + iota, T)
                for lane in range(L):
                    p = gp + lane
                    po = t_vec[lane] * FP
                    e = [hr_v[p, pl.ds(kk * L, L)] + pos_v[pl.ds(po + kk * L, L)]
                         for kk in range(4)]
                    e += [wr_v[p, pl.ds(kk * L, L)]
                          + pos_v[pl.ds(po + D + kk * L, L)] for kk in range(4)]
                    e8 = u_vec[lane] + pos_v[pl.ds(po + 2 * D, L)][0]
                    sv = ((e[0] + e[1]) + (e[2] + e[3])) + ((e[4] + e[5]) + (e[6] + e[7]))
                    q = [ei * ei for ei in e]
                    qv = ((q[0] + q[1]) + (q[2] + q[3])) + ((q[4] + q[5]) + (q[6] + q[7]))
                    ssum = jnp.sum(sv) + e8
                    qsum = jnp.sum(qv) + e8 * e8
                    mean = ssum * inv_f
                    var = qsum * inv_f - mean * mean
                    vv = jnp.full((L,), var + EPS, jnp.float32)
                    ii = plsc.bitcast(vv, jnp.int32)
                    ii = 0x5F3759DF - lax.shift_right_logical(ii, 1)
                    y = plsc.bitcast(ii, jnp.float32)
                    for _ in range(3):
                        y = y * (1.5 - 0.5 * vv * y * y)
                    mv = jnp.full((L,), mean, jnp.float32)
                    ob_base = p * F
                    for kk in range(8):
                        ob_v[pl.ds(ob_base + kk * L, L)] = (e[kk] - mv) * y * gks[kk] + bks[kk]
                    f8 = jnp.full((L,), e8 - mean, jnp.float32) * y * gam128 + bet128
                    ob_v[pl.ds(ob_base + 2 * D, L)] = f8
                return carry2

            lax.fori_loop(0, C // L, group_body, 0)
            pltpu.sync_copy(ob_v.at[pl.ds(0, C * F)],
                            out_hbm.at[pl.ds(pl.multiple_of(cbase * F, C), C * F)])
            return carry

        lax.fori_loop(0, chunks, chunk_body, 0)

    return k(xh, xw, gvec, h_table, w_table, pos_pad, gamma_pad, beta_pad)


def kernel(x, grid_size_tensor, h_table, w_table, pos_table, gamma, beta):
    B, T, _ = x.shape
    N = B * T
    xh = x[:, :, 0].reshape(N)
    xw = x[:, :, 1].reshape(N)
    gvec = jnp.concatenate([
        jnp.broadcast_to(grid_size_tensor[0], (L,)),
        jnp.broadcast_to(grid_size_tensor[1], (L,)),
    ])
    pos_pad = jnp.pad(pos_table, ((0, 0), (0, FP - F))).reshape(T * FP)
    gamma_pad = jnp.pad(gamma, (0, FP - F))
    beta_pad = jnp.pad(beta, (0, FP - F))
    out = _sc_embed(xh, xw, gvec, h_table, w_table, pos_pad, gamma_pad,
                    beta_pad, T, N)
    return out.reshape(B, T, F)

# --- scband reference (transcript-rebuilt; emitter-appended) ---
"""Pipeline reference for scband-embedding-45037027066133 (READ-ONLY COPY).

The authoritative reference and input builder live on the scoring server;
editing this copy changes nothing except your own understanding.
"""

import jax, jax.numpy as jnp
import numpy as np

H_GRID = 100000
W_GRID = 100000
EMBED_DIM = 64
MAX_LEN = 18
INPUT_SIZE = EMBED_DIM * 2 + 1
BATCH = 16384
EPS = 1e-5


def setup_inputs(seed: int = 0) -> dict:
    key = jax.random.key(seed)
    k1, k2, k3, k4 = jax.random.split(key, 4)
    # x: fill=rand in [0,1), so (x+1)/grid_size is always positive and in-range
    x = jax.random.uniform(k1, (BATCH, MAX_LEN, 2), dtype=jnp.float32)
    # grid_size_tensor: fill=ones -> trunc((x+1)/1) == 1, always a valid index
    grid_size_tensor = jnp.ones((2,), dtype=jnp.float32)
    # learned parameters (nn.Embedding default init: N(0,1); LayerNorm: gamma=1, beta=0)
    h_table = jax.random.normal(k2, (H_GRID + 1, EMBED_DIM), dtype=jnp.float32)
    w_table = jax.random.normal(k3, (W_GRID + 1, EMBED_DIM), dtype=jnp.float32)
    pos_table = jax.random.normal(k4, (MAX_LEN, INPUT_SIZE), dtype=jnp.float32)
    gamma = jnp.ones((INPUT_SIZE,), dtype=jnp.float32)
    beta = jnp.zeros((INPUT_SIZE,), dtype=jnp.float32)
    return {
        "x": x,
        "grid_size_tensor": grid_size_tensor,
        "h_table": h_table,
        "w_table": w_table,
        "pos_table": pos_table,
        "gamma": gamma,
        "beta": beta,
    }


def _layer_norm(h, gamma, beta):
    mean = jnp.mean(h, axis=-1, keepdims=True)
    var = jnp.mean(jnp.square(h - mean), axis=-1, keepdims=True)
    return (h - mean) / jnp.sqrt(var + EPS) * gamma + beta


def reference(x, grid_size_tensor, h_table, w_table, pos_table, gamma, beta):
    unknown_index = (x > 1)[:, :, 0]
    grid_embedding_index = jnp.trunc((x + 1) / grid_size_tensor[None, None, :]).astype(jnp.int32)
    h_embedding = jnp.take(h_table, grid_embedding_index[:, :, 0], axis=0)
    w_embedding = jnp.take(w_table, grid_embedding_index[:, :, 1], axis=0)
    point_embedding = jnp.concatenate(
        [h_embedding, w_embedding, unknown_index[:, :, None].astype(h_embedding.dtype)], axis=2
    )
    pos = jnp.arange(MAX_LEN)
    pos = jnp.broadcast_to(pos[None, :], (x.shape[0], MAX_LEN))
    pos_embedding = jnp.take(pos_table, pos, axis=0)
    embedding = point_embedding + pos_embedding
    return _layer_norm(embedding, gamma, beta)

if __name__ == "__main__":
    import jax
    _d = setup_inputs()
    print(jax.jit(kernel)(*tuple(_d.values())))

</pallas_src>

<mosaic_0001>
#map = affine_map<(d0, d1) -> (0)>
#map1 = affine_map<(d0, d1) -> (0, 0)>
module attributes {stable_mosaic.version = 14 : i64} {
  func.func @k(%arg0: i32, %arg1: i32, %arg2: memref<294912xf32, #tpu.memory_space<hbm>>, %arg3: memref<294912xf32, #tpu.memory_space<hbm>>, %arg4: memref<32xf32, #tpu.memory_space<hbm>>, %arg5: memref<100001x64xf32, #tpu.memory_space<hbm>>, %arg6: memref<100001x64xf32, #tpu.memory_space<hbm>>, %arg7: memref<2592xf32, #tpu.memory_space<hbm>>, %arg8: memref<144xf32, #tpu.memory_space<hbm>>, %arg9: memref<144xf32, #tpu.memory_space<hbm>>, %arg10: memref<38043648xf32, #tpu.memory_space<hbm>>, %arg11: memref<128xf32, #tpu.memory_space<vmem>>, %arg12: memref<128xf32, #tpu.memory_space<vmem>>, %arg13: memref<128xi32, #tpu.memory_space<vmem>>, %arg14: memref<128xi32, #tpu.memory_space<vmem>>, %arg15: memref<128x64xf32, #tpu.memory_space<vmem>>, %arg16: memref<128x64xf32, #tpu.memory_space<vmem>>, %arg17: memref<16528xf32, #tpu.memory_space<vmem>>, %arg18: memref<2592xf32, #tpu.memory_space<vmem>>, %arg19: memref<144xf32, #tpu.memory_space<vmem>>, %arg20: memref<144xf32, #tpu.memory_space<vmem>>, %arg21: memref<32xf32, #tpu.memory_space<vmem>>, %arg22: memref<!tpu.dma_semaphore, #tpu.memory_space<semaphore_mem>>, %arg23: memref<!tpu.dma_semaphore, #tpu.memory_space<semaphore_mem>>) attributes {dimension_semantics = [#tpu.dimension_semantics<core_parallel>, #tpu.dimension_semantics<subcore_parallel>], iteration_bounds = array<i64: 2, 16>, scalar_prefetch = 0 : i64, scratch_operands = 13 : i64, tpu.core_type = #tpu.core_type<sc_vector_subcore>, window_params = [{transform_indices = #map}, {transform_indices = #map}, {transform_indices = #map}, {transform_indices = #map1}, {transform_indices = #map1}, {transform_indices = #map}, {transform_indices = #map}, {transform_indices = #map}, {transform_indices = #map}]} {
    %mul3A = arith.constant 2 : i32
    %mul3A_0 = arith.muli %arg1, %mul3A : i32
    %add3A = arith.addi %mul3A_0, %arg0 : i32
    %mul3A_1 = arith.constant 9216 : i32
    %mul3A_2 = arith.muli %add3A, %mul3A_1 : i32
    "tpu.region"() ({
      %run_scoped3A = tpu.sem_alloc : memref<!tpu.dma_semaphore, #tpu.memory_space<semaphore_mem>>
      tpu.enqueue_dma source(%arg7 : memref<2592xf32, #tpu.memory_space<hbm>>) target(%arg18 : memref<2592xf32, #tpu.memory_space<vmem>>) target_semaphore(%run_scoped3A : memref<!tpu.dma_semaphore, #tpu.memory_space<semaphore_mem>>)
      tpu.wait_dma2 semaphore(%run_scoped3A : memref<!tpu.dma_semaphore, #tpu.memory_space<semaphore_mem>>) src(%arg7 : memref<2592xf32, #tpu.memory_space<hbm>>) dst(%arg18 : memref<2592xf32, #tpu.memory_space<vmem>>)
      tpu.yield
    }) : () -> ()
    "tpu.region"() ({
      %run_scoped3A = tpu.sem_alloc : memref<!tpu.dma_semaphore, #tpu.memory_space<semaphore_mem>>
      tpu.enqueue_dma source(%arg8 : memref<144xf32, #tpu.memory_space<hbm>>) target(%arg19 : memref<144xf32, #tpu.memory_space<vmem>>) target_semaphore(%run_scoped3A : memref<!tpu.dma_semaphore, #tpu.memory_space<semaphore_mem>>)
      tpu.wait_dma2 semaphore(%run_scoped3A : memref<!tpu.dma_semaphore, #tpu.memory_space<semaphore_mem>>) src(%arg8 : memref<144xf32, #tpu.memory_space<hbm>>) dst(%arg19 : memref<144xf32, #tpu.memory_space<vmem>>)
      tpu.yield
    }) : () -> ()
    "tpu.region"() ({
      %run_scoped3A = tpu.sem_alloc : memref<!tpu.dma_semaphore, #tpu.memory_space<semaphore_mem>>
      tpu.enqueue_dma source(%arg9 : memref<144xf32, #tpu.memory_space<hbm>>) target(%arg20 : memref<144xf32, #tpu.memory_space<vmem>>) target_semaphore(%run_scoped3A : memref<!tpu.dma_semaphore, #tpu.memory_space<semaphore_mem>>)
      tpu.wait_dma2 semaphore(%run_scoped3A : memref<!tpu.dma_semaphore, #tpu.memory_space<semaphore_mem>>) src(%arg9 : memref<144xf32, #tpu.memory_space<hbm>>) dst(%arg20 : memref<144xf32, #tpu.memory_space<vmem>>)
      tpu.yield
    }) : () -> ()
    "tpu.region"() ({
      %run_scoped3A = tpu.sem_alloc : memref<!tpu.dma_semaphore, #tpu.memory_space<semaphore_mem>>
      tpu.enqueue_dma source(%arg4 : memref<32xf32, #tpu.memory_space<hbm>>) target(%arg21 : memref<32xf32, #tpu.memory_space<vmem>>) target_semaphore(%run_scoped3A : memref<!tpu.dma_semaphore, #tpu.memory_space<semaphore_mem>>)
      tpu.wait_dma2 semaphore(%run_scoped3A : memref<!tpu.dma_semaphore, #tpu.memory_space<semaphore_mem>>) src(%arg4 : memref<32xf32, #tpu.memory_space<hbm>>) dst(%arg21 : memref<32xf32, #tpu.memory_space<vmem>>)
      tpu.yield
    }) : () -> ()
    %iota3A = tpu.iota {dimensions = array<i32: 0>} : vector<16xi32>
    %get3A = arith.constant 0 : index
    %get3A_3 = tpu.vector_load %arg21[%get3A] {strides = array<i32>} : memref<32xf32, #tpu.memory_space<vmem>>, vector<16xf32>,
    %get3A_4 = arith.constant 16 : index
    %get3A_5 = tpu.vector_load %arg21[%get3A_4] {strides = array<i32>} : memref<32xf32, #tpu.memory_space<vmem>>, vector<16xf32>,
    %get3A_6 = arith.constant 0 : index
    %get3A_7 = tpu.vector_load %arg19[%get3A_6] {strides = array<i32>} : memref<144xf32, #tpu.memory_space<vmem>>, vector<16xf32>,
    %get3A_8 = arith.constant 16 : index
    %get3A_9 = tpu.vector_load %arg19[%get3A_8] {strides = array<i32>} : memref<144xf32, #tpu.memory_space<vmem>>, vector<16xf32>,
    %get3A_10 = arith.constant 32 : index
    %get3A_11 = tpu.vector_load %arg19[%get3A_10] {strides = array<i32>} : memref<144xf32, #tpu.memory_space<vmem>>, vector<16xf32>,
    %get3A_12 = arith.constant 48 : index
    %get3A_13 = tpu.vector_load %arg19[%get3A_12] {strides = array<i32>} : memref<144xf32, #tpu.memory_space<vmem>>, vector<16xf32>,
    %get3A_14 = arith.constant 64 : index
    %get3A_15 = tpu.vector_load %arg19[%get3A_14] {strides = array<i32>} : memref<144xf32, #tpu.memory_space<vmem>>, vector<16xf32>,
    %get3A_16 = arith.constant 80 : index
    %get3A_17 = tpu.vector_load %arg19[%get3A_16] {strides = array<i32>} : memref<144xf32, #tpu.memory_space<vmem>>, vector<16xf32>,
    %get3A_18 = arith.constant 96 : index
    %get3A_19 = tpu.vector_load %arg19[%get3A_18] {strides = array<i32>} : memref<144xf32, #tpu.memory_space<vmem>>, vector<16xf32>,
    %get3A_20 = arith.constant 112 : index
    %get3A_21 = tpu.vector_load %arg19[%get3A_20] {strides = array<i32>} : memref<144xf32, #tpu.memory_space<vmem>>, vector<16xf32>,
    %get3A_22 = arith.constant 0 : index
    %get3A_23 = tpu.vector_load %arg20[%get3A_22] {strides = array<i32>} : memref<144xf32, #tpu.memory_space<vmem>>, vector<16xf32>,
    %get3A_24 = arith.constant 16 : index
    %get3A_25 = tpu.vector_load %arg20[%get3A_24] {strides = array<i32>} : memref<144xf32, #tpu.memory_space<vmem>>, vector<16xf32>,
    %get3A_26 = arith.constant 32 : index
    %get3A_27 = tpu.vector_load %arg20[%get3A_26] {strides = array<i32>} : memref<144xf32, #tpu.memory_space<vmem>>, vector<16xf32>,
    %get3A_28 = arith.constant 48 : index
    %get3A_29 = tpu.vector_load %arg20[%get3A_28] {strides = array<i32>} : memref<144xf32, #tpu.memory_space<vmem>>, vector<16xf32>,
    %get3A_30 = arith.constant 64 : index
    %get3A_31 = tpu.vector_load %arg20[%get3A_30] {strides = array<i32>} : memref<144xf32, #tpu.memory_space<vmem>>, vector<16xf32>,
    %get3A_32 = arith.constant 80 : index
    %get3A_33 = tpu.vector_load %arg20[%get3A_32] {strides = array<i32>} : memref<144xf32, #tpu.memory_space<vmem>>, vector<16xf32>,
    %get3A_34 = arith.constant 96 : index
    %get3A_35 = tpu.vector_load %arg20[%get3A_34] {strides = array<i32>} : memref<144xf32, #tpu.memory_space<vmem>>, vector<16xf32>,
    %get3A_36 = arith.constant 112 : index
    %get3A_37 = tpu.vector_load %arg20[%get3A_36] {strides = array<i32>} : memref<144xf32, #tpu.memory_space<vmem>>, vector<16xf32>,
    %get3A_38 = arith.constant 128 : index
    %get3A_39 = tpu.vector_load %arg19[%get3A_38] {strides = array<i32>} : memref<144xf32, #tpu.memory_space<vmem>>, vector<16xf32>,
    %slice3A = vector.extract_strided_slice %get3A_39 {offsets = [0], sizes = [1], strides = [1]} : vector<16xf32> to vector<1xf32>
    %squeeze3A = vector.extract %slice3A[0] : f32 from vector<1xf32>
    %get3A_40 = arith.constant 128 : index
    %get3A_41 = tpu.vector_load %arg20[%get3A_40] {strides = array<i32>} : memref<144xf32, #tpu.memory_space<vmem>>, vector<16xf32>,
    %slice3A_42 = vector.extract_strided_slice %get3A_41 {offsets = [0], sizes = [1], strides = [1]} : vector<16xf32> to vector<1xf32>
    %squeeze3A_43 = vector.extract %slice3A_42[0] : f32 from vector<1xf32>
    %scan3A = arith.constant 0 : i32
    %scan3A_44 = arith.constant 0.00775193795 : f32
    %scan3A_45 = arith.constant 0 : i32
    %scan3A_46 = arith.constant 72 : i32
    %scan3A_47 = arith.addi %scan3A_45, %scan3A_46 : i32
    %scan3A_48 = arith.constant 1 : i32
    scf.for %scan3A_50 = %scan3A_45 to %scan3A_47 step %scan3A_48  : i32 {
      %mul3A_51 = arith.constant 128 : i32
      %mul3A_52 = arith.muli %scan3A_50, %mul3A_51 : i32
      %add3A_53 = arith.addi %mul3A_2, %mul3A_52 : i32
      %multiple_of3A = tpu.assume_multiple %add3A_53, 128 : i32
      "tpu.region"() ({
        %run_scoped3A = tpu.sem_alloc : memref<!tpu.dma_semaphore, #tpu.memory_space<semaphore_mem>>
        %dma_start3A_79 = tpu.memref_slice %arg2[%multiple_of3A] : memref<294912xf32, #tpu.memory_space<hbm>> -> memref<128xf32, #tpu.memory_space<hbm>>
        %dma_start3A_80 = tpu.memref_slice %arg2[%multiple_of3A] : memref<294912xf32, #tpu.memory_space<hbm>> -> memref<128xf32, #tpu.memory_space<hbm>>
        tpu.enqueue_dma source(%dma_start3A_80 : memref<128xf32, #tpu.memory_space<hbm>>) target(%arg11 : memref<128xf32, #tpu.memory_space<vmem>>) target_semaphore(%run_scoped3A : memref<!tpu.dma_semaphore, #tpu.memory_space<semaphore_mem>>)
        %dma_wait3A_81 = tpu.memref_slice %arg2[%multiple_of3A] : memref<294912xf32, #tpu.memory_space<hbm>> -> memref<128xf32, #tpu.memory_space<hbm>>
        %dma_wait3A_82 = tpu.memref_slice %arg2[%multiple_of3A] : memref<294912xf32, #tpu.memory_space<hbm>> -> memref<128xf32, #tpu.memory_space<hbm>>
        tpu.wait_dma2 semaphore(%run_scoped3A : memref<!tpu.dma_semaphore, #tpu.memory_space<semaphore_mem>>) src(%dma_wait3A_82 : memref<128xf32, #tpu.memory_space<hbm>>) dst(%arg11 : memref<128xf32, #tpu.memory_space<vmem>>)
        tpu.yield
      }) : () -> ()
      "tpu.region"() ({
        %run_scoped3A = tpu.sem_alloc : memref<!tpu.dma_semaphore, #tpu.memory_space<semaphore_mem>>
        %dma_start3A_79 = tpu.memref_slice %arg3[%multiple_of3A] : memref<294912xf32, #tpu.memory_space<hbm>> -> memref<128xf32, #tpu.memory_space<hbm>>
        %dma_start3A_80 = tpu.memref_slice %arg3[%multiple_of3A] : memref<294912xf32, #tpu.memory_space<hbm>> -> memref<128xf32, #tpu.memory_space<hbm>>
        tpu.enqueue_dma source(%dma_start3A_80 : memref<128xf32, #tpu.memory_space<hbm>>) target(%arg12 : memref<128xf32, #tpu.memory_space<vmem>>) target_semaphore(%run_scoped3A : memref<!tpu.dma_semaphore, #tpu.memory_space<semaphore_mem>>)
        %dma_wait3A_81 = tpu.memref_slice %arg3[%multiple_of3A] : memref<294912xf32, #tpu.memory_space<hbm>> -> memref<128xf32, #tpu.memory_space<hbm>>
        %dma_wait3A_82 = tpu.memref_slice %arg3[%multiple_of3A] : memref<294912xf32, #tpu.memory_space<hbm>> -> memref<128xf32, #tpu.memory_space<hbm>>
        tpu.wait_dma2 semaphore(%run_scoped3A : memref<!tpu.dma_semaphore, #tpu.memory_space<semaphore_mem>>) src(%dma_wait3A_82 : memref<128xf32, #tpu.memory_space<hbm>>) dst(%arg12 : memref<128xf32, #tpu.memory_space<vmem>>)
        tpu.yield
      }) : () -> ()
      %scan3A_54 = arith.constant 0 : i32
      %scan3A_55 = arith.constant 0 : i32
      %scan3A_56 = arith.constant 8 : i32
      %scan3A_57 = arith.addi %scan3A_55, %scan3A_56 : i32
      %scan3A_58 = arith.constant 1 : i32
      scf.for %scan3A_79 = %scan3A_55 to %scan3A_57 step %scan3A_58  : i32 {
        %mul3A_80 = arith.constant 16 : i32
        %mul3A_81 = arith.muli %scan3A_79, %mul3A_80 : i32
        %get3A_82 = arith.index_cast %mul3A_81 : i32 to index
        %get3A_83 = tpu.vector_load %arg11[%get3A_82] {strides = array<i32>} : memref<128xf32, #tpu.memory_space<vmem>>, vector<16xf32>,
        %add3A_84 = arith.constant 1.000000e+00 : f32
        %add3A_85 = vector.broadcast %add3A_84 : f32 to vector<16xf32>
        %add3A_86 = arith.addf %get3A_83, %add3A_85 : vector<16xf32>
        %div3A = arith.divf %add3A_86, %get3A_3 : vector<16xf32>
        %convert_element_type3A = arith.fptosi %div3A : vector<16xf32> to vector<16xi32>
        %mul3A_87 = arith.constant 16 : i32
        %mul3A_88 = arith.muli %scan3A_79, %mul3A_87 : i32
        %swap3A = arith.index_cast %mul3A_88 : i32 to index
        %swap3A_89 = tpu.vector_load %arg13[%swap3A] {strides = array<i32>} : memref<128xi32, #tpu.memory_space<vmem>>, vector<16xi32>,
        tpu.vector_store %arg13[%swap3A], %convert_element_type3A {strides = array<i32>} : memref<128xi32, #tpu.memory_space<vmem>>, vector<16xi32>,
        %mul3A_90 = arith.constant 16 : i32
        %mul3A_91 = arith.muli %scan3A_79, %mul3A_90 : i32
        %get3A_92 = arith.index_cast %mul3A_91 : i32 to index
        %get3A_93 = tpu.vector_load %arg12[%get3A_92] {strides = array<i32>} : memref<128xf32, #tpu.memory_space<vmem>>, vector<16xf32>,
        %add3A_94 = arith.constant 1.000000e+00 : f32
        %add3A_95 = vector.broadcast %add3A_94 : f32 to vector<16xf32>
        %add3A_96 = arith.addf %get3A_93, %add3A_95 : vector<16xf32>
        %div3A_97 = arith.divf %add3A_96, %get3A_5 : vector<16xf32>
        %convert_element_type3A_98 = arith.fptosi %div3A_97 : vector<16xf32> to vector<16xi32>
        %mul3A_99 = arith.constant 16 : i32
        %mul3A_100 = arith.muli %scan3A_79, %mul3A_99 : i32
        %swap3A_101 = arith.index_cast %mul3A_100 : i32 to index
        %swap3A_102 = tpu.vector_load %arg14[%swap3A_101] {strides = array<i32>} : memref<128xi32, #tpu.memory_space<vmem>>, vector<16xi32>,
        tpu.vector_store %arg14[%swap3A_101], %convert_element_type3A_98 {strides = array<i32>} : memref<128xi32, #tpu.memory_space<vmem>>, vector<16xi32>,
      }
      %scan3A_59 = arith.constant 8 : i32
      %dma_start3A = arith.constant 0 : i32
      %dma_start3A_60 = arith.constant 0 : i32
      %dma_start3A_61 = tpu.memref_slice %arg5[%dma_start3A, %dma_start3A_60] : memref<100001x64xf32, #tpu.memory_space<hbm>> -> memref<100001x64xf32, #tpu.memory_space<hbm>>
      tpu.enqueue_indirect_dma source(%dma_start3A_61 : memref<100001x64xf32, #tpu.memory_space<hbm>>) target(%arg15 : memref<128x64xf32, #tpu.memory_space<vmem>>) offsets(%arg13 : memref<128xi32, #tpu.memory_space<vmem>>) semaphore(%arg22 : memref<!tpu.dma_semaphore, #tpu.memory_space<semaphore_mem>>)
      %dma_start3A_62 = arith.constant 0 : i32
      %dma_start3A_63 = arith.constant 0 : i32
      %dma_start3A_64 = tpu.memref_slice %arg6[%dma_start3A_62, %dma_start3A_63] : memref<100001x64xf32, #tpu.memory_space<hbm>> -> memref<100001x64xf32, #tpu.memory_space<hbm>>
      tpu.enqueue_indirect_dma source(%dma_start3A_64 : memref<100001x64xf32, #tpu.memory_space<hbm>>) target(%arg16 : memref<128x64xf32, #tpu.memory_space<vmem>>) offsets(%arg14 : memref<128xi32, #tpu.memory_space<vmem>>) semaphore(%arg23 : memref<!tpu.dma_semaphore, #tpu.memory_space<semaphore_mem>>)
      %dma_wait3A = arith.constant 0 : i32
      %dma_wait3A_65 = arith.constant 0 : i32
      %dma_wait3A_66 = tpu.memref_slice %arg5[%dma_wait3A, %dma_wait3A_65] : memref<100001x64xf32, #tpu.memory_space<hbm>> -> memref<100001x64xf32, #tpu.memory_space<hbm>>
      tpu.wait_indirect_dma semaphore(%arg22 : memref<!tpu.dma_semaphore, #tpu.memory_space<semaphore_mem>>) src(%dma_wait3A_66 : memref<100001x64xf32, #tpu.memory_space<hbm>>) dst(%arg15 : memref<128x64xf32, #tpu.memory_space<vmem>>)
      %dma_wait3A_67 = arith.constant 0 : i32
      %dma_wait3A_68 = arith.constant 0 : i32
      %dma_wait3A_69 = tpu.memref_slice %arg6[%dma_wait3A_67, %dma_wait3A_68] : memref<100001x64xf32, #tpu.memory_space<hbm>> -> memref<100001x64xf32, #tpu.memory_space<hbm>>
      tpu.wait_indirect_dma semaphore(%arg23 : memref<!tpu.dma_semaphore, #tpu.memory_space<semaphore_mem>>) src(%dma_wait3A_69 : memref<100001x64xf32, #tpu.memory_space<hbm>>) dst(%arg16 : memref<128x64xf32, #tpu.memory_space<vmem>>)
      %scan3A_70 = arith.constant 0 : i32
      %scan3A_71 = arith.constant 0 : i32
      %scan3A_72 = arith.constant 8 : i32
      %scan3A_73 = arith.addi %scan3A_71, %scan3A_72 : i32
      %scan3A_74 = arith.constant 1 : i32
      scf.for %scan3A_79 = %scan3A_71 to %scan3A_73 step %scan3A_74  : i32 {
        %mul3A_80 = arith.constant 16 : i32
        %mul3A_81 = arith.muli %scan3A_79, %mul3A_80 : i32
        %get3A_82 = arith.index_cast %mul3A_81 : i32 to index
        %get3A_83 = tpu.vector_load %arg11[%get3A_82] {strides = array<i32>} : memref<128xf32, #tpu.memory_space<vmem>>, vector<16xf32>,
        %gt3A = arith.constant 1.000000e+00 : f32
        %gt3A_84 = vector.broadcast %gt3A : f32 to vector<16xf32>
        %gt3A_85 = arith.cmpf ogt, %get3A_83, %gt3A_84 : vector<16xf32>
        %jit3A = arith.constant 1.000000e+00 : f32
        %jit3A_86 = arith.constant 0.000000e+00 : f32
        %broadcast_in_dim3A = vector.broadcast %jit3A : f32 to vector<16xf32>
        %broadcast_in_dim3A_87 = vector.broadcast %jit3A_86 : f32 to vector<16xf32>
        %select_n3A = arith.select %gt3A_85, %broadcast_in_dim3A, %broadcast_in_dim3A_87 : vector<16xi1>, vector<16xf32>
        %add3A_88 = arith.addi %multiple_of3A, %mul3A_81 : i32
        %add3A_89 = vector.broadcast %add3A_88 : i32 to vector<16xi32>
        %add3A_90 = arith.addi %add3A_89, %iota3A : vector<16xi32>
        %rem3A = arith.constant 18 : i32
        %rem3A_91 = vector.broadcast %rem3A : i32 to vector<16xi32>
        %rem3A_92 = arith.remsi %add3A_90, %rem3A_91 : vector<16xi32>
        %add3A_93 = arith.constant 0 : i32
        %add3A_94 = arith.addi %mul3A_81, %add3A_93 : i32
        %slice3A_95 = vector.extract_strided_slice %rem3A_92 {offsets = [0], sizes = [1], strides = [1]} : vector<16xi32> to vector<1xi32>
        %squeeze3A_96 = vector.extract %slice3A_95[0] : i32 from vector<1xi32>
        %mul3A_97 = arith.constant 144 : i32
        %mul3A_98 = arith.muli %squeeze3A_96, %mul3A_97 : i32
        %get3A_99 = arith.index_cast %add3A_94 : i32 to index
        %get3A_100 = arith.constant 0 : index
        %get3A_101 = tpu.vector_load %arg15[%get3A_99, %get3A_100] {strides = array<i32>} : memref<128x64xf32, #tpu.memory_space<vmem>>, vector<16xf32>,
        %add3A_102 = arith.constant 0 : i32
        %add3A_103 = arith.addi %mul3A_98, %add3A_102 : i32
        %get3A_104 = arith.index_cast %add3A_103 : i32 to index
        %get3A_105 = tpu.vector_load %arg18[%get3A_104] {strides = array<i32>} : memref<2592xf32, #tpu.memory_space<vmem>>, vector<16xf32>,
        %add3A_106 = arith.addf %get3A_101, %get3A_105 : vector<16xf32>
        %get3A_107 = arith.index_cast %add3A_94 : i32 to index
        %get3A_108 = arith.constant 16 : index
        %get3A_109 = tpu.vector_load %arg15[%get3A_107, %get3A_108] {strides = array<i32>} : memref<128x64xf32, #tpu.memory_space<vmem>>, vector<16xf32>,
        %add3A_110 = arith.constant 16 : i32
        %add3A_111 = arith.addi %mul3A_98, %add3A_110 : i32
        %get3A_112 = arith.index_cast %add3A_111 : i32 to index
        %get3A_113 = tpu.vector_load %arg18[%get3A_112] {strides = array<i32>} : memref<2592xf32, #tpu.memory_space<vmem>>, vector<16xf32>,
        %add3A_114 = arith.addf %get3A_109, %get3A_113 : vector<16xf32>
        %get3A_115 = arith.index_cast %add3A_94 : i32 to index
        %get3A_116 = arith.constant 32 : index
        %get3A_117 = tpu.vector_load %arg15[%get3A_115, %get3A_116] {strides = array<i32>} : memref<128x64xf32, #tpu.memory_space<vmem>>, vector<16xf32>,
        %add3A_118 = arith.constant 32 : i32
        %add3A_119 = arith.addi %mul3A_98, %add3A_118 : i32
        %get3A_120 = arith.index_cast %add3A_119 : i32 to index
        %get3A_121 = tpu.vector_load %arg18[%get3A_120] {strides = array<i32>} : memref<2592xf32, #tpu.memory_space<vmem>>, vector<16xf32>,
        %add3A_122 = arith.addf %get3A_117, %get3A_121 : vector<16xf32>
        %get3A_123 = arith.index_cast %add3A_94 : i32 to index
        %get3A_124 = arith.constant 48 : index
        %get3A_125 = tpu.vector_load %arg15[%get3A_123, %get3A_124] {strides = array<i32>} : memref<128x64xf32, #tpu.memory_space<vmem>>, vector<16xf32>,
        %add3A_126 = arith.constant 48 : i32
        %add3A_127 = arith.addi %mul3A_98, %add3A_126 : i32
        %get3A_128 = arith.index_cast %add3A_127 : i32 to index
        %get3A_129 = tpu.vector_load %arg18[%get3A_128] {strides = array<i32>} : memref<2592xf32, #tpu.memory_space<vmem>>, vector<16xf32>,
        %add3A_130 = arith.addf %get3A_125, %get3A_129 : vector<16xf32>
        %get3A_131 = arith.index_cast %add3A_94 : i32 to index
        %get3A_132 = arith.constant 0 : index
        %get3A_133 = tpu.vector_load %arg16[%get3A_131, %get3A_132] {strides = array<i32>} : memref<128x64xf32, #tpu.memory_space<vmem>>, vector<16xf32>,
        %add3A_134 = arith.constant 64 : i32
        %add3A_135 = arith.addi %mul3A_98, %add3A_134 : i32
        %add3A_136 = arith.constant 0 : i32
        %add3A_137 = arith.addi %add3A_135, %add3A_136 : i32
        %get3A_138 = arith.index_cast %add3A_137 : i32 to index
        %get3A_139 = tpu.vector_load %arg18[%get3A_138] {strides = array<i32>} : memref<2592xf32, #tpu.memory_space<vmem>>, vector<16xf32>,
        %add3A_140 = arith.addf %get3A_133, %get3A_139 : vector<16xf32>
        %get3A_141 = arith.index_cast %add3A_94 : i32 to index
        %get3A_142 = arith.constant 16 : index
        %get3A_143 = tpu.vector_load %arg16[%get3A_141, %get3A_142] {strides = array<i32>} : memref<128x64xf32, #tpu.memory_space<vmem>>, vector<16xf32>,
        %add3A_144 = arith.constant 64 : i32
        %add3A_145 = arith.addi %mul3A_98, %add3A_144 : i32
        %add3A_146 = arith.constant 16 : i32
        %add3A_147 = arith.addi %add3A_145, %add3A_146 : i32
        %get3A_148 = arith.index_cast %add3A_147 : i32 to index
        %get3A_149 = tpu.vector_load %arg18[%get3A_148] {strides = array<i32>} : memref<2592xf32, #tpu.memory_space<vmem>>, vector<16xf32>,
        %add3A_150 = arith.addf %get3A_143, %get3A_149 : vector<16xf32>
        %get3A_151 = arith.index_cast %add3A_94 : i32 to index
        %get3A_152 = arith.constant 32 : index
        %get3A_153 = tpu.vector_load %arg16[%get3A_151, %get3A_152] {strides = array<i32>} : memref<128x64xf32, #tpu.memory_space<vmem>>, vector<16xf32>,
        %add3A_154 = arith.constant 64 : i32
        %add3A_155 = arith.addi %mul3A_98, %add3A_154 : i32
        %add3A_156 = arith.constant 32 : i32
        %add3A_157 = arith.addi %add3A_155, %add3A_156 : i32
        %get3A_158 = arith.index_cast %add3A_157 : i32 to index
        %get3A_159 = tpu.vector_load %arg18[%get3A_158] {strides = array<i32>} : memref<2592xf32, #tpu.memory_space<vmem>>, vector<16xf32>,
        %add3A_160 = arith.addf %get3A_153, %get3A_159 : vector<16xf32>
        %get3A_161 = arith.index_cast %add3A_94 : i32 to index
        %get3A_162 = arith.constant 48 : index
        %get3A_163 = tpu.vector_load %arg16[%get3A_161, %get3A_162] {strides = array<i32>} : memref<128x64xf32, #tpu.memory_space<vmem>>, vector<16xf32>,
        %add3A_164 = arith.constant 64 : i32
        %add3A_165 = arith.addi %mul3A_98, %add3A_164 : i32
        %add3A_166 = arith.constant 48 : i32
        %add3A_167 = arith.addi %add3A_165, %add3A_166 : i32
        %get3A_168 = arith.index_cast %add3A_167 : i32 to index
        %get3A_169 = tpu.vector_load %arg18[%get3A_168] {strides = array<i32>} : memref<2592xf32, #tpu.memory_space<vmem>>, vector<16xf32>,
        %add3A_170 = arith.addf %get3A_163, %get3A_169 : vector<16xf32>
        %slice3A_171 = vector.extract_strided_slice %select_n3A {offsets = [0], sizes = [1], strides = [1]} : vector<16xf32> to vector<1xf32>
        %squeeze3A_172 = vector.extract %slice3A_171[0] : f32 from vector<1xf32>
        %add3A_173 = arith.constant 128 : i32
        %add3A_174 = arith.addi %mul3A_98, %add3A_173 : i32
        %get3A_175 = arith.index_cast %add3A_174 : i32 to index
        %get3A_176 = tpu.vector_load %arg18[%get3A_175] {strides = array<i32>} : memref<2592xf32, #tpu.memory_space<vmem>>, vector<16xf32>,
        %slice3A_177 = vector.extract_strided_slice %get3A_176 {offsets = [0], sizes = [1], strides = [1]} : vector<16xf32> to vector<1xf32>
        %squeeze3A_178 = vector.extract %slice3A_177[0] : f32 from vector<1xf32>
        %add3A_179 = arith.addf %squeeze3A_172, %squeeze3A_178 : f32
        %add3A_180 = arith.addf %add3A_106, %add3A_114 : vector<16xf32>
        %add3A_181 = arith.addf %add3A_122, %add3A_130 : vector<16xf32>
        %add3A_182 = arith.addf %add3A_180, %add3A_181 : vector<16xf32>
        %add3A_183 = arith.addf %add3A_140, %add3A_150 : vector<16xf32>
        %add3A_184 = arith.addf %add3A_160, %add3A_170 : vector<16xf32>
        %add3A_185 = arith.addf %add3A_183, %add3A_184 : vector<16xf32>
        %add3A_186 = arith.addf %add3A_182, %add3A_185 : vector<16xf32>
        %mul3A_187 = arith.mulf %add3A_106, %add3A_106 : vector<16xf32>
        %mul3A_188 = arith.mulf %add3A_114, %add3A_114 : vector<16xf32>
        %mul3A_189 = arith.mulf %add3A_122, %add3A_122 : vector<16xf32>
        %mul3A_190 = arith.mulf %add3A_130, %add3A_130 : vector<16xf32>
        %mul3A_191 = arith.mulf %add3A_140, %add3A_140 : vector<16xf32>
        %mul3A_192 = arith.mulf %add3A_150, %add3A_150 : vector<16xf32>
        %mul3A_193 = arith.mulf %add3A_160, %add3A_160 : vector<16xf32>
        %mul3A_194 = arith.mulf %add3A_170, %add3A_170 : vector<16xf32>
        %add3A_195 = arith.addf %mul3A_187, %mul3A_188 : vector<16xf32>
        %add3A_196 = arith.addf %mul3A_189, %mul3A_190 : vector<16xf32>
        %add3A_197 = arith.addf %add3A_195, %add3A_196 : vector<16xf32>
        %add3A_198 = arith.addf %mul3A_191, %mul3A_192 : vector<16xf32>
        %add3A_199 = arith.addf %mul3A_193, %mul3A_194 : vector<16xf32>
        %add3A_200 = arith.addf %add3A_198, %add3A_199 : vector<16xf32>
        %add3A_201 = arith.addf %add3A_197, %add3A_200 : vector<16xf32>
        %reduce_sum3A = arith.constant true
        %reduce_sum3A_202 = vector.broadcast %reduce_sum3A : i1 to vector<16xi1>
        %reduce_sum3A_203 = tpu.scan <sum>, %add3A_186 masked %reduce_sum3A_202 : vector<16xf32>, vector<16xi1> -> vector<16xf32>
        %reduce_sum3A_204 = vector.extract %reduce_sum3A_203[15] : f32 from vector<16xf32>
        %add3A_205 = arith.addf %reduce_sum3A_204, %add3A_179 : f32
        %reduce_sum3A_206 = arith.constant true
        %reduce_sum3A_207 = vector.broadcast %reduce_sum3A_206 : i1 to vector<16xi1>
        %reduce_sum3A_208 = tpu.scan <sum>, %add3A_201 masked %reduce_sum3A_207 : vector<16xf32>, vector<16xi1> -> vector<16xf32>
        %reduce_sum3A_209 = vector.extract %reduce_sum3A_208[15] : f32 from vector<16xf32>
        %mul3A_210 = arith.mulf %add3A_179, %add3A_179 : f32
        %add3A_211 = arith.addf %reduce_sum3A_209, %mul3A_210 : f32
        %mul3A_212 = arith.mulf %add3A_205, %scan3A_44 : f32
        %mul3A_213 = arith.mulf %add3A_211, %scan3A_44 : f32
        %mul3A_214 = arith.mulf %mul3A_212, %mul3A_212 : f32
        %sub3A = arith.subf %mul3A_213, %mul3A_214 : f32
        %add3A_215 = arith.constant 9.99999974E-6 : f32
        %add3A_216 = arith.addf %sub3A, %add3A_215 : f32
        %broadcast_in_dim3A_217 = vector.broadcast %add3A_216 : f32 to vector<16xf32>
        %bitcast3A = vector.bitcast %broadcast_in_dim3A_217 : vector<16xf32> to vector<16xi32>
        %shift_right_logical3A = arith.constant 1 : i32
        %shift_right_logical3A_218 = vector.broadcast %shift_right_logical3A : i32 to vector<16xi32>
        %shift_right_logical3A_219 = arith.shrui %bitcast3A, %shift_right_logical3A_218 : vector<16xi32>
        %sub3A_220 = arith.constant 1597463007 : i32
        %sub3A_221 = vector.broadcast %sub3A_220 : i32 to vector<16xi32>
        %sub3A_222 = arith.subi %sub3A_221, %shift_right_logical3A_219 : vector<16xi32>
        %bitcast3A_223 = vector.bitcast %sub3A_222 : vector<16xi32> to vector<16xf32>
        %mul3A_224 = arith.constant 5.000000e-01 : f32
        %mul3A_225 = vector.broadcast %mul3A_224 : f32 to vector<16xf32>
        %mul3A_226 = arith.mulf %mul3A_225, %broadcast_in_dim3A_217 : vector<16xf32>
        %mul3A_227 = arith.mulf %mul3A_226, %bitcast3A_223 : vector<16xf32>
        %mul3A_228 = arith.mulf %mul3A_227, %bitcast3A_223 : vector<16xf32>
        %sub3A_229 = arith.constant 1.500000e+00 : f32
        %sub3A_230 = vector.broadcast %sub3A_229 : f32 to vector<16xf32>
        %sub3A_231 = arith.subf %sub3A_230, %mul3A_228 : vector<16xf32>
        %mul3A_232 = arith.mulf %bitcast3A_223, %sub3A_231 : vector<16xf32>
        %mul3A_233 = arith.constant 5.000000e-01 : f32
        %mul3A_234 = vector.broadcast %mul3A_233 : f32 to vector<16xf32>
        %mul3A_235 = arith.mulf %mul3A_234, %broadcast_in_dim3A_217 : vector<16xf32>
        %mul3A_236 = arith.mulf %mul3A_235, %mul3A_232 : vector<16xf32>
        %mul3A_237 = arith.mulf %mul3A_236, %mul3A_232 : vector<16xf32>
        %sub3A_238 = arith.constant 1.500000e+00 : f32
        %sub3A_239 = vector.broadcast %sub3A_238 : f32 to vector<16xf32>
        %sub3A_240 = arith.subf %sub3A_239, %mul3A_237 : vector<16xf32>
        %mul3A_241 = arith.mulf %mul3A_232, %sub3A_240 : vector<16xf32>
        %mul3A_242 = arith.constant 5.000000e-01 : f32
        %mul3A_243 = vector.broadcast %mul3A_242 : f32 to vector<16xf32>
        %mul3A_244 = arith.mulf %mul3A_243, %broadcast_in_dim3A_217 : vector<16xf32>
        %mul3A_245 = arith.mulf %mul3A_244, %mul3A_241 : vector<16xf32>
        %mul3A_246 = arith.mulf %mul3A_245, %mul3A_241 : vector<16xf32>
        %sub3A_247 = arith.constant 1.500000e+00 : f32
        %sub3A_248 = vector.broadcast %sub3A_247 : f32 to vector<16xf32>
        %sub3A_249 = arith.subf %sub3A_248, %mul3A_246 : vector<16xf32>
        %mul3A_250 = arith.mulf %mul3A_241, %sub3A_249 : vector<16xf32>
        %broadcast_in_dim3A_251 = vector.broadcast %mul3A_212 : f32 to vector<16xf32>
        %mul3A_252 = arith.constant 129 : i32
        %mul3A_253 = arith.muli %add3A_94, %mul3A_252 : i32
        %sub3A_254 = arith.subf %add3A_106, %broadcast_in_dim3A_251 : vector<16xf32>
        %mul3A_255 = arith.mulf %sub3A_254, %mul3A_250 : vector<16xf32>
        %mul3A_256 = arith.mulf %mul3A_255, %get3A_7 : vector<16xf32>
        %add3A_257 = arith.addf %mul3A_256, %get3A_23 : vector<16xf32>
        %add3A_258 = arith.constant 0 : i32
        %add3A_259 = arith.addi %mul3A_253, %add3A_258 : i32
        %swap3A = arith.index_cast %add3A_259 : i32 to index
        %swap3A_260 = tpu.vector_load %arg17[%swap3A] {strides = array<i32>} : memref<16528xf32, #tpu.memory_space<vmem>>, vector<16xf32>,
        tpu.vector_store %arg17[%swap3A], %add3A_257 {strides = array<i32>} : memref<16528xf32, #tpu.memory_space<vmem>>, vector<16xf32>,
        %sub3A_261 = arith.subf %add3A_114, %broadcast_in_dim3A_251 : vector<16xf32>
        %mul3A_262 = arith.mulf %sub3A_261, %mul3A_250 : vector<16xf32>
        %mul3A_263 = arith.mulf %mul3A_262, %get3A_9 : vector<16xf32>
        %add3A_264 = arith.addf %mul3A_263, %get3A_25 : vector<16xf32>
        %add3A_265 = arith.constant 16 : i32
        %add3A_266 = arith.addi %mul3A_253, %add3A_265 : i32
        %swap3A_267 = arith.index_cast %add3A_266 : i32 to index
        %swap3A_268 = tpu.vector_load %arg17[%swap3A_267] {strides = array<i32>} : memref<16528xf32, #tpu.memory_space<vmem>>, vector<16xf32>,
        tpu.vector_store %arg17[%swap3A_267], %add3A_264 {strides = array<i32>} : memref<16528xf32, #tpu.memory_space<vmem>>, vector<16xf32>,
        %sub3A_269 = arith.subf %add3A_122, %broadcast_in_dim3A_251 : vector<16xf32>
        %mul3A_270 = arith.mulf %sub3A_269, %mul3A_250 : vector<16xf32>
        %mul3A_271 = arith.mulf %mul3A_270, %get3A_11 : vector<16xf32>
        %add3A_272 = arith.addf %mul3A_271, %get3A_27 : vector<16xf32>
        %add3A_273 = arith.constant 32 : i32
        %add3A_274 = arith.addi %mul3A_253, %add3A_273 : i32
        %swap3A_275 = arith.index_cast %add3A_274 : i32 to index
        %swap3A_276 = tpu.vector_load %arg17[%swap3A_275] {strides = array<i32>} : memref<16528xf32, #tpu.memory_space<vmem>>, vector<16xf32>,
        tpu.vector_store %arg17[%swap3A_275], %add3A_272 {strides = array<i32>} : memref<16528xf32, #tpu.memory_space<vmem>>, vector<16xf32>,
        %sub3A_277 = arith.subf %add3A_130, %broadcast_in_dim3A_251 : vector<16xf32>
        %mul3A_278 = arith.mulf %sub3A_277, %mul3A_250 : vector<16xf32>
        %mul3A_279 = arith.mulf %mul3A_278, %get3A_13 : vector<16xf32>
        %add3A_280 = arith.addf %mul3A_279, %get3A_29 : vector<16xf32>
        %add3A_281 = arith.constant 48 : i32
        %add3A_282 = arith.addi %mul3A_253, %add3A_281 : i32
        %swap3A_283 = arith.index_cast %add3A_282 : i32 to index
        %swap3A_284 = tpu.vector_load %arg17[%swap3A_283] {strides = array<i32>} : memref<16528xf32, #tpu.memory_space<vmem>>, vector<16xf32>,
        tpu.vector_store %arg17[%swap3A_283], %add3A_280 {strides = array<i32>} : memref<16528xf32, #tpu.memory_space<vmem>>, vector<16xf32>,
        %sub3A_285 = arith.subf %add3A_140, %broadcast_in_dim3A_251 : vector<16xf32>
        %mul3A_286 = arith.mulf %sub3A_285, %mul3A_250 : vector<16xf32>
        %mul3A_287 = arith.mulf %mul3A_286, %get3A_15 : vector<16xf32>
        %add3A_288 = arith.addf %mul3A_287, %get3A_31 : vector<16xf32>
        %add3A_289 = arith.constant 64 : i32
        %add3A_290 = arith.addi %mul3A_253, %add3A_289 : i32
        %swap3A_291 = arith.index_cast %add3A_290 : i32 to index
        %swap3A_292 = tpu.vector_load %arg17[%swap3A_291] {strides = array<i32>} : memref<16528xf32, #tpu.memory_space<vmem>>, vector<16xf32>,
        tpu.vector_store %arg17[%swap3A_291], %add3A_288 {strides = array<i32>} : memref<16528xf32, #tpu.memory_space<vmem>>, vector<16xf32>,
        %sub3A_293 = arith.subf %add3A_150, %broadcast_in_dim3A_251 : vector<16xf32>
        %mul3A_294 = arith.mulf %sub3A_293, %mul3A_250 : vector<16xf32>
        %mul3A_295 = arith.mulf %mul3A_294, %get3A_17 : vector<16xf32>
        %add3A_296 = arith.addf %mul3A_295, %get3A_33 : vector<16xf32>
        %add3A_297 = arith.constant 80 : i32
        %add3A_298 = arith.addi %mul3A_253, %add3A_297 : i32
        %swap3A_299 = arith.index_cast %add3A_298 : i32 to index
        %swap3A_300 = tpu.vector_load %arg17[%swap3A_299] {strides = array<i32>} : memref<16528xf32, #tpu.memory_space<vmem>>, vector<16xf32>,
        tpu.vector_store %arg17[%swap3A_299], %add3A_296 {strides = array<i32>} : memref<16528xf32, #tpu.memory_space<vmem>>, vector<16xf32>,
        %sub3A_301 = arith.subf %add3A_160, %broadcast_in_dim3A_251 : vector<16xf32>
        %mul3A_302 = arith.mulf %sub3A_301, %mul3A_250 : vector<16xf32>
        %mul3A_303 = arith.mulf %mul3A_302, %get3A_19 : vector<16xf32>
        %add3A_304 = arith.addf %mul3A_303, %get3A_35 : vector<16xf32>
        %add3A_305 = arith.constant 96 : i32
        %add3A_306 = arith.addi %mul3A_253, %add3A_305 : i32
        %swap3A_307 = arith.index_cast %add3A_306 : i32 to index
        %swap3A_308 = tpu.vector_load %arg17[%swap3A_307] {strides = array<i32>} : memref<16528xf32, #tpu.memory_space<vmem>>, vector<16xf32>,
        tpu.vector_store %arg17[%swap3A_307], %add3A_304 {strides = array<i32>} : memref<16528xf32, #tpu.memory_space<vmem>>, vector<16xf32>,
        %sub3A_309 = arith.subf %add3A_170, %broadcast_in_dim3A_251 : vector<16xf32>
        %mul3A_310 = arith.mulf %sub3A_309, %mul3A_250 : vector<16xf32>
        %mul3A_311 = arith.mulf %mul3A_310, %get3A_21 : vector<16xf32>
        %add3A_312 = arith.addf %mul3A_311, %get3A_37 : vector<16xf32>
        %add3A_313 = arith.constant 112 : i32
        %add3A_314 = arith.addi %mul3A_253, %add3A_313 : i32
        %swap3A_315 = arith.index_cast %add3A_314 : i32 to index
        %swap3A_316 = tpu.vector_load %arg17[%swap3A_315] {strides = array<i32>} : memref<16528xf32, #tpu.memory_space<vmem>>, vector<16xf32>,
        tpu.vector_store %arg17[%swap3A_315], %add3A_312 {strides = array<i32>} : memref<16528xf32, #tpu.memory_space<vmem>>, vector<16xf32>,
        %sub3A_317 = arith.subf %add3A_179, %mul3A_212 : f32
        %broadcast_in_dim3A_318 = vector.broadcast %sub3A_317 : f32 to vector<16xf32>
        %mul3A_319 = arith.mulf %broadcast_in_dim3A_318, %mul3A_250 : vector<16xf32>
        %mul3A_320 = vector.broadcast %squeeze3A : f32 to vector<16xf32>
        %mul3A_321 = arith.mulf %mul3A_319, %mul3A_320 : vector<16xf32>
        %add3A_322 = vector.broadcast %squeeze3A_43 : f32 to vector<16xf32>
        %add3A_323 = arith.addf %mul3A_321, %add3A_322 : vector<16xf32>
        %add3A_324 = arith.constant 128 : i32
        %add3A_325 = arith.addi %mul3A_253, %add3A_324 : i32
        %swap3A_326 = arith.index_cast %add3A_325 : i32 to index
        %swap3A_327 = tpu.vector_load %arg17[%swap3A_326] {strides = array<i32>} : memref<16528xf32, #tpu.memory_space<vmem>>, vector<16xf32>,
        tpu.vector_store %arg17[%swap3A_326], %add3A_323 {strides = array<i32>} : memref<16528xf32, #tpu.memory_space<vmem>>, vector<16xf32>,
        %add3A_328 = arith.constant 1 : i32
        %add3A_329 = arith.addi %mul3A_81, %add3A_328 : i32
        %slice3A_330 = vector.extract_strided_slice %rem3A_92 {offsets = [1], sizes = [1], strides = [1]} : vector<16xi32> to vector<1xi32>
        %squeeze3A_331 = vector.extract %slice3A_330[0] : i32 from vector<1xi32>
        %mul3A_332 = arith.constant 144 : i32
        %mul3A_333 = arith.muli %squeeze3A_331, %mul3A_332 : i32
        %get3A_334 = arith.index_cast %add3A_329 : i32 to index
        %get3A_335 = arith.constant 0 : index
        %get3A_336 = tpu.vector_load %arg15[%get3A_334, %get3A_335] {strides = array<i32>} : memref<128x64xf32, #tpu.memory_space<vmem>>, vector<16xf32>,
        %add3A_337 = arith.constant 0 : i32
        %add3A_338 = arith.addi %mul3A_333, %add3A_337 : i32
        %get3A_339 = arith.index_cast %add3A_338 : i32 to index
        %get3A_340 = tpu.vector_load %arg18[%get3A_339] {strides = array<i32>} : memref<2592xf32, #tpu.memory_space<vmem>>, vector<16xf32>,
        %add3A_341 = arith.addf %get3A_336, %get3A_340 : vector<16xf32>
        %get3A_342 = arith.index_cast %add3A_329 : i32 to index
        %get3A_343 = arith.constant 16 : index
        %get3A_344 = tpu.vector_load %arg15[%get3A_342, %get3A_343] {strides = array<i32>} : memref<128x64xf32, #tpu.memory_space<vmem>>, vector<16xf32>,
        %add3A_345 = arith.constant 16 : i32
        %add3A_346 = arith.addi %mul3A_333, %add3A_345 : i32
        %get3A_347 = arith.index_cast %add3A_346 : i32 to index
        %get3A_348 = tpu.vector_load %arg18[%get3A_347] {strides = array<i32>} : memref<2592xf32, #tpu.memory_space<vmem>>, vector<16xf32>,
        %add3A_349 = arith.addf %get3A_344, %get3A_348 : vector<16xf32>
        %get3A_350 = arith.index_cast %add3A_329 : i32 to index
        %get3A_351 = arith.constant 32 : index
        %get3A_352 = tpu.vector_load %arg15[%get3A_350, %get3A_351] {strides = array<i32>} : memref<128x64xf32, #tpu.memory_space<vmem>>, vector<16xf32>,
        %add3A_353 = arith.constant 32 : i32
        %add3A_354 = arith.addi %mul3A_333, %add3A_353 : i32
        %get3A_355 = arith.index_cast %add3A_354 : i32 to index
        %get3A_356 = tpu.vector_load %arg18[%get3A_355] {strides = array<i32>} : memref<2592xf32, #tpu.memory_space<vmem>>, vector<16xf32>,
        %add3A_357 = arith.addf %get3A_352, %get3A_356 : vector<16xf32>
        %get3A_358 = arith.index_cast %add3A_329 : i32 to index
        %get3A_359 = arith.constant 48 : index
        %get3A_360 = tpu.vector_load %arg15[%get3A_358, %get3A_359] {strides = array<i32>} : memref<128x64xf32, #tpu.memory_space<vmem>>, vector<16xf32>,
        %add3A_361 = arith.constant 48 : i32
        %add3A_362 = arith.addi %mul3A_333, %add3A_361 : i32
        %get3A_363 = arith.index_cast %add3A_362 : i32 to index
        %get3A_364 = tpu.vector_load %arg18[%get3A_363] {strides = array<i32>} : memref<2592xf32, #tpu.memory_space<vmem>>, vector<16xf32>,
        %add3A_365 = arith.addf %get3A_360, %get3A_364 : vector<16xf32>
        %get3A_366 = arith.index_cast %add3A_329 : i32 to index
        %get3A_367 = arith.constant 0 : index
        %get3A_368 = tpu.vector_load %arg16[%get3A_366, %get3A_367] {strides = array<i32>} : memref<128x64xf32, #tpu.memory_space<vmem>>, vector<16xf32>,
        %add3A_369 = arith.constant 64 : i32
        %add3A_370 = arith.addi %mul3A_333, %add3A_369 : i32
        %add3A_371 = arith.constant 0 : i32
        %add3A_372 = arith.addi %add3A_370, %add3A_371 : i32
        %get3A_373 = arith.index_cast %add3A_372 : i32 to index
        %get3A_374 = tpu.vector_load %arg18[%get3A_373] {strides = array<i32>} : memref<2592xf32, #tpu.memory_space<vmem>>, vector<16xf32>,
        %add3A_375 = arith.addf %get3A_368, %get3A_374 : vector<16xf32>
        %get3A_376 = arith.index_cast %add3A_329 : i32 to index
        %get3A_377 = arith.constant 16 : index
        %get3A_378 = tpu.vector_load %arg16[%get3A_376, %get3A_377] {strides = array<i32>} : memref<128x64xf32, #tpu.memory_space<vmem>>, vector<16xf32>,
        %add3A_379 = arith.constant 64 : i32
        %add3A_380 = arith.addi %mul3A_333, %add3A_379 : i32
        %add3A_381 = arith.constant 16 : i32
        %add3A_382 = arith.addi %add3A_380, %add3A_381 : i32
        %get3A_383 = arith.index_cast %add3A_382 : i32 to index
        %get3A_384 = tpu.vector_load %arg18[%get3A_383] {strides = array<i32>} : memref<2592xf32, #tpu.memory_space<vmem>>, vector<16xf32>,
        %add3A_385 = arith.addf %get3A_378, %get3A_384 : vector<16xf32>
        %get3A_386 = arith.index_cast %add3A_329 : i32 to index
        %get3A_387 = arith.constant 32 : index
        %get3A_388 = tpu.vector_load %arg16[%get3A_386, %get3A_387] {strides = array<i32>} : memref<128x64xf32, #tpu.memory_space<vmem>>, vector<16xf32>,
        %add3A_389 = arith.constant 64 : i32
        %add3A_390 = arith.addi %mul3A_333, %add3A_389 : i32
        %add3A_391 = arith.constant 32 : i32
        %add3A_392 = arith.addi %add3A_390, %add3A_391 : i32
        %get3A_393 = arith.index_cast %add3A_392 : i32 to index
        %get3A_394 = tpu.vector_load %arg18[%get3A_393] {strides = array<i32>} : memref<2592xf32, #tpu.memory_space<vmem>>, vector<16xf32>,
        %add3A_395 = arith.addf %get3A_388, %get3A_394 : vector<16xf32>
        %get3A_396 = arith.index_cast %add3A_329 : i32 to index
        %get3A_397 = arith.constant 48 : index
        %get3A_398 = tpu.vector_load %arg16[%get3A_396, %get3A_397] {strides = array<i32>} : memref<128x64xf32, #tpu.memory_space<vmem>>, vector<16xf32>,
        %add3A_399 = arith.constant 64 : i32
        %add3A_400 = arith.addi %mul3A_333, %add3A_399 : i32
        %add3A_401 = arith.constant 48 : i32
        %add3A_402 = arith.addi %add3A_400, %add3A_401 : i32
        %get3A_403 = arith.index_cast %add3A_402 : i32 to index
        %get3A_404 = tpu.vector_load %arg18[%get3A_403] {strides = array<i32>} : memref<2592xf32, #tpu.memory_space<vmem>>, vector<16xf32>,
        %add3A_405 = arith.addf %get3A_398, %get3A_404 : vector<16xf32>
        %slice3A_406 = vector.extract_strided_slice %select_n3A {offsets = [1], sizes = [1], strides = [1]} : vector<16xf32> to vector<1xf32>
        %squeeze3A_407 = vector.extract %slice3A_406[0] : f32 from vector<1xf32>
        %add3A_408 = arith.constant 128 : i32
        %add3A_409 = arith.addi %mul3A_333, %add3A_408 : i32
        %get3A_410 = arith.index_cast %add3A_409 : i32 to index
        %get3A_411 = tpu.vector_load %arg18[%get3A_410] {strides = array<i32>} : memref<2592xf32, #tpu.memory_space<vmem>>, vector<16xf32>,
        %slice3A_412 = vector.extract_strided_slice %get3A_411 {offsets = [0], sizes = [1], strides = [1]} : vector<16xf32> to vector<1xf32>
        %squeeze3A_413 = vector.extract %slice3A_412[0] : f32 from vector<1xf32>
        %add3A_414 = arith.addf %squeeze3A_407, %squeeze3A_413 : f32
        %add3A_415 = arith.addf %add3A_341, %add3A_349 : vector<16xf32>
        %add3A_416 = arith.addf %add3A_357, %add3A_365 : vector<16xf32>
        %add3A_417 = arith.addf %add3A_415, %add3A_416 : vector<16xf32>
        %add3A_418 = arith.addf %add3A_375, %add3A_385 : vector<16xf32>
        %add3A_419 = arith.addf %add3A_395, %add3A_405 : vector<16xf32>
        %add3A_420 = arith.addf %add3A_418, %add3A_419 : vector<16xf32>
        %add3A_421 = arith.addf %add3A_417, %add3A_420 : vector<16xf32>
        %mul3A_422 = arith.mulf %add3A_341, %add3A_341 : vector<16xf32>
        %mul3A_423 = arith.mulf %add3A_349, %add3A_349 : vector<16xf32>
        %mul3A_424 = arith.mulf %add3A_357, %add3A_357 : vector<16xf32>
        %mul3A_425 = arith.mulf %add3A_365, %add3A_365 : vector<16xf32>
        %mul3A_426 = arith.mulf %add3A_375, %add3A_375 : vector<16xf32>
        %mul3A_427 = arith.mulf %add3A_385, %add3A_385 : vector<16xf32>
        %mul3A_428 = arith.mulf %add3A_395, %add3A_395 : vector<16xf32>
        %mul3A_429 = arith.mulf %add3A_405, %add3A_405 : vector<16xf32>
        %add3A_430 = arith.addf %mul3A_422, %mul3A_423 : vector<16xf32>
        %add3A_431 = arith.addf %mul3A_424, %mul3A_425 : vector<16xf32>
        %add3A_432 = arith.addf %add3A_430, %add3A_431 : vector<16xf32>
        %add3A_433 = arith.addf %mul3A_426, %mul3A_427 : vector<16xf32>
        %add3A_434 = arith.addf %mul3A_428, %mul3A_429 : vector<16xf32>
        %add3A_435 = arith.addf %add3A_433, %add3A_434 : vector<16xf32>
        %add3A_436 = arith.addf %add3A_432, %add3A_435 : vector<16xf32>
        %reduce_sum3A_437 = arith.constant true
        %reduce_sum3A_438 = vector.broadcast %reduce_sum3A_437 : i1 to vector<16xi1>
        %reduce_sum3A_439 = tpu.scan <sum>, %add3A_421 masked %reduce_sum3A_438 : vector<16xf32>, vector<16xi1> -> vector<16xf32>
        %reduce_sum3A_440 = vector.extract %reduce_sum3A_439[15] : f32 from vector<16xf32>
        %add3A_441 = arith.addf %reduce_sum3A_440, %add3A_414 : f32
        %reduce_sum3A_442 = arith.constant true
        %reduce_sum3A_443 = vector.broadcast %reduce_sum3A_442 : i1 to vector<16xi1>
        %reduce_sum3A_444 = tpu.scan <sum>, %add3A_436 masked %reduce_sum3A_443 : vector<16xf32>, vector<16xi1> -> vector<16xf32>
        %reduce_sum3A_445 = vector.extract %reduce_sum3A_444[15] : f32 from vector<16xf32>
        %mul3A_446 = arith.mulf %add3A_414, %add3A_414 : f32
        %add3A_447 = arith.addf %reduce_sum3A_445, %mul3A_446 : f32
        %mul3A_448 = arith.mulf %add3A_441, %scan3A_44 : f32
        %mul3A_449 = arith.mulf %add3A_447, %scan3A_44 : f32
        %mul3A_450 = arith.mulf %mul3A_448, %mul3A_448 : f32
        %sub3A_451 = arith.subf %mul3A_449, %mul3A_450 : f32
        %add3A_452 = arith.constant 9.99999974E-6 : f32
        %add3A_453 = arith.addf %sub3A_451, %add3A_452 : f32
        %broadcast_in_dim3A_454 = vector.broadcast %add3A_453 : f32 to vector<16xf32>
        %bitcast3A_455 = vector.bitcast %broadcast_in_dim3A_454 : vector<16xf32> to vector<16xi32>
        %shift_right_logical3A_456 = arith.constant 1 : i32
        %shift_right_logical3A_457 = vector.broadcast %shift_right_logical3A_456 : i32 to vector<16xi32>
        %shift_right_logical3A_458 = arith.shrui %bitcast3A_455, %shift_right_logical3A_457 : vector<16xi32>
        %sub3A_459 = arith.constant 1597463007 : i32
        %sub3A_460 = vector.broadcast %sub3A_459 : i32 to vector<16xi32>
        %sub3A_461 = arith.subi %sub3A_460, %shift_right_logical3A_458 : vector<16xi32>
        %bitcast3A_462 = vector.bitcast %sub3A_461 : vector<16xi32> to vector<16xf32>
        %mul3A_463 = arith.constant 5.000000e-01 : f32
        %mul3A_464 = vector.broadcast %mul3A_463 : f32 to vector<16xf32>
        %mul3A_465 = arith.mulf %mul3A_464, %broadcast_in_dim3A_454 : vector<16xf32>
        %mul3A_466 = arith.mulf %mul3A_465, %bitcast3A_462 : vector<16xf32>
        %mul3A_467 = arith.mulf %mul3A_466, %bitcast3A_462 : vector<16xf32>
        %sub3A_468 = arith.constant 1.500000e+00 : f32
        %sub3A_469 = vector.broadcast %sub3A_468 : f32 to vector<16xf32>
        %sub3A_470 = arith.subf %sub3A_469, %mul3A_467 : vector<16xf32>
        %mul3A_471 = arith.mulf %bitcast3A_462, %sub3A_470 : vector<16xf32>
        %mul3A_472 = arith.constant 5.000000e-01 : f32
        %mul3A_473 = vector.broadcast %mul3A_472 : f32 to vector<16xf32>
        %mul3A_474 = arith.mulf %mul3A_473, %broadcast_in_dim3A_454 : vector<16xf32>
        %mul3A_475 = arith.mulf %mul3A_474, %mul3A_471 : vector<16xf32>
        %mul3A_476 = arith.mulf %mul3A_475, %mul3A_471 : vector<16xf32>
        %sub3A_477 = arith.constant 1.500000e+00 : f32
        %sub3A_478 = vector.broadcast %sub3A_477 : f32 to vector<16xf32>
        %sub3A_479 = arith.subf %sub3A_478, %mul3A_476 : vector<16xf32>
        %mul3A_480 = arith.mulf %mul3A_471, %sub3A_479 : vector<16xf32>
        %mul3A_481 = arith.constant 5.000000e-01 : f32
        %mul3A_482 = vector.broadcast %mul3A_481 : f32 to vector<16xf32>
        %mul3A_483 = arith.mulf %mul3A_482, %broadcast_in_dim3A_454 : vector<16xf32>
        %mul3A_484 = arith.mulf %mul3A_483, %mul3A_480 : vector<16xf32>
        %mul3A_485 = arith.mulf %mul3A_484, %mul3A_480 : vector<16xf32>
        %sub3A_486 = arith.constant 1.500000e+00 : f32
        %sub3A_487 = vector.broadcast %sub3A_486 : f32 to vector<16xf32>
        %sub3A_488 = arith.subf %sub3A_487, %mul3A_485 : vector<16xf32>
        %mul3A_489 = arith.mulf %mul3A_480, %sub3A_488 : vector<16xf32>
        %broadcast_in_dim3A_490 = vector.broadcast %mul3A_448 : f32 to vector<16xf32>
        %mul3A_491 = arith.constant 129 : i32
        %mul3A_492 = arith.muli %add3A_329, %mul3A_491 : i32
        %sub3A_493 = arith.subf %add3A_341, %broadcast_in_dim3A_490 : vector<16xf32>
        %mul3A_494 = arith.mulf %sub3A_493, %mul3A_489 : vector<16xf32>
        %mul3A_495 = arith.mulf %mul3A_494, %get3A_7 : vector<16xf32>
        %add3A_496 = arith.addf %mul3A_495, %get3A_23 : vector<16xf32>
        %add3A_497 = arith.constant 0 : i32
        %add3A_498 = arith.addi %mul3A_492, %add3A_497 : i32
        %swap3A_499 = arith.index_cast %add3A_498 : i32 to index
        %swap3A_500 = tpu.vector_load %arg17[%swap3A_499] {strides = array<i32>} : memref<16528xf32, #tpu.memory_space<vmem>>, vector<16xf32>,
        tpu.vector_store %arg17[%swap3A_499], %add3A_496 {strides = array<i32>} : memref<16528xf32, #tpu.memory_space<vmem>>, vector<16xf32>,
        %sub3A_501 = arith.subf %add3A_349, %broadcast_in_dim3A_490 : vector<16xf32>
        %mul3A_502 = arith.mulf %sub3A_501, %mul3A_489 : vector<16xf32>
        %mul3A_503 = arith.mulf %mul3A_502, %get3A_9 : vector<16xf32>
        %add3A_504 = arith.addf %mul3A_503, %get3A_25 : vector<16xf32>
        %add3A_505 = arith.constant 16 : i32
        %add3A_506 = arith.addi %mul3A_492, %add3A_505 : i32
        %swap3A_507 = arith.index_cast %add3A_506 : i32 to index
        %swap3A_508 = tpu.vector_load %arg17[%swap3A_507] {strides = array<i32>} : memref<16528xf32, #tpu.memory_space<vmem>>, vector<16xf32>,
        tpu.vector_store %arg17[%swap3A_507], %add3A_504 {strides = array<i32>} : memref<16528xf32, #tpu.memory_space<vmem>>, vector<16xf32>,
        %sub3A_509 = arith.subf %add3A_357, %broadcast_in_dim3A_490 : vector<16xf32>
        %mul3A_510 = arith.mulf %sub3A_509, %mul3A_489 : vector<16xf32>
        %mul3A_511 = arith.mulf %mul3A_510, %get3A_11 : vector<16xf32>
        %add3A_512 = arith.addf %mul3A_511, %get3A_27 : vector<16xf32>
        %add3A_513 = arith.constant 32 : i32
        %add3A_514 = arith.addi %mul3A_492, %add3A_513 : i32
        %swap3A_515 = arith.index_cast %add3A_514 : i32 to index
        %swap3A_516 = tpu.vector_load %arg17[%swap3A_515] {strides = array<i32>} : memref<16528xf32, #tpu.memory_space<vmem>>, vector<16xf32>,
        tpu.vector_store %arg17[%swap3A_515], %add3A_512 {strides = array<i32>} : memref<16528xf32, #tpu.memory_space<vmem>>, vector<16xf32>,
        %sub3A_517 = arith.subf %add3A_365, %broadcast_in_dim3A_490 : vector<16xf32>
        %mul3A_518 = arith.mulf %sub3A_517, %mul3A_489 : vector<16xf32>
        %mul3A_519 = arith.mulf %mul3A_518, %get3A_13 : vector<16xf32>
        %add3A_520 = arith.addf %mul3A_519, %get3A_29 : vector<16xf32>
        %add3A_521 = arith.constant 48 : i32
        %add3A_522 = arith.addi %mul3A_492, %add3A_521 : i32
        %swap3A_523 = arith.index_cast %add3A_522 : i32 to index
        %swap3A_524 = tpu.vector_load %arg17[%swap3A_523] {strides = array<i32>} : memref<16528xf32, #tpu.memory_space<vmem>>, vector<16xf32>,
        tpu.vector_store %arg17[%swap3A_523], %add3A_520 {strides = array<i32>} : memref<16528xf32, #tpu.memory_space<vmem>>, vector<16xf32>,
        %sub3A_525 = arith.subf %add3A_375, %broadcast_in_dim3A_490 : vector<16xf32>
        %mul3A_526 = arith.mulf %sub3A_525, %mul3A_489 : vector<16xf32>
        %mul3A_527 = arith.mulf %mul3A_526, %get3A_15 : vector<16xf32>
        %add3A_528 = arith.addf %mul3A_527, %get3A_31 : vector<16xf32>
        %add3A_529 = arith.constant 64 : i32
        %add3A_530 = arith.addi %mul3A_492, %add3A_529 : i32
        %swap3A_531 = arith.index_cast %add3A_530 : i32 to index
        %swap3A_532 = tpu.vector_load %arg17[%swap3A_531] {strides = array<i32>} : memref<16528xf32, #tpu.memory_space<vmem>>, vector<16xf32>,
        tpu.vector_store %arg17[%swap3A_531], %add3A_528 {strides = array<i32>} : memref<16528xf32, #tpu.memory_space<vmem>>, vector<16xf32>,
        %sub3A_533 = arith.subf %add3A_385, %broadcast_in_dim3A_490 : vector<16xf32>
        %mul3A_534 = arith.mulf %sub3A_533, %mul3A_489 : vector<16xf32>
        %mul3A_535 = arith.mulf %mul3A_534, %get3A_17 : vector<16xf32>
        %add3A_536 = arith.addf %mul3A_535, %get3A_33 : vector<16xf32>
        %add3A_537 = arith.constant 80 : i32
        %add3A_538 = arith.addi %mul3A_492, %add3A_537 : i32
        %swap3A_539 = arith.index_cast %add3A_538 : i32 to index
        %swap3A_540 = tpu.vector_load %arg17[%swap3A_539] {strides = array<i32>} : memref<16528xf32, #tpu.memory_space<vmem>>, vector<16xf32>,
        tpu.vector_store %arg17[%swap3A_539], %add3A_536 {strides = array<i32>} : memref<16528xf32, #tpu.memory_space<vmem>>, vector<16xf32>,
        %sub3A_541 = arith.subf %add3A_395, %broadcast_in_dim3A_490 : vector<16xf32>
        %mul3A_542 = arith.mulf %sub3A_541, %mul3A_489 : vector<16xf32>
        %mul3A_543 = arith.mulf %mul3A_542, %get3A_19 : vector<16xf32>
        %add3A_544 = arith.addf %mul3A_543, %get3A_35 : vector<16xf32>
        %add3A_545 = arith.constant 96 : i32
        %add3A_546 = arith.addi %mul3A_492, %add3A_545 : i32
        %swap3A_547 = arith.index_cast %add3A_546 : i32 to index
        %swap3A_548 = tpu.vector_load %arg17[%swap3A_547] {strides = array<i32>} : memref<16528xf32, #tpu.memory_space<vmem>>, vector<16xf32>,
        tpu.vector_store %arg17[%swap3A_547], %add3A_544 {strides = array<i32>} : memref<16528xf32, #tpu.memory_space<vmem>>, vector<16xf32>,
        %sub3A_549 = arith.subf %add3A_405, %broadcast_in_dim3A_490 : vector<16xf32>
        %mul3A_550 = arith.mulf %sub3A_549, %mul3A_489 : vector<16xf32>
        %mul3A_551 = arith.mulf %mul3A_550, %get3A_21 : vector<16xf32>
        %add3A_552 = arith.addf %mul3A_551, %get3A_37 : vector<16xf32>
        %add3A_553 = arith.constant 112 : i32
        %add3A_554 = arith.addi %mul3A_492, %add3A_553 : i32
        %swap3A_555 = arith.index_cast %add3A_554 : i32 to index
        %swap3A_556 = tpu.vector_load %arg17[%swap3A_555] {strides = array<i32>} : memref<16528xf32, #tpu.memory_space<vmem>>, vector<16xf32>,
        tpu.vector_store %arg17[%swap3A_555], %add3A_552 {strides = array<i32>} : memref<16528xf32, #tpu.memory_space<vmem>>, vector<16xf32>,
        %sub3A_557 = arith.subf %add3A_414, %mul3A_448 : f32
        %broadcast_in_dim3A_558 = vector.broadcast %sub3A_557 : f32 to vector<16xf32>
        %mul3A_559 = arith.mulf %broadcast_in_dim3A_558, %mul3A_489 : vector<16xf32>
        %mul3A_560 = vector.broadcast %squeeze3A : f32 to vector<16xf32>
        %mul3A_561 = arith.mulf %mul3A_559, %mul3A_560 : vector<16xf32>
        %add3A_562 = vector.broadcast %squeeze3A_43 : f32 to vector<16xf32>
        %add3A_563 = arith.addf %mul3A_561, %add3A_562 : vector<16xf32>
        %add3A_564 = arith.constant 128 : i32
        %add3A_565 = arith.addi %mul3A_492, %add3A_564 : i32
        %swap3A_566 = arith.index_cast %add3A_565 : i32 to index
        %swap3A_567 = tpu.vector_load %arg17[%swap3A_566] {strides = array<i32>} : memref<16528xf32, #tpu.memory_space<vmem>>, vector<16xf32>,
        tpu.vector_store %arg17[%swap3A_566], %add3A_563 {strides = array<i32>} : memref<16528xf32, #tpu.memory_space<vmem>>, vector<16xf32>,
        %add3A_568 = arith.constant 2 : i32
        %add3A_569 = arith.addi %mul3A_81, %add3A_568 : i32
        %slice3A_570 = vector.extract_strided_slice %rem3A_92 {offsets = [2], sizes = [1], strides = [1]} : vector<16xi32> to vector<1xi32>
        %squeeze3A_571 = vector.extract %slice3A_570[0] : i32 from vector<1xi32>
        %mul3A_572 = arith.constant 144 : i32
        %mul3A_573 = arith.muli %squeeze3A_571, %mul3A_572 : i32
        %get3A_574 = arith.index_cast %add3A_569 : i32 to index
        %get3A_575 = arith.constant 0 : index
        %get3A_576 = tpu.vector_load %arg15[%get3A_574, %get3A_575] {strides = array<i32>} : memref<128x64xf32, #tpu.memory_space<vmem>>, vector<16xf32>,
        %add3A_577 = arith.constant 0 : i32
        %add3A_578 = arith.addi %mul3A_573, %add3A_577 : i32
        %get3A_579 = arith.index_cast %add3A_578 : i32 to index
        %get3A_580 = tpu.vector_load %arg18[%get3A_579] {strides = array<i32>} : memref<2592xf32, #tpu.memory_space<vmem>>, vector<16xf32>,
        %add3A_581 = arith.addf %get3A_576, %get3A_580 : vector<16xf32>
        %get3A_582 = arith.index_cast %add3A_569 : i32 to index
        %get3A_583 = arith.constant 16 : index
        %get3A_584 = tpu.vector_load %arg15[%get3A_582, %get3A_583] {strides = array<i32>} : memref<128x64xf32, #tpu.memory_space<vmem>>, vector<16xf32>,
        %add3A_585 = arith.constant 16 : i32
        %add3A_586 = arith.addi %mul3A_573, %add3A_585 : i32
        %get3A_587 = arith.index_cast %add3A_586 : i32 to index
        %get3A_588 = tpu.vector_load %arg18[%get3A_587] {strides = array<i32>} : memref<2592xf32, #tpu.memory_space<vmem>>, vector<16xf32>,
        %add3A_589 = arith.addf %get3A_584, %get3A_588 : vector<16xf32>
        %get3A_590 = arith.index_cast %add3A_569 : i32 to index
        %get3A_591 = arith.constant 32 : index
        %get3A_592 = tpu.vector_load %arg15[%get3A_590, %get3A_591] {strides = array<i32>} : memref<128x64xf32, #tpu.memory_space<vmem>>, vector<16xf32>,
        %add3A_593 = arith.constant 32 : i32
        %add3A_594 = arith.addi %mul3A_573, %add3A_593 : i32
        %get3A_595 = arith.index_cast %add3A_594 : i32 to index
        %get3A_596 = tpu.vector_load %arg18[%get3A_595] {strides = array<i32>} : memref<2592xf32, #tpu.memory_space<vmem>>, vector<16xf32>,
        %add3A_597 = arith.addf %get3A_592, %get3A_596 : vector<16xf32>
        %get3A_598 = arith.index_cast %add3A_569 : i32 to index
        %get3A_599 = arith.constant 48 : index
        %get3A_600 = tpu.vector_load %arg15[%get3A_598, %get3A_599] {strides = array<i32>} : memref<128x64xf32, #tpu.memory_space<vmem>>, vector<16xf32>,
        %add3A_601 = arith.constant 48 : i32
        %add3A_602 = arith.addi %mul3A_573, %add3A_601 : i32
        %get3A_603 = arith.index_cast %add3A_602 : i32 to index
        %get3A_604 = tpu.vector_load %arg18[%get3A_603] {strides = array<i32>} : memref<2592xf32, #tpu.memory_space<vmem>>, vector<16xf32>,
        %add3A_605 = arith.addf %get3A_600, %get3A_604 : vector<16xf32>
        %get3A_606 = arith.index_cast %add3A_569 : i32 to index
        %get3A_607 = arith.constant 0 : index
        %get3A_608 = tpu.vector_load %arg16[%get3A_606, %get3A_607] {strides = array<i32>} : memref<128x64xf32, #tpu.memory_space<vmem>>, vector<16xf32>,
        %add3A_609 = arith.constant 64 : i32
        %add3A_610 = arith.addi %mul3A_573, %add3A_609 : i32
        %add3A_611 = arith.constant 0 : i32
        %add3A_612 = arith.addi %add3A_610, %add3A_611 : i32
        %get3A_613 = arith.index_cast %add3A_612 : i32 to index
        %get3A_614 = tpu.vector_load %arg18[%get3A_613] {strides = array<i32>} : memref<2592xf32, #tpu.memory_space<vmem>>, vector<16xf32>,
        %add3A_615 = arith.addf %get3A_608, %get3A_614 : vector<16xf32>
        %get3A_616 = arith.index_cast %add3A_569 : i32 to index
        %get3A_617 = arith.constant 16 : index
        %get3A_618 = tpu.vector_load %arg16[%get3A_616, %get3A_617] {strides = array<i32>} : memref<128x64xf32, #tpu.memory_space<vmem>>, vector<16xf32>,
        %add3A_619 = arith.constant 64 : i32
        %add3A_620 = arith.addi %mul3A_573, %add3A_619 : i32
        %add3A_621 = arith.constant 16 : i32
        %add3A_622 = arith.addi %add3A_620, %add3A_621 : i32
        %get3A_623 = arith.index_cast %add3A_622 : i32 to index
        %get3A_624 = tpu.vector_load %arg18[%get3A_623] {strides = array<i32>} : memref<2592xf32, #tpu.memory_space<vmem>>, vector<16xf32>,
        %add3A_625 = arith.addf %get3A_618, %get3A_624 : vector<16xf32>
        %get3A_626 = arith.index_cast %add3A_569 : i32 to index
        %get3A_627 = arith.constant 32 : index
        %get3A_628 = tpu.vector_load %arg16[%get3A_626, %get3A_627] {strides = array<i32>} : memref<128x64xf32, #tpu.memory_space<vmem>>, vector<16xf32>,
        %add3A_629 = arith.constant 64 : i32
        %add3A_630 = arith.addi %mul3A_573, %add3A_629 : i32
        %add3A_631 = arith.constant 32 : i32
        %add3A_632 = arith.addi %add3A_630, %add3A_631 : i32
        %get3A_633 = arith.index_cast %add3A_632 : i32 to index
        %get3A_634 = tpu.vector_load %arg18[%get3A_633] {strides = array<i32>} : memref<2592xf32, #tpu.memory_space<vmem>>, vector<16xf32>,
        %add3A_635 = arith.addf %get3A_628, %get3A_634 : vector<16xf32>
        %get3A_636 = arith.index_cast %add3A_569 : i32 to index
        %get3A_637 = arith.constant 48 : index
        %get3A_638 = tpu.vector_load %arg16[%get3A_636, %get3A_637] {strides = array<i32>} : memref<128x64xf32, #tpu.memory_space<vmem>>, vector<16xf32>,
        %add3A_639 = arith.constant 64 : i32
        %add3A_640 = arith.addi %mul3A_573, %add3A_639 : i32
        %add3A_641 = arith.constant 48 : i32
        %add3A_642 = arith.addi %add3A_640, %add3A_641 : i32
        %get3A_643 = arith.index_cast %add3A_642 : i32 to index
        %get3A_644 = tpu.vector_load %arg18[%get3A_643] {strides = array<i32>} : memref<2592xf32, #tpu.memory_space<vmem>>, vector<16xf32>,
        %add3A_645 = arith.addf %get3A_638, %get3A_644 : vector<16xf32>
        %slice3A_646 = vector.extract_strided_slice %select_n3A {offsets = [2], sizes = [1], strides = [1]} : vector<16xf32> to vector<1xf32>
        %squeeze3A_647 = vector.extract %slice3A_646[0] : f32 from vector<1xf32>
        %add3A_648 = arith.constant 128 : i32
        %add3A_649 = arith.addi %mul3A_573, %add3A_648 : i32
        %get3A_650 = arith.index_cast %add3A_649 : i32 to index
        %get3A_651 = tpu.vector_load %arg18[%get3A_650] {strides = array<i32>} : memref<2592xf32, #tpu.memory_space<vmem>>, vector<16xf32>,
        %slice3A_652 = vector.extract_strided_slice %get3A_651 {offsets = [0], sizes = [1], strides = [1]} : vector<16xf32> to vector<1xf32>
        %squeeze3A_653 = vector.extract %slice3A_652[0] : f32 from vector<1xf32>
        %add3A_654 = arith.addf %squeeze3A_647, %squeeze3A_653 : f32
        %add3A_655 = arith.addf %add3A_581, %add3A_589 : vector<16xf32>
        %add3A_656 = arith.addf %add3A_597, %add3A_605 : vector<16xf32>
        %add3A_657 = arith.addf %add3A_655, %add3A_656 : vector<16xf32>
        %add3A_658 = arith.addf %add3A_615, %add3A_625 : vector<16xf32>
        %add3A_659 = arith.addf %add3A_635, %add3A_645 : vector<16xf32>
        %add3A_660 = arith.addf %add3A_658, %add3A_659 : vector<16xf32>
        %add3A_661 = arith.addf %add3A_657, %add3A_660 : vector<16xf32>
        %mul3A_662 = arith.mulf %add3A_581, %add3A_581 : vector<16xf32>
        %mul3A_663 = arith.mulf %add3A_589, %add3A_589 : vector<16xf32>
        %mul3A_664 = arith.mulf %add3A_597, %add3A_597 : vector<16xf32>
        %mul3A_665 = arith.mulf %add3A_605, %add3A_605 : vector<16xf32>
        %mul3A_666 = arith.mulf %add3A_615, %add3A_615 : vector<16xf32>
        %mul3A_667 = arith.mulf %add3A_625, %add3A_625 : vector<16xf32>
        %mul3A_668 = arith.mulf %add3A_635, %add3A_635 : vector<16xf32>
        %mul3A_669 = arith.mulf %add3A_645, %add3A_645 : vector<16xf32>
        %add3A_670 = arith.addf %mul3A_662, %mul3A_663 : vector<16xf32>
        %add3A_671 = arith.addf %mul3A_664, %mul3A_665 : vector<16xf32>
        %add3A_672 = arith.addf %add3A_670, %add3A_671 : vector<16xf32>
        %add3A_673 = arith.addf %mul3A_666, %mul3A_667 : vector<16xf32>
        %add3A_674 = arith.addf %mul3A_668, %mul3A_669 : vector<16xf32>
        %add3A_675 = arith.addf %add3A_673, %add3A_674 : vector<16xf32>
        %add3A_676 = arith.addf %add3A_672, %add3A_675 : vector<16xf32>
        %reduce_sum3A_677 = arith.constant true
        %reduce_sum3A_678 = vector.broadcast %reduce_sum3A_677 : i1 to vector<16xi1>
        %reduce_sum3A_679 = tpu.scan <sum>, %add3A_661 masked %reduce_sum3A_678 : vector<16xf32>, vector<16xi1> -> vector<16xf32>
        %reduce_sum3A_680 = vector.extract %reduce_sum3A_679[15] : f32 from vector<16xf32>
        %add3A_681 = arith.addf %reduce_sum3A_680, %add3A_654 : f32
        %reduce_sum3A_682 = arith.constant true
        %reduce_sum3A_683 = vector.broadcast %reduce_sum3A_682 : i1 to vector<16xi1>
        %reduce_sum3A_684 = tpu.scan <sum>, %add3A_676 masked %reduce_sum3A_683 : vector<16xf32>, vector<16xi1> -> vector<16xf32>
        %reduce_sum3A_685 = vector.extract %reduce_sum3A_684[15] : f32 from vector<16xf32>
        %mul3A_686 = arith.mulf %add3A_654, %add3A_654 : f32
        %add3A_687 = arith.addf %reduce_sum3A_685, %mul3A_686 : f32
        %mul3A_688 = arith.mulf %add3A_681, %scan3A_44 : f32
        %mul3A_689 = arith.mulf %add3A_687, %scan3A_44 : f32
        %mul3A_690 = arith.mulf %mul3A_688, %mul3A_688 : f32
        %sub3A_691 = arith.subf %mul3A_689, %mul3A_690 : f32
        %add3A_692 = arith.constant 9.99999974E-6 : f32
        %add3A_693 = arith.addf %sub3A_691, %add3A_692 : f32
        %broadcast_in_dim3A_694 = vector.broadcast %add3A_693 : f32 to vector<16xf32>
        %bitcast3A_695 = vector.bitcast %broadcast_in_dim3A_694 : vector<16xf32> to vector<16xi32>
        %shift_right_logical3A_696 = arith.constant 1 : i32
        %shift_right_logical3A_697 = vector.broadcast %shift_right_logical3A_696 : i32 to vector<16xi32>
        %shift_right_logical3A_698 = arith.shrui %bitcast3A_695, %shift_right_logical3A_697 : vector<16xi32>
        %sub3A_699 = arith.constant 1597463007 : i32
        %sub3A_700 = vector.broadcast %sub3A_699 : i32 to vector<16xi32>
        %sub3A_701 = arith.subi %sub3A_700, %shift_right_logical3A_698 : vector<16xi32>
        %bitcast3A_702 = vector.bitcast %sub3A_701 : vector<16xi32> to vector<16xf32>
        %mul3A_703 = arith.constant 5.000000e-01 : f32
        %mul3A_704 = vector.broadcast %mul3A_703 : f32 to vector<16xf32>
        %mul3A_705 = arith.mulf %mul3A_704, %broadcast_in_dim3A_694 : vector<16xf32>
        %mul3A_706 = arith.mulf %mul3A_705, %bitcast3A_702 : vector<16xf32>
        %mul3A_707 = arith.mulf %mul3A_706, %bitcast3A_702 : vector<16xf32>
        %sub3A_708 = arith.constant 1.500000e+00 : f32
        %sub3A_709 = vector.broadcast %sub3A_708 : f32 to vector<16xf32>
        %sub3A_710 = arith.subf %sub3A_709, %mul3A_707 : vector<16xf32>
        %mul3A_711 = arith.mulf %bitcast3A_702, %sub3A_710 : vector<16xf32>
        %mul3A_712 = arith.constant 5.000000e-01 : f32
        %mul3A_713 = vector.broadcast %mul3A_712 : f32 to vector<16xf32>
        %mul3A_714 = arith.mulf %mul3A_713, %broadcast_in_dim3A_694 : vector<16xf32>
        %mul3A_715 = arith.mulf %mul3A_714, %mul3A_711 : vector<16xf32>
        %mul3A_716 = arith.mulf %mul3A_715, %mul3A_711 : vector<16xf32>
        %sub3A_717 = arith.constant 1.500000e+00 : f32
        %sub3A_718 = vector.broadcast %sub3A_717 : f32 to vector<16xf32>
        %sub3A_719 = arith.subf %sub3A_718, %mul3A_716 : vector<16xf32>
        %mul3A_720 = arith.mulf %mul3A_711, %sub3A_719 : vector<16xf32>
        %mul3A_721 = arith.constant 5.000000e-01 : f32
        %mul3A_722 = vector.broadcast %mul3A_721 : f32 to vector<16xf32>
        %mul3A_723 = arith.mulf %mul3A_722, %broadcast_in_dim3A_694 : vector<16xf32>
        %mul3A_724 = arith.mulf %mul3A_723, %mul3A_720 : vector<16xf32>
        %mul3A_725 = arith.mulf %mul3A_724, %mul3A_720 : vector<16xf32>
        %sub3A_726 = arith.constant 1.500000e+00 : f32
        %sub3A_727 = vector.broadcast %sub3A_726 : f32 to vector<16xf32>
        %sub3A_728 = arith.subf %sub3A_727, %mul3A_725 : vector<16xf32>
        %mul3A_729 = arith.mulf %mul3A_720, %sub3A_728 : vector<16xf32>
        %broadcast_in_dim3A_730 = vector.broadcast %mul3A_688 : f32 to vector<16xf32>
        %mul3A_731 = arith.constant 129 : i32
        %mul3A_732 = arith.muli %add3A_569, %mul3A_731 : i32
        %sub3A_733 = arith.subf %add3A_581, %broadcast_in_dim3A_730 : vector<16xf32>
        %mul3A_734 = arith.mulf %sub3A_733, %mul3A_729 : vector<16xf32>
        %mul3A_735 = arith.mulf %mul3A_734, %get3A_7 : vector<16xf32>
        %add3A_736 = arith.addf %mul3A_735, %get3A_23 : vector<16xf32>
        %add3A_737 = arith.constant 0 : i32
        %add3A_738 = arith.addi %mul3A_732, %add3A_737 : i32
        %swap3A_739 = arith.index_cast %add3A_738 : i32 to index
        %swap3A_740 = tpu.vector_load %arg17[%swap3A_739] {strides = array<i32>} : memref<16528xf32, #tpu.memory_space<vmem>>, vector<16xf32>,
        tpu.vector_store %arg17[%swap3A_739], %add3A_736 {strides = array<i32>} : memref<16528xf32, #tpu.memory_space<vmem>>, vector<16xf32>,
        %sub3A_741 = arith.subf %add3A_589, %broadcast_in_dim3A_730 : vector<16xf32>
        %mul3A_742 = arith.mulf %sub3A_741, %mul3A_729 : vector<16xf32>
        %mul3A_743 = arith.mulf %mul3A_742, %get3A_9 : vector<16xf32>
        %add3A_744 = arith.addf %mul3A_743, %get3A_25 : vector<16xf32>
        %add3A_745 = arith.constant 16 : i32
        %add3A_746 = arith.addi %mul3A_732, %add3A_745 : i32
        %swap3A_747 = arith.index_cast %add3A_746 : i32 to index
        %swap3A_748 = tpu.vector_load %arg17[%swap3A_747] {strides = array<i32>} : memref<16528xf32, #tpu.memory_space<vmem>>, vector<16xf32>,
        tpu.vector_store %arg17[%swap3A_747], %add3A_744 {strides = array<i32>} : memref<16528xf32, #tpu.memory_space<vmem>>, vector<16xf32>,
        %sub3A_749 = arith.subf %add3A_597, %broadcast_in_dim3A_730 : vector<16xf32>
        %mul3A_750 = arith.mulf %sub3A_749, %mul3A_729 : vector<16xf32>
        %mul3A_751 = arith.mulf %mul3A_750, %get3A_11 : vector<16xf32>
        %add3A_752 = arith.addf %mul3A_751, %get3A_27 : vector<16xf32>
        %add3A_753 = arith.constant 32 : i32
        %add3A_754 = arith.addi %mul3A_732, %add3A_753 : i32
        %swap3A_755 = arith.index_cast %add3A_754 : i32 to index
        %swap3A_756 = tpu.vector_load %arg17[%swap3A_755] {strides = array<i32>} : memref<16528xf32, #tpu.memory_space<vmem>>, vector<16xf32>,
        tpu.vector_store %arg17[%swap3A_755], %add3A_752 {strides = array<i32>} : memref<16528xf32, #tpu.memory_space<vmem>>, vector<16xf32>,
        %sub3A_757 = arith.subf %add3A_605, %broadcast_in_dim3A_730 : vector<16xf32>
        %mul3A_758 = arith.mulf %sub3A_757, %mul3A_729 : vector<16xf32>
        %mul3A_759 = arith.mulf %mul3A_758, %get3A_13 : vector<16xf32>
        %add3A_760 = arith.addf %mul3A_759, %get3A_29 : vector<16xf32>
        %add3A_761 = arith.constant 48 : i32
        %add3A_762 = arith.addi %mul3A_732, %add3A_761 : i32
        %swap3A_763 = arith.index_cast %add3A_762 : i32 to index
        %swap3A_764 = tpu.vector_load %arg17[%swap3A_763] {strides = array<i32>} : memref<16528xf32, #tpu.memory_space<vmem>>, vector<16xf32>,
        tpu.vector_store %arg17[%swap3A_763], %add3A_760 {strides = array<i32>} : memref<16528xf32, #tpu.memory_space<vmem>>, vector<16xf32>,
        %sub3A_765 = arith.subf %add3A_615, %broadcast_in_dim3A_730 : vector<16xf32>
        %mul3A_766 = arith.mulf %sub3A_765, %mul3A_729 : vector<16xf32>
        %mul3A_767 = arith.mulf %mul3A_766, %get3A_15 : vector<16xf32>
        %add3A_768 = arith.addf %mul3A_767, %get3A_31 : vector<16xf32>
        %add3A_769 = arith.constant 64 : i32
        %add3A_770 = arith.addi %mul3A_732, %add3A_769 : i32
        %swap3A_771 = arith.index_cast %add3A_770 : i32 to index
        %swap3A_772 = tpu.vector_load %arg17[%swap3A_771] {strides = array<i32>} : memref<16528xf32, #tpu.memory_space<vmem>>, vector<16xf32>,
        tpu.vector_store %arg17[%swap3A_771], %add3A_768 {strides = array<i32>} : memref<16528xf32, #tpu.memory_space<vmem>>, vector<16xf32>,
        %sub3A_773 = arith.subf %add3A_625, %broadcast_in_dim3A_730 : vector<16xf32>
        %mul3A_774 = arith.mulf %sub3A_773, %mul3A_729 : vector<16xf32>
        %mul3A_775 = arith.mulf %mul3A_774, %get3A_17 : vector<16xf32>
        %add3A_776 = arith.addf %mul3A_775, %get3A_33 : vector<16xf32>
        %add3A_777 = arith.constant 80 : i32
        %add3A_778 = arith.addi %mul3A_732, %add3A_777 : i32
        %swap3A_779 = arith.index_cast %add3A_778 : i32 to index
        %swap3A_780 = tpu.vector_load %arg17[%swap3A_779] {strides = array<i32>} : memref<16528xf32, #tpu.memory_space<vmem>>, vector<16xf32>,
        tpu.vector_store %arg17[%swap3A_779], %add3A_776 {strides = array<i32>} : memref<16528xf32, #tpu.memory_space<vmem>>, vector<16xf32>,
        %sub3A_781 = arith.subf %add3A_635, %broadcast_in_dim3A_730 : vector<16xf32>
        %mul3A_782 = arith.mulf %sub3A_781, %mul3A_729 : vector<16xf32>
        %mul3A_783 = arith.mulf %mul3A_782, %get3A_19 : vector<16xf32>
        %add3A_784 = arith.addf %mul3A_783, %get3A_35 : vector<16xf32>
        %add3A_785 = arith.constant 96 : i32
        %add3A_786 = arith.addi %mul3A_732, %add3A_785 : i32
        %swap3A_787 = arith.index_cast %add3A_786 : i32 to index
        %swap3A_788 = tpu.vector_load %arg17[%swap3A_787] {strides = array<i32>} : memref<16528xf32, #tpu.memory_space<vmem>>, vector<16xf32>,
        tpu.vector_store %arg17[%swap3A_787], %add3A_784 {strides = array<i32>} : memref<16528xf32, #tpu.memory_space<vmem>>, vector<16xf32>,
        %sub3A_789 = arith.subf %add3A_645, %broadcast_in_dim3A_730 : vector<16xf32>
        %mul3A_790 = arith.mulf %sub3A_789, %mul3A_729 : vector<16xf32>
        %mul3A_791 = arith.mulf %mul3A_790, %get3A_21 : vector<16xf32>
        %add3A_792 = arith.addf %mul3A_791, %get3A_37 : vector<16xf32>
        %add3A_793 = arith.constant 112 : i32
        %add3A_794 = arith.addi %mul3A_732, %add3A_793 : i32
        %swap3A_795 = arith.index_cast %add3A_794 : i32 to index
        %swap3A_796 = tpu.vector_load %arg17[%swap3A_795] {strides = array<i32>} : memref<16528xf32, #tpu.memory_space<vmem>>, vector<16xf32>,
        tpu.vector_store %arg17[%swap3A_795], %add3A_792 {strides = array<i32>} : memref<16528xf32, #tpu.memory_space<vmem>>, vector<16xf32>,
        %sub3A_797 = arith.subf %add3A_654, %mul3A_688 : f32
        %broadcast_in_dim3A_798 = vector.broadcast %sub3A_797 : f32 to vector<16xf32>
        %mul3A_799 = arith.mulf %broadcast_in_dim3A_798, %mul3A_729 : vector<16xf32>
        %mul3A_800 = vector.broadcast %squeeze3A : f32 to vector<16xf32>
        %mul3A_801 = arith.mulf %mul3A_799, %mul3A_800 : vector<16xf32>
        %add3A_802 = vector.broadcast %squeeze3A_43 : f32 to vector<16xf32>
        %add3A_803 = arith.addf %mul3A_801, %add3A_802 : vector<16xf32>
        %add3A_804 = arith.constant 128 : i32
        %add3A_805 = arith.addi %mul3A_732, %add3A_804 : i32
        %swap3A_806 = arith.index_cast %add3A_805 : i32 to index
        %swap3A_807 = tpu.vector_load %arg17[%swap3A_806] {strides = array<i32>} : memref<16528xf32, #tpu.memory_space<vmem>>, vector<16xf32>,
        tpu.vector_store %arg17[%swap3A_806], %add3A_803 {strides = array<i32>} : memref<16528xf32, #tpu.memory_space<vmem>>, vector<16xf32>,
        %add3A_808 = arith.constant 3 : i32
        %add3A_809 = arith.addi %mul3A_81, %add3A_808 : i32
        %slice3A_810 = vector.extract_strided_slice %rem3A_92 {offsets = [3], sizes = [1], strides = [1]} : vector<16xi32> to vector<1xi32>
        %squeeze3A_811 = vector.extract %slice3A_810[0] : i32 from vector<1xi32>
        %mul3A_812 = arith.constant 144 : i32
        %mul3A_813 = arith.muli %squeeze3A_811, %mul3A_812 : i32
        %get3A_814 = arith.index_cast %add3A_809 : i32 to index
        %get3A_815 = arith.constant 0 : index
        %get3A_816 = tpu.vector_load %arg15[%get3A_814, %get3A_815] {strides = array<i32>} : memref<128x64xf32, #tpu.memory_space<vmem>>, vector<16xf32>,
        %add3A_817 = arith.constant 0 : i32
        %add3A_818 = arith.addi %mul3A_813, %add3A_817 : i32
        %get3A_819 = arith.index_cast %add3A_818 : i32 to index
        %get3A_820 = tpu.vector_load %arg18[%get3A_819] {strides = array<i32>} : memref<2592xf32, #tpu.memory_space<vmem>>, vector<16xf32>,
        %add3A_821 = arith.addf %get3A_816, %get3A_820 : vector<16xf32>
        %get3A_822 = arith.index_cast %add3A_809 : i32 to index
        %get3A_823 = arith.constant 16 : index
        %get3A_824 = tpu.vector_load %arg15[%get3A_822, %get3A_823] {strides = array<i32>} : memref<128x64xf32, #tpu.memory_space<vmem>>, vector<16xf32>,
        %add3A_825 = arith.constant 16 : i32
        %add3A_826 = arith.addi %mul3A_813, %add3A_825 : i32
        %get3A_827 = arith.index_cast %add3A_826 : i32 to index
        %get3A_828 = tpu.vector_load %arg18[%get3A_827] {strides = array<i32>} : memref<2592xf32, #tpu.memory_space<vmem>>, vector<16xf32>,
        %add3A_829 = arith.addf %get3A_824, %get3A_828 : vector<16xf32>
        %get3A_830 = arith.index_cast %add3A_809 : i32 to index
        %get3A_831 = arith.constant 32 : index
        %get3A_832 = tpu.vector_load %arg15[%get3A_830, %get3A_831] {strides = array<i32>} : memref<128x64xf32, #tpu.memory_space<vmem>>, vector<16xf32>,
        %add3A_833 = arith.constant 32 : i32
        %add3A_834 = arith.addi %mul3A_813, %add3A_833 : i32
        %get3A_835 = arith.index_cast %add3A_834 : i32 to index
        %get3A_836 = tpu.vector_load %arg18[%get3A_835] {strides = array<i32>} : memref<2592xf32, #tpu.memory_space<vmem>>, vector<16xf32>,
        %add3A_837 = arith.addf %get3A_832, %get3A_836 : vector<16xf32>
        %get3A_838 = arith.index_cast %add3A_809 : i32 to index
        %get3A_839 = arith.constant 48 : index
        %get3A_840 = tpu.vector_load %arg15[%get3A_838, %get3A_839] {strides = array<i32>} : memref<128x64xf32, #tpu.memory_space<vmem>>, vector<16xf32>,
        %add3A_841 = arith.constant 48 : i32
        %add3A_842 = arith.addi %mul3A_813, %add3A_841 : i32
        %get3A_843 = arith.index_cast %add3A_842 : i32 to index
        %get3A_844 = tpu.vector_load %arg18[%get3A_843] {strides = array<i32>} : memref<2592xf32, #tpu.memory_space<vmem>>, vector<16xf32>,
        %add3A_845 = arith.addf %get3A_840, %get3A_844 : vector<16xf32>
        %get3A_846 = arith.index_cast %add3A_809 : i32 to index
        %get3A_847 = arith.constant 0 : index
        %get3A_848 = tpu.vector_load %arg16[%get3A_846, %get3A_847] {strides = array<i32>} : memref<128x64xf32, #tpu.memory_space<vmem>>, vector<16xf32>,
        %add3A_849 = arith.constant 64 : i32
        %add3A_850 = arith.addi %mul3A_813, %add3A_849 : i32
        %add3A_851 = arith.constant 0 : i32
        %add3A_852 = arith.addi %add3A_850, %add3A_851 : i32
        %get3A_853 = arith.index_cast %add3A_852 : i32 to index
        %get3A_854 = tpu.vector_load %arg18[%get3A_853] {strides = array<i32>} : memref<2592xf32, #tpu.memory_space<vmem>>, vector<16xf32>,
        %add3A_855 = arith.addf %get3A_848, %get3A_854 : vector<16xf32>
        %get3A_856 = arith.index_cast %add3A_809 : i32 to index
        %get3A_857 = arith.constant 16 : index
        %get3A_858 = tpu.vector_load %arg16[%get3A_856, %get3A_857] {strides = array<i32>} : memref<128x64xf32, #tpu.memory_space<vmem>>, vector<16xf32>,
        %add3A_859 = arith.constant 64 : i32
        %add3A_860 = arith.addi %mul3A_813, %add3A_859 : i32
        %add3A_861 = arith.constant 16 : i32
        %add3A_862 = arith.addi %add3A_860, %add3A_861 : i32
        %get3A_863 = arith.index_cast %add3A_862 : i32 to index
        %get3A_864 = tpu.vector_load %arg18[%get3A_863] {strides = array<i32>} : memref<2592xf32, #tpu.memory_space<vmem>>, vector<16xf32>,
        %add3A_865 = arith.addf %get3A_858, %get3A_864 : vector<16xf32>
        %get3A_866 = arith.index_cast %add3A_809 : i32 to index
        %get3A_867 = arith.constant 32 : index
        %get3A_868 = tpu.vector_load %arg16[%get3A_866, %get3A_867] {strides = array<i32>} : memref<128x64xf32, #tpu.memory_space<vmem>>, vector<16xf32>,
        %add3A_869 = arith.constant 64 : i32
        %add3A_870 = arith.addi %mul3A_813, %add3A_869 : i32
        %add3A_871 = arith.constant 32 : i32
        %add3A_872 = arith.addi %add3A_870, %add3A_871 : i32
        %get3A_873 = arith.index_cast %add3A_872 : i32 to index
        %get3A_874 = tpu.vector_load %arg18[%get3A_873] {strides = array<i32>} : memref<2592xf32, #tpu.memory_space<vmem>>, vector<16xf32>,
        %add3A_875 = arith.addf %get3A_868, %get3A_874 : vector<16xf32>
        %get3A_876 = arith.index_cast %add3A_809 : i32 to index
        %get3A_877 = arith.constant 48 : index
        %get3A_878 = tpu.vector_load %arg16[%get3A_876, %get3A_877] {strides = array<i32>} : memref<128x64xf32, #tpu.memory_space<vmem>>, vector<16xf32>,
        %add3A_879 = arith.constant 64 : i32
        %add3A_880 = arith.addi %mul3A_813, %add3A_879 : i32
        %add3A_881 = arith.constant 48 : i32
        %add3A_882 = arith.addi %add3A_880, %add3A_881 : i32
        %get3A_883 = arith.index_cast %add3A_882 : i32 to index
        %get3A_884 = tpu.vector_load %arg18[%get3A_883] {strides = array<i32>} : memref<2592xf32, #tpu.memory_space<vmem>>, vector<16xf32>,
        %add3A_885 = arith.addf %get3A_878, %get3A_884 : vector<16xf32>
        %slice3A_886 = vector.extract_strided_slice %select_n3A {offsets = [3], sizes = [1], strides = [1]} : vector<16xf32> to vector<1xf32>
        %squeeze3A_887 = vector.extract %slice3A_886[0] : f32 from vector<1xf32>
        %add3A_888 = arith.constant 128 : i32
        %add3A_889 = arith.addi %mul3A_813, %add3A_888 : i32
        %get3A_890 = arith.index_cast %add3A_889 : i32 to index
        %get3A_891 = tpu.vector_load %arg18[%get3A_890] {strides = array<i32>} : memref<2592xf32, #tpu.memory_space<vmem>>, vector<16xf32>,
        %slice3A_892 = vector.extract_strided_slice %get3A_891 {offsets = [0], sizes = [1], strides = [1]} : vector<16xf32> to vector<1xf32>
        %squeeze3A_893 = vector.extract %slice3A_892[0] : f32 from vector<1xf32>
        %add3A_894 = arith.addf %squeeze3A_887, %squeeze3A_893 : f32
        %add3A_895 = arith.addf %add3A_821, %add3A_829 : vector<16xf32>
        %add3A_896 = arith.addf %add3A_837, %add3A_845 : vector<16xf32>
        %add3A_897 = arith.addf %add3A_895, %add3A_896 : vector<16xf32>
        %add3A_898 = arith.addf %add3A_855, %add3A_865 : vector<16xf32>
        %add3A_899 = arith.addf %add3A_875, %add3A_885 : vector<16xf32>
        %add3A_900 = arith.addf %add3A_898, %add3A_899 : vector<16xf32>
        %add3A_901 = arith.addf %add3A_897, %add3A_900 : vector<16xf32>
        %mul3A_902 = arith.mulf %add3A_821, %add3A_821 : vector<16xf32>
        %mul3A_903 = arith.mulf %add3A_829, %add3A_829 : vector<16xf32>
        %mul3A_904 = arith.mulf %add3A_837, %add3A_837 : vector<16xf32>
        %mul3A_905 = arith.mulf %add3A_845, %add3A_845 : vector<16xf32>
        %mul3A_906 = arith.mulf %add3A_855, %add3A_855 : vector<16xf32>
        %mul3A_907 = arith.mulf %add3A_865, %add3A_865 : vector<16xf32>
        %mul3A_908 = arith.mulf %add3A_875, %add3A_875 : vector<16xf32>
        %mul3A_909 = arith.mulf %add3A_885, %add3A_885 : vector<16xf32>
        %add3A_910 = arith.addf %mul3A_902, %mul3A_903 : vector<16xf32>
        %add3A_911 = arith.addf %mul3A_904, %mul3A_905 : vector<16xf32>
        %add3A_912 = arith.addf %add3A_910, %add3A_911 : vector<16xf32>
        %add3A_913 = arith.addf %mul3A_906, %mul3A_907 : vector<16xf32>
        %add3A_914 = arith.addf %mul3A_908, %mul3A_909 : vector<16xf32>
        %add3A_915 = arith.addf %add3A_913, %add3A_914 : vector<16xf32>
        %add3A_916 = arith.addf %add3A_912, %add3A_915 : vector<16xf32>
        %reduce_sum3A_917 = arith.constant true
        %reduce_sum3A_918 = vector.broadcast %reduce_sum3A_917 : i1 to vector<16xi1>
        %reduce_sum3A_919 = tpu.scan <sum>, %add3A_901 masked %reduce_sum3A_918 : vector<16xf32>, vector<16xi1> -> vector<16xf32>
        %reduce_sum3A_920 = vector.extract %reduce_sum3A_919[15] : f32 from vector<16xf32>
        %add3A_921 = arith.addf %reduce_sum3A_920, %add3A_894 : f32
        %reduce_sum3A_922 = arith.constant true
        %reduce_sum3A_923 = vector.broadcast %reduce_sum3A_922 : i1 to vector<16xi1>
        %reduce_sum3A_924 = tpu.scan <sum>, %add3A_916 masked %reduce_sum3A_923 : vector<16xf32>, vector<16xi1> -> vector<16xf32>
        %reduce_sum3A_925 = vector.extract %reduce_sum3A_924[15] : f32 from vector<16xf32>
        %mul3A_926 = arith.mulf %add3A_894, %add3A_894 : f32
        %add3A_927 = arith.addf %reduce_sum3A_925, %mul3A_926 : f32
        %mul3A_928 = arith.mulf %add3A_921, %scan3A_44 : f32
        %mul3A_929 = arith.mulf %add3A_927, %scan3A_44 : f32
        %mul3A_930 = arith.mulf %mul3A_928, %mul3A_928 : f32
        %sub3A_931 = arith.subf %mul3A_929, %mul3A_930 : f32
        %add3A_932 = arith.constant 9.99999974E-6 : f32
        %add3A_933 = arith.addf %sub3A_931, %add3A_932 : f32
        %broadcast_in_dim3A_934 = vector.broadcast %add3A_933 : f32 to vector<16xf32>
        %bitcast3A_935 = vector.bitcast %broadcast_in_dim3A_934 : vector<16xf32> to vector<16xi32>
        %shift_right_logical3A_936 = arith.constant 1 : i32
        %shift_right_logical3A_937 = vector.broadcast %shift_right_logical3A_936 : i32 to vector<16xi32>
        %shift_right_logical3A_938 = arith.shrui %bitcast3A_935, %shift_right_logical3A_937 : vector<16xi32>
        %sub3A_939 = arith.constant 1597463007 : i32
        %sub3A_940 = vector.broadcast %sub3A_939 : i32 to vector<16xi32>
        %sub3A_941 = arith.subi %sub3A_940, %shift_right_logical3A_938 : vector<16xi32>
        %bitcast3A_942 = vector.bitcast %sub3A_941 : vector<16xi32> to vector<16xf32>
        %mul3A_943 = arith.constant 5.000000e-01 : f32
        %mul3A_944 = vector.broadcast %mul3A_943 : f32 to vector<16xf32>
        %mul3A_945 = arith.mulf %mul3A_944, %broadcast_in_dim3A_934 : vector<16xf32>
        %mul3A_946 = arith.mulf %mul3A_945, %bitcast3A_942 : vector<16xf32>
        %mul3A_947 = arith.mulf %mul3A_946, %bitcast3A_942 : vector<16xf32>
        %sub3A_948 = arith.constant 1.500000e+00 : f32
        %sub3A_949 = vector.broadcast %sub3A_948 : f32 to vector<16xf32>
        %sub3A_950 = arith.subf %sub3A_949, %mul3A_947 : vector<16xf32>
        %mul3A_951 = arith.mulf %bitcast3A_942, %sub3A_950 : vector<16xf32>
        %mul3A_952 = arith.constant 5.000000e-01 : f32
        %mul3A_953 = vector.broadcast %mul3A_952 : f32 to vector<16xf32>
        %mul3A_954 = arith.mulf %mul3A_953, %broadcast_in_dim3A_934 : vector<16xf32>
        %mul3A_955 = arith.mulf %mul3A_954, %mul3A_951 : vector<16xf32>
        %mul3A_956 = arith.mulf %mul3A_955, %mul3A_951 : vector<16xf32>
        %sub3A_957 = arith.constant 1.500000e+00 : f32
        %sub3A_958 = vector.broadcast %sub3A_957 : f32 to vector<16xf32>
        %sub3A_959 = arith.subf %sub3A_958, %mul3A_956 : vector<16xf32>
        %mul3A_960 = arith.mulf %mul3A_951, %sub3A_959 : vector<16xf32>
        %mul3A_961 = arith.constant 5.000000e-01 : f32
        %mul3A_962 = vector.broadcast %mul3A_961 : f32 to vector<16xf32>
        %mul3A_963 = arith.mulf %mul3A_962, %broadcast_in_dim3A_934 : vector<16xf32>
        %mul3A_964 = arith.mulf %mul3A_963, %mul3A_960 : vector<16xf32>
        %mul3A_965 = arith.mulf %mul3A_964, %mul3A_960 : vector<16xf32>
        %sub3A_966 = arith.constant 1.500000e+00 : f32
        %sub3A_967 = vector.broadcast %sub3A_966 : f32 to vector<16xf32>
        %sub3A_968 = arith.subf %sub3A_967, %mul3A_965 : vector<16xf32>
        %mul3A_969 = arith.mulf %mul3A_960, %sub3A_968 : vector<16xf32>
        %broadcast_in_dim3A_970 = vector.broadcast %mul3A_928 : f32 to vector<16xf32>
        %mul3A_971 = arith.constant 129 : i32
        %mul3A_972 = arith.muli %add3A_809, %mul3A_971 : i32
        %sub3A_973 = arith.subf %add3A_821, %broadcast_in_dim3A_970 : vector<16xf32>
        %mul3A_974 = arith.mulf %sub3A_973, %mul3A_969 : vector<16xf32>
        %mul3A_975 = arith.mulf %mul3A_974, %get3A_7 : vector<16xf32>
        %add3A_976 = arith.addf %mul3A_975, %get3A_23 : vector<16xf32>
        %add3A_977 = arith.constant 0 : i32
        %add3A_978 = arith.addi %mul3A_972, %add3A_977 : i32
        %swap3A_979 = arith.index_cast %add3A_978 : i32 to index
        %swap3A_980 = tpu.vector_load %arg17[%swap3A_979] {strides = array<i32>} : memref<16528xf32, #tpu.memory_space<vmem>>, vector<16xf32>,
        tpu.vector_store %arg17[%swap3A_979], %add3A_976 {strides = array<i32>} : memref<16528xf32, #tpu.memory_space<vmem>>, vector<16xf32>,
        %sub3A_981 = arith.subf %add3A_829, %broadcast_in_dim3A_970 : vector<16xf32>
        %mul3A_982 = arith.mulf %sub3A_981, %mul3A_969 : vector<16xf32>
        %mul3A_983 = arith.mulf %mul3A_982, %get3A_9 : vector<16xf32>
        %add3A_984 = arith.addf %mul3A_983, %get3A_25 : vector<16xf32>
        %add3A_985 = arith.constant 16 : i32
        %add3A_986 = arith.addi %mul3A_972, %add3A_985 : i32
        %swap3A_987 = arith.index_cast %add3A_986 : i32 to index
        %swap3A_988 = tpu.vector_load %arg17[%swap3A_987] {strides = array<i32>} : memref<16528xf32, #tpu.memory_space<vmem>>, vector<16xf32>,
        tpu.vector_store %arg17[%swap3A_987], %add3A_984 {strides = array<i32>} : memref<16528xf32, #tpu.memory_space<vmem>>, vector<16xf32>,
        %sub3A_989 = arith.subf %add3A_837, %broadcast_in_dim3A_970 : vector<16xf32>
        %mul3A_990 = arith.mulf %sub3A_989, %mul3A_969 : vector<16xf32>
        %mul3A_991 = arith.mulf %mul3A_990, %get3A_11 : vector<16xf32>
        %add3A_992 = arith.addf %mul3A_991, %get3A_27 : vector<16xf32>
        %add3A_993 = arith.constant 32 : i32
        %add3A_994 = arith.addi %mul3A_972, %add3A_993 : i32
        %swap3A_995 = arith.index_cast %add3A_994 : i32 to index
        %swap3A_996 = tpu.vector_load %arg17[%swap3A_995] {strides = array<i32>} : memref<16528xf32, #tpu.memory_space<vmem>>, vector<16xf32>,
        tpu.vector_store %arg17[%swap3A_995], %add3A_992 {strides = array<i32>} : memref<16528xf32, #tpu.memory_space<vmem>>, vector<16xf32>,
        %sub3A_997 = arith.subf %add3A_845, %broadcast_in_dim3A_970 : vector<16xf32>
        %mul3A_998 = arith.mulf %sub3A_997, %mul3A_969 : vector<16xf32>
        %mul3A_999 = arith.mulf %mul3A_998, %get3A_13 : vector<16xf32>
        %add3A_1000 = arith.addf %mul3A_999, %get3A_29 : vector<16xf32>
        %add3A_1001 = arith.constant 48 : i32
        %add3A_1002 = arith.addi %mul3A_972, %add3A_1001 : i32
        %swap3A_1003 = arith.index_cast %add3A_1002 : i32 to index
        %swap3A_1004 = tpu.vector_load %arg17[%swap3A_1003] {strides = array<i32>} : memref<16528xf32, #tpu.memory_space<vmem>>, vector<16xf32>,
        tpu.vector_store %arg17[%swap3A_1003], %add3A_1000 {strides = array<i32>} : memref<16528xf32, #tpu.memory_space<vmem>>, vector<16xf32>,
        %sub3A_1005 = arith.subf %add3A_855, %broadcast_in_dim3A_970 : vector<16xf32>
        %mul3A_1006 = arith.mulf %sub3A_1005, %mul3A_969 : vector<16xf32>
        %mul3A_1007 = arith.mulf %mul3A_1006, %get3A_15 : vector<16xf32>
        %add3A_1008 = arith.addf %mul3A_1007, %get3A_31 : vector<16xf32>
        %add3A_1009 = arith.constant 64 : i32
        %add3A_1010 = arith.addi %mul3A_972, %add3A_1009 : i32
        %swap3A_1011 = arith.index_cast %add3A_1010 : i32 to index
        %swap3A_1012 = tpu.vector_load %arg17[%swap3A_1011] {strides = array<i32>} : memref<16528xf32, #tpu.memory_space<vmem>>, vector<16xf32>,
        tpu.vector_store %arg17[%swap3A_1011], %add3A_1008 {strides = array<i32>} : memref<16528xf32, #tpu.memory_space<vmem>>, vector<16xf32>,
        %sub3A_1013 = arith.subf %add3A_865, %broadcast_in_dim3A_970 : vector<16xf32>
        %mul3A_1014 = arith.mulf %sub3A_1013, %mul3A_969 : vector<16xf32>
        %mul3A_1015 = arith.mulf %mul3A_1014, %get3A_17 : vector<16xf32>
        %add3A_1016 = arith.addf %mul3A_1015, %get3A_33 : vector<16xf32>
        %add3A_1017 = arith.constant 80 : i32
        %add3A_1018 = arith.addi %mul3A_972, %add3A_1017 : i32
        %swap3A_1019 = arith.index_cast %add3A_1018 : i32 to index
        %swap3A_1020 = tpu.vector_load %arg17[%swap3A_1019] {strides = array<i32>} : memref<16528xf32, #tpu.memory_space<vmem>>, vector<16xf32>,
        tpu.vector_store %arg17[%swap3A_1019], %add3A_1016 {strides = array<i32>} : memref<16528xf32, #tpu.memory_space<vmem>>, vector<16xf32>,
        %sub3A_1021 = arith.subf %add3A_875, %broadcast_in_dim3A_970 : vector<16xf32>
        %mul3A_1022 = arith.mulf %sub3A_1021, %mul3A_969 : vector<16xf32>
        %mul3A_1023 = arith.mulf %mul3A_1022, %get3A_19 : vector<16xf32>
        %add3A_1024 = arith.addf %mul3A_1023, %get3A_35 : vector<16xf32>
        %add3A_1025 = arith.constant 96 : i32
        %add3A_1026 = arith.addi %mul3A_972, %add3A_1025 : i32
        %swap3A_1027 = arith.index_cast %add3A_1026 : i32 to index
        %swap3A_1028 = tpu.vector_load %arg17[%swap3A_1027] {strides = array<i32>} : memref<16528xf32, #tpu.memory_space<vmem>>, vector<16xf32>,
        tpu.vector_store %arg17[%swap3A_1027], %add3A_1024 {strides = array<i32>} : memref<16528xf32, #tpu.memory_space<vmem>>, vector<16xf32>,
        %sub3A_1029 = arith.subf %add3A_885, %broadcast_in_dim3A_970 : vector<16xf32>
        %mul3A_1030 = arith.mulf %sub3A_1029, %mul3A_969 : vector<16xf32>
        %mul3A_1031 = arith.mulf %mul3A_1030, %get3A_21 : vector<16xf32>
        %add3A_1032 = arith.addf %mul3A_1031, %get3A_37 : vector<16xf32>
        %add3A_1033 = arith.constant 112 : i32
        %add3A_1034 = arith.addi %mul3A_972, %add3A_1033 : i32
        %swap3A_1035 = arith.index_cast %add3A_1034 : i32 to index
        %swap3A_1036 = tpu.vector_load %arg17[%swap3A_1035] {strides = array<i32>} : memref<16528xf32, #tpu.memory_space<vmem>>, vector<16xf32>,
        tpu.vector_store %arg17[%swap3A_1035], %add3A_1032 {strides = array<i32>} : memref<16528xf32, #tpu.memory_space<vmem>>, vector<16xf32>,
        %sub3A_1037 = arith.subf %add3A_894, %mul3A_928 : f32
        %broadcast_in_dim3A_1038 = vector.broadcast %sub3A_1037 : f32 to vector<16xf32>
        %mul3A_1039 = arith.mulf %broadcast_in_dim3A_1038, %mul3A_969 : vector<16xf32>
        %mul3A_1040 = vector.broadcast %squeeze3A : f32 to vector<16xf32>
        %mul3A_1041 = arith.mulf %mul3A_1039, %mul3A_1040 : vector<16xf32>
        %add3A_1042 = vector.broadcast %squeeze3A_43 : f32 to vector<16xf32>
        %add3A_1043 = arith.addf %mul3A_1041, %add3A_1042 : vector<16xf32>
        %add3A_1044 = arith.constant 128 : i32
        %add3A_1045 = arith.addi %mul3A_972, %add3A_1044 : i32
        %swap3A_1046 = arith.index_cast %add3A_1045 : i32 to index
        %swap3A_1047 = tpu.vector_load %arg17[%swap3A_1046] {strides = array<i32>} : memref<16528xf32, #tpu.memory_space<vmem>>, vector<16xf32>,
        tpu.vector_store %arg17[%swap3A_1046], %add3A_1043 {strides = array<i32>} : memref<16528xf32, #tpu.memory_space<vmem>>, vector<16xf32>,
        %add3A_1048 = arith.constant 4 : i32
        %add3A_1049 = arith.addi %mul3A_81, %add3A_1048 : i32
        %slice3A_1050 = vector.extract_strided_slice %rem3A_92 {offsets = [4], sizes = [1], strides = [1]} : vector<16xi32> to vector<1xi32>
        %squeeze3A_1051 = vector.extract %slice3A_1050[0] : i32 from vector<1xi32>
        %mul3A_1052 = arith.constant 144 : i32
        %mul3A_1053 = arith.muli %squeeze3A_1051, %mul3A_1052 : i32
        %get3A_1054 = arith.index_cast %add3A_1049 : i32 to index
        %get3A_1055 = arith.constant 0 : index
        %get3A_1056 = tpu.vector_load %arg15[%get3A_1054, %get3A_1055] {strides = array<i32>} : memref<128x64xf32, #tpu.memory_space<vmem>>, vector<16xf32>,
        %add3A_1057 = arith.constant 0 : i32
        %add3A_1058 = arith.addi %mul3A_1053, %add3A_1057 : i32
        %get3A_1059 = arith.index_cast %add3A_1058 : i32 to index
        %get3A_1060 = tpu.vector_load %arg18[%get3A_1059] {strides = array<i32>} : memref<2592xf32, #tpu.memory_space<vmem>>, vector<16xf32>,
        %add3A_1061 = arith.addf %get3A_1056, %get3A_1060 : vector<16xf32>
        %get3A_1062 = arith.index_cast %add3A_1049 : i32 to index
        %get3A_1063 = arith.constant 16 : index
        %get3A_1064 = tpu.vector_load %arg15[%get3A_1062, %get3A_1063] {strides = array<i32>} : memref<128x64xf32, #tpu.memory_space<vmem>>, vector<16xf32>,
        %add3A_1065 = arith.constant 16 : i32
        %add3A_1066 = arith.addi %mul3A_1053, %add3A_1065 : i32
        %get3A_1067 = arith.index_cast %add3A_1066 : i32 to index
        %get3A_1068 = tpu.vector_load %arg18[%get3A_1067] {strides = array<i32>} : memref<2592xf32, #tpu.memory_space<vmem>>, vector<16xf32>,
        %add3A_1069 = arith.addf %get3A_1064, %get3A_1068 : vector<16xf32>
        %get3A_1070 = arith.index_cast %add3A_1049 : i32 to index
        %get3A_1071 = arith.constant 32 : index
        %get3A_1072 = tpu.vector_load %arg15[%get3A_1070, %get3A_1071] {strides = array<i32>} : memref<128x64xf32, #tpu.memory_space<vmem>>, vector<16xf32>,
        %add3A_1073 = arith.constant 32 : i32
        %add3A_1074 = arith.addi %mul3A_1053, %add3A_1073 : i32
        %get3A_1075 = arith.index_cast %add3A_1074 : i32 to index
        %get3A_1076 = tpu.vector_load %arg18[%get3A_1075] {strides = array<i32>} : memref<2592xf32, #tpu.memory_space<vmem>>, vector<16xf32>,
        %add3A_1077 = arith.addf %get3A_1072, %get3A_1076 : vector<16xf32>
        %get3A_1078 = arith.index_cast %add3A_1049 : i32 to index
        %get3A_1079 = arith.constant 48 : index
        %get3A_1080 = tpu.vector_load %arg15[%get3A_1078, %get3A_1079] {strides = array<i32>} : memref<128x64xf32, #tpu.memory_space<vmem>>, vector<16xf32>,
        %add3A_1081 = arith.constant 48 : i32
        %add3A_1082 = arith.addi %mul3A_1053, %add3A_1081 : i32
        %get3A_1083 = arith.index_cast %add3A_1082 : i32 to index
        %get3A_1084 = tpu.vector_load %arg18[%get3A_1083] {strides = array<i32>} : memref<2592xf32, #tpu.memory_space<vmem>>, vector<16xf32>,
        %add3A_1085 = arith.addf %get3A_1080, %get3A_1084 : vector<16xf32>
        %get3A_1086 = arith.index_cast %add3A_1049 : i32 to index
        %get3A_1087 = arith.constant 0 : index
        %get3A_1088 = tpu.vector_load %arg16[%get3A_1086, %get3A_1087] {strides = array<i32>} : memref<128x64xf32, #tpu.memory_space<vmem>>, vector<16xf32>,
        %add3A_1089 = arith.constant 64 : i32
        %add3A_1090 = arith.addi %mul3A_1053, %add3A_1089 : i32
        %add3A_1091 = arith.constant 0 : i32
        %add3A_1092 = arith.addi %add3A_1090, %add3A_1091 : i32
        %get3A_1093 = arith.index_cast %add3A_1092 : i32 to index
        %get3A_1094 = tpu.vector_load %arg18[%get3A_1093] {strides = array<i32>} : memref<2592xf32, #tpu.memory_space<vmem>>, vector<16xf32>,
        %add3A_1095 = arith.addf %get3A_1088, %get3A_1094 : vector<16xf32>
        %get3A_1096 = arith.index_cast %add3A_1049 : i32 to index
        %get3A_1097 = arith.constant 16 : index
        %get3A_1098 = tpu.vector_load %arg16[%get3A_1096, %get3A_1097] {strides = array<i32>} : memref<128x64xf32, #tpu.memory_space<vmem>>, vector<16xf32>,
        %add3A_1099 = arith.constant 64 : i32
        %add3A_1100 = arith.addi %mul3A_1053, %add3A_1099 : i32
        %add3A_1101 = arith.constant 16 : i32
        %add3A_1102 = arith.addi %add3A_1100, %add3A_1101 : i32
        %get3A_1103 = arith.index_cast %add3A_1102 : i32 to index
        %get3A_1104 = tpu.vector_load %arg18[%get3A_1103] {strides = array<i32>} : memref<2592xf32, #tpu.memory_space<vmem>>, vector<16xf32>,
        %add3A_1105 = arith.addf %get3A_1098, %get3A_1104 : vector<16xf32>
        %get3A_1106 = arith.index_cast %add3A_1049 : i32 to index
        %get3A_1107 = arith.constant 32 : index
        %get3A_1108 = tpu.vector_load %arg16[%get3A_1106, %get3A_1107] {strides = array<i32>} : memref<128x64xf32, #tpu.memory_space<vmem>>, vector<16xf32>,
        %add3A_1109 = arith.constant 64 : i32
        %add3A_1110 = arith.addi %mul3A_1053, %add3A_1109 : i32
        %add3A_1111 = arith.constant 32 : i32
        %add3A_1112 = arith.addi %add3A_1110, %add3A_1111 : i32
        %get3A_1113 = arith.index_cast %add3A_1112 : i32 to index
        %get3A_1114 = tpu.vector_load %arg18[%get3A_1113] {strides = array<i32>} : memref<2592xf32, #tpu.memory_space<vmem>>, vector<16xf32>,
        %add3A_1115 = arith.addf %get3A_1108, %get3A_1114 : vector<16xf32>
        %get3A_1116 = arith.index_cast %add3A_1049 : i32 to index
        %get3A_1117 = arith.constant 48 : index
        %get3A_1118 = tpu.vector_load %arg16[%get3A_1116, %get3A_1117] {strides = array<i32>} : memref<128x64xf32, #tpu.memory_space<vmem>>, vector<16xf32>,
        %add3A_1119 = arith.constant 64 : i32
        %add3A_1120 = arith.addi %mul3A_1053, %add3A_1119 : i32
        %add3A_1121 = arith.constant 48 : i32
        %add3A_1122 = arith.addi %add3A_1120, %add3A_1121 : i32
        %get3A_1123 = arith.index_cast %add3A_1122 : i32 to index
        %get3A_1124 = tpu.vector_load %arg18[%get3A_1123] {strides = array<i32>} : memref<2592xf32, #tpu.memory_space<vmem>>, vector<16xf32>,
        %add3A_1125 = arith.addf %get3A_1118, %get3A_1124 : vector<16xf32>
        %slice3A_1126 = vector.extract_strided_slice %select_n3A {offsets = [4], sizes = [1], strides = [1]} : vector<16xf32> to vector<1xf32>
        %squeeze3A_1127 = vector.extract %slice3A_1126[0] : f32 from vector<1xf32>
        %add3A_1128 = arith.constant 128 : i32
        %add3A_1129 = arith.addi %mul3A_1053, %add3A_1128 : i32
        %get3A_1130 = arith.index_cast %add3A_1129 : i32 to index
        %get3A_1131 = tpu.vector_load %arg18[%get3A_1130] {strides = array<i32>} : memref<2592xf32, #tpu.memory_space<vmem>>, vector<16xf32>,
        %slice3A_1132 = vector.extract_strided_slice %get3A_1131 {offsets = [0], sizes = [1], strides = [1]} : vector<16xf32> to vector<1xf32>
        %squeeze3A_1133 = vector.extract %slice3A_1132[0] : f32 from vector<1xf32>
        %add3A_1134 = arith.addf %squeeze3A_1127, %squeeze3A_1133 : f32
        %add3A_1135 = arith.addf %add3A_1061, %add3A_1069 : vector<16xf32>
        %add3A_1136 = arith.addf %add3A_1077, %add3A_1085 : vector<16xf32>
        %add3A_1137 = arith.addf %add3A_1135, %add3A_1136 : vector<16xf32>
        %add3A_1138 = arith.addf %add3A_1095, %add3A_1105 : vector<16xf32>
        %add3A_1139 = arith.addf %add3A_1115, %add3A_1125 : vector<16xf32>
        %add3A_1140 = arith.addf %add3A_1138, %add3A_1139 : vector<16xf32>
        %add3A_1141 = arith.addf %add3A_1137, %add3A_1140 : vector<16xf32>
        %mul3A_1142 = arith.mulf %add3A_1061, %add3A_1061 : vector<16xf32>
        %mul3A_1143 = arith.mulf %add3A_1069, %add3A_1069 : vector<16xf32>
        %mul3A_1144 = arith.mulf %add3A_1077, %add3A_1077 : vector<16xf32>
        %mul3A_1145 = arith.mulf %add3A_1085, %add3A_1085 : vector<16xf32>
        %mul3A_1146 = arith.mulf %add3A_1095, %add3A_1095 : vector<16xf32>
        %mul3A_1147 = arith.mulf %add3A_1105, %add3A_1105 : vector<16xf32>
        %mul3A_1148 = arith.mulf %add3A_1115, %add3A_1115 : vector<16xf32>
        %mul3A_1149 = arith.mulf %add3A_1125, %add3A_1125 : vector<16xf32>
        %add3A_1150 = arith.addf %mul3A_1142, %mul3A_1143 : vector<16xf32>
        %add3A_1151 = arith.addf %mul3A_1144, %mul3A_1145 : vector<16xf32>
        %add3A_1152 = arith.addf %add3A_1150, %add3A_1151 : vector<16xf32>
        %add3A_1153 = arith.addf %mul3A_1146, %mul3A_1147 : vector<16xf32>
        %add3A_1154 = arith.addf %mul3A_1148, %mul3A_1149 : vector<16xf32>
        %add3A_1155 = arith.addf %add3A_1153, %add3A_1154 : vector<16xf32>
        %add3A_1156 = arith.addf %add3A_1152, %add3A_1155 : vector<16xf32>
        %reduce_sum3A_1157 = arith.constant true
        %reduce_sum3A_1158 = vector.broadcast %reduce_sum3A_1157 : i1 to vector<16xi1>
        %reduce_sum3A_1159 = tpu.scan <sum>, %add3A_1141 masked %reduce_sum3A_1158 : vector<16xf32>, vector<16xi1> -> vector<16xf32>
        %reduce_sum3A_1160 = vector.extract %reduce_sum3A_1159[15] : f32 from vector<16xf32>
        %add3A_1161 = arith.addf %reduce_sum3A_1160, %add3A_1134 : f32
        %reduce_sum3A_1162 = arith.constant true
        %reduce_sum3A_1163 = vector.broadcast %reduce_sum3A_1162 : i1 to vector<16xi1>
        %reduce_sum3A_1164 = tpu.scan <sum>, %add3A_1156 masked %reduce_sum3A_1163 : vector<16xf32>, vector<16xi1> -> vector<16xf32>
        %reduce_sum3A_1165 = vector.extract %reduce_sum3A_1164[15] : f32 from vector<16xf32>
        %mul3A_1166 = arith.mulf %add3A_1134, %add3A_1134 : f32
        %add3A_1167 = arith.addf %reduce_sum3A_1165, %mul3A_1166 : f32
        %mul3A_1168 = arith.mulf %add3A_1161, %scan3A_44 : f32
        %mul3A_1169 = arith.mulf %add3A_1167, %scan3A_44 : f32
        %mul3A_1170 = arith.mulf %mul3A_1168, %mul3A_1168 : f32
        %sub3A_1171 = arith.subf %mul3A_1169, %mul3A_1170 : f32
        %add3A_1172 = arith.constant 9.99999974E-6 : f32
        %add3A_1173 = arith.addf %sub3A_1171, %add3A_1172 : f32
        %broadcast_in_dim3A_1174 = vector.broadcast %add3A_1173 : f32 to vector<16xf32>
        %bitcast3A_1175 = vector.bitcast %broadcast_in_dim3A_1174 : vector<16xf32> to vector<16xi32>
        %shift_right_logical3A_1176 = arith.constant 1 : i32
        %shift_right_logical3A_1177 = vector.broadcast %shift_right_logical3A_1176 : i32 to vector<16xi32>
        %shift_right_logical3A_1178 = arith.shrui %bitcast3A_1175, %shift_right_logical3A_1177 : vector<16xi32>
        %sub3A_1179 = arith.constant 1597463007 : i32
        %sub3A_1180 = vector.broadcast %sub3A_1179 : i32 to vector<16xi32>
        %sub3A_1181 = arith.subi %sub3A_1180, %shift_right_logical3A_1178 : vector<16xi32>
        %bitcast3A_1182 = vector.bitcast %sub3A_1181 : vector<16xi32> to vector<16xf32>
        %mul3A_1183 = arith.constant 5.000000e-01 : f32
        %mul3A_1184 = vector.broadcast %mul3A_1183 : f32 to vector<16xf32>
        %mul3A_1185 = arith.mulf %mul3A_1184, %broadcast_in_dim3A_1174 : vector<16xf32>
        %mul3A_1186 = arith.mulf %mul3A_1185, %bitcast3A_1182 : vector<16xf32>
        %mul3A_1187 = arith.mulf %mul3A_1186, %bitcast3A_1182 : vector<16xf32>
        %sub3A_1188 = arith.constant 1.500000e+00 : f32
        %sub3A_1189 = vector.broadcast %sub3A_1188 : f32 to vector<16xf32>
        %sub3A_1190 = arith.subf %sub3A_1189, %mul3A_1187 : vector<16xf32>
        %mul3A_1191 = arith.mulf %bitcast3A_1182, %sub3A_1190 : vector<16xf32>
        %mul3A_1192 = arith.constant 5.000000e-01 : f32
        %mul3A_1193 = vector.broadcast %mul3A_1192 : f32 to vector<16xf32>
        %mul3A_1194 = arith.mulf %mul3A_1193, %broadcast_in_dim3A_1174 : vector<16xf32>
        %mul3A_1195 = arith.mulf %mul3A_1194, %mul3A_1191 : vector<16xf32>
        %mul3A_1196 = arith.mulf %mul3A_1195, %mul3A_1191 : vector<16xf32>
        %sub3A_1197 = arith.constant 1.500000e+00 : f32
        %sub3A_1198 = vector.broadcast %sub3A_1197 : f32 to vector<16xf32>
        %sub3A_1199 = arith.subf %sub3A_1198, %mul3A_1196 : vector<16xf32>
        %mul3A_1200 = arith.mulf %mul3A_1191, %sub3A_1199 : vector<16xf32>
        %mul3A_1201 = arith.constant 5.000000e-01 : f32
        %mul3A_1202 = vector.broadcast %mul3A_1201 : f32 to vector<16xf32>
        %mul3A_1203 = arith.mulf %mul3A_1202, %broadcast_in_dim3A_1174 : vector<16xf32>
        %mul3A_1204 = arith.mulf %mul3A_1203, %mul3A_1200 : vector<16xf32>
        %mul3A_1205 = arith.mulf %mul3A_1204, %mul3A_1200 : vector<16xf32>
        %sub3A_1206 = arith.constant 1.500000e+00 : f32
        %sub3A_1207 = vector.broadcast %sub3A_1206 : f32 to vector<16xf32>
        %sub3A_1208 = arith.subf %sub3A_1207, %mul3A_1205 : vector<16xf32>
        %mul3A_1209 = arith.mulf %mul3A_1200, %sub3A_1208 : vector<16xf32>
        %broadcast_in_dim3A_1210 = vector.broadcast %mul3A_1168 : f32 to vector<16xf32>
        %mul3A_1211 = arith.constant 129 : i32
        %mul3A_1212 = arith.muli %add3A_1049, %mul3A_1211 : i32
        %sub3A_1213 = arith.subf %add3A_1061, %broadcast_in_dim3A_1210 : vector<16xf32>
        %mul3A_1214 = arith.mulf %sub3A_1213, %mul3A_1209 : vector<16xf32>
        %mul3A_1215 = arith.mulf %mul3A_1214, %get3A_7 : vector<16xf32>
        %add3A_1216 = arith.addf %mul3A_1215, %get3A_23 : vector<16xf32>
        %add3A_1217 = arith.constant 0 : i32
        %add3A_1218 = arith.addi %mul3A_1212, %add3A_1217 : i32
        %swap3A_1219 = arith.index_cast %add3A_1218 : i32 to index
        %swap3A_1220 = tpu.vector_load %arg17[%swap3A_1219] {strides = array<i32>} : memref<16528xf32, #tpu.memory_space<vmem>>, vector<16xf32>,
        tpu.vector_store %arg17[%swap3A_1219], %add3A_1216 {strides = array<i32>} : memref<16528xf32, #tpu.memory_space<vmem>>, vector<16xf32>,
        %sub3A_1221 = arith.subf %add3A_1069, %broadcast_in_dim3A_1210 : vector<16xf32>
        %mul3A_1222 = arith.mulf %sub3A_1221, %mul3A_1209 : vector<16xf32>
        %mul3A_1223 = arith.mulf %mul3A_1222, %get3A_9 : vector<16xf32>
        %add3A_1224 = arith.addf %mul3A_1223, %get3A_25 : vector<16xf32>
        %add3A_1225 = arith.constant 16 : i32
        %add3A_1226 = arith.addi %mul3A_1212, %add3A_1225 : i32
        %swap3A_1227 = arith.index_cast %add3A_1226 : i32 to index
        %swap3A_1228 = tpu.vector_load %arg17[%swap3A_1227] {strides = array<i32>} : memref<16528xf32, #tpu.memory_space<vmem>>, vector<16xf32>,
        tpu.vector_store %arg17[%swap3A_1227], %add3A_1224 {strides = array<i32>} : memref<16528xf32, #tpu.memory_space<vmem>>, vector<16xf32>,
        %sub3A_1229 = arith.subf %add3A_1077, %broadcast_in_dim3A_1210 : vector<16xf32>
        %mul3A_1230 = arith.mulf %sub3A_1229, %mul3A_1209 : vector<16xf32>
        %mul3A_1231 = arith.mulf %mul3A_1230, %get3A_11 : vector<16xf32>
        %add3A_1232 = arith.addf %mul3A_1231, %get3A_27 : vector<16xf32>
        %add3A_1233 = arith.constant 32 : i32
        %add3A_1234 = arith.addi %mul3A_1212, %add3A_1233 : i32
        %swap3A_1235 = arith.index_cast %add3A_1234 : i32 to index
        %swap3A_1236 = tpu.vector_load %arg17[%swap3A_1235] {strides = array<i32>} : memref<16528xf32, #tpu.memory_space<vmem>>, vector<16xf32>,
        tpu.vector_store %arg17[%swap3A_1235], %add3A_1232 {strides = array<i32>} : memref<16528xf32, #tpu.memory_space<vmem>>, vector<16xf32>,
        %sub3A_1237 = arith.subf %add3A_1085, %broadcast_in_dim3A_1210 : vector<16xf32>
        %mul3A_1238 = arith.mulf %sub3A_1237, %mul3A_1209 : vector<16xf32>
        %mul3A_1239 = arith.mulf %mul3A_1238, %get3A_13 : vector<16xf32>
        %add3A_1240 = arith.addf %mul3A_1239, %get3A_29 : vector<16xf32>
        %add3A_1241 = arith.constant 48 : i32
        %add3A_1242 = arith.addi %mul3A_1212, %add3A_1241 : i32
        %swap3A_1243 = arith.index_cast %add3A_1242 : i32 to index
        %swap3A_1244 = tpu.vector_load %arg17[%swap3A_1243] {strides = array<i32>} : memref<16528xf32, #tpu.memory_space<vmem>>, vector<16xf32>,
        tpu.vector_store %arg17[%swap3A_1243], %add3A_1240 {strides = array<i32>} : memref<16528xf32, #tpu.memory_space<vmem>>, vector<16xf32>,
        %sub3A_1245 = arith.subf %add3A_1095, %broadcast_in_dim3A_1210 : vector<16xf32>
        %mul3A_1246 = arith.mulf %sub3A_1245, %mul3A_1209 : vector<16xf32>
        %mul3A_1247 = arith.mulf %mul3A_1246, %get3A_15 : vector<16xf32>
        %add3A_1248 = arith.addf %mul3A_1247, %get3A_31 : vector<16xf32>
        %add3A_1249 = arith.constant 64 : i32
        %add3A_1250 = arith.addi %mul3A_1212, %add3A_1249 : i32
        %swap3A_1251 = arith.index_cast %add3A_1250 : i32 to index
        %swap3A_1252 = tpu.vector_load %arg17[%swap3A_1251] {strides = array<i32>} : memref<16528xf32, #tpu.memory_space<vmem>>, vector<16xf32>,
        tpu.vector_store %arg17[%swap3A_1251], %add3A_1248 {strides = array<i32>} : memref<16528xf32, #tpu.memory_space<vmem>>, vector<16xf32>,
        %sub3A_1253 = arith.subf %add3A_1105, %broadcast_in_dim3A_1210 : vector<16xf32>
        %mul3A_1254 = arith.mulf %sub3A_1253, %mul3A_1209 : vector<16xf32>
        %mul3A_1255 = arith.mulf %mul3A_1254, %get3A_17 : vector<16xf32>
        %add3A_1256 = arith.addf %mul3A_1255, %get3A_33 : vector<16xf32>
        %add3A_1257 = arith.constant 80 : i32
        %add3A_1258 = arith.addi %mul3A_1212, %add3A_1257 : i32
        %swap3A_1259 = arith.index_cast %add3A_1258 : i32 to index
        %swap3A_1260 = tpu.vector_load %arg17[%swap3A_1259] {strides = array<i32>} : memref<16528xf32, #tpu.memory_space<vmem>>, vector<16xf32>,
        tpu.vector_store %arg17[%swap3A_1259], %add3A_1256 {strides = array<i32>} : memref<16528xf32, #tpu.memory_space<vmem>>, vector<16xf32>,
        %sub3A_1261 = arith.subf %add3A_1115, %broadcast_in_dim3A_1210 : vector<16xf32>
        %mul3A_1262 = arith.mulf %sub3A_1261, %mul3A_1209 : vector<16xf32>
        %mul3A_1263 = arith.mulf %mul3A_1262, %get3A_19 : vector<16xf32>
        %add3A_1264 = arith.addf %mul3A_1263, %get3A_35 : vector<16xf32>
        %add3A_1265 = arith.constant 96 : i32
        %add3A_1266 = arith.addi %mul3A_1212, %add3A_1265 : i32
        %swap3A_1267 = arith.index_cast %add3A_1266 : i32 to index
        %swap3A_1268 = tpu.vector_load %arg17[%swap3A_1267] {strides = array<i32>} : memref<16528xf32, #tpu.memory_space<vmem>>, vector<16xf32>,
        tpu.vector_store %arg17[%swap3A_1267], %add3A_1264 {strides = array<i32>} : memref<16528xf32, #tpu.memory_space<vmem>>, vector<16xf32>,
        %sub3A_1269 = arith.subf %add3A_1125, %broadcast_in_dim3A_1210 : vector<16xf32>
        %mul3A_1270 = arith.mulf %sub3A_1269, %mul3A_1209 : vector<16xf32>
        %mul3A_1271 = arith.mulf %mul3A_1270, %get3A_21 : vector<16xf32>
        %add3A_1272 = arith.addf %mul3A_1271, %get3A_37 : vector<16xf32>
        %add3A_1273 = arith.constant 112 : i32
        %add3A_1274 = arith.addi %mul3A_1212, %add3A_1273 : i32
        %swap3A_1275 = arith.index_cast %add3A_1274 : i32 to index
        %swap3A_1276 = tpu.vector_load %arg17[%swap3A_1275] {strides = array<i32>} : memref<16528xf32, #tpu.memory_space<vmem>>, vector<16xf32>,
        tpu.vector_store %arg17[%swap3A_1275], %add3A_1272 {strides = array<i32>} : memref<16528xf32, #tpu.memory_space<vmem>>, vector<16xf32>,
        %sub3A_1277 = arith.subf %add3A_1134, %mul3A_1168 : f32
        %broadcast_in_dim3A_1278 = vector.broadcast %sub3A_1277 : f32 to vector<16xf32>
        %mul3A_1279 = arith.mulf %broadcast_in_dim3A_1278, %mul3A_1209 : vector<16xf32>
        %mul3A_1280 = vector.broadcast %squeeze3A : f32 to vector<16xf32>
        %mul3A_1281 = arith.mulf %mul3A_1279, %mul3A_1280 : vector<16xf32>
        %add3A_1282 = vector.broadcast %squeeze3A_43 : f32 to vector<16xf32>
        %add3A_1283 = arith.addf %mul3A_1281, %add3A_1282 : vector<16xf32>
        %add3A_1284 = arith.constant 128 : i32
        %add3A_1285 = arith.addi %mul3A_1212, %add3A_1284 : i32
        %swap3A_1286 = arith.index_cast %add3A_1285 : i32 to index
        %swap3A_1287 = tpu.vector_load %arg17[%swap3A_1286] {strides = array<i32>} : memref<16528xf32, #tpu.memory_space<vmem>>, vector<16xf32>,
        tpu.vector_store %arg17[%swap3A_1286], %add3A_1283 {strides = array<i32>} : memref<16528xf32, #tpu.memory_space<vmem>>, vector<16xf32>,
        %add3A_1288 = arith.constant 5 : i32
        %add3A_1289 = arith.addi %mul3A_81, %add3A_1288 : i32
        %slice3A_1290 = vector.extract_strided_slice %rem3A_92 {offsets = [5], sizes = [1], strides = [1]} : vector<16xi32> to vector<1xi32>
        %squeeze3A_1291 = vector.extract %slice3A_1290[0] : i32 from vector<1xi32>
        %mul3A_1292 = arith.constant 144 : i32
        %mul3A_1293 = arith.muli %squeeze3A_1291, %mul3A_1292 : i32
        %get3A_1294 = arith.index_cast %add3A_1289 : i32 to index
        %get3A_1295 = arith.constant 0 : index
        %get3A_1296 = tpu.vector_load %arg15[%get3A_1294, %get3A_1295] {strides = array<i32>} : memref<128x64xf32, #tpu.memory_space<vmem>>, vector<16xf32>,
        %add3A_1297 = arith.constant 0 : i32
        %add3A_1298 = arith.addi %mul3A_1293, %add3A_1297 : i32
        %get3A_1299 = arith.index_cast %add3A_1298 : i32 to index
        %get3A_1300 = tpu.vector_load %arg18[%get3A_1299] {strides = array<i32>} : memref<2592xf32, #tpu.memory_space<vmem>>, vector<16xf32>,
        %add3A_1301 = arith.addf %get3A_1296, %get3A_1300 : vector<16xf32>
        %get3A_1302 = arith.index_cast %add3A_1289 : i32 to index
        %get3A_1303 = arith.constant 16 : index
        %get3A_1304 = tpu.vector_load %arg15[%get3A_1302, %get3A_1303] {strides = array<i32>} : memref<128x64xf32, #tpu.memory_space<vmem>>, vector<16xf32>,
        %add3A_1305 = arith.constant 16 : i32
        %add3A_1306 = arith.addi %mul3A_1293, %add3A_1305 : i32
        %get3A_1307 = arith.index_cast %add3A_1306 : i32 to index
        %get3A_1308 = tpu.vector_load %arg18[%get3A_1307] {strides = array<i32>} : memref<2592xf32, #tpu.memory_space<vmem>>, vector<16xf32>,
        %add3A_1309 = arith.addf %get3A_1304, %get3A_1308 : vector<16xf32>
        %get3A_1310 = arith.index_cast %add3A_1289 : i32 to index
        %get3A_1311 = arith.constant 32 : index
        %get3A_1312 = tpu.vector_load %arg15[%get3A_1310, %get3A_1311] {strides = array<i32>} : memref<128x64xf32, #tpu.memory_space<vmem>>, vector<16xf32>,
        %add3A_1313 = arith.constant 32 : i32
        %add3A_1314 = arith.addi %mul3A_1293, %add3A_1313 : i32
        %get3A_1315 = arith.index_cast %add3A_1314 : i32 to index
        %get3A_1316 = tpu.vector_load %arg18[%get3A_1315] {strides = array<i32>} : memref<2592xf32, #tpu.memory_space<vmem>>, vector<16xf32>,
        %add3A_1317 = arith.addf %get3A_1312, %get3A_1316 : vector<16xf32>
        %get3A_1318 = arith.index_cast %add3A_1289 : i32 to index
        %get3A_1319 = arith.constant 48 : index
        %get3A_1320 = tpu.vector_load %arg15[%get3A_1318, %get3A_1319] {strides = array<i32>} : memref<128x64xf32, #tpu.memory_space<vmem>>, vector<16xf32>,
        %add3A_1321 = arith.constant 48 : i32
        %add3A_1322 = arith.addi %mul3A_1293, %add3A_1321 : i32
        %get3A_1323 = arith.index_cast %add3A_1322 : i32 to index
        %get3A_1324 = tpu.vector_load %arg18[%get3A_1323] {strides = array<i32>} : memref<2592xf32, #tpu.memory_space<vmem>>, vector<16xf32>,
        %add3A_1325 = arith.addf %get3A_1320, %get3A_1324 : vector<16xf32>
        %get3A_1326 = arith.index_cast %add3A_1289 : i32 to index
        %get3A_1327 = arith.constant 0 : index
        %get3A_1328 = tpu.vector_load %arg16[%get3A_1326, %get3A_1327] {strides = array<i32>} : memref<128x64xf32, #tpu.memory_space<vmem>>, vector<16xf32>,
        %add3A_1329 = arith.constant 64 : i32
        %add3A_1330 = arith.addi %mul3A_1293, %add3A_1329 : i32
        %add3A_1331 = arith.constant 0 : i32
        %add3A_1332 = arith.addi %add3A_1330, %add3A_1331 : i32
        %get3A_1333 = arith.index_cast %add3A_1332 : i32 to index
        %get3A_1334 = tpu.vector_load %arg18[%get3A_1333] {strides = array<i32>} : memref<2592xf32, #tpu.memory_space<vmem>>, vector<16xf32>,
        %add3A_1335 = arith.addf %get3A_1328, %get3A_1334 : vector<16xf32>
        %get3A_1336 = arith.index_cast %add3A_1289 : i32 to index
        %get3A_1337 = arith.constant 16 : index
        %get3A_1338 = tpu.vector_load %arg16[%get3A_1336, %get3A_1337] {strides = array<i32>} : memref<128x64xf32, #tpu.memory_space<vmem>>, vector<16xf32>,
        %add3A_1339 = arith.constant 64 : i32
        %add3A_1340 = arith.addi %mul3A_1293, %add3A_1339 : i32
        %add3A_1341 = arith.constant 16 : i32
        %add3A_1342 = arith.addi %add3A_1340, %add3A_1341 : i32
        %get3A_1343 = arith.index_cast %add3A_1342 : i32 to index
        %get3A_1344 = tpu.vector_load %arg18[%get3A_1343] {strides = array<i32>} : memref<2592xf32, #tpu.memory_space<vmem>>, vector<16xf32>,
        %add3A_1345 = arith.addf %get3A_1338, %get3A_1344 : vector<16xf32>
        %get3A_1346 = arith.index_cast %add3A_1289 : i32 to index
        %get3A_1347 = arith.constant 32 : index
        %get3A_1348 = tpu.vector_load %arg16[%get3A_1346, %get3A_1347] {strides = array<i32>} : memref<128x64xf32, #tpu.memory_space<vmem>>, vector<16xf32>,
        %add3A_1349 = arith.constant 64 : i32
        %add3A_1350 = arith.addi %mul3A_1293, %add3A_1349 : i32
        %add3A_1351 = arith.constant 32 : i32
        %add3A_1352 = arith.addi %add3A_1350, %add3A_1351 : i32
        %get3A_1353 = arith.index_cast %add3A_1352 : i32 to index
        %get3A_1354 = tpu.vector_load %arg18[%get3A_1353] {strides = array<i32>} : memref<2592xf32, #tpu.memory_space<vmem>>, vector<16xf32>,
        %add3A_1355 = arith.addf %get3A_1348, %get3A_1354 : vector<16xf32>
        %get3A_1356 = arith.index_cast %add3A_1289 : i32 to index
        %get3A_1357 = arith.constant 48 : index
        %get3A_1358 = tpu.vector_load %arg16[%get3A_1356, %get3A_1357] {strides = array<i32>} : memref<128x64xf32, #tpu.memory_space<vmem>>, vector<16xf32>,
        %add3A_1359 = arith.constant 64 : i32
        %add3A_1360 = arith.addi %mul3A_1293, %add3A_1359 : i32
        %add3A_1361 = arith.constant 48 : i32
        %add3A_1362 = arith.addi %add3A_1360, %add3A_1361 : i32
        %get3A_1363 = arith.index_cast %add3A_1362 : i32 to index
        %get3A_1364 = tpu.vector_load %arg18[%get3A_1363] {strides = array<i32>} : memref<2592xf32, #tpu.memory_space<vmem>>, vector<16xf32>,
        %add3A_1365 = arith.addf %get3A_1358, %get3A_1364 : vector<16xf32>
        %slice3A_1366 = vector.extract_strided_slice %select_n3A {offsets = [5], sizes = [1], strides = [1]} : vector<16xf32> to vector<1xf32>
        %squeeze3A_1367 = vector.extract %slice3A_1366[0] : f32 from vector<1xf32>
        %add3A_1368 = arith.constant 128 : i32
        %add3A_1369 = arith.addi %mul3A_1293, %add3A_1368 : i32
        %get3A_1370 = arith.index_cast %add3A_1369 : i32 to index
        %get3A_1371 = tpu.vector_load %arg18[%get3A_1370] {strides = array<i32>} : memref<2592xf32, #tpu.memory_space<vmem>>, vector<16xf32>,
        %slice3A_1372 = vector.extract_strided_slice %get3A_1371 {offsets = [0], sizes = [1], strides = [1]} : vector<16xf32> to vector<1xf32>
        %squeeze3A_1373 = vector.extract %slice3A_1372[0] : f32 from vector<1xf32>
        %add3A_1374 = arith.addf %squeeze3A_1367, %squeeze3A_1373 : f32
        %add3A_1375 = arith.addf %add3A_1301, %add3A_1309 : vector<16xf32>
        %add3A_1376 = arith.addf %add3A_1317, %add3A_1325 : vector<16xf32>
        %add3A_1377 = arith.addf %add3A_1375, %add3A_1376 : vector<16xf32>
        %add3A_1378 = arith.addf %add3A_1335, %add3A_1345 : vector<16xf32>
        %add3A_1379 = arith.addf %add3A_1355, %add3A_1365 : vector<16xf32>
        %add3A_1380 = arith.addf %add3A_1378, %add3A_1379 : vector<16xf32>
        %add3A_1381 = arith.addf %add3A_1377, %add3A_1380 : vector<16xf32>
        %mul3A_1382 = arith.mulf %add3A_1301, %add3A_1301 : vector<16xf32>
        %mul3A_1383 = arith.mulf %add3A_1309, %add3A_1309 : vector<16xf32>
        %mul3A_1384 = arith.mulf %add3A_1317, %add3A_1317 : vector<16xf32>
        %mul3A_1385 = arith.mulf %add3A_1325, %add3A_1325 : vector<16xf32>
        %mul3A_1386 = arith.mulf %add3A_1335, %add3A_1335 : vector<16xf32>
        %mul3A_1387 = arith.mulf %add3A_1345, %add3A_1345 : vector<16xf32>
        %mul3A_1388 = arith.mulf %add3A_1355, %add3A_1355 : vector<16xf32>
        %mul3A_1389 = arith.mulf %add3A_1365, %add3A_1365 : vector<16xf32>
        %add3A_1390 = arith.addf %mul3A_1382, %mul3A_1383 : vector<16xf32>
        %add3A_1391 = arith.addf %mul3A_1384, %mul3A_1385 : vector<16xf32>
        %add3A_1392 = arith.addf %add3A_1390, %add3A_1391 : vector<16xf32>
        %add3A_1393 = arith.addf %mul3A_1386, %mul3A_1387 : vector<16xf32>
        %add3A_1394 = arith.addf %mul3A_1388, %mul3A_1389 : vector<16xf32>
        %add3A_1395 = arith.addf %add3A_1393, %add3A_1394 : vector<16xf32>
        %add3A_1396 = arith.addf %add3A_1392, %add3A_1395 : vector<16xf32>
        %reduce_sum3A_1397 = arith.constant true
        %reduce_sum3A_1398 = vector.broadcast %reduce_sum3A_1397 : i1 to vector<16xi1>
        %reduce_sum3A_1399 = tpu.scan <sum>, %add3A_1381 masked %reduce_sum3A_1398 : vector<16xf32>, vector<16xi1> -> vector<16xf32>
        %reduce_sum3A_1400 = vector.extract %reduce_sum3A_1399[15] : f32 from vector<16xf32>
        %add3A_1401 = arith.addf %reduce_sum3A_1400, %add3A_1374 : f32
        %reduce_sum3A_1402 = arith.constant true
        %reduce_sum3A_1403 = vector.broadcast %reduce_sum3A_1402 : i1 to vector<16xi1>
        %reduce_sum3A_1404 = tpu.scan <sum>, %add3A_1396 masked %reduce_sum3A_1403 : vector<16xf32>, vector<16xi1> -> vector<16xf32>
        %reduce_sum3A_1405 = vector.extract %reduce_sum3A_1404[15] : f32 from vector<16xf32>
        %mul3A_1406 = arith.mulf %add3A_1374, %add3A_1374 : f32
        %add3A_1407 = arith.addf %reduce_sum3A_1405, %mul3A_1406 : f32
        %mul3A_1408 = arith.mulf %add3A_1401, %scan3A_44 : f32
        %mul3A_1409 = arith.mulf %add3A_1407, %scan3A_44 : f32
        %mul3A_1410 = arith.mulf %mul3A_1408, %mul3A_1408 : f32
        %sub3A_1411 = arith.subf %mul3A_1409, %mul3A_1410 : f32
        %add3A_1412 = arith.constant 9.99999974E-6 : f32
        %add3A_1413 = arith.addf %sub3A_1411, %add3A_1412 : f32
        %broadcast_in_dim3A_1414 = vector.broadcast %add3A_1413 : f32 to vector<16xf32>
        %bitcast3A_1415 = vector.bitcast %broadcast_in_dim3A_1414 : vector<16xf32> to vector<16xi32>
        %shift_right_logical3A_1416 = arith.constant 1 : i32
        %shift_right_logical3A_1417 = vector.broadcast %shift_right_logical3A_1416 : i32 to vector<16xi32>
        %shift_right_logical3A_1418 = arith.shrui %bitcast3A_1415, %shift_right_logical3A_1417 : vector<16xi32>
        %sub3A_1419 = arith.constant 1597463007 : i32
        %sub3A_1420 = vector.broadcast %sub3A_1419 : i32 to vector<16xi32>
        %sub3A_1421 = arith.subi %sub3A_1420, %shift_right_logical3A_1418 : vector<16xi32>
        %bitcast3A_1422 = vector.bitcast %sub3A_1421 : vector<16xi32> to vector<16xf32>
        %mul3A_1423 = arith.constant 5.000000e-01 : f32
        %mul3A_1424 = vector.broadcast %mul3A_1423 : f32 to vector<16xf32>
        %mul3A_1425 = arith.mulf %mul3A_1424, %broadcast_in_dim3A_1414 : vector<16xf32>
        %mul3A_1426 = arith.mulf %mul3A_1425, %bitcast3A_1422 : vector<16xf32>
        %mul3A_1427 = arith.mulf %mul3A_1426, %bitcast3A_1422 : vector<16xf32>
        %sub3A_1428 = arith.constant 1.500000e+00 : f32
        %sub3A_1429 = vector.broadcast %sub3A_1428 : f32 to vector<16xf32>
        %sub3A_1430 = arith.subf %sub3A_1429, %mul3A_1427 : vector<16xf32>
        %mul3A_1431 = arith.mulf %bitcast3A_1422, %sub3A_1430 : vector<16xf32>
        %mul3A_1432 = arith.constant 5.000000e-01 : f32
        %mul3A_1433 = vector.broadcast %mul3A_1432 : f32 to vector<16xf32>
        %mul3A_1434 = arith.mulf %mul3A_1433, %broadcast_in_dim3A_1414 : vector<16xf32>
        %mul3A_1435 = arith.mulf %mul3A_1434, %mul3A_1431 : vector<16xf32>
        %mul3A_1436 = arith.mulf %mul3A_1435, %mul3A_1431 : vector<16xf32>
        %sub3A_1437 = arith.constant 1.500000e+00 : f32
        %sub3A_1438 = vector.broadcast %sub3A_1437 : f32 to vector<16xf32>
        %sub3A_1439 = arith.subf %sub3A_1438, %mul3A_1436 : vector<16xf32>
        %mul3A_1440 = arith.mulf %mul3A_1431, %sub3A_1439 : vector<16xf32>
        %mul3A_1441 = arith.constant 5.000000e-01 : f32
        %mul3A_1442 = vector.broadcast %mul3A_1441 : f32 to vector<16xf32>
        %mul3A_1443 = arith.mulf %mul3A_1442, %broadcast_in_dim3A_1414 : vector<16xf32>
        %mul3A_1444 = arith.mulf %mul3A_1443, %mul3A_1440 : vector<16xf32>
        %mul3A_1445 = arith.mulf %mul3A_1444, %mul3A_1440 : vector<16xf32>
        %sub3A_1446 = arith.constant 1.500000e+00 : f32
        %sub3A_1447 = vector.broadcast %sub3A_1446 : f32 to vector<16xf32>
        %sub3A_1448 = arith.subf %sub3A_1447, %mul3A_1445 : vector<16xf32>
        %mul3A_1449 = arith.mulf %mul3A_1440, %sub3A_1448 : vector<16xf32>
        %broadcast_in_dim3A_1450 = vector.broadcast %mul3A_1408 : f32 to vector<16xf32>
        %mul3A_1451 = arith.constant 129 : i32
        %mul3A_1452 = arith.muli %add3A_1289, %mul3A_1451 : i32
        %sub3A_1453 = arith.subf %add3A_1301, %broadcast_in_dim3A_1450 : vector<16xf32>
        %mul3A_1454 = arith.mulf %sub3A_1453, %mul3A_1449 : vector<16xf32>
        %mul3A_1455 = arith.mulf %mul3A_1454, %get3A_7 : vector<16xf32>
        %add3A_1456 = arith.addf %mul3A_1455, %get3A_23 : vector<16xf32>
        %add3A_1457 = arith.constant 0 : i32
        %add3A_1458 = arith.addi %mul3A_1452, %add3A_1457 : i32
        %swap3A_1459 = arith.index_cast %add3A_1458 : i32 to index
        %swap3A_1460 = tpu.vector_load %arg17[%swap3A_1459] {strides = array<i32>} : memref<16528xf32, #tpu.memory_space<vmem>>, vector<16xf32>,
        tpu.vector_store %arg17[%swap3A_1459], %add3A_1456 {strides = array<i32>} : memref<16528xf32, #tpu.memory_space<vmem>>, vector<16xf32>,
        %sub3A_1461 = arith.subf %add3A_1309, %broadcast_in_dim3A_1450 : vector<16xf32>
        %mul3A_1462 = arith.mulf %sub3A_1461, %mul3A_1449 : vector<16xf32>
        %mul3A_1463 = arith.mulf %mul3A_1462, %get3A_9 : vector<16xf32>
        %add3A_1464 = arith.addf %mul3A_1463, %get3A_25 : vector<16xf32>
        %add3A_1465 = arith.constant 16 : i32
        %add3A_1466 = arith.addi %mul3A_1452, %add3A_1465 : i32
        %swap3A_1467 = arith.index_cast %add3A_1466 : i32 to index
        %swap3A_1468 = tpu.vector_load %arg17[%swap3A_1467] {strides = array<i32>} : memref<16528xf32, #tpu.memory_space<vmem>>, vector<16xf32>,
        tpu.vector_store %arg17[%swap3A_1467], %add3A_1464 {strides = array<i32>} : memref<16528xf32, #tpu.memory_space<vmem>>, vector<16xf32>,
        %sub3A_1469 = arith.subf %add3A_1317, %broadcast_in_dim3A_1450 : vector<16xf32>
        %mul3A_1470 = arith.mulf %sub3A_1469, %mul3A_1449 : vector<16xf32>
        %mul3A_1471 = arith.mulf %mul3A_1470, %get3A_11 : vector<16xf32>
        %add3A_1472 = arith.addf %mul3A_1471, %get3A_27 : vector<16xf32>
        %add3A_1473 = arith.constant 32 : i32
        %add3A_1474 = arith.addi %mul3A_1452, %add3A_1473 : i32
        %swap3A_1475 = arith.index_cast %add3A_1474 : i32 to index
        %swap3A_1476 = tpu.vector_load %arg17[%swap3A_1475] {strides = array<i32>} : memref<16528xf32, #tpu.memory_space<vmem>>, vector<16xf32>,
        tpu.vector_store %arg17[%swap3A_1475], %add3A_1472 {strides = array<i32>} : memref<16528xf32, #tpu.memory_space<vmem>>, vector<16xf32>,
        %sub3A_1477 = arith.subf %add3A_1325, %broadcast_in_dim3A_1450 : vector<16xf32>
        %mul3A_1478 = arith.mulf %sub3A_1477, %mul3A_1449 : vector<16xf32>
        %mul3A_1479 = arith.mulf %mul3A_1478, %get3A_13 : vector<16xf32>
        %add3A_1480 = arith.addf %mul3A_1479, %get3A_29 : vector<16xf32>
        %add3A_1481 = arith.constant 48 : i32
        %add3A_1482 = arith.addi %mul3A_1452, %add3A_1481 : i32
        %swap3A_1483 = arith.index_cast %add3A_1482 : i32 to index
        %swap3A_1484 = tpu.vector_load %arg17[%swap3A_1483] {strides = array<i32>} : memref<16528xf32, #tpu.memory_space<vmem>>, vector<16xf32>,
        tpu.vector_store %arg17[%swap3A_1483], %add3A_1480 {strides = array<i32>} : memref<16528xf32, #tpu.memory_space<vmem>>, vector<16xf32>,
        %sub3A_1485 = arith.subf %add3A_1335, %broadcast_in_dim3A_1450 : vector<16xf32>
        %mul3A_1486 = arith.mulf %sub3A_1485, %mul3A_1449 : vector<16xf32>
        %mul3A_1487 = arith.mulf %mul3A_1486, %get3A_15 : vector<16xf32>
        %add3A_1488 = arith.addf %mul3A_1487, %get3A_31 : vector<16xf32>
        %add3A_1489 = arith.constant 64 : i32
        %add3A_1490 = arith.addi %mul3A_1452, %add3A_1489 : i32
        %swap3A_1491 = arith.index_cast %add3A_1490 : i32 to index
        %swap3A_1492 = tpu.vector_load %arg17[%swap3A_1491] {strides = array<i32>} : memref<16528xf32, #tpu.memory_space<vmem>>, vector<16xf32>,
        tpu.vector_store %arg17[%swap3A_1491], %add3A_1488 {strides = array<i32>} : memref<16528xf32, #tpu.memory_space<vmem>>, vector<16xf32>,
        %sub3A_1493 = arith.subf %add3A_1345, %broadcast_in_dim3A_1450 : vector<16xf32>
        %mul3A_1494 = arith.mulf %sub3A_1493, %mul3A_1449 : vector<16xf32>
        %mul3A_1495 = arith.mulf %mul3A_1494, %get3A_17 : vector<16xf32>
        %add3A_1496 = arith.addf %mul3A_1495, %get3A_33 : vector<16xf32>
        %add3A_1497 = arith.constant 80 : i32
        %add3A_1498 = arith.addi %mul3A_1452, %add3A_1497 : i32
        %swap3A_1499 = arith.index_cast %add3A_1498 : i32 to index
        %swap3A_1500 = tpu.vector_load %arg17[%swap3A_1499] {strides = array<i32>} : memref<16528xf32, #tpu.memory_space<vmem>>, vector<16xf32>,
        tpu.vector_store %arg17[%swap3A_1499], %add3A_1496 {strides = array<i32>} : memref<16528xf32, #tpu.memory_space<vmem>>, vector<16xf32>,
        %sub3A_1501 = arith.subf %add3A_1355, %broadcast_in_dim3A_1450 : vector<16xf32>
        %mul3A_1502 = arith.mulf %sub3A_1501, %mul3A_1449 : vector<16xf32>
        %mul3A_1503 = arith.mulf %mul3A_1502, %get3A_19 : vector<16xf32>
        %add3A_1504 = arith.addf %mul3A_1503, %get3A_35 : vector<16xf32>
        %add3A_1505 = arith.constant 96 : i32
        %add3A_1506 = arith.addi %mul3A_1452, %add3A_1505 : i32
        %swap3A_1507 = arith.index_cast %add3A_1506 : i32 to index
        %swap3A_1508 = tpu.vector_load %arg17[%swap3A_1507] {strides = array<i32>} : memref<16528xf32, #tpu.memory_space<vmem>>, vector<16xf32>,
        tpu.vector_store %arg17[%swap3A_1507], %add3A_1504 {strides = array<i32>} : memref<16528xf32, #tpu.memory_space<vmem>>, vector<16xf32>,
        %sub3A_1509 = arith.subf %add3A_1365, %broadcast_in_dim3A_1450 : vector<16xf32>
        %mul3A_1510 = arith.mulf %sub3A_1509, %mul3A_1449 : vector<16xf32>
        %mul3A_1511 = arith.mulf %mul3A_1510, %get3A_21 : vector<16xf32>
        %add3A_1512 = arith.addf %mul3A_1511, %get3A_37 : vector<16xf32>
        %add3A_1513 = arith.constant 112 : i32
        %add3A_1514 = arith.addi %mul3A_1452, %add3A_1513 : i32
        %swap3A_1515 = arith.index_cast %add3A_1514 : i32 to index
        %swap3A_1516 = tpu.vector_load %arg17[%swap3A_1515] {strides = array<i32>} : memref<16528xf32, #tpu.memory_space<vmem>>, vector<16xf32>,
        tpu.vector_store %arg17[%swap3A_1515], %add3A_1512 {strides = array<i32>} : memref<16528xf32, #tpu.memory_space<vmem>>, vector<16xf32>,
        %sub3A_1517 = arith.subf %add3A_1374, %mul3A_1408 : f32
        %broadcast_in_dim3A_1518 = vector.broadcast %sub3A_1517 : f32 to vector<16xf32>
        %mul3A_1519 = arith.mulf %broadcast_in_dim3A_1518, %mul3A_1449 : vector<16xf32>
        %mul3A_1520 = vector.broadcast %squeeze3A : f32 to vector<16xf32>
        %mul3A_1521 = arith.mulf %mul3A_1519, %mul3A_1520 : vector<16xf32>
        %add3A_1522 = vector.broadcast %squeeze3A_43 : f32 to vector<16xf32>
        %add3A_1523 = arith.addf %mul3A_1521, %add3A_1522 : vector<16xf32>
        %add3A_1524 = arith.constant 128 : i32
        %add3A_1525 = arith.addi %mul3A_1452, %add3A_1524 : i32
        %swap3A_1526 = arith.index_cast %add3A_1525 : i32 to index
        %swap3A_1527 = tpu.vector_load %arg17[%swap3A_1526] {strides = array<i32>} : memref<16528xf32, #tpu.memory_space<vmem>>, vector<16xf32>,
        tpu.vector_store %arg17[%swap3A_1526], %add3A_1523 {strides = array<i32>} : memref<16528xf32, #tpu.memory_space<vmem>>, vector<16xf32>,
        %add3A_1528 = arith.constant 6 : i32
        %add3A_1529 = arith.addi %mul3A_81, %add3A_1528 : i32
        %slice3A_1530 = vector.extract_strided_slice %rem3A_92 {offsets = [6], sizes = [1], strides = [1]} : vector<16xi32> to vector<1xi32>
        %squeeze3A_1531 = vector.extract %slice3A_1530[0] : i32 from vector<1xi32>
        %mul3A_1532 = arith.constant 144 : i32
        %mul3A_1533 = arith.muli %squeeze3A_1531, %mul3A_1532 : i32
        %get3A_1534 = arith.index_cast %add3A_1529 : i32 to index
        %get3A_1535 = arith.constant 0 : index
        %get3A_1536 = tpu.vector_load %arg15[%get3A_1534, %get3A_1535] {strides = array<i32>} : memref<128x64xf32, #tpu.memory_space<vmem>>, vector<16xf32>,
        %add3A_1537 = arith.constant 0 : i32
        %add3A_1538 = arith.addi %mul3A_1533, %add3A_1537 : i32
        %get3A_1539 = arith.index_cast %add3A_1538 : i32 to index
        %get3A_1540 = tpu.vector_load %arg18[%get3A_1539] {strides = array<i32>} : memref<2592xf32, #tpu.memory_space<vmem>>, vector<16xf32>,
        %add3A_1541 = arith.addf %get3A_1536, %get3A_1540 : vector<16xf32>
        %get3A_1542 = arith.index_cast %add3A_1529 : i32 to index
        %get3A_1543 = arith.constant 16 : index
        %get3A_1544 = tpu.vector_load %arg15[%get3A_1542, %get3A_1543] {strides = array<i32>} : memref<128x64xf32, #tpu.memory_space<vmem>>, vector<16xf32>,
        %add3A_1545 = arith.constant 16 : i32
        %add3A_1546 = arith.addi %mul3A_1533, %add3A_1545 : i32
        %get3A_1547 = arith.index_cast %add3A_1546 : i32 to index
        %get3A_1548 = tpu.vector_load %arg18[%get3A_1547] {strides = array<i32>} : memref<2592xf32, #tpu.memory_space<vmem>>, vector<16xf32>,
        %add3A_1549 = arith.addf %get3A_1544, %get3A_1548 : vector<16xf32>
        %get3A_1550 = arith.index_cast %add3A_1529 : i32 to index
        %get3A_1551 = arith.constant 32 : index
        %get3A_1552 = tpu.vector_load %arg15[%get3A_1550, %get3A_1551] {strides = array<i32>} : memref<128x64xf32, #tpu.memory_space<vmem>>, vector<16xf32>,
        %add3A_1553 = arith.constant 32 : i32
        %add3A_1554 = arith.addi %mul3A_1533, %add3A_1553 : i32
        %get3A_1555 = arith.index_cast %add3A_1554 : i32 to index
        %get3A_1556 = tpu.vector_load %arg18[%get3A_1555] {strides = array<i32>} : memref<2592xf32, #tpu.memory_space<vmem>>, vector<16xf32>,
        %add3A_1557 = arith.addf %get3A_1552, %get3A_1556 : vector<16xf32>
        %get3A_1558 = arith.index_cast %add3A_1529 : i32 to index
        %get3A_1559 = arith.constant 48 : index
        %get3A_1560 = tpu.vector_load %arg15[%get3A_1558, %get3A_1559] {strides = array<i32>} : memref<128x64xf32, #tpu.memory_space<vmem>>, vector<16xf32>,
        %add3A_1561 = arith.constant 48 : i32
        %add3A_1562 = arith.addi %mul3A_1533, %add3A_1561 : i32
        %get3A_1563 = arith.index_cast %add3A_1562 : i32 to index
        %get3A_1564 = tpu.vector_load %arg18[%get3A_1563] {strides = array<i32>} : memref<2592xf32, #tpu.memory_space<vmem>>, vector<16xf32>,
        %add3A_1565 = arith.addf %get3A_1560, %get3A_1564 : vector<16xf32>
        %get3A_1566 = arith.index_cast %add3A_1529 : i32 to index
        %get3A_1567 = arith.constant 0 : index
        %get3A_1568 = tpu.vector_load %arg16[%get3A_1566, %get3A_1567] {strides = array<i32>} : memref<128x64xf32, #tpu.memory_space<vmem>>, vector<16xf32>,
        %add3A_1569 = arith.constant 64 : i32
        %add3A_1570 = arith.addi %mul3A_1533, %add3A_1569 : i32
        %add3A_1571 = arith.constant 0 : i32
        %add3A_1572 = arith.addi %add3A_1570, %add3A_1571 : i32
        %get3A_1573 = arith.index_cast %add3A_1572 : i32 to index
        %get3A_1574 = tpu.vector_load %arg18[%get3A_1573] {strides = array<i32>} : memref<2592xf32, #tpu.memory_space<vmem>>, vector<16xf32>,
        %add3A_1575 = arith.addf %get3A_1568, %get3A_1574 : vector<16xf32>
        %get3A_1576 = arith.index_cast %add3A_1529 : i32 to index
        %get3A_1577 = arith.constant 16 : index
        %get3A_1578 = tpu.vector_load %arg16[%get3A_1576, %get3A_1577] {strides = array<i32>} : memref<128x64xf32, #tpu.memory_space<vmem>>, vector<16xf32>,
        %add3A_1579 = arith.constant 64 : i32
        %add3A_1580 = arith.addi %mul3A_1533, %add3A_1579 : i32
        %add3A_1581 = arith.constant 16 : i32
        %add3A_1582 = arith.addi %add3A_1580, %add3A_1581 : i32
        %get3A_1583 = arith.index_cast %add3A_1582 : i32 to index
        %get3A_1584 = tpu.vector_load %arg18[%get3A_1583] {strides = array<i32>} : memref<2592xf32, #tpu.memory_space<vmem>>, vector<16xf32>,
        %add3A_1585 = arith.addf %get3A_1578, %get3A_1584 : vector<16xf32>
        %get3A_1586 = arith.index_cast %add3A_1529 : i32 to index
        %get3A_1587 = arith.constant 32 : index
        %get3A_1588 = tpu.vector_load %arg16[%get3A_1586, %get3A_1587] {strides = array<i32>} : memref<128x64xf32, #tpu.memory_space<vmem>>, vector<16xf32>,
        %add3A_1589 = arith.constant 64 : i32
        %add3A_1590 = arith.addi %mul3A_1533, %add3A_1589 : i32
        %add3A_1591 = arith.constant 32 : i32
        %add3A_1592 = arith.addi %add3A_1590, %add3A_1591 : i32
        %get3A_1593 = arith.index_cast %add3A_1592 : i32 to index
        %get3A_1594 = tpu.vector_load %arg18[%get3A_1593] {strides = array<i32>} : memref<2592xf32, #tpu.memory_space<vmem>>, vector<16xf32>,
        %add3A_1595 = arith.addf %get3A_1588, %get3A_1594 : vector<16xf32>
        %get3A_1596 = arith.index_cast %add3A_1529 : i32 to index
        %get3A_1597 = arith.constant 48 : index
        %get3A_1598 = tpu.vector_load %arg16[%get3A_1596, %get3A_1597] {strides = array<i32>} : memref<128x64xf32, #tpu.memory_space<vmem>>, vector<16xf32>,
        %add3A_1599 = arith.constant 64 : i32
        %add3A_1600 = arith.addi %mul3A_1533, %add3A_1599 : i32
        %add3A_1601 = arith.constant 48 : i32
        %add3A_1602 = arith.addi %add3A_1600, %add3A_1601 : i32
        %get3A_1603 = arith.index_cast %add3A_1602 : i32 to index
        %get3A_1604 = tpu.vector_load %arg18[%get3A_1603] {strides = array<i32>} : memref<2592xf32, #tpu.memory_space<vmem>>, vector<16xf32>,
        %add3A_1605 = arith.addf %get3A_1598, %get3A_1604 : vector<16xf32>
        %slice3A_1606 = vector.extract_strided_slice %select_n3A {offsets = [6], sizes = [1], strides = [1]} : vector<16xf32> to vector<1xf32>
        %squeeze3A_1607 = vector.extract %slice3A_1606[0] : f32 from vector<1xf32>
        %add3A_1608 = arith.constant 128 : i32
        %add3A_1609 = arith.addi %mul3A_1533, %add3A_1608 : i32
        %get3A_1610 = arith.index_cast %add3A_1609 : i32 to index
        %get3A_1611 = tpu.vector_load %arg18[%get3A_1610] {strides = array<i32>} : memref<2592xf32, #tpu.memory_space<vmem>>, vector<16xf32>,
        %slice3A_1612 = vector.extract_strided_slice %get3A_1611 {offsets = [0], sizes = [1], strides = [1]} : vector<16xf32> to vector<1xf32>
        %squeeze3A_1613 = vector.extract %slice3A_1612[0] : f32 from vector<1xf32>
        %add3A_1614 = arith.addf %squeeze3A_1607, %squeeze3A_1613 : f32
        %add3A_1615 = arith.addf %add3A_1541, %add3A_1549 : vector<16xf32>
        %add3A_1616 = arith.addf %add3A_1557, %add3A_1565 : vector<16xf32>
        %add3A_1617 = arith.addf %add3A_1615, %add3A_1616 : vector<16xf32>
        %add3A_1618 = arith.addf %add3A_1575, %add3A_1585 : vector<16xf32>
        %add3A_1619 = arith.addf %add3A_1595, %add3A_1605 : vector<16xf32>
        %add3A_1620 = arith.addf %add3A_1618, %add3A_1619 : vector<16xf32>
        %add3A_1621 = arith.addf %add3A_1617, %add3A_1620 : vector<16xf32>
        %mul3A_1622 = arith.mulf %add3A_1541, %add3A_1541 : vector<16xf32>
        %mul3A_1623 = arith.mulf %add3A_1549, %add3A_1549 : vector<16xf32>
        %mul3A_1624 = arith.mulf %add3A_1557, %add3A_1557 : vector<16xf32>
        %mul3A_1625 = arith.mulf %add3A_1565, %add3A_1565 : vector<16xf32>
        %mul3A_1626 = arith.mulf %add3A_1575, %add3A_1575 : vector<16xf32>
        %mul3A_1627 = arith.mulf %add3A_1585, %add3A_1585 : vector<16xf32>
        %mul3A_1628 = arith.mulf %add3A_1595, %add3A_1595 : vector<16xf32>
        %mul3A_1629 = arith.mulf %add3A_1605, %add3A_1605 : vector<16xf32>
        %add3A_1630 = arith.addf %mul3A_1622, %mul3A_1623 : vector<16xf32>
        %add3A_1631 = arith.addf %mul3A_1624, %mul3A_1625 : vector<16xf32>
        %add3A_1632 = arith.addf %add3A_1630, %add3A_1631 : vector<16xf32>
        %add3A_1633 = arith.addf %mul3A_1626, %mul3A_1627 : vector<16xf32>
        %add3A_1634 = arith.addf %mul3A_1628, %mul3A_1629 : vector<16xf32>
        %add3A_1635 = arith.addf %add3A_1633, %add3A_1634 : vector<16xf32>
        %add3A_1636 = arith.addf %add3A_1632, %add3A_1635 : vector<16xf32>
        %reduce_sum3A_1637 = arith.constant true
        %reduce_sum3A_1638 = vector.broadcast %reduce_sum3A_1637 : i1 to vector<16xi1>
        %reduce_sum3A_1639 = tpu.scan <sum>, %add3A_1621 masked %reduce_sum3A_1638 : vector<16xf32>, vector<16xi1> -> vector<16xf32>
        %reduce_sum3A_1640 = vector.extract %reduce_sum3A_1639[15] : f32 from vector<16xf32>
        %add3A_1641 = arith.addf %reduce_sum3A_1640, %add3A_1614 : f32
        %reduce_sum3A_1642 = arith.constant true
        %reduce_sum3A_1643 = vector.broadcast %reduce_sum3A_1642 : i1 to vector<16xi1>
        %reduce_sum3A_1644 = tpu.scan <sum>, %add3A_1636 masked %reduce_sum3A_1643 : vector<16xf32>, vector<16xi1> -> vector<16xf32>
        %reduce_sum3A_1645 = vector.extract %reduce_sum3A_1644[15] : f32 from vector<16xf32>
        %mul3A_1646 = arith.mulf %add3A_1614, %add3A_1614 : f32
        %add3A_1647 = arith.addf %reduce_sum3A_1645, %mul3A_1646 : f32
        %mul3A_1648 = arith.mulf %add3A_1641, %scan3A_44 : f32
        %mul3A_1649 = arith.mulf %add3A_1647, %scan3A_44 : f32
        %mul3A_1650 = arith.mulf %mul3A_1648, %mul3A_1648 : f32
        %sub3A_1651 = arith.subf %mul3A_1649, %mul3A_1650 : f32
        %add3A_1652 = arith.constant 9.99999974E-6 : f32
        %add3A_1653 = arith.addf %sub3A_1651, %add3A_1652 : f32
        %broadcast_in_dim3A_1654 = vector.broadcast %add3A_1653 : f32 to vector<16xf32>
        %bitcast3A_1655 = vector.bitcast %broadcast_in_dim3A_1654 : vector<16xf32> to vector<16xi32>
        %shift_right_logical3A_1656 = arith.constant 1 : i32
        %shift_right_logical3A_1657 = vector.broadcast %shift_right_logical3A_1656 : i32 to vector<16xi32>
        %shift_right_logical3A_1658 = arith.shrui %bitcast3A_1655, %shift_right_logical3A_1657 : vector<16xi32>
        %sub3A_1659 = arith.constant 1597463007 : i32
        %sub3A_1660 = vector.broadcast %sub3A_1659 : i32 to vector<16xi32>
        %sub3A_1661 = arith.subi %sub3A_1660, %shift_right_logical3A_1658 : vector<16xi32>
        %bitcast3A_1662 = vector.bitcast %sub3A_1661 : vector<16xi32> to vector<16xf32>
        %mul3A_1663 = arith.constant 5.000000e-01 : f32
        %mul3A_1664 = vector.broadcast %mul3A_1663 : f32 to vector<16xf32>
        %mul3A_1665 = arith.mulf %mul3A_1664, %broadcast_in_dim3A_1654 : vector<16xf32>
        %mul3A_1666 = arith.mulf %mul3A_1665, %bitcast3A_1662 : vector<16xf32>
        %mul3A_1667 = arith.mulf %mul3A_1666, %bitcast3A_1662 : vector<16xf32>
        %sub3A_1668 = arith.constant 1.500000e+00 : f32
        %sub3A_1669 = vector.broadcast %sub3A_1668 : f32 to vector<16xf32>
        %sub3A_1670 = arith.subf %sub3A_1669, %mul3A_1667 : vector<16xf32>
        %mul3A_1671 = arith.mulf %bitcast3A_1662, %sub3A_1670 : vector<16xf32>
        %mul3A_1672 = arith.constant 5.000000e-01 : f32
        %mul3A_1673 = vector.broadcast %mul3A_1672 : f32 to vector<16xf32>
        %mul3A_1674 = arith.mulf %mul3A_1673, %broadcast_in_dim3A_1654 : vector<16xf32>
        %mul3A_1675 = arith.mulf %mul3A_1674, %mul3A_1671 : vector<16xf32>
        %mul3A_1676 = arith.mulf %mul3A_1675, %mul3A_1671 : vector<16xf32>
        %sub3A_1677 = arith.constant 1.500000e+00 : f32
        %sub3A_1678 = vector.broadcast %sub3A_1677 : f32 to vector<16xf32>
        %sub3A_1679 = arith.subf %sub3A_1678, %mul3A_1676 : vector<16xf32>
        %mul3A_1680 = arith.mulf %mul3A_1671, %sub3A_1679 : vector<16xf32>
        %mul3A_1681 = arith.constant 5.000000e-01 : f32
        %mul3A_1682 = vector.broadcast %mul3A_1681 : f32 to vector<16xf32>
        %mul3A_1683 = arith.mulf %mul3A_1682, %broadcast_in_dim3A_1654 : vector<16xf32>
        %mul3A_1684 = arith.mulf %mul3A_1683, %mul3A_1680 : vector<16xf32>
        %mul3A_1685 = arith.mulf %mul3A_1684, %mul3A_1680 : vector<16xf32>
        %sub3A_1686 = arith.constant 1.500000e+00 : f32
        %sub3A_1687 = vector.broadcast %sub3A_1686 : f32 to vector<16xf32>
        %sub3A_1688 = arith.subf %sub3A_1687, %mul3A_1685 : vector<16xf32>
        %mul3A_1689 = arith.mulf %mul3A_1680, %sub3A_1688 : vector<16xf32>
        %broadcast_in_dim3A_1690 = vector.broadcast %mul3A_1648 : f32 to vector<16xf32>
        %mul3A_1691 = arith.constant 129 : i32
        %mul3A_1692 = arith.muli %add3A_1529, %mul3A_1691 : i32
        %sub3A_1693 = arith.subf %add3A_1541, %broadcast_in_dim3A_1690 : vector<16xf32>
        %mul3A_1694 = arith.mulf %sub3A_1693, %mul3A_1689 : vector<16xf32>
        %mul3A_1695 = arith.mulf %mul3A_1694, %get3A_7 : vector<16xf32>
        %add3A_1696 = arith.addf %mul3A_1695, %get3A_23 : vector<16xf32>
        %add3A_1697 = arith.constant 0 : i32
        %add3A_1698 = arith.addi %mul3A_1692, %add3A_1697 : i32
        %swap3A_1699 = arith.index_cast %add3A_1698 : i32 to index
        %swap3A_1700 = tpu.vector_load %arg17[%swap3A_1699] {strides = array<i32>} : memref<16528xf32, #tpu.memory_space<vmem>>, vector<16xf32>,
        tpu.vector_store %arg17[%swap3A_1699], %add3A_1696 {strides = array<i32>} : memref<16528xf32, #tpu.memory_space<vmem>>, vector<16xf32>,
        %sub3A_1701 = arith.subf %add3A_1549, %broadcast_in_dim3A_1690 : vector<16xf32>
        %mul3A_1702 = arith.mulf %sub3A_1701, %mul3A_1689 : vector<16xf32>
        %mul3A_1703 = arith.mulf %mul3A_1702, %get3A_9 : vector<16xf32>
        %add3A_1704 = arith.addf %mul3A_1703, %get3A_25 : vector<16xf32>
        %add3A_1705 = arith.constant 16 : i32
        %add3A_1706 = arith.addi %mul3A_1692, %add3A_1705 : i32
        %swap3A_1707 = arith.index_cast %add3A_1706 : i32 to index
        %swap3A_1708 = tpu.vector_load %arg17[%swap3A_1707] {strides = array<i32>} : memref<16528xf32, #tpu.memory_space<vmem>>, vector<16xf32>,
        tpu.vector_store %arg17[%swap3A_1707], %add3A_1704 {strides = array<i32>} : memref<16528xf32, #tpu.memory_space<vmem>>, vector<16xf32>,
        %sub3A_1709 = arith.subf %add3A_1557, %broadcast_in_dim3A_1690 : vector<16xf32>
        %mul3A_1710 = arith.mulf %sub3A_1709, %mul3A_1689 : vector<16xf32>
        %mul3A_1711 = arith.mulf %mul3A_1710, %get3A_11 : vector<16xf32>
        %add3A_1712 = arith.addf %mul3A_1711, %get3A_27 : vector<16xf32>
        %add3A_1713 = arith.constant 32 : i32
        %add3A_1714 = arith.addi %mul3A_1692, %add3A_1713 : i32
        %swap3A_1715 = arith.index_cast %add3A_1714 : i32 to index
        %swap3A_1716 = tpu.vector_load %arg17[%swap3A_1715] {strides = array<i32>} : memref<16528xf32, #tpu.memory_space<vmem>>, vector<16xf32>,
        tpu.vector_store %arg17[%swap3A_1715], %add3A_1712 {strides = array<i32>} : memref<16528xf32, #tpu.memory_space<vmem>>, vector<16xf32>,
        %sub3A_1717 = arith.subf %add3A_1565, %broadcast_in_dim3A_1690 : vector<16xf32>
        %mul3A_1718 = arith.mulf %sub3A_1717, %mul3A_1689 : vector<16xf32>
        %mul3A_1719 = arith.mulf %mul3A_1718, %get3A_13 : vector<16xf32>
        %add3A_1720 = arith.addf %mul3A_1719, %get3A_29 : vector<16xf32>
        %add3A_1721 = arith.constant 48 : i32
        %add3A_1722 = arith.addi %mul3A_1692, %add3A_1721 : i32
        %swap3A_1723 = arith.index_cast %add3A_1722 : i32 to index
        %swap3A_1724 = tpu.vector_load %arg17[%swap3A_1723] {strides = array<i32>} : memref<16528xf32, #tpu.memory_space<vmem>>, vector<16xf32>,
        tpu.vector_store %arg17[%swap3A_1723], %add3A_1720 {strides = array<i32>} : memref<16528xf32, #tpu.memory_space<vmem>>, vector<16xf32>,
        %sub3A_1725 = arith.subf %add3A_1575, %broadcast_in_dim3A_1690 : vector<16xf32>
        %mul3A_1726 = arith.mulf %sub3A_1725, %mul3A_1689 : vector<16xf32>
        %mul3A_1727 = arith.mulf %mul3A_1726, %get3A_15 : vector<16xf32>
        %add3A_1728 = arith.addf %mul3A_1727, %get3A_31 : vector<16xf32>
        %add3A_1729 = arith.constant 64 : i32
        %add3A_1730 = arith.addi %mul3A_1692, %add3A_1729 : i32
        %swap3A_1731 = arith.index_cast %add3A_1730 : i32 to index
        %swap3A_1732 = tpu.vector_load %arg17[%swap3A_1731] {strides = array<i32>} : memref<16528xf32, #tpu.memory_space<vmem>>, vector<16xf32>,
        tpu.vector_store %arg17[%swap3A_1731], %add3A_1728 {strides = array<i32>} : memref<16528xf32, #tpu.memory_space<vmem>>, vector<16xf32>,
        %sub3A_1733 = arith.subf %add3A_1585, %broadcast_in_dim3A_1690 : vector<16xf32>
        %mul3A_1734 = arith.mulf %sub3A_1733, %mul3A_1689 : vector<16xf32>
        %mul3A_1735 = arith.mulf %mul3A_1734, %get3A_17 : vector<16xf32>
        %add3A_1736 = arith.addf %mul3A_1735, %get3A_33 : vector<16xf32>
        %add3A_1737 = arith.constant 80 : i32
        %add3A_1738 = arith.addi %mul3A_1692, %add3A_1737 : i32
        %swap3A_1739 = arith.index_cast %add3A_1738 : i32 to index
        %swap3A_1740 = tpu.vector_load %arg17[%swap3A_1739] {strides = array<i32>} : memref<16528xf32, #tpu.memory_space<vmem>>, vector<16xf32>,
        tpu.vector_store %arg17[%swap3A_1739], %add3A_1736 {strides = array<i32>} : memref<16528xf32, #tpu.memory_space<vmem>>, vector<16xf32>,
        %sub3A_1741 = arith.subf %add3A_1595, %broadcast_in_dim3A_1690 : vector<16xf32>
        %mul3A_1742 = arith.mulf %sub3A_1741, %mul3A_1689 : vector<16xf32>
        %mul3A_1743 = arith.mulf %mul3A_1742, %get3A_19 : vector<16xf32>
        %add3A_1744 = arith.addf %mul3A_1743, %get3A_35 : vector<16xf32>
        %add3A_1745 = arith.constant 96 : i32
        %add3A_1746 = arith.addi %mul3A_1692, %add3A_1745 : i32
        %swap3A_1747 = arith.index_cast %add3A_1746 : i32 to index
        %swap3A_1748 = tpu.vector_load %arg17[%swap3A_1747] {strides = array<i32>} : memref<16528xf32, #tpu.memory_space<vmem>>, vector<16xf32>,
        tpu.vector_store %arg17[%swap3A_1747], %add3A_1744 {strides = array<i32>} : memref<16528xf32, #tpu.memory_space<vmem>>, vector<16xf32>,
        %sub3A_1749 = arith.subf %add3A_1605, %broadcast_in_dim3A_1690 : vector<16xf32>
        %mul3A_1750 = arith.mulf %sub3A_1749, %mul3A_1689 : vector<16xf32>
        %mul3A_1751 = arith.mulf %mul3A_1750, %get3A_21 : vector<16xf32>
        %add3A_1752 = arith.addf %mul3A_1751, %get3A_37 : vector<16xf32>
        %add3A_1753 = arith.constant 112 : i32
        %add3A_1754 = arith.addi %mul3A_1692, %add3A_1753 : i32
        %swap3A_1755 = arith.index_cast %add3A_1754 : i32 to index
        %swap3A_1756 = tpu.vector_load %arg17[%swap3A_1755] {strides = array<i32>} : memref<16528xf32, #tpu.memory_space<vmem>>, vector<16xf32>,
        tpu.vector_store %arg17[%swap3A_1755], %add3A_1752 {strides = array<i32>} : memref<16528xf32, #tpu.memory_space<vmem>>, vector<16xf32>,
        %sub3A_1757 = arith.subf %add3A_1614, %mul3A_1648 : f32
        %broadcast_in_dim3A_1758 = vector.broadcast %sub3A_1757 : f32 to vector<16xf32>
        %mul3A_1759 = arith.mulf %broadcast_in_dim3A_1758, %mul3A_1689 : vector<16xf32>
        %mul3A_1760 = vector.broadcast %squeeze3A : f32 to vector<16xf32>
        %mul3A_1761 = arith.mulf %mul3A_1759, %mul3A_1760 : vector<16xf32>
        %add3A_1762 = vector.broadcast %squeeze3A_43 : f32 to vector<16xf32>
        %add3A_1763 = arith.addf %mul3A_1761, %add3A_1762 : vector<16xf32>
        %add3A_1764 = arith.constant 128 : i32
        %add3A_1765 = arith.addi %mul3A_1692, %add3A_1764 : i32
        %swap3A_1766 = arith.index_cast %add3A_1765 : i32 to index
        %swap3A_1767 = tpu.vector_load %arg17[%swap3A_1766] {strides = array<i32>} : memref<16528xf32, #tpu.memory_space<vmem>>, vector<16xf32>,
        tpu.vector_store %arg17[%swap3A_1766], %add3A_1763 {strides = array<i32>} : memref<16528xf32, #tpu.memory_space<vmem>>, vector<16xf32>,
        %add3A_1768 = arith.constant 7 : i32
        %add3A_1769 = arith.addi %mul3A_81, %add3A_1768 : i32
        %slice3A_1770 = vector.extract_strided_slice %rem3A_92 {offsets = [7], sizes = [1], strides = [1]} : vector<16xi32> to vector<1xi32>
        %squeeze3A_1771 = vector.extract %slice3A_1770[0] : i32 from vector<1xi32>
        %mul3A_1772 = arith.constant 144 : i32
        %mul3A_1773 = arith.muli %squeeze3A_1771, %mul3A_1772 : i32
        %get3A_1774 = arith.index_cast %add3A_1769 : i32 to index
        %get3A_1775 = arith.constant 0 : index
        %get3A_1776 = tpu.vector_load %arg15[%get3A_1774, %get3A_1775] {strides = array<i32>} : memref<128x64xf32, #tpu.memory_space<vmem>>, vector<16xf32>,
        %add3A_1777 = arith.constant 0 : i32
        %add3A_1778 = arith.addi %mul3A_1773, %add3A_1777 : i32
        %get3A_1779 = arith.index_cast %add3A_1778 : i32 to index
        %get3A_1780 = tpu.vector_load %arg18[%get3A_1779] {strides = array<i32>} : memref<2592xf32, #tpu.memory_space<vmem>>, vector<16xf32>,
        %add3A_1781 = arith.addf %get3A_1776, %get3A_1780 : vector<16xf32>
        %get3A_1782 = arith.index_cast %add3A_1769 : i32 to index
        %get3A_1783 = arith.constant 16 : index
        %get3A_1784 = tpu.vector_load %arg15[%get3A_1782, %get3A_1783] {strides = array<i32>} : memref<128x64xf32, #tpu.memory_space<vmem>>, vector<16xf32>,
        %add3A_1785 = arith.constant 16 : i32
        %add3A_1786 = arith.addi %mul3A_1773, %add3A_1785 : i32
        %get3A_1787 = arith.index_cast %add3A_1786 : i32 to index
        %get3A_1788 = tpu.vector_load %arg18[%get3A_1787] {strides = array<i32>} : memref<2592xf32, #tpu.memory_space<vmem>>, vector<16xf32>,
        %add3A_1789 = arith.addf %get3A_1784, %get3A_1788 : vector<16xf32>
        %get3A_1790 = arith.index_cast %add3A_1769 : i32 to index
        %get3A_1791 = arith.constant 32 : index
        %get3A_1792 = tpu.vector_load %arg15[%get3A_1790, %get3A_1791] {strides = array<i32>} : memref<128x64xf32, #tpu.memory_space<vmem>>, vector<16xf32>,
        %add3A_1793 = arith.constant 32 : i32
        %add3A_1794 = arith.addi %mul3A_1773, %add3A_1793 : i32
        %get3A_1795 = arith.index_cast %add3A_1794 : i32 to index
        %get3A_1796 = tpu.vector_load %arg18[%get3A_1795] {strides = array<i32>} : memref<2592xf32, #tpu.memory_space<vmem>>, vector<16xf32>,
        %add3A_1797 = arith.addf %get3A_1792, %get3A_1796 : vector<16xf32>
        %get3A_1798 = arith.index_cast %add3A_1769 : i32 to index
        %get3A_1799 = arith.constant 48 : index
        %get3A_1800 = tpu.vector_load %arg15[%get3A_1798, %get3A_1799] {strides = array<i32>} : memref<128x64xf32, #tpu.memory_space<vmem>>, vector<16xf32>,
        %add3A_1801 = arith.constant 48 : i32
        %add3A_1802 = arith.addi %mul3A_1773, %add3A_1801 : i32
        %get3A_1803 = arith.index_cast %add3A_1802 : i32 to index
        %get3A_1804 = tpu.vector_load %arg18[%get3A_1803] {strides = array<i32>} : memref<2592xf32, #tpu.memory_space<vmem>>, vector<16xf32>,
        %add3A_1805 = arith.addf %get3A_1800, %get3A_1804 : vector<16xf32>
        %get3A_1806 = arith.index_cast %add3A_1769 : i32 to index
        %get3A_1807 = arith.constant 0 : index
        %get3A_1808 = tpu.vector_load %arg16[%get3A_1806, %get3A_1807] {strides = array<i32>} : memref<128x64xf32, #tpu.memory_space<vmem>>, vector<16xf32>,
        %add3A_1809 = arith.constant 64 : i32
        %add3A_1810 = arith.addi %mul3A_1773, %add3A_1809 : i32
        %add3A_1811 = arith.constant 0 : i32
        %add3A_1812 = arith.addi %add3A_1810, %add3A_1811 : i32
        %get3A_1813 = arith.index_cast %add3A_1812 : i32 to index
        %get3A_1814 = tpu.vector_load %arg18[%get3A_1813] {strides = array<i32>} : memref<2592xf32, #tpu.memory_space<vmem>>, vector<16xf32>,
        %add3A_1815 = arith.addf %get3A_1808, %get3A_1814 : vector<16xf32>
        %get3A_1816 = arith.index_cast %add3A_1769 : i32 to index
        %get3A_1817 = arith.constant 16 : index
        %get3A_1818 = tpu.vector_load %arg16[%get3A_1816, %get3A_1817] {strides = array<i32>} : memref<128x64xf32, #tpu.memory_space<vmem>>, vector<16xf32>,
        %add3A_1819 = arith.constant 64 : i32
        %add3A_1820 = arith.addi %mul3A_1773, %add3A_1819 : i32
        %add3A_1821 = arith.constant 16 : i32
        %add3A_1822 = arith.addi %add3A_1820, %add3A_1821 : i32
        %get3A_1823 = arith.index_cast %add3A_1822 : i32 to index
        %get3A_1824 = tpu.vector_load %arg18[%get3A_1823] {strides = array<i32>} : memref<2592xf32, #tpu.memory_space<vmem>>, vector<16xf32>,
        %add3A_1825 = arith.addf %get3A_1818, %get3A_1824 : vector<16xf32>
        %get3A_1826 = arith.index_cast %add3A_1769 : i32 to index
        %get3A_1827 = arith.constant 32 : index
        %get3A_1828 = tpu.vector_load %arg16[%get3A_1826, %get3A_1827] {strides = array<i32>} : memref<128x64xf32, #tpu.memory_space<vmem>>, vector<16xf32>,
        %add3A_1829 = arith.constant 64 : i32
        %add3A_1830 = arith.addi %mul3A_1773, %add3A_1829 : i32
        %add3A_1831 = arith.constant 32 : i32
        %add3A_1832 = arith.addi %add3A_1830, %add3A_1831 : i32
        %get3A_1833 = arith.index_cast %add3A_1832 : i32 to index
        %get3A_1834 = tpu.vector_load %arg18[%get3A_1833] {strides = array<i32>} : memref<2592xf32, #tpu.memory_space<vmem>>, vector<16xf32>,
        %add3A_1835 = arith.addf %get3A_1828, %get3A_1834 : vector<16xf32>
        %get3A_1836 = arith.index_cast %add3A_1769 : i32 to index
        %get3A_1837 = arith.constant 48 : index
        %get3A_1838 = tpu.vector_load %arg16[%get3A_1836, %get3A_1837] {strides = array<i32>} : memref<128x64xf32, #tpu.memory_space<vmem>>, vector<16xf32>,
        %add3A_1839 = arith.constant 64 : i32
        %add3A_1840 = arith.addi %mul3A_1773, %add3A_1839 : i32
        %add3A_1841 = arith.constant 48 : i32
        %add3A_1842 = arith.addi %add3A_1840, %add3A_1841 : i32
        %get3A_1843 = arith.index_cast %add3A_1842 : i32 to index
        %get3A_1844 = tpu.vector_load %arg18[%get3A_1843] {strides = array<i32>} : memref<2592xf32, #tpu.memory_space<vmem>>, vector<16xf32>,
        %add3A_1845 = arith.addf %get3A_1838, %get3A_1844 : vector<16xf32>
        %slice3A_1846 = vector.extract_strided_slice %select_n3A {offsets = [7], sizes = [1], strides = [1]} : vector<16xf32> to vector<1xf32>
        %squeeze3A_1847 = vector.extract %slice3A_1846[0] : f32 from vector<1xf32>
        %add3A_1848 = arith.constant 128 : i32
        %add3A_1849 = arith.addi %mul3A_1773, %add3A_1848 : i32
        %get3A_1850 = arith.index_cast %add3A_1849 : i32 to index
        %get3A_1851 = tpu.vector_load %arg18[%get3A_1850] {strides = array<i32>} : memref<2592xf32, #tpu.memory_space<vmem>>, vector<16xf32>,
        %slice3A_1852 = vector.extract_strided_slice %get3A_1851 {offsets = [0], sizes = [1], strides = [1]} : vector<16xf32> to vector<1xf32>
        %squeeze3A_1853 = vector.extract %slice3A_1852[0] : f32 from vector<1xf32>
        %add3A_1854 = arith.addf %squeeze3A_1847, %squeeze3A_1853 : f32
        %add3A_1855 = arith.addf %add3A_1781, %add3A_1789 : vector<16xf32>
        %add3A_1856 = arith.addf %add3A_1797, %add3A_1805 : vector<16xf32>
        %add3A_1857 = arith.addf %add3A_1855, %add3A_1856 : vector<16xf32>
        %add3A_1858 = arith.addf %add3A_1815, %add3A_1825 : vector<16xf32>
        %add3A_1859 = arith.addf %add3A_1835, %add3A_1845 : vector<16xf32>
        %add3A_1860 = arith.addf %add3A_1858, %add3A_1859 : vector<16xf32>
        %add3A_1861 = arith.addf %add3A_1857, %add3A_1860 : vector<16xf32>
        %mul3A_1862 = arith.mulf %add3A_1781, %add3A_1781 : vector<16xf32>
        %mul3A_1863 = arith.mulf %add3A_1789, %add3A_1789 : vector<16xf32>
        %mul3A_1864 = arith.mulf %add3A_1797, %add3A_1797 : vector<16xf32>
        %mul3A_1865 = arith.mulf %add3A_1805, %add3A_1805 : vector<16xf32>
        %mul3A_1866 = arith.mulf %add3A_1815, %add3A_1815 : vector<16xf32>
        %mul3A_1867 = arith.mulf %add3A_1825, %add3A_1825 : vector<16xf32>
        %mul3A_1868 = arith.mulf %add3A_1835, %add3A_1835 : vector<16xf32>
        %mul3A_1869 = arith.mulf %add3A_1845, %add3A_1845 : vector<16xf32>
        %add3A_1870 = arith.addf %mul3A_1862, %mul3A_1863 : vector<16xf32>
        %add3A_1871 = arith.addf %mul3A_1864, %mul3A_1865 : vector<16xf32>
        %add3A_1872 = arith.addf %add3A_1870, %add3A_1871 : vector<16xf32>
        %add3A_1873 = arith.addf %mul3A_1866, %mul3A_1867 : vector<16xf32>
        %add3A_1874 = arith.addf %mul3A_1868, %mul3A_1869 : vector<16xf32>
        %add3A_1875 = arith.addf %add3A_1873, %add3A_1874 : vector<16xf32>
        %add3A_1876 = arith.addf %add3A_1872, %add3A_1875 : vector<16xf32>
        %reduce_sum3A_1877 = arith.constant true
        %reduce_sum3A_1878 = vector.broadcast %reduce_sum3A_1877 : i1 to vector<16xi1>
        %reduce_sum3A_1879 = tpu.scan <sum>, %add3A_1861 masked %reduce_sum3A_1878 : vector<16xf32>, vector<16xi1> -> vector<16xf32>
        %reduce_sum3A_1880 = vector.extract %reduce_sum3A_1879[15] : f32 from vector<16xf32>
        %add3A_1881 = arith.addf %reduce_sum3A_1880, %add3A_1854 : f32
        %reduce_sum3A_1882 = arith.constant true
        %reduce_sum3A_1883 = vector.broadcast %reduce_sum3A_1882 : i1 to vector<16xi1>
        %reduce_sum3A_1884 = tpu.scan <sum>, %add3A_1876 masked %reduce_sum3A_1883 : vector<16xf32>, vector<16xi1> -> vector<16xf32>
        %reduce_sum3A_1885 = vector.extract %reduce_sum3A_1884[15] : f32 from vector<16xf32>
        %mul3A_1886 = arith.mulf %add3A_1854, %add3A_1854 : f32
        %add3A_1887 = arith.addf %reduce_sum3A_1885, %mul3A_1886 : f32
        %mul3A_1888 = arith.mulf %add3A_1881, %scan3A_44 : f32
        %mul3A_1889 = arith.mulf %add3A_1887, %scan3A_44 : f32
        %mul3A_1890 = arith.mulf %mul3A_1888, %mul3A_1888 : f32
        %sub3A_1891 = arith.subf %mul3A_1889, %mul3A_1890 : f32
        %add3A_1892 = arith.constant 9.99999974E-6 : f32
        %add3A_1893 = arith.addf %sub3A_1891, %add3A_1892 : f32
        %broadcast_in_dim3A_1894 = vector.broadcast %add3A_1893 : f32 to vector<16xf32>
        %bitcast3A_1895 = vector.bitcast %broadcast_in_dim3A_1894 : vector<16xf32> to vector<16xi32>
        %shift_right_logical3A_1896 = arith.constant 1 : i32
        %shift_right_logical3A_1897 = vector.broadcast %shift_right_logical3A_1896 : i32 to vector<16xi32>
        %shift_right_logical3A_1898 = arith.shrui %bitcast3A_1895, %shift_right_logical3A_1897 : vector<16xi32>
        %sub3A_1899 = arith.constant 1597463007 : i32
        %sub3A_1900 = vector.broadcast %sub3A_1899 : i32 to vector<16xi32>
        %sub3A_1901 = arith.subi %sub3A_1900, %shift_right_logical3A_1898 : vector<16xi32>
        %bitcast3A_1902 = vector.bitcast %sub3A_1901 : vector<16xi32> to vector<16xf32>
        %mul3A_1903 = arith.constant 5.000000e-01 : f32
        %mul3A_1904 = vector.broadcast %mul3A_1903 : f32 to vector<16xf32>
        %mul3A_1905 = arith.mulf %mul3A_1904, %broadcast_in_dim3A_1894 : vector<16xf32>
        %mul3A_1906 = arith.mulf %mul3A_1905, %bitcast3A_1902 : vector<16xf32>
        %mul3A_1907 = arith.mulf %mul3A_1906, %bitcast3A_1902 : vector<16xf32>
        %sub3A_1908 = arith.constant 1.500000e+00 : f32
        %sub3A_1909 = vector.broadcast %sub3A_1908 : f32 to vector<16xf32>
        %sub3A_1910 = arith.subf %sub3A_1909, %mul3A_1907 : vector<16xf32>
        %mul3A_1911 = arith.mulf %bitcast3A_1902, %sub3A_1910 : vector<16xf32>
        %mul3A_1912 = arith.constant 5.000000e-01 : f32
        %mul3A_1913 = vector.broadcast %mul3A_1912 : f32 to vector<16xf32>
        %mul3A_1914 = arith.mulf %mul3A_1913, %broadcast_in_dim3A_1894 : vector<16xf32>
        %mul3A_1915 = arith.mulf %mul3A_1914, %mul3A_1911 : vector<16xf32>
        %mul3A_1916 = arith.mulf %mul3A_1915, %mul3A_1911 : vector<16xf32>
        %sub3A_1917 = arith.constant 1.500000e+00 : f32
        %sub3A_1918 = vector.broadcast %sub3A_1917 : f32 to vector<16xf32>
        %sub3A_1919 = arith.subf %sub3A_1918, %mul3A_1916 : vector<16xf32>
        %mul3A_1920 = arith.mulf %mul3A_1911, %sub3A_1919 : vector<16xf32>
        %mul3A_1921 = arith.constant 5.000000e-01 : f32
        %mul3A_1922 = vector.broadcast %mul3A_1921 : f32 to vector<16xf32>
        %mul3A_1923 = arith.mulf %mul3A_1922, %broadcast_in_dim3A_1894 : vector<16xf32>
        %mul3A_1924 = arith.mulf %mul3A_1923, %mul3A_1920 : vector<16xf32>
        %mul3A_1925 = arith.mulf %mul3A_1924, %mul3A_1920 : vector<16xf32>
        %sub3A_1926 = arith.constant 1.500000e+00 : f32
        %sub3A_1927 = vector.broadcast %sub3A_1926 : f32 to vector<16xf32>
        %sub3A_1928 = arith.subf %sub3A_1927, %mul3A_1925 : vector<16xf32>
        %mul3A_1929 = arith.mulf %mul3A_1920, %sub3A_1928 : vector<16xf32>
        %broadcast_in_dim3A_1930 = vector.broadcast %mul3A_1888 : f32 to vector<16xf32>
        %mul3A_1931 = arith.constant 129 : i32
        %mul3A_1932 = arith.muli %add3A_1769, %mul3A_1931 : i32
        %sub3A_1933 = arith.subf %add3A_1781, %broadcast_in_dim3A_1930 : vector<16xf32>
        %mul3A_1934 = arith.mulf %sub3A_1933, %mul3A_1929 : vector<16xf32>
        %mul3A_1935 = arith.mulf %mul3A_1934, %get3A_7 : vector<16xf32>
        %add3A_1936 = arith.addf %mul3A_1935, %get3A_23 : vector<16xf32>
        %add3A_1937 = arith.constant 0 : i32
        %add3A_1938 = arith.addi %mul3A_1932, %add3A_1937 : i32
        %swap3A_1939 = arith.index_cast %add3A_1938 : i32 to index
        %swap3A_1940 = tpu.vector_load %arg17[%swap3A_1939] {strides = array<i32>} : memref<16528xf32, #tpu.memory_space<vmem>>, vector<16xf32>,
        tpu.vector_store %arg17[%swap3A_1939], %add3A_1936 {strides = array<i32>} : memref<16528xf32, #tpu.memory_space<vmem>>, vector<16xf32>,
        %sub3A_1941 = arith.subf %add3A_1789, %broadcast_in_dim3A_1930 : vector<16xf32>
        %mul3A_1942 = arith.mulf %sub3A_1941, %mul3A_1929 : vector<16xf32>
        %mul3A_1943 = arith.mulf %mul3A_1942, %get3A_9 : vector<16xf32>
        %add3A_1944 = arith.addf %mul3A_1943, %get3A_25 : vector<16xf32>
        %add3A_1945 = arith.constant 16 : i32
        %add3A_1946 = arith.addi %mul3A_1932, %add3A_1945 : i32
        %swap3A_1947 = arith.index_cast %add3A_1946 : i32 to index
        %swap3A_1948 = tpu.vector_load %arg17[%swap3A_1947] {strides = array<i32>} : memref<16528xf32, #tpu.memory_space<vmem>>, vector<16xf32>,
        tpu.vector_store %arg17[%swap3A_1947], %add3A_1944 {strides = array<i32>} : memref<16528xf32, #tpu.memory_space<vmem>>, vector<16xf32>,
        %sub3A_1949 = arith.subf %add3A_1797, %broadcast_in_dim3A_1930 : vector<16xf32>
        %mul3A_1950 = arith.mulf %sub3A_1949, %mul3A_1929 : vector<16xf32>
        %mul3A_1951 = arith.mulf %mul3A_1950, %get3A_11 : vector<16xf32>
        %add3A_1952 = arith.addf %mul3A_1951, %get3A_27 : vector<16xf32>
        %add3A_1953 = arith.constant 32 : i32
        %add3A_1954 = arith.addi %mul3A_1932, %add3A_1953 : i32
        %swap3A_1955 = arith.index_cast %add3A_1954 : i32 to index
        %swap3A_1956 = tpu.vector_load %arg17[%swap3A_1955] {strides = array<i32>} : memref<16528xf32, #tpu.memory_space<vmem>>, vector<16xf32>,
        tpu.vector_store %arg17[%swap3A_1955], %add3A_1952 {strides = array<i32>} : memref<16528xf32, #tpu.memory_space<vmem>>, vector<16xf32>,
        %sub3A_1957 = arith.subf %add3A_1805, %broadcast_in_dim3A_1930 : vector<16xf32>
        %mul3A_1958 = arith.mulf %sub3A_1957, %mul3A_1929 : vector<16xf32>
        %mul3A_1959 = arith.mulf %mul3A_1958, %get3A_13 : vector<16xf32>
        %add3A_1960 = arith.addf %mul3A_1959, %get3A_29 : vector<16xf32>
        %add3A_1961 = arith.constant 48 : i32
        %add3A_1962 = arith.addi %mul3A_1932, %add3A_1961 : i32
        %swap3A_1963 = arith.index_cast %add3A_1962 : i32 to index
        %swap3A_1964 = tpu.vector_load %arg17[%swap3A_1963] {strides = array<i32>} : memref<16528xf32, #tpu.memory_space<vmem>>, vector<16xf32>,
        tpu.vector_store %arg17[%swap3A_1963], %add3A_1960 {strides = array<i32>} : memref<16528xf32, #tpu.memory_space<vmem>>, vector<16xf32>,
        %sub3A_1965 = arith.subf %add3A_1815, %broadcast_in_dim3A_1930 : vector<16xf32>
        %mul3A_1966 = arith.mulf %sub3A_1965, %mul3A_1929 : vector<16xf32>
        %mul3A_1967 = arith.mulf %mul3A_1966, %get3A_15 : vector<16xf32>
        %add3A_1968 = arith.addf %mul3A_1967, %get3A_31 : vector<16xf32>
        %add3A_1969 = arith.constant 64 : i32
        %add3A_1970 = arith.addi %mul3A_1932, %add3A_1969 : i32
        %swap3A_1971 = arith.index_cast %add3A_1970 : i32 to index
        %swap3A_1972 = tpu.vector_load %arg17[%swap3A_1971] {strides = array<i32>} : memref<16528xf32, #tpu.memory_space<vmem>>, vector<16xf32>,
        tpu.vector_store %arg17[%swap3A_1971], %add3A_1968 {strides = array<i32>} : memref<16528xf32, #tpu.memory_space<vmem>>, vector<16xf32>,
        %sub3A_1973 = arith.subf %add3A_1825, %broadcast_in_dim3A_1930 : vector<16xf32>
        %mul3A_1974 = arith.mulf %sub3A_1973, %mul3A_1929 : vector<16xf32>
        %mul3A_1975 = arith.mulf %mul3A_1974, %get3A_17 : vector<16xf32>
        %add3A_1976 = arith.addf %mul3A_1975, %get3A_33 : vector<16xf32>
        %add3A_1977 = arith.constant 80 : i32
        %add3A_1978 = arith.addi %mul3A_1932, %add3A_1977 : i32
        %swap3A_1979 = arith.index_cast %add3A_1978 : i32 to index
        %swap3A_1980 = tpu.vector_load %arg17[%swap3A_1979] {strides = array<i32>} : memref<16528xf32, #tpu.memory_space<vmem>>, vector<16xf32>,
        tpu.vector_store %arg17[%swap3A_1979], %add3A_1976 {strides = array<i32>} : memref<16528xf32, #tpu.memory_space<vmem>>, vector<16xf32>,
        %sub3A_1981 = arith.subf %add3A_1835, %broadcast_in_dim3A_1930 : vector<16xf32>
        %mul3A_1982 = arith.mulf %sub3A_1981, %mul3A_1929 : vector<16xf32>
        %mul3A_1983 = arith.mulf %mul3A_1982, %get3A_19 : vector<16xf32>
        %add3A_1984 = arith.addf %mul3A_1983, %get3A_35 : vector<16xf32>
        %add3A_1985 = arith.constant 96 : i32
        %add3A_1986 = arith.addi %mul3A_1932, %add3A_1985 : i32
        %swap3A_1987 = arith.index_cast %add3A_1986 : i32 to index
        %swap3A_1988 = tpu.vector_load %arg17[%swap3A_1987] {strides = array<i32>} : memref<16528xf32, #tpu.memory_space<vmem>>, vector<16xf32>,
        tpu.vector_store %arg17[%swap3A_1987], %add3A_1984 {strides = array<i32>} : memref<16528xf32, #tpu.memory_space<vmem>>, vector<16xf32>,
        %sub3A_1989 = arith.subf %add3A_1845, %broadcast_in_dim3A_1930 : vector<16xf32>
        %mul3A_1990 = arith.mulf %sub3A_1989, %mul3A_1929 : vector<16xf32>
        %mul3A_1991 = arith.mulf %mul3A_1990, %get3A_21 : vector<16xf32>
        %add3A_1992 = arith.addf %mul3A_1991, %get3A_37 : vector<16xf32>
        %add3A_1993 = arith.constant 112 : i32
        %add3A_1994 = arith.addi %mul3A_1932, %add3A_1993 : i32
        %swap3A_1995 = arith.index_cast %add3A_1994 : i32 to index
        %swap3A_1996 = tpu.vector_load %arg17[%swap3A_1995] {strides = array<i32>} : memref<16528xf32, #tpu.memory_space<vmem>>, vector<16xf32>,
        tpu.vector_store %arg17[%swap3A_1995], %add3A_1992 {strides = array<i32>} : memref<16528xf32, #tpu.memory_space<vmem>>, vector<16xf32>,
        %sub3A_1997 = arith.subf %add3A_1854, %mul3A_1888 : f32
        %broadcast_in_dim3A_1998 = vector.broadcast %sub3A_1997 : f32 to vector<16xf32>
        %mul3A_1999 = arith.mulf %broadcast_in_dim3A_1998, %mul3A_1929 : vector<16xf32>
        %mul3A_2000 = vector.broadcast %squeeze3A : f32 to vector<16xf32>
        %mul3A_2001 = arith.mulf %mul3A_1999, %mul3A_2000 : vector<16xf32>
        %add3A_2002 = vector.broadcast %squeeze3A_43 : f32 to vector<16xf32>
        %add3A_2003 = arith.addf %mul3A_2001, %add3A_2002 : vector<16xf32>
        %add3A_2004 = arith.constant 128 : i32
        %add3A_2005 = arith.addi %mul3A_1932, %add3A_2004 : i32
        %swap3A_2006 = arith.index_cast %add3A_2005 : i32 to index
        %swap3A_2007 = tpu.vector_load %arg17[%swap3A_2006] {strides = array<i32>} : memref<16528xf32, #tpu.memory_space<vmem>>, vector<16xf32>,
        tpu.vector_store %arg17[%swap3A_2006], %add3A_2003 {strides = array<i32>} : memref<16528xf32, #tpu.memory_space<vmem>>, vector<16xf32>,
        %add3A_2008 = arith.constant 8 : i32
        %add3A_2009 = arith.addi %mul3A_81, %add3A_2008 : i32
        %slice3A_2010 = vector.extract_strided_slice %rem3A_92 {offsets = [8], sizes = [1], strides = [1]} : vector<16xi32> to vector<1xi32>
        %squeeze3A_2011 = vector.extract %slice3A_2010[0] : i32 from vector<1xi32>
        %mul3A_2012 = arith.constant 144 : i32
        %mul3A_2013 = arith.muli %squeeze3A_2011, %mul3A_2012 : i32
        %get3A_2014 = arith.index_cast %add3A_2009 : i32 to index
        %get3A_2015 = arith.constant 0 : index
        %get3A_2016 = tpu.vector_load %arg15[%get3A_2014, %get3A_2015] {strides = array<i32>} : memref<128x64xf32, #tpu.memory_space<vmem>>, vector<16xf32>,
        %add3A_2017 = arith.constant 0 : i32
        %add3A_2018 = arith.addi %mul3A_2013, %add3A_2017 : i32
        %get3A_2019 = arith.index_cast %add3A_2018 : i32 to index
        %get3A_2020 = tpu.vector_load %arg18[%get3A_2019] {strides = array<i32>} : memref<2592xf32, #tpu.memory_space<vmem>>, vector<16xf32>,
        %add3A_2021 = arith.addf %get3A_2016, %get3A_2020 : vector<16xf32>
        %get3A_2022 = arith.index_cast %add3A_2009 : i32 to index
        %get3A_2023 = arith.constant 16 : index
        %get3A_2024 = tpu.vector_load %arg15[%get3A_2022, %get3A_2023] {strides = array<i32>} : memref<128x64xf32, #tpu.memory_space<vmem>>, vector<16xf32>,
        %add3A_2025 = arith.constant 16 : i32
        %add3A_2026 = arith.addi %mul3A_2013, %add3A_2025 : i32
        %get3A_2027 = arith.index_cast %add3A_2026 : i32 to index
        %get3A_2028 = tpu.vector_load %arg18[%get3A_2027] {strides = array<i32>} : memref<2592xf32, #tpu.memory_space<vmem>>, vector<16xf32>,
        %add3A_2029 = arith.addf %get3A_2024, %get3A_2028 : vector<16xf32>
        %get3A_2030 = arith.index_cast %add3A_2009 : i32 to index
        %get3A_2031 = arith.constant 32 : index
        %get3A_2032 = tpu.vector_load %arg15[%get3A_2030, %get3A_2031] {strides = array<i32>} : memref<128x64xf32, #tpu.memory_space<vmem>>, vector<16xf32>,
        %add3A_2033 = arith.constant 32 : i32
        %add3A_2034 = arith.addi %mul3A_2013, %add3A_2033 : i32
        %get3A_2035 = arith.index_cast %add3A_2034 : i32 to index
        %get3A_2036 = tpu.vector_load %arg18[%get3A_2035] {strides = array<i32>} : memref<2592xf32, #tpu.memory_space<vmem>>, vector<16xf32>,
        %add3A_2037 = arith.addf %get3A_2032, %get3A_2036 : vector<16xf32>
        %get3A_2038 = arith.index_cast %add3A_2009 : i32 to index
        %get3A_2039 = arith.constant 48 : index
        %get3A_2040 = tpu.vector_load %arg15[%get3A_2038, %get3A_2039] {strides = array<i32>} : memref<128x64xf32, #tpu.memory_space<vmem>>, vector<16xf32>,
        %add3A_2041 = arith.constant 48 : i32
        %add3A_2042 = arith.addi %mul3A_2013, %add3A_2041 : i32
        %get3A_2043 = arith.index_cast %add3A_2042 : i32 to index
        %get3A_2044 = tpu.vector_load %arg18[%get3A_2043] {strides = array<i32>} : memref<2592xf32, #tpu.memory_space<vmem>>, vector<16xf32>,
        %add3A_2045 = arith.addf %get3A_2040, %get3A_2044 : vector<16xf32>
        %get3A_2046 = arith.index_cast %add3A_2009 : i32 to index
        %get3A_2047 = arith.constant 0 : index
        %get3A_2048 = tpu.vector_load %arg16[%get3A_2046, %get3A_2047] {strides = array<i32>} : memref<128x64xf32, #tpu.memory_space<vmem>>, vector<16xf32>,
        %add3A_2049 = arith.constant 64 : i32
        %add3A_2050 = arith.addi %mul3A_2013, %add3A_2049 : i32
        %add3A_2051 = arith.constant 0 : i32
        %add3A_2052 = arith.addi %add3A_2050, %add3A_2051 : i32
        %get3A_2053 = arith.index_cast %add3A_2052 : i32 to index
        %get3A_2054 = tpu.vector_load %arg18[%get3A_2053] {strides = array<i32>} : memref<2592xf32, #tpu.memory_space<vmem>>, vector<16xf32>,
        %add3A_2055 = arith.addf %get3A_2048, %get3A_2054 : vector<16xf32>
        %get3A_2056 = arith.index_cast %add3A_2009 : i32 to index
        %get3A_2057 = arith.constant 16 : index
        %get3A_2058 = tpu.vector_load %arg16[%get3A_2056, %get3A_2057] {strides = array<i32>} : memref<128x64xf32, #tpu.memory_space<vmem>>, vector<16xf32>,
        %add3A_2059 = arith.constant 64 : i32
        %add3A_2060 = arith.addi %mul3A_2013, %add3A_2059 : i32
        %add3A_2061 = arith.constant 16 : i32
        %add3A_2062 = arith.addi %add3A_2060, %add3A_2061 : i32
        %get3A_2063 = arith.index_cast %add3A_2062 : i32 to index
        %get3A_2064 = tpu.vector_load %arg18[%get3A_2063] {strides = array<i32>} : memref<2592xf32, #tpu.memory_space<vmem>>, vector<16xf32>,
        %add3A_2065 = arith.addf %get3A_2058, %get3A_2064 : vector<16xf32>
        %get3A_2066 = arith.index_cast %add3A_2009 : i32 to index
        %get3A_2067 = arith.constant 32 : index
        %get3A_2068 = tpu.vector_load %arg16[%get3A_2066, %get3A_2067] {strides = array<i32>} : memref<128x64xf32, #tpu.memory_space<vmem>>, vector<16xf32>,
        %add3A_2069 = arith.constant 64 : i32
        %add3A_2070 = arith.addi %mul3A_2013, %add3A_2069 : i32
        %add3A_2071 = arith.constant 32 : i32
        %add3A_2072 = arith.addi %add3A_2070, %add3A_2071 : i32
        %get3A_2073 = arith.index_cast %add3A_2072 : i32 to index
        %get3A_2074 = tpu.vector_load %arg18[%get3A_2073] {strides = array<i32>} : memref<2592xf32, #tpu.memory_space<vmem>>, vector<16xf32>,
        %add3A_2075 = arith.addf %get3A_2068, %get3A_2074 : vector<16xf32>
        %get3A_2076 = arith.index_cast %add3A_2009 : i32 to index
        %get3A_2077 = arith.constant 48 : index
        %get3A_2078 = tpu.vector_load %arg16[%get3A_2076, %get3A_2077] {strides = array<i32>} : memref<128x64xf32, #tpu.memory_space<vmem>>, vector<16xf32>,
        %add3A_2079 = arith.constant 64 : i32
        %add3A_2080 = arith.addi %mul3A_2013, %add3A_2079 : i32
        %add3A_2081 = arith.constant 48 : i32
        %add3A_2082 = arith.addi %add3A_2080, %add3A_2081 : i32
        %get3A_2083 = arith.index_cast %add3A_2082 : i32 to index
        %get3A_2084 = tpu.vector_load %arg18[%get3A_2083] {strides = array<i32>} : memref<2592xf32, #tpu.memory_space<vmem>>, vector<16xf32>,
        %add3A_2085 = arith.addf %get3A_2078, %get3A_2084 : vector<16xf32>
        %slice3A_2086 = vector.extract_strided_slice %select_n3A {offsets = [8], sizes = [1], strides = [1]} : vector<16xf32> to vector<1xf32>
        %squeeze3A_2087 = vector.extract %slice3A_2086[0] : f32 from vector<1xf32>
        %add3A_2088 = arith.constant 128 : i32
        %add3A_2089 = arith.addi %mul3A_2013, %add3A_2088 : i32
        %get3A_2090 = arith.index_cast %add3A_2089 : i32 to index
        %get3A_2091 = tpu.vector_load %arg18[%get3A_2090] {strides = array<i32>} : memref<2592xf32, #tpu.memory_space<vmem>>, vector<16xf32>,
        %slice3A_2092 = vector.extract_strided_slice %get3A_2091 {offsets = [0], sizes = [1], strides = [1]} : vector<16xf32> to vector<1xf32>
        %squeeze3A_2093 = vector.extract %slice3A_2092[0] : f32 from vector<1xf32>
        %add3A_2094 = arith.addf %squeeze3A_2087, %squeeze3A_2093 : f32
        %add3A_2095 = arith.addf %add3A_2021, %add3A_2029 : vector<16xf32>
        %add3A_2096 = arith.addf %add3A_2037, %add3A_2045 : vector<16xf32>
        %add3A_2097 = arith.addf %add3A_2095, %add3A_2096 : vector<16xf32>
        %add3A_2098 = arith.addf %add3A_2055, %add3A_2065 : vector<16xf32>
        %add3A_2099 = arith.addf %add3A_2075, %add3A_2085 : vector<16xf32>
        %add3A_2100 = arith.addf %add3A_2098, %add3A_2099 : vector<16xf32>
        %add3A_2101 = arith.addf %add3A_2097, %add3A_2100 : vector<16xf32>
        %mul3A_2102 = arith.mulf %add3A_2021, %add3A_2021 : vector<16xf32>
        %mul3A_2103 = arith.mulf %add3A_2029, %add3A_2029 : vector<16xf32>
        %mul3A_2104 = arith.mulf %add3A_2037, %add3A_2037 : vector<16xf32>
        %mul3A_2105 = arith.mulf %add3A_2045, %add3A_2045 : vector<16xf32>
        %mul3A_2106 = arith.mulf %add3A_2055, %add3A_2055 : vector<16xf32>
        %mul3A_2107 = arith.mulf %add3A_2065, %add3A_2065 : vector<16xf32>
        %mul3A_2108 = arith.mulf %add3A_2075, %add3A_2075 : vector<16xf32>
        %mul3A_2109 = arith.mulf %add3A_2085, %add3A_2085 : vector<16xf32>
        %add3A_2110 = arith.addf %mul3A_2102, %mul3A_2103 : vector<16xf32>
        %add3A_2111 = arith.addf %mul3A_2104, %mul3A_2105 : vector<16xf32>
        %add3A_2112 = arith.addf %add3A_2110, %add3A_2111 : vector<16xf32>
        %add3A_2113 = arith.addf %mul3A_2106, %mul3A_2107 : vector<16xf32>
        %add3A_2114 = arith.addf %mul3A_2108, %mul3A_2109 : vector<16xf32>
        %add3A_2115 = arith.addf %add3A_2113, %add3A_2114 : vector<16xf32>
        %add3A_2116 = arith.addf %add3A_2112, %add3A_2115 : vector<16xf32>
        %reduce_sum3A_2117 = arith.constant true
        %reduce_sum3A_2118 = vector.broadcast %reduce_sum3A_2117 : i1 to vector<16xi1>
        %reduce_sum3A_2119 = tpu.scan <sum>, %add3A_2101 masked %reduce_sum3A_2118 : vector<16xf32>, vector<16xi1> -> vector<16xf32>
        %reduce_sum3A_2120 = vector.extract %reduce_sum3A_2119[15] : f32 from vector<16xf32>
        %add3A_2121 = arith.addf %reduce_sum3A_2120, %add3A_2094 : f32
        %reduce_sum3A_2122 = arith.constant true
        %reduce_sum3A_2123 = vector.broadcast %reduce_sum3A_2122 : i1 to vector<16xi1>
        %reduce_sum3A_2124 = tpu.scan <sum>, %add3A_2116 masked %reduce_sum3A_2123 : vector<16xf32>, vector<16xi1> -> vector<16xf32>
        %reduce_sum3A_2125 = vector.extract %reduce_sum3A_2124[15] : f32 from vector<16xf32>
        %mul3A_2126 = arith.mulf %add3A_2094, %add3A_2094 : f32
        %add3A_2127 = arith.addf %reduce_sum3A_2125, %mul3A_2126 : f32
        %mul3A_2128 = arith.mulf %add3A_2121, %scan3A_44 : f32
        %mul3A_2129 = arith.mulf %add3A_2127, %scan3A_44 : f32
        %mul3A_2130 = arith.mulf %mul3A_2128, %mul3A_2128 : f32
        %sub3A_2131 = arith.subf %mul3A_2129, %mul3A_2130 : f32
        %add3A_2132 = arith.constant 9.99999974E-6 : f32
        %add3A_2133 = arith.addf %sub3A_2131, %add3A_2132 : f32
        %broadcast_in_dim3A_2134 = vector.broadcast %add3A_2133 : f32 to vector<16xf32>
        %bitcast3A_2135 = vector.bitcast %broadcast_in_dim3A_2134 : vector<16xf32> to vector<16xi32>
        %shift_right_logical3A_2136 = arith.constant 1 : i32
        %shift_right_logical3A_2137 = vector.broadcast %shift_right_logical3A_2136 : i32 to vector<16xi32>
        %shift_right_logical3A_2138 = arith.shrui %bitcast3A_2135, %shift_right_logical3A_2137 : vector<16xi32>
        %sub3A_2139 = arith.constant 1597463007 : i32
        %sub3A_2140 = vector.broadcast %sub3A_2139 : i32 to vector<16xi32>
        %sub3A_2141 = arith.subi %sub3A_2140, %shift_right_logical3A_2138 : vector<16xi32>
        %bitcast3A_2142 = vector.bitcast %sub3A_2141 : vector<16xi32> to vector<16xf32>
        %mul3A_2143 = arith.constant 5.000000e-01 : f32
        %mul3A_2144 = vector.broadcast %mul3A_2143 : f32 to vector<16xf32>
        %mul3A_2145 = arith.mulf %mul3A_2144, %broadcast_in_dim3A_2134 : vector<16xf32>
        %mul3A_2146 = arith.mulf %mul3A_2145, %bitcast3A_2142 : vector<16xf32>
        %mul3A_2147 = arith.mulf %mul3A_2146, %bitcast3A_2142 : vector<16xf32>
        %sub3A_2148 = arith.constant 1.500000e+00 : f32
        %sub3A_2149 = vector.broadcast %sub3A_2148 : f32 to vector<16xf32>
        %sub3A_2150 = arith.subf %sub3A_2149, %mul3A_2147 : vector<16xf32>
        %mul3A_2151 = arith.mulf %bitcast3A_2142, %sub3A_2150 : vector<16xf32>
        %mul3A_2152 = arith.constant 5.000000e-01 : f32
        %mul3A_2153 = vector.broadcast %mul3A_2152 : f32 to vector<16xf32>
        %mul3A_2154 = arith.mulf %mul3A_2153, %broadcast_in_dim3A_2134 : vector<16xf32>
        %mul3A_2155 = arith.mulf %mul3A_2154, %mul3A_2151 : vector<16xf32>
        %mul3A_2156 = arith.mulf %mul3A_2155, %mul3A_2151 : vector<16xf32>
        %sub3A_2157 = arith.constant 1.500000e+00 : f32
        %sub3A_2158 = vector.broadcast %sub3A_2157 : f32 to vector<16xf32>
        %sub3A_2159 = arith.subf %sub3A_2158, %mul3A_2156 : vector<16xf32>
        %mul3A_2160 = arith.mulf %mul3A_2151, %sub3A_2159 : vector<16xf32>
        %mul3A_2161 = arith.constant 5.000000e-01 : f32
        %mul3A_2162 = vector.broadcast %mul3A_2161 : f32 to vector<16xf32>
        %mul3A_2163 = arith.mulf %mul3A_2162, %broadcast_in_dim3A_2134 : vector<16xf32>
        %mul3A_2164 = arith.mulf %mul3A_2163, %mul3A_2160 : vector<16xf32>
        %mul3A_2165 = arith.mulf %mul3A_2164, %mul3A_2160 : vector<16xf32>
        %sub3A_2166 = arith.constant 1.500000e+00 : f32
        %sub3A_2167 = vector.broadcast %sub3A_2166 : f32 to vector<16xf32>
        %sub3A_2168 = arith.subf %sub3A_2167, %mul3A_2165 : vector<16xf32>
        %mul3A_2169 = arith.mulf %mul3A_2160, %sub3A_2168 : vector<16xf32>
        %broadcast_in_dim3A_2170 = vector.broadcast %mul3A_2128 : f32 to vector<16xf32>
        %mul3A_2171 = arith.constant 129 : i32
        %mul3A_2172 = arith.muli %add3A_2009, %mul3A_2171 : i32
        %sub3A_2173 = arith.subf %add3A_2021, %broadcast_in_dim3A_2170 : vector<16xf32>
        %mul3A_2174 = arith.mulf %sub3A_2173, %mul3A_2169 : vector<16xf32>
        %mul3A_2175 = arith.mulf %mul3A_2174, %get3A_7 : vector<16xf32>
        %add3A_2176 = arith.addf %mul3A_2175, %get3A_23 : vector<16xf32>
        %add3A_2177 = arith.constant 0 : i32
        %add3A_2178 = arith.addi %mul3A_2172, %add3A_2177 : i32
        %swap3A_2179 = arith.index_cast %add3A_2178 : i32 to index
        %swap3A_2180 = tpu.vector_load %arg17[%swap3A_2179] {strides = array<i32>} : memref<16528xf32, #tpu.memory_space<vmem>>, vector<16xf32>,
        tpu.vector_store %arg17[%swap3A_2179], %add3A_2176 {strides = array<i32>} : memref<16528xf32, #tpu.memory_space<vmem>>, vector<16xf32>,
        %sub3A_2181 = arith.subf %add3A_2029, %broadcast_in_dim3A_2170 : vector<16xf32>
        %mul3A_2182 = arith.mulf %sub3A_2181, %mul3A_2169 : vector<16xf32>
        %mul3A_2183 = arith.mulf %mul3A_2182, %get3A_9 : vector<16xf32>
        %add3A_2184 = arith.addf %mul3A_2183, %get3A_25 : vector<16xf32>
        %add3A_2185 = arith.constant 16 : i32
        %add3A_2186 = arith.addi %mul3A_2172, %add3A_2185 : i32
        %swap3A_2187 = arith.index_cast %add3A_2186 : i32 to index
        %swap3A_2188 = tpu.vector_load %arg17[%swap3A_2187] {strides = array<i32>} : memref<16528xf32, #tpu.memory_space<vmem>>, vector<16xf32>,
        tpu.vector_store %arg17[%swap3A_2187], %add3A_2184 {strides = array<i32>} : memref<16528xf32, #tpu.memory_space<vmem>>, vector<16xf32>,
        %sub3A_2189 = arith.subf %add3A_2037, %broadcast_in_dim3A_2170 : vector<16xf32>
        %mul3A_2190 = arith.mulf %sub3A_2189, %mul3A_2169 : vector<16xf32>
        %mul3A_2191 = arith.mulf %mul3A_2190, %get3A_11 : vector<16xf32>
        %add3A_2192 = arith.addf %mul3A_2191, %get3A_27 : vector<16xf32>
        %add3A_2193 = arith.constant 32 : i32
        %add3A_2194 = arith.addi %mul3A_2172, %add3A_2193 : i32
        %swap3A_2195 = arith.index_cast %add3A_2194 : i32 to index
        %swap3A_2196 = tpu.vector_load %arg17[%swap3A_2195] {strides = array<i32>} : memref<16528xf32, #tpu.memory_space<vmem>>, vector<16xf32>,
        tpu.vector_store %arg17[%swap3A_2195], %add3A_2192 {strides = array<i32>} : memref<16528xf32, #tpu.memory_space<vmem>>, vector<16xf32>,
        %sub3A_2197 = arith.subf %add3A_2045, %broadcast_in_dim3A_2170 : vector<16xf32>
        %mul3A_2198 = arith.mulf %sub3A_2197, %mul3A_2169 : vector<16xf32>
        %mul3A_2199 = arith.mulf %mul3A_2198, %get3A_13 : vector<16xf32>
        %add3A_2200 = arith.addf %mul3A_2199, %get3A_29 : vector<16xf32>
        %add3A_2201 = arith.constant 48 : i32
        %add3A_2202 = arith.addi %mul3A_2172, %add3A_2201 : i32
        %swap3A_2203 = arith.index_cast %add3A_2202 : i32 to index
        %swap3A_2204 = tpu.vector_load %arg17[%swap3A_2203] {strides = array<i32>} : memref<16528xf32, #tpu.memory_space<vmem>>, vector<16xf32>,
        tpu.vector_store %arg17[%swap3A_2203], %add3A_2200 {strides = array<i32>} : memref<16528xf32, #tpu.memory_space<vmem>>, vector<16xf32>,
        %sub3A_2205 = arith.subf %add3A_2055, %broadcast_in_dim3A_2170 : vector<16xf32>
        %mul3A_2206 = arith.mulf %sub3A_2205, %mul3A_2169 : vector<16xf32>
        %mul3A_2207 = arith.mulf %mul3A_2206, %get3A_15 : vector<16xf32>
        %add3A_2208 = arith.addf %mul3A_2207, %get3A_31 : vector<16xf32>
        %add3A_2209 = arith.constant 64 : i32
        %add3A_2210 = arith.addi %mul3A_2172, %add3A_2209 : i32
        %swap3A_2211 = arith.index_cast %add3A_2210 : i32 to index
        %swap3A_2212 = tpu.vector_load %arg17[%swap3A_2211] {strides = array<i32>} : memref<16528xf32, #tpu.memory_space<vmem>>, vector<16xf32>,
        tpu.vector_store %arg17[%swap3A_2211], %add3A_2208 {strides = array<i32>} : memref<16528xf32, #tpu.memory_space<vmem>>, vector<16xf32>,
        %sub3A_2213 = arith.subf %add3A_2065, %broadcast_in_dim3A_2170 : vector<16xf32>
        %mul3A_2214 = arith.mulf %sub3A_2213, %mul3A_2169 : vector<16xf32>
        %mul3A_2215 = arith.mulf %mul3A_2214, %get3A_17 : vector<16xf32>
        %add3A_2216 = arith.addf %mul3A_2215, %get3A_33 : vector<16xf32>
        %add3A_2217 = arith.constant 80 : i32
        %add3A_2218 = arith.addi %mul3A_2172, %add3A_2217 : i32
        %swap3A_2219 = arith.index_cast %add3A_2218 : i32 to index
        %swap3A_2220 = tpu.vector_load %arg17[%swap3A_2219] {strides = array<i32>} : memref<16528xf32, #tpu.memory_space<vmem>>, vector<16xf32>,
        tpu.vector_store %arg17[%swap3A_2219], %add3A_2216 {strides = array<i32>} : memref<16528xf32, #tpu.memory_space<vmem>>, vector<16xf32>,
        %sub3A_2221 = arith.subf %add3A_2075, %broadcast_in_dim3A_2170 : vector<16xf32>
        %mul3A_2222 = arith.mulf %sub3A_2221, %mul3A_2169 : vector<16xf32>
        %mul3A_2223 = arith.mulf %mul3A_2222, %get3A_19 : vector<16xf32>
        %add3A_2224 = arith.addf %mul3A_2223, %get3A_35 : vector<16xf32>
        %add3A_2225 = arith.constant 96 : i32
        %add3A_2226 = arith.addi %mul3A_2172, %add3A_2225 : i32
        %swap3A_2227 = arith.index_cast %add3A_2226 : i32 to index
        %swap3A_2228 = tpu.vector_load %arg17[%swap3A_2227] {strides = array<i32>} : memref<16528xf32, #tpu.memory_space<vmem>>, vector<16xf32>,
        tpu.vector_store %arg17[%swap3A_2227], %add3A_2224 {strides = array<i32>} : memref<16528xf32, #tpu.memory_space<vmem>>, vector<16xf32>,
        %sub3A_2229 = arith.subf %add3A_2085, %broadcast_in_dim3A_2170 : vector<16xf32>
        %mul3A_2230 = arith.mulf %sub3A_2229, %mul3A_2169 : vector<16xf32>
        %mul3A_2231 = arith.mulf %mul3A_2230, %get3A_21 : vector<16xf32>
        %add3A_2232 = arith.addf %mul3A_2231, %get3A_37 : vector<16xf32>
        %add3A_2233 = arith.constant 112 : i32
        %add3A_2234 = arith.addi %mul3A_2172, %add3A_2233 : i32
        %swap3A_2235 = arith.index_cast %add3A_2234 : i32 to index
        %swap3A_2236 = tpu.vector_load %arg17[%swap3A_2235] {strides = array<i32>} : memref<16528xf32, #tpu.memory_space<vmem>>, vector<16xf32>,
        tpu.vector_store %arg17[%swap3A_2235], %add3A_2232 {strides = array<i32>} : memref<16528xf32, #tpu.memory_space<vmem>>, vector<16xf32>,
        %sub3A_2237 = arith.subf %add3A_2094, %mul3A_2128 : f32
        %broadcast_in_dim3A_2238 = vector.broadcast %sub3A_2237 : f32 to vector<16xf32>
        %mul3A_2239 = arith.mulf %broadcast_in_dim3A_2238, %mul3A_2169 : vector<16xf32>
        %mul3A_2240 = vector.broadcast %squeeze3A : f32 to vector<16xf32>
        %mul3A_2241 = arith.mulf %mul3A_2239, %mul3A_2240 : vector<16xf32>
        %add3A_2242 = vector.broadcast %squeeze3A_43 : f32 to vector<16xf32>
        %add3A_2243 = arith.addf %mul3A_2241, %add3A_2242 : vector<16xf32>
        %add3A_2244 = arith.constant 128 : i32
        %add3A_2245 = arith.addi %mul3A_2172, %add3A_2244 : i32
        %swap3A_2246 = arith.index_cast %add3A_2245 : i32 to index
        %swap3A_2247 = tpu.vector_load %arg17[%swap3A_2246] {strides = array<i32>} : memref<16528xf32, #tpu.memory_space<vmem>>, vector<16xf32>,
        tpu.vector_store %arg17[%swap3A_2246], %add3A_2243 {strides = array<i32>} : memref<16528xf32, #tpu.memory_space<vmem>>, vector<16xf32>,
        %add3A_2248 = arith.constant 9 : i32
        %add3A_2249 = arith.addi %mul3A_81, %add3A_2248 : i32
        %slice3A_2250 = vector.extract_strided_slice %rem3A_92 {offsets = [9], sizes = [1], strides = [1]} : vector<16xi32> to vector<1xi32>
        %squeeze3A_2251 = vector.extract %slice3A_2250[0] : i32 from vector<1xi32>
        %mul3A_2252 = arith.constant 144 : i32
        %mul3A_2253 = arith.muli %squeeze3A_2251, %mul3A_2252 : i32
        %get3A_2254 = arith.index_cast %add3A_2249 : i32 to index
        %get3A_2255 = arith.constant 0 : index
        %get3A_2256 = tpu.vector_load %arg15[%get3A_2254, %get3A_2255] {strides = array<i32>} : memref<128x64xf32, #tpu.memory_space<vmem>>, vector<16xf32>,
        %add3A_2257 = arith.constant 0 : i32
        %add3A_2258 = arith.addi %mul3A_2253, %add3A_2257 : i32
        %get3A_2259 = arith.index_cast %add3A_2258 : i32 to index
        %get3A_2260 = tpu.vector_load %arg18[%get3A_2259] {strides = array<i32>} : memref<2592xf32, #tpu.memory_space<vmem>>, vector<16xf32>,
        %add3A_2261 = arith.addf %get3A_2256, %get3A_2260 : vector<16xf32>
        %get3A_2262 = arith.index_cast %add3A_2249 : i32 to index
        %get3A_2263 = arith.constant 16 : index
        %get3A_2264 = tpu.vector_load %arg15[%get3A_2262, %get3A_2263] {strides = array<i32>} : memref<128x64xf32, #tpu.memory_space<vmem>>, vector<16xf32>,
        %add3A_2265 = arith.constant 16 : i32
        %add3A_2266 = arith.addi %mul3A_2253, %add3A_2265 : i32
        %get3A_2267 = arith.index_cast %add3A_2266 : i32 to index
        %get3A_2268 = tpu.vector_load %arg18[%get3A_2267] {strides = array<i32>} : memref<2592xf32, #tpu.memory_space<vmem>>, vector<16xf32>,
        %add3A_2269 = arith.addf %get3A_2264, %get3A_2268 : vector<16xf32>
        %get3A_2270 = arith.index_cast %add3A_2249 : i32 to index
        %get3A_2271 = arith.constant 32 : index
        %get3A_2272 = tpu.vector_load %arg15[%get3A_2270, %get3A_2271] {strides = array<i32>} : memref<128x64xf32, #tpu.memory_space<vmem>>, vector<16xf32>,
        %add3A_2273 = arith.constant 32 : i32
        %add3A_2274 = arith.addi %mul3A_2253, %add3A_2273 : i32
        %get3A_2275 = arith.index_cast %add3A_2274 : i32 to index
        %get3A_2276 = tpu.vector_load %arg18[%get3A_2275] {strides = array<i32>} : memref<2592xf32, #tpu.memory_space<vmem>>, vector<16xf32>,
        %add3A_2277 = arith.addf %get3A_2272, %get3A_2276 : vector<16xf32>
        %get3A_2278 = arith.index_cast %add3A_2249 : i32 to index
        %get3A_2279 = arith.constant 48 : index
        %get3A_2280 = tpu.vector_load %arg15[%get3A_2278, %get3A_2279] {strides = array<i32>} : memref<128x64xf32, #tpu.memory_space<vmem>>, vector<16xf32>,
        %add3A_2281 = arith.constant 48 : i32
        %add3A_2282 = arith.addi %mul3A_2253, %add3A_2281 : i32
        %get3A_2283 = arith.index_cast %add3A_2282 : i32 to index
        %get3A_2284 = tpu.vector_load %arg18[%get3A_2283] {strides = array<i32>} : memref<2592xf32, #tpu.memory_space<vmem>>, vector<16xf32>,
        %add3A_2285 = arith.addf %get3A_2280, %get3A_2284 : vector<16xf32>
        %get3A_2286 = arith.index_cast %add3A_2249 : i32 to index
        %get3A_2287 = arith.constant 0 : index
        %get3A_2288 = tpu.vector_load %arg16[%get3A_2286, %get3A_2287] {strides = array<i32>} : memref<128x64xf32, #tpu.memory_space<vmem>>, vector<16xf32>,
        %add3A_2289 = arith.constant 64 : i32
        %add3A_2290 = arith.addi %mul3A_2253, %add3A_2289 : i32
        %add3A_2291 = arith.constant 0 : i32
        %add3A_2292 = arith.addi %add3A_2290, %add3A_2291 : i32
        %get3A_2293 = arith.index_cast %add3A_2292 : i32 to index
        %get3A_2294 = tpu.vector_load %arg18[%get3A_2293] {strides = array<i32>} : memref<2592xf32, #tpu.memory_space<vmem>>, vector<16xf32>,
        %add3A_2295 = arith.addf %get3A_2288, %get3A_2294 : vector<16xf32>
        %get3A_2296 = arith.index_cast %add3A_2249 : i32 to index
        %get3A_2297 = arith.constant 16 : index
        %get3A_2298 = tpu.vector_load %arg16[%get3A_2296, %get3A_2297] {strides = array<i32>} : memref<128x64xf32, #tpu.memory_space<vmem>>, vector<16xf32>,
        %add3A_2299 = arith.constant 64 : i32
        %add3A_2300 = arith.addi %mul3A_2253, %add3A_2299 : i32
        %add3A_2301 = arith.constant 16 : i32
        %add3A_2302 = arith.addi %add3A_2300, %add3A_2301 : i32
        %get3A_2303 = arith.index_cast %add3A_2302 : i32 to index
        %get3A_2304 = tpu.vector_load %arg18[%get3A_2303] {strides = array<i32>} : memref<2592xf32, #tpu.memory_space<vmem>>, vector<16xf32>,
        %add3A_2305 = arith.addf %get3A_2298, %get3A_2304 : vector<16xf32>
        %get3A_2306 = arith.index_cast %add3A_2249 : i32 to index
        %get3A_2307 = arith.constant 32 : index
        %get3A_2308 = tpu.vector_load %arg16[%get3A_2306, %get3A_2307] {strides = array<i32>} : memref<128x64xf32, #tpu.memory_space<vmem>>, vector<16xf32>,
        %add3A_2309 = arith.constant 64 : i32
        %add3A_2310 = arith.addi %mul3A_2253, %add3A_2309 : i32
        %add3A_2311 = arith.constant 32 : i32
        %add3A_2312 = arith.addi %add3A_2310, %add3A_2311 : i32
        %get3A_2313 = arith.index_cast %add3A_2312 : i32 to index
        %get3A_2314 = tpu.vector_load %arg18[%get3A_2313] {strides = array<i32>} : memref<2592xf32, #tpu.memory_space<vmem>>, vector<16xf32>,
        %add3A_2315 = arith.addf %get3A_2308, %get3A_2314 : vector<16xf32>
        %get3A_2316 = arith.index_cast %add3A_2249 : i32 to index
        %get3A_2317 = arith.constant 48 : index
        %get3A_2318 = tpu.vector_load %arg16[%get3A_2316, %get3A_2317] {strides = array<i32>} : memref<128x64xf32, #tpu.memory_space<vmem>>, vector<16xf32>,
        %add3A_2319 = arith.constant 64 : i32
        %add3A_2320 = arith.addi %mul3A_2253, %add3A_2319 : i32
        %add3A_2321 = arith.constant 48 : i32
        %add3A_2322 = arith.addi %add3A_2320, %add3A_2321 : i32
        %get3A_2323 = arith.index_cast %add3A_2322 : i32 to index
        %get3A_2324 = tpu.vector_load %arg18[%get3A_2323] {strides = array<i32>} : memref<2592xf32, #tpu.memory_space<vmem>>, vector<16xf32>,
        %add3A_2325 = arith.addf %get3A_2318, %get3A_2324 : vector<16xf32>
        %slice3A_2326 = vector.extract_strided_slice %select_n3A {offsets = [9], sizes = [1], strides = [1]} : vector<16xf32> to vector<1xf32>
        %squeeze3A_2327 = vector.extract %slice3A_2326[0] : f32 from vector<1xf32>
        %add3A_2328 = arith.constant 128 : i32
        %add3A_2329 = arith.addi %mul3A_2253, %add3A_2328 : i32
        %get3A_2330 = arith.index_cast %add3A_2329 : i32 to index
        %get3A_2331 = tpu.vector_load %arg18[%get3A_2330] {strides = array<i32>} : memref<2592xf32, #tpu.memory_space<vmem>>, vector<16xf32>,
        %slice3A_2332 = vector.extract_strided_slice %get3A_2331 {offsets = [0], sizes = [1], strides = [1]} : vector<16xf32> to vector<1xf32>
        %squeeze3A_2333 = vector.extract %slice3A_2332[0] : f32 from vector<1xf32>
        %add3A_2334 = arith.addf %squeeze3A_2327, %squeeze3A_2333 : f32
        %add3A_2335 = arith.addf %add3A_2261, %add3A_2269 : vector<16xf32>
        %add3A_2336 = arith.addf %add3A_2277, %add3A_2285 : vector<16xf32>
        %add3A_2337 = arith.addf %add3A_2335, %add3A_2336 : vector<16xf32>
        %add3A_2338 = arith.addf %add3A_2295, %add3A_2305 : vector<16xf32>
        %add3A_2339 = arith.addf %add3A_2315, %add3A_2325 : vector<16xf32>
        %add3A_2340 = arith.addf %add3A_2338, %add3A_2339 : vector<16xf32>
        %add3A_2341 = arith.addf %add3A_2337, %add3A_2340 : vector<16xf32>
        %mul3A_2342 = arith.mulf %add3A_2261, %add3A_2261 : vector<16xf32>
        %mul3A_2343 = arith.mulf %add3A_2269, %add3A_2269 : vector<16xf32>
        %mul3A_2344 = arith.mulf %add3A_2277, %add3A_2277 : vector<16xf32>
        %mul3A_2345 = arith.mulf %add3A_2285, %add3A_2285 : vector<16xf32>
        %mul3A_2346 = arith.mulf %add3A_2295, %add3A_2295 : vector<16xf32>
        %mul3A_2347 = arith.mulf %add3A_2305, %add3A_2305 : vector<16xf32>
        %mul3A_2348 = arith.mulf %add3A_2315, %add3A_2315 : vector<16xf32>
        %mul3A_2349 = arith.mulf %add3A_2325, %add3A_2325 : vector<16xf32>
        %add3A_2350 = arith.addf %mul3A_2342, %mul3A_2343 : vector<16xf32>
        %add3A_2351 = arith.addf %mul3A_2344, %mul3A_2345 : vector<16xf32>
        %add3A_2352 = arith.addf %add3A_2350, %add3A_2351 : vector<16xf32>
        %add3A_2353 = arith.addf %mul3A_2346, %mul3A_2347 : vector<16xf32>
        %add3A_2354 = arith.addf %mul3A_2348, %mul3A_2349 : vector<16xf32>
        %add3A_2355 = arith.addf %add3A_2353, %add3A_2354 : vector<16xf32>
        %add3A_2356 = arith.addf %add3A_2352, %add3A_2355 : vector<16xf32>
        %reduce_sum3A_2357 = arith.constant true
        %reduce_sum3A_2358 = vector.broadcast %reduce_sum3A_2357 : i1 to vector<16xi1>
        %reduce_sum3A_2359 = tpu.scan <sum>, %add3A_2341 masked %reduce_sum3A_2358 : vector<16xf32>, vector<16xi1> -> vector<16xf32>
        %reduce_sum3A_2360 = vector.extract %reduce_sum3A_2359[15] : f32 from vector<16xf32>
        %add3A_2361 = arith.addf %reduce_sum3A_2360, %add3A_2334 : f32
        %reduce_sum3A_2362 = arith.constant true
        %reduce_sum3A_2363 = vector.broadcast %reduce_sum3A_2362 : i1 to vector<16xi1>
        %reduce_sum3A_2364 = tpu.scan <sum>, %add3A_2356 masked %reduce_sum3A_2363 : vector<16xf32>, vector<16xi1> -> vector<16xf32>
        %reduce_sum3A_2365 = vector.extract %reduce_sum3A_2364[15] : f32 from vector<16xf32>
        %mul3A_2366 = arith.mulf %add3A_2334, %add3A_2334 : f32
        %add3A_2367 = arith.addf %reduce_sum3A_2365, %mul3A_2366 : f32
        %mul3A_2368 = arith.mulf %add3A_2361, %scan3A_44 : f32
        %mul3A_2369 = arith.mulf %add3A_2367, %scan3A_44 : f32
        %mul3A_2370 = arith.mulf %mul3A_2368, %mul3A_2368 : f32
        %sub3A_2371 = arith.subf %mul3A_2369, %mul3A_2370 : f32
        %add3A_2372 = arith.constant 9.99999974E-6 : f32
        %add3A_2373 = arith.addf %sub3A_2371, %add3A_2372 : f32
        %broadcast_in_dim3A_2374 = vector.broadcast %add3A_2373 : f32 to vector<16xf32>
        %bitcast3A_2375 = vector.bitcast %broadcast_in_dim3A_2374 : vector<16xf32> to vector<16xi32>
        %shift_right_logical3A_2376 = arith.constant 1 : i32
        %shift_right_logical3A_2377 = vector.broadcast %shift_right_logical3A_2376 : i32 to vector<16xi32>
        %shift_right_logical3A_2378 = arith.shrui %bitcast3A_2375, %shift_right_logical3A_2377 : vector<16xi32>
        %sub3A_2379 = arith.constant 1597463007 : i32
        %sub3A_2380 = vector.broadcast %sub3A_2379 : i32 to vector<16xi32>
        %sub3A_2381 = arith.subi %sub3A_2380, %shift_right_logical3A_2378 : vector<16xi32>
        %bitcast3A_2382 = vector.bitcast %sub3A_2381 : vector<16xi32> to vector<16xf32>
        %mul3A_2383 = arith.constant 5.000000e-01 : f32
        %mul3A_2384 = vector.broadcast %mul3A_2383 : f32 to vector<16xf32>
        %mul3A_2385 = arith.mulf %mul3A_2384, %broadcast_in_dim3A_2374 : vector<16xf32>
        %mul3A_2386 = arith.mulf %mul3A_2385, %bitcast3A_2382 : vector<16xf32>
        %mul3A_2387 = arith.mulf %mul3A_2386, %bitcast3A_2382 : vector<16xf32>
        %sub3A_2388 = arith.constant 1.500000e+00 : f32
        %sub3A_2389 = vector.broadcast %sub3A_2388 : f32 to vector<16xf32>
        %sub3A_2390 = arith.subf %sub3A_2389, %mul3A_2387 : vector<16xf32>
        %mul3A_2391 = arith.mulf %bitcast3A_2382, %sub3A_2390 : vector<16xf32>
        %mul3A_2392 = arith.constant 5.000000e-01 : f32
        %mul3A_2393 = vector.broadcast %mul3A_2392 : f32 to vector<16xf32>
        %mul3A_2394 = arith.mulf %mul3A_2393, %broadcast_in_dim3A_2374 : vector<16xf32>
        %mul3A_2395 = arith.mulf %mul3A_2394, %mul3A_2391 : vector<16xf32>
        %mul3A_2396 = arith.mulf %mul3A_2395, %mul3A_2391 : vector<16xf32>
        %sub3A_2397 = arith.constant 1.500000e+00 : f32
        %sub3A_2398 = vector.broadcast %sub3A_2397 : f32 to vector<16xf32>
        %sub3A_2399 = arith.subf %sub3A_2398, %mul3A_2396 : vector<16xf32>
        %mul3A_2400 = arith.mulf %mul3A_2391, %sub3A_2399 : vector<16xf32>
        %mul3A_2401 = arith.constant 5.000000e-01 : f32
        %mul3A_2402 = vector.broadcast %mul3A_2401 : f32 to vector<16xf32>
        %mul3A_2403 = arith.mulf %mul3A_2402, %broadcast_in_dim3A_2374 : vector<16xf32>
        %mul3A_2404 = arith.mulf %mul3A_2403, %mul3A_2400 : vector<16xf32>
        %mul3A_2405 = arith.mulf %mul3A_2404, %mul3A_2400 : vector<16xf32>
        %sub3A_2406 = arith.constant 1.500000e+00 : f32
        %sub3A_2407 = vector.broadcast %sub3A_2406 : f32 to vector<16xf32>
        %sub3A_2408 = arith.subf %sub3A_2407, %mul3A_2405 : vector<16xf32>
        %mul3A_2409 = arith.mulf %mul3A_2400, %sub3A_2408 : vector<16xf32>
        %broadcast_in_dim3A_2410 = vector.broadcast %mul3A_2368 : f32 to vector<16xf32>
        %mul3A_2411 = arith.constant 129 : i32
        %mul3A_2412 = arith.muli %add3A_2249, %mul3A_2411 : i32
        %sub3A_2413 = arith.subf %add3A_2261, %broadcast_in_dim3A_2410 : vector<16xf32>
        %mul3A_2414 = arith.mulf %sub3A_2413, %mul3A_2409 : vector<16xf32>
        %mul3A_2415 = arith.mulf %mul3A_2414, %get3A_7 : vector<16xf32>
        %add3A_2416 = arith.addf %mul3A_2415, %get3A_23 : vector<16xf32>
        %add3A_2417 = arith.constant 0 : i32
        %add3A_2418 = arith.addi %mul3A_2412, %add3A_2417 : i32
        %swap3A_2419 = arith.index_cast %add3A_2418 : i32 to index
        %swap3A_2420 = tpu.vector_load %arg17[%swap3A_2419] {strides = array<i32>} : memref<16528xf32, #tpu.memory_space<vmem>>, vector<16xf32>,
        tpu.vector_store %arg17[%swap3A_2419], %add3A_2416 {strides = array<i32>} : memref<16528xf32, #tpu.memory_space<vmem>>, vector<16xf32>,
        %sub3A_2421 = arith.subf %add3A_2269, %broadcast_in_dim3A_2410 : vector<16xf32>
        %mul3A_2422 = arith.mulf %sub3A_2421, %mul3A_2409 : vector<16xf32>
        %mul3A_2423 = arith.mulf %mul3A_2422, %get3A_9 : vector<16xf32>
        %add3A_2424 = arith.addf %mul3A_2423, %get3A_25 : vector<16xf32>
        %add3A_2425 = arith.constant 16 : i32
        %add3A_2426 = arith.addi %mul3A_2412, %add3A_2425 : i32
        %swap3A_2427 = arith.index_cast %add3A_2426 : i32 to index
        %swap3A_2428 = tpu.vector_load %arg17[%swap3A_2427] {strides = array<i32>} : memref<16528xf32, #tpu.memory_space<vmem>>, vector<16xf32>,
        tpu.vector_store %arg17[%swap3A_2427], %add3A_2424 {strides = array<i32>} : memref<16528xf32, #tpu.memory_space<vmem>>, vector<16xf32>,
        %sub3A_2429 = arith.subf %add3A_2277, %broadcast_in_dim3A_2410 : vector<16xf32>
        %mul3A_2430 = arith.mulf %sub3A_2429, %mul3A_2409 : vector<16xf32>
        %mul3A_2431 = arith.mulf %mul3A_2430, %get3A_11 : vector<16xf32>
        %add3A_2432 = arith.addf %mul3A_2431, %get3A_27 : vector<16xf32>
        %add3A_2433 = arith.constant 32 : i32
        %add3A_2434 = arith.addi %mul3A_2412, %add3A_2433 : i32
        %swap3A_2435 = arith.index_cast %add3A_2434 : i32 to index
        %swap3A_2436 = tpu.vector_load %arg17[%swap3A_2435] {strides = array<i32>} : memref<16528xf32, #tpu.memory_space<vmem>>, vector<16xf32>,
        tpu.vector_store %arg17[%swap3A_2435], %add3A_2432 {strides = array<i32>} : memref<16528xf32, #tpu.memory_space<vmem>>, vector<16xf32>,
        %sub3A_2437 = arith.subf %add3A_2285, %broadcast_in_dim3A_2410 : vector<16xf32>
        %mul3A_2438 = arith.mulf %sub3A_2437, %mul3A_2409 : vector<16xf32>
        %mul3A_2439 = arith.mulf %mul3A_2438, %get3A_13 : vector<16xf32>
        %add3A_2440 = arith.addf %mul3A_2439, %get3A_29 : vector<16xf32>
        %add3A_2441 = arith.constant 48 : i32
        %add3A_2442 = arith.addi %mul3A_2412, %add3A_2441 : i32
        %swap3A_2443 = arith.index_cast %add3A_2442 : i32 to index
        %swap3A_2444 = tpu.vector_load %arg17[%swap3A_2443] {strides = array<i32>} : memref<16528xf32, #tpu.memory_space<vmem>>, vector<16xf32>,
        tpu.vector_store %arg17[%swap3A_2443], %add3A_2440 {strides = array<i32>} : memref<16528xf32, #tpu.memory_space<vmem>>, vector<16xf32>,
        %sub3A_2445 = arith.subf %add3A_2295, %broadcast_in_dim3A_2410 : vector<16xf32>
        %mul3A_2446 = arith.mulf %sub3A_2445, %mul3A_2409 : vector<16xf32>
        %mul3A_2447 = arith.mulf %mul3A_2446, %get3A_15 : vector<16xf32>
        %add3A_2448 = arith.addf %mul3A_2447, %get3A_31 : vector<16xf32>
        %add3A_2449 = arith.constant 64 : i32
        %add3A_2450 = arith.addi %mul3A_2412, %add3A_2449 : i32
        %swap3A_2451 = arith.index_cast %add3A_2450 : i32 to index
        %swap3A_2452 = tpu.vector_load %arg17[%swap3A_2451] {strides = array<i32>} : memref<16528xf32, #tpu.memory_space<vmem>>, vector<16xf32>,
        tpu.vector_store %arg17[%swap3A_2451], %add3A_2448 {strides = array<i32>} : memref<16528xf32, #tpu.memory_space<vmem>>, vector<16xf32>,
        %sub3A_2453 = arith.subf %add3A_2305, %broadcast_in_dim3A_2410 : vector<16xf32>
        %mul3A_2454 = arith.mulf %sub3A_2453, %mul3A_2409 : vector<16xf32>
        %mul3A_2455 = arith.mulf %mul3A_2454, %get3A_17 : vector<16xf32>
        %add3A_2456 = arith.addf %mul3A_2455, %get3A_33 : vector<16xf32>
        %add3A_2457 = arith.constant 80 : i32
        %add3A_2458 = arith.addi %mul3A_2412, %add3A_2457 : i32
        %swap3A_2459 = arith.index_cast %add3A_2458 : i32 to index
        %swap3A_2460 = tpu.vector_load %arg17[%swap3A_2459] {strides = array<i32>} : memref<16528xf32, #tpu.memory_space<vmem>>, vector<16xf32>,
        tpu.vector_store %arg17[%swap3A_2459], %add3A_2456 {strides = array<i32>} : memref<16528xf32, #tpu.memory_space<vmem>>, vector<16xf32>,
        %sub3A_2461 = arith.subf %add3A_2315, %broadcast_in_dim3A_2410 : vector<16xf32>
        %mul3A_2462 = arith.mulf %sub3A_2461, %mul3A_2409 : vector<16xf32>
        %mul3A_2463 = arith.mulf %mul3A_2462, %get3A_19 : vector<16xf32>
        %add3A_2464 = arith.addf %mul3A_2463, %get3A_35 : vector<16xf32>
        %add3A_2465 = arith.constant 96 : i32
        %add3A_2466 = arith.addi %mul3A_2412, %add3A_2465 : i32
        %swap3A_2467 = arith.index_cast %add3A_2466 : i32 to index
        %swap3A_2468 = tpu.vector_load %arg17[%swap3A_2467] {strides = array<i32>} : memref<16528xf32, #tpu.memory_space<vmem>>, vector<16xf32>,
        tpu.vector_store %arg17[%swap3A_2467], %add3A_2464 {strides = array<i32>} : memref<16528xf32, #tpu.memory_space<vmem>>, vector<16xf32>,
        %sub3A_2469 = arith.subf %add3A_2325, %broadcast_in_dim3A_2410 : vector<16xf32>
        %mul3A_2470 = arith.mulf %sub3A_2469, %mul3A_2409 : vector<16xf32>
        %mul3A_2471 = arith.mulf %mul3A_2470, %get3A_21 : vector<16xf32>
        %add3A_2472 = arith.addf %mul3A_2471, %get3A_37 : vector<16xf32>
        %add3A_2473 = arith.constant 112 : i32
        %add3A_2474 = arith.addi %mul3A_2412, %add3A_2473 : i32
        %swap3A_2475 = arith.index_cast %add3A_2474 : i32 to index
        %swap3A_2476 = tpu.vector_load %arg17[%swap3A_2475] {strides = array<i32>} : memref<16528xf32, #tpu.memory_space<vmem>>, vector<16xf32>,
        tpu.vector_store %arg17[%swap3A_2475], %add3A_2472 {strides = array<i32>} : memref<16528xf32, #tpu.memory_space<vmem>>, vector<16xf32>,
        %sub3A_2477 = arith.subf %add3A_2334, %mul3A_2368 : f32
        %broadcast_in_dim3A_2478 = vector.broadcast %sub3A_2477 : f32 to vector<16xf32>
        %mul3A_2479 = arith.mulf %broadcast_in_dim3A_2478, %mul3A_2409 : vector<16xf32>
        %mul3A_2480 = vector.broadcast %squeeze3A : f32 to vector<16xf32>
        %mul3A_2481 = arith.mulf %mul3A_2479, %mul3A_2480 : vector<16xf32>
        %add3A_2482 = vector.broadcast %squeeze3A_43 : f32 to vector<16xf32>
        %add3A_2483 = arith.addf %mul3A_2481, %add3A_2482 : vector<16xf32>
        %add3A_2484 = arith.constant 128 : i32
        %add3A_2485 = arith.addi %mul3A_2412, %add3A_2484 : i32
        %swap3A_2486 = arith.index_cast %add3A_2485 : i32 to index
        %swap3A_2487 = tpu.vector_load %arg17[%swap3A_2486] {strides = array<i32>} : memref<16528xf32, #tpu.memory_space<vmem>>, vector<16xf32>,
        tpu.vector_store %arg17[%swap3A_2486], %add3A_2483 {strides = array<i32>} : memref<16528xf32, #tpu.memory_space<vmem>>, vector<16xf32>,
        %add3A_2488 = arith.constant 10 : i32
        %add3A_2489 = arith.addi %mul3A_81, %add3A_2488 : i32
        %slice3A_2490 = vector.extract_strided_slice %rem3A_92 {offsets = [10], sizes = [1], strides = [1]} : vector<16xi32> to vector<1xi32>
        %squeeze3A_2491 = vector.extract %slice3A_2490[0] : i32 from vector<1xi32>
        %mul3A_2492 = arith.constant 144 : i32
        %mul3A_2493 = arith.muli %squeeze3A_2491, %mul3A_2492 : i32
        %get3A_2494 = arith.index_cast %add3A_2489 : i32 to index
        %get3A_2495 = arith.constant 0 : index
        %get3A_2496 = tpu.vector_load %arg15[%get3A_2494, %get3A_2495] {strides = array<i32>} : memref<128x64xf32, #tpu.memory_space<vmem>>, vector<16xf32>,
        %add3A_2497 = arith.constant 0 : i32
        %add3A_2498 = arith.addi %mul3A_2493, %add3A_2497 : i32
        %get3A_2499 = arith.index_cast %add3A_2498 : i32 to index
        %get3A_2500 = tpu.vector_load %arg18[%get3A_2499] {strides = array<i32>} : memref<2592xf32, #tpu.memory_space<vmem>>, vector<16xf32>,
        %add3A_2501 = arith.addf %get3A_2496, %get3A_2500 : vector<16xf32>
        %get3A_2502 = arith.index_cast %add3A_2489 : i32 to index
        %get3A_2503 = arith.constant 16 : index
        %get3A_2504 = tpu.vector_load %arg15[%get3A_2502, %get3A_2503] {strides = array<i32>} : memref<128x64xf32, #tpu.memory_space<vmem>>, vector<16xf32>,
        %add3A_2505 = arith.constant 16 : i32
        %add3A_2506 = arith.addi %mul3A_2493, %add3A_2505 : i32
        %get3A_2507 = arith.index_cast %add3A_2506 : i32 to index
        %get3A_2508 = tpu.vector_load %arg18[%get3A_2507] {strides = array<i32>} : memref<2592xf32, #tpu.memory_space<vmem>>, vector<16xf32>,
        %add3A_2509 = arith.addf %get3A_2504, %get3A_2508 : vector<16xf32>
        %get3A_2510 = arith.index_cast %add3A_2489 : i32 to index
        %get3A_2511 = arith.constant 32 : index
        %get3A_2512 = tpu.vector_load %arg15[%get3A_2510, %get3A_2511] {strides = array<i32>} : memref<128x64xf32, #tpu.memory_space<vmem>>, vector<16xf32>,
        %add3A_2513 = arith.constant 32 : i32
        %add3A_2514 = arith.addi %mul3A_2493, %add3A_2513 : i32
        %get3A_2515 = arith.index_cast %add3A_2514 : i32 to index
        %get3A_2516 = tpu.vector_load %arg18[%get3A_2515] {strides = array<i32>} : memref<2592xf32, #tpu.memory_space<vmem>>, vector<16xf32>,
        %add3A_2517 = arith.addf %get3A_2512, %get3A_2516 : vector<16xf32>
        %get3A_2518 = arith.index_cast %add3A_2489 : i32 to index
        %get3A_2519 = arith.constant 48 : index
        %get3A_2520 = tpu.vector_load %arg15[%get3A_2518, %get3A_2519] {strides = array<i32>} : memref<128x64xf32, #tpu.memory_space<vmem>>, vector<16xf32>,
        %add3A_2521 = arith.constant 48 : i32
        %add3A_2522 = arith.addi %mul3A_2493, %add3A_2521 : i32
        %get3A_2523 = arith.index_cast %add3A_2522 : i32 to index
        %get3A_2524 = tpu.vector_load %arg18[%get3A_2523] {strides = array<i32>} : memref<2592xf32, #tpu.memory_space<vmem>>, vector<16xf32>,
        %add3A_2525 = arith.addf %get3A_2520, %get3A_2524 : vector<16xf32>
        %get3A_2526 = arith.index_cast %add3A_2489 : i32 to index
        %get3A_2527 = arith.constant 0 : index
        %get3A_2528 = tpu.vector_load %arg16[%get3A_2526, %get3A_2527] {strides = array<i32>} : memref<128x64xf32, #tpu.memory_space<vmem>>, vector<16xf32>,
        %add3A_2529 = arith.constant 64 : i32
        %add3A_2530 = arith.addi %mul3A_2493, %add3A_2529 : i32
        %add3A_2531 = arith.constant 0 : i32
        %add3A_2532 = arith.addi %add3A_2530, %add3A_2531 : i32
        %get3A_2533 = arith.index_cast %add3A_2532 : i32 to index
        %get3A_2534 = tpu.vector_load %arg18[%get3A_2533] {strides = array<i32>} : memref<2592xf32, #tpu.memory_space<vmem>>, vector<16xf32>,
        %add3A_2535 = arith.addf %get3A_2528, %get3A_2534 : vector<16xf32>
        %get3A_2536 = arith.index_cast %add3A_2489 : i32 to index
        %get3A_2537 = arith.constant 16 : index
        %get3A_2538 = tpu.vector_load %arg16[%get3A_2536, %get3A_2537] {strides = array<i32>} : memref<128x64xf32, #tpu.memory_space<vmem>>, vector<16xf32>,
        %add3A_2539 = arith.constant 64 : i32
        %add3A_2540 = arith.addi %mul3A_2493, %add3A_2539 : i32
        %add3A_2541 = arith.constant 16 : i32
        %add3A_2542 = arith.addi %add3A_2540, %add3A_2541 : i32
        %get3A_2543 = arith.index_cast %add3A_2542 : i32 to index
        %get3A_2544 = tpu.vector_load %arg18[%get3A_2543] {strides = array<i32>} : memref<2592xf32, #tpu.memory_space<vmem>>, vector<16xf32>,
        %add3A_2545 = arith.addf %get3A_2538, %get3A_2544 : vector<16xf32>
        %get3A_2546 = arith.index_cast %add3A_2489 : i32 to index
        %get3A_2547 = arith.constant 32 : index
        %get3A_2548 = tpu.vector_load %arg16[%get3A_2546, %get3A_2547] {strides = array<i32>} : memref<128x64xf32, #tpu.memory_space<vmem>>, vector<16xf32>,
        %add3A_2549 = arith.constant 64 : i32
        %add3A_2550 = arith.addi %mul3A_2493, %add3A_2549 : i32
        %add3A_2551 = arith.constant 32 : i32
        %add3A_2552 = arith.addi %add3A_2550, %add3A_2551 : i32
        %get3A_2553 = arith.index_cast %add3A_2552 : i32 to index
        %get3A_2554 = tpu.vector_load %arg18[%get3A_2553] {strides = array<i32>} : memref<2592xf32, #tpu.memory_space<vmem>>, vector<16xf32>,
        %add3A_2555 = arith.addf %get3A_2548, %get3A_2554 : vector<16xf32>
        %get3A_2556 = arith.index_cast %add3A_2489 : i32 to index
        %get3A_2557 = arith.constant 48 : index
        %get3A_2558 = tpu.vector_load %arg16[%get3A_2556, %get3A_2557] {strides = array<i32>} : memref<128x64xf32, #tpu.memory_space<vmem>>, vector<16xf32>,
        %add3A_2559 = arith.constant 64 : i32
        %add3A_2560 = arith.addi %mul3A_2493, %add3A_2559 : i32
        %add3A_2561 = arith.constant 48 : i32
        %add3A_2562 = arith.addi %add3A_2560, %add3A_2561 : i32
        %get3A_2563 = arith.index_cast %add3A_2562 : i32 to index
        %get3A_2564 = tpu.vector_load %arg18[%get3A_2563] {strides = array<i32>} : memref<2592xf32, #tpu.memory_space<vmem>>, vector<16xf32>,
        %add3A_2565 = arith.addf %get3A_2558, %get3A_2564 : vector<16xf32>
        %slice3A_2566 = vector.extract_strided_slice %select_n3A {offsets = [10], sizes = [1], strides = [1]} : vector<16xf32> to vector<1xf32>
        %squeeze3A_2567 = vector.extract %slice3A_2566[0] : f32 from vector<1xf32>
        %add3A_2568 = arith.constant 128 : i32
        %add3A_2569 = arith.addi %mul3A_2493, %add3A_2568 : i32
        %get3A_2570 = arith.index_cast %add3A_2569 : i32 to index
        %get3A_2571 = tpu.vector_load %arg18[%get3A_2570] {strides = array<i32>} : memref<2592xf32, #tpu.memory_space<vmem>>, vector<16xf32>,
        %slice3A_2572 = vector.extract_strided_slice %get3A_2571 {offsets = [0], sizes = [1], strides = [1]} : vector<16xf32> to vector<1xf32>
        %squeeze3A_2573 = vector.extract %slice3A_2572[0] : f32 from vector<1xf32>
        %add3A_2574 = arith.addf %squeeze3A_2567, %squeeze3A_2573 : f32
        %add3A_2575 = arith.addf %add3A_2501, %add3A_2509 : vector<16xf32>
        %add3A_2576 = arith.addf %add3A_2517, %add3A_2525 : vector<16xf32>
        %add3A_2577 = arith.addf %add3A_2575, %add3A_2576 : vector<16xf32>
        %add3A_2578 = arith.addf %add3A_2535, %add3A_2545 : vector<16xf32>
        %add3A_2579 = arith.addf %add3A_2555, %add3A_2565 : vector<16xf32>
        %add3A_2580 = arith.addf %add3A_2578, %add3A_2579 : vector<16xf32>
        %add3A_2581 = arith.addf %add3A_2577, %add3A_2580 : vector<16xf32>
        %mul3A_2582 = arith.mulf %add3A_2501, %add3A_2501 : vector<16xf32>
        %mul3A_2583 = arith.mulf %add3A_2509, %add3A_2509 : vector<16xf32>
        %mul3A_2584 = arith.mulf %add3A_2517, %add3A_2517 : vector<16xf32>
        %mul3A_2585 = arith.mulf %add3A_2525, %add3A_2525 : vector<16xf32>
        %mul3A_2586 = arith.mulf %add3A_2535, %add3A_2535 : vector<16xf32>
        %mul3A_2587 = arith.mulf %add3A_2545, %add3A_2545 : vector<16xf32>
        %mul3A_2588 = arith.mulf %add3A_2555, %add3A_2555 : vector<16xf32>
        %mul3A_2589 = arith.mulf %add3A_2565, %add3A_2565 : vector<16xf32>
        %add3A_2590 = arith.addf %mul3A_2582, %mul3A_2583 : vector<16xf32>
        %add3A_2591 = arith.addf %mul3A_2584, %mul3A_2585 : vector<16xf32>
        %add3A_2592 = arith.addf %add3A_2590, %add3A_2591 : vector<16xf32>
        %add3A_2593 = arith.addf %mul3A_2586, %mul3A_2587 : vector<16xf32>
        %add3A_2594 = arith.addf %mul3A_2588, %mul3A_2589 : vector<16xf32>
        %add3A_2595 = arith.addf %add3A_2593, %add3A_2594 : vector<16xf32>
        %add3A_2596 = arith.addf %add3A_2592, %add3A_2595 : vector<16xf32>
        %reduce_sum3A_2597 = arith.constant true
        %reduce_sum3A_2598 = vector.broadcast %reduce_sum3A_2597 : i1 to vector<16xi1>
        %reduce_sum3A_2599 = tpu.scan <sum>, %add3A_2581 masked %reduce_sum3A_2598 : vector<16xf32>, vector<16xi1> -> vector<16xf32>
        %reduce_sum3A_2600 = vector.extract %reduce_sum3A_2599[15] : f32 from vector<16xf32>
        %add3A_2601 = arith.addf %reduce_sum3A_2600, %add3A_2574 : f32
        %reduce_sum3A_2602 = arith.constant true
        %reduce_sum3A_2603 = vector.broadcast %reduce_sum3A_2602 : i1 to vector<16xi1>
        %reduce_sum3A_2604 = tpu.scan <sum>, %add3A_2596 masked %reduce_sum3A_2603 : vector<16xf32>, vector<16xi1> -> vector<16xf32>
        %reduce_sum3A_2605 = vector.extract %reduce_sum3A_2604[15] : f32 from vector<16xf32>
        %mul3A_2606 = arith.mulf %add3A_2574, %add3A_2574 : f32
        %add3A_2607 = arith.addf %reduce_sum3A_2605, %mul3A_2606 : f32
        %mul3A_2608 = arith.mulf %add3A_2601, %scan3A_44 : f32
        %mul3A_2609 = arith.mulf %add3A_2607, %scan3A_44 : f32
        %mul3A_2610 = arith.mulf %mul3A_2608, %mul3A_2608 : f32
        %sub3A_2611 = arith.subf %mul3A_2609, %mul3A_2610 : f32
        %add3A_2612 = arith.constant 9.99999974E-6 : f32
        %add3A_2613 = arith.addf %sub3A_2611, %add3A_2612 : f32
        %broadcast_in_dim3A_2614 = vector.broadcast %add3A_2613 : f32 to vector<16xf32>
        %bitcast3A_2615 = vector.bitcast %broadcast_in_dim3A_2614 : vector<16xf32> to vector<16xi32>
        %shift_right_logical3A_2616 = arith.constant 1 : i32
        %shift_right_logical3A_2617 = vector.broadcast %shift_right_logical3A_2616 : i32 to vector<16xi32>
        %shift_right_logical3A_2618 = arith.shrui %bitcast3A_2615, %shift_right_logical3A_2617 : vector<16xi32>
        %sub3A_2619 = arith.constant 1597463007 : i32
        %sub3A_2620 = vector.broadcast %sub3A_2619 : i32 to vector<16xi32>
        %sub3A_2621 = arith.subi %sub3A_2620, %shift_right_logical3A_2618 : vector<16xi32>
        %bitcast3A_2622 = vector.bitcast %sub3A_2621 : vector<16xi32> to vector<16xf32>
        %mul3A_2623 = arith.constant 5.000000e-01 : f32
        %mul3A_2624 = vector.broadcast %mul3A_2623 : f32 to vector<16xf32>
        %mul3A_2625 = arith.mulf %mul3A_2624, %broadcast_in_dim3A_2614 : vector<16xf32>
        %mul3A_2626 = arith.mulf %mul3A_2625, %bitcast3A_2622 : vector<16xf32>
        %mul3A_2627 = arith.mulf %mul3A_2626, %bitcast3A_2622 : vector<16xf32>
        %sub3A_2628 = arith.constant 1.500000e+00 : f32
        %sub3A_2629 = vector.broadcast %sub3A_2628 : f32 to vector<16xf32>
        %sub3A_2630 = arith.subf %sub3A_2629, %mul3A_2627 : vector<16xf32>
        %mul3A_2631 = arith.mulf %bitcast3A_2622, %sub3A_2630 : vector<16xf32>
        %mul3A_2632 = arith.constant 5.000000e-01 : f32
        %mul3A_2633 = vector.broadcast %mul3A_2632 : f32 to vector<16xf32>
        %mul3A_2634 = arith.mulf %mul3A_2633, %broadcast_in_dim3A_2614 : vector<16xf32>
        %mul3A_2635 = arith.mulf %mul3A_2634, %mul3A_2631 : vector<16xf32>
        %mul3A_2636 = arith.mulf %mul3A_2635, %mul3A_2631 : vector<16xf32>
        %sub3A_2637 = arith.constant 1.500000e+00 : f32
        %sub3A_2638 = vector.broadcast %sub3A_2637 : f32 to vector<16xf32>
        %sub3A_2639 = arith.subf %sub3A_2638, %mul3A_2636 : vector<16xf32>
        %mul3A_2640 = arith.mulf %mul3A_2631, %sub3A_2639 : vector<16xf32>
        %mul3A_2641 = arith.constant 5.000000e-01 : f32
        %mul3A_2642 = vector.broadcast %mul3A_2641 : f32 to vector<16xf32>
        %mul3A_2643 = arith.mulf %mul3A_2642, %broadcast_in_dim3A_2614 : vector<16xf32>
        %mul3A_2644 = arith.mulf %mul3A_2643, %mul3A_2640 : vector<16xf32>
        %mul3A_2645 = arith.mulf %mul3A_2644, %mul3A_2640 : vector<16xf32>
        %sub3A_2646 = arith.constant 1.500000e+00 : f32
        %sub3A_2647 = vector.broadcast %sub3A_2646 : f32 to vector<16xf32>
        %sub3A_2648 = arith.subf %sub3A_2647, %mul3A_2645 : vector<16xf32>
        %mul3A_2649 = arith.mulf %mul3A_2640, %sub3A_2648 : vector<16xf32>
        %broadcast_in_dim3A_2650 = vector.broadcast %mul3A_2608 : f32 to vector<16xf32>
        %mul3A_2651 = arith.constant 129 : i32
        %mul3A_2652 = arith.muli %add3A_2489, %mul3A_2651 : i32
        %sub3A_2653 = arith.subf %add3A_2501, %broadcast_in_dim3A_2650 : vector<16xf32>
        %mul3A_2654 = arith.mulf %sub3A_2653, %mul3A_2649 : vector<16xf32>
        %mul3A_2655 = arith.mulf %mul3A_2654, %get3A_7 : vector<16xf32>
        %add3A_2656 = arith.addf %mul3A_2655, %get3A_23 : vector<16xf32>
        %add3A_2657 = arith.constant 0 : i32
        %add3A_2658 = arith.addi %mul3A_2652, %add3A_2657 : i32
        %swap3A_2659 = arith.index_cast %add3A_2658 : i32 to index
        %swap3A_2660 = tpu.vector_load %arg17[%swap3A_2659] {strides = array<i32>} : memref<16528xf32, #tpu.memory_space<vmem>>, vector<16xf32>,
        tpu.vector_store %arg17[%swap3A_2659], %add3A_2656 {strides = array<i32>} : memref<16528xf32, #tpu.memory_space<vmem>>, vector<16xf32>,
        %sub3A_2661 = arith.subf %add3A_2509, %broadcast_in_dim3A_2650 : vector<16xf32>
        %mul3A_2662 = arith.mulf %sub3A_2661, %mul3A_2649 : vector<16xf32>
        %mul3A_2663 = arith.mulf %mul3A_2662, %get3A_9 : vector<16xf32>
        %add3A_2664 = arith.addf %mul3A_2663, %get3A_25 : vector<16xf32>
        %add3A_2665 = arith.constant 16 : i32
        %add3A_2666 = arith.addi %mul3A_2652, %add3A_2665 : i32
        %swap3A_2667 = arith.index_cast %add3A_2666 : i32 to index
        %swap3A_2668 = tpu.vector_load %arg17[%swap3A_2667] {strides = array<i32>} : memref<16528xf32, #tpu.memory_space<vmem>>, vector<16xf32>,
        tpu.vector_store %arg17[%swap3A_2667], %add3A_2664 {strides = array<i32>} : memref<16528xf32, #tpu.memory_space<vmem>>, vector<16xf32>,
        %sub3A_2669 = arith.subf %add3A_2517, %broadcast_in_dim3A_2650 : vector<16xf32>
        %mul3A_2670 = arith.mulf %sub3A_2669, %mul3A_2649 : vector<16xf32>
        %mul3A_2671 = arith.mulf %mul3A_2670, %get3A_11 : vector<16xf32>
        %add3A_2672 = arith.addf %mul3A_2671, %get3A_27 : vector<16xf32>
        %add3A_2673 = arith.constant 32 : i32
        %add3A_2674 = arith.addi %mul3A_2652, %add3A_2673 : i32
        %swap3A_2675 = arith.index_cast %add3A_2674 : i32 to index
        %swap3A_2676 = tpu.vector_load %arg17[%swap3A_2675] {strides = array<i32>} : memref<16528xf32, #tpu.memory_space<vmem>>, vector<16xf32>,
        tpu.vector_store %arg17[%swap3A_2675], %add3A_2672 {strides = array<i32>} : memref<16528xf32, #tpu.memory_space<vmem>>, vector<16xf32>,
        %sub3A_2677 = arith.subf %add3A_2525, %broadcast_in_dim3A_2650 : vector<16xf32>
        %mul3A_2678 = arith.mulf %sub3A_2677, %mul3A_2649 : vector<16xf32>
        %mul3A_2679 = arith.mulf %mul3A_2678, %get3A_13 : vector<16xf32>
        %add3A_2680 = arith.addf %mul3A_2679, %get3A_29 : vector<16xf32>
        %add3A_2681 = arith.constant 48 : i32
        %add3A_2682 = arith.addi %mul3A_2652, %add3A_2681 : i32
        %swap3A_2683 = arith.index_cast %add3A_2682 : i32 to index
        %swap3A_2684 = tpu.vector_load %arg17[%swap3A_2683] {strides = array<i32>} : memref<16528xf32, #tpu.memory_space<vmem>>, vector<16xf32>,
        tpu.vector_store %arg17[%swap3A_2683], %add3A_2680 {strides = array<i32>} : memref<16528xf32, #tpu.memory_space<vmem>>, vector<16xf32>,
        %sub3A_2685 = arith.subf %add3A_2535, %broadcast_in_dim3A_2650 : vector<16xf32>
        %mul3A_2686 = arith.mulf %sub3A_2685, %mul3A_2649 : vector<16xf32>
        %mul3A_2687 = arith.mulf %mul3A_2686, %get3A_15 : vector<16xf32>
        %add3A_2688 = arith.addf %mul3A_2687, %get3A_31 : vector<16xf32>
        %add3A_2689 = arith.constant 64 : i32
        %add3A_2690 = arith.addi %mul3A_2652, %add3A_2689 : i32
        %swap3A_2691 = arith.index_cast %add3A_2690 : i32 to index
        %swap3A_2692 = tpu.vector_load %arg17[%swap3A_2691] {strides = array<i32>} : memref<16528xf32, #tpu.memory_space<vmem>>, vector<16xf32>,
        tpu.vector_store %arg17[%swap3A_2691], %add3A_2688 {strides = array<i32>} : memref<16528xf32, #tpu.memory_space<vmem>>, vector<16xf32>,
        %sub3A_2693 = arith.subf %add3A_2545, %broadcast_in_dim3A_2650 : vector<16xf32>
        %mul3A_2694 = arith.mulf %sub3A_2693, %mul3A_2649 : vector<16xf32>
        %mul3A_2695 = arith.mulf %mul3A_2694, %get3A_17 : vector<16xf32>
        %add3A_2696 = arith.addf %mul3A_2695, %get3A_33 : vector<16xf32>
        %add3A_2697 = arith.constant 80 : i32
        %add3A_2698 = arith.addi %mul3A_2652, %add3A_2697 : i32
        %swap3A_2699 = arith.index_cast %add3A_2698 : i32 to index
        %swap3A_2700 = tpu.vector_load %arg17[%swap3A_2699] {strides = array<i32>} : memref<16528xf32, #tpu.memory_space<vmem>>, vector<16xf32>,
        tpu.vector_store %arg17[%swap3A_2699], %add3A_2696 {strides = array<i32>} : memref<16528xf32, #tpu.memory_space<vmem>>, vector<16xf32>,
        %sub3A_2701 = arith.subf %add3A_2555, %broadcast_in_dim3A_2650 : vector<16xf32>
        %mul3A_2702 = arith.mulf %sub3A_2701, %mul3A_2649 : vector<16xf32>
        %mul3A_2703 = arith.mulf %mul3A_2702, %get3A_19 : vector<16xf32>
        %add3A_2704 = arith.addf %mul3A_2703, %get3A_35 : vector<16xf32>
        %add3A_2705 = arith.constant 96 : i32
        %add3A_2706 = arith.addi %mul3A_2652, %add3A_2705 : i32
        %swap3A_2707 = arith.index_cast %add3A_2706 : i32 to index
        %swap3A_2708 = tpu.vector_load %arg17[%swap3A_2707] {strides = array<i32>} : memref<16528xf32, #tpu.memory_space<vmem>>, vector<16xf32>,
        tpu.vector_store %arg17[%swap3A_2707], %add3A_2704 {strides = array<i32>} : memref<16528xf32, #tpu.memory_space<vmem>>, vector<16xf32>,
        %sub3A_2709 = arith.subf %add3A_2565, %broadcast_in_dim3A_2650 : vector<16xf32>
        %mul3A_2710 = arith.mulf %sub3A_2709, %mul3A_2649 : vector<16xf32>
        %mul3A_2711 = arith.mulf %mul3A_2710, %get3A_21 : vector<16xf32>
        %add3A_2712 = arith.addf %mul3A_2711, %get3A_37 : vector<16xf32>
        %add3A_2713 = arith.constant 112 : i32
        %add3A_2714 = arith.addi %mul3A_2652, %add3A_2713 : i32
        %swap3A_2715 = arith.index_cast %add3A_2714 : i32 to index
        %swap3A_2716 = tpu.vector_load %arg17[%swap3A_2715] {strides = array<i32>} : memref<16528xf32, #tpu.memory_space<vmem>>, vector<16xf32>,
        tpu.vector_store %arg17[%swap3A_2715], %add3A_2712 {strides = array<i32>} : memref<16528xf32, #tpu.memory_space<vmem>>, vector<16xf32>,
        %sub3A_2717 = arith.subf %add3A_2574, %mul3A_2608 : f32
        %broadcast_in_dim3A_2718 = vector.broadcast %sub3A_2717 : f32 to vector<16xf32>
        %mul3A_2719 = arith.mulf %broadcast_in_dim3A_2718, %mul3A_2649 : vector<16xf32>
        %mul3A_2720 = vector.broadcast %squeeze3A : f32 to vector<16xf32>
        %mul3A_2721 = arith.mulf %mul3A_2719, %mul3A_2720 : vector<16xf32>
        %add3A_2722 = vector.broadcast %squeeze3A_43 : f32 to vector<16xf32>
        %add3A_2723 = arith.addf %mul3A_2721, %add3A_2722 : vector<16xf32>
        %add3A_2724 = arith.constant 128 : i32
        %add3A_2725 = arith.addi %mul3A_2652, %add3A_2724 : i32
        %swap3A_2726 = arith.index_cast %add3A_2725 : i32 to index
        %swap3A_2727 = tpu.vector_load %arg17[%swap3A_2726] {strides = array<i32>} : memref<16528xf32, #tpu.memory_space<vmem>>, vector<16xf32>,
        tpu.vector_store %arg17[%swap3A_2726], %add3A_2723 {strides = array<i32>} : memref<16528xf32, #tpu.memory_space<vmem>>, vector<16xf32>,
        %add3A_2728 = arith.constant 11 : i32
        %add3A_2729 = arith.addi %mul3A_81, %add3A_2728 : i32
        %slice3A_2730 = vector.extract_strided_slice %rem3A_92 {offsets = [11], sizes = [1], strides = [1]} : vector<16xi32> to vector<1xi32>
        %squeeze3A_2731 = vector.extract %slice3A_2730[0] : i32 from vector<1xi32>
        %mul3A_2732 = arith.constant 144 : i32
        %mul3A_2733 = arith.muli %squeeze3A_2731, %mul3A_2732 : i32
        %get3A_2734 = arith.index_cast %add3A_2729 : i32 to index
        %get3A_2735 = arith.constant 0 : index
        %get3A_2736 = tpu.vector_load %arg15[%get3A_2734, %get3A_2735] {strides = array<i32>} : memref<128x64xf32, #tpu.memory_space<vmem>>, vector<16xf32>,
        %add3A_2737 = arith.constant 0 : i32
        %add3A_2738 = arith.addi %mul3A_2733, %add3A_2737 : i32
        %get3A_2739 = arith.index_cast %add3A_2738 : i32 to index
        %get3A_2740 = tpu.vector_load %arg18[%get3A_2739] {strides = array<i32>} : memref<2592xf32, #tpu.memory_space<vmem>>, vector<16xf32>,
        %add3A_2741 = arith.addf %get3A_2736, %get3A_2740 : vector<16xf32>
        %get3A_2742 = arith.index_cast %add3A_2729 : i32 to index
        %get3A_2743 = arith.constant 16 : index
        %get3A_2744 = tpu.vector_load %arg15[%get3A_2742, %get3A_2743] {strides = array<i32>} : memref<128x64xf32, #tpu.memory_space<vmem>>, vector<16xf32>,
        %add3A_2745 = arith.constant 16 : i32
        %add3A_2746 = arith.addi %mul3A_2733, %add3A_2745 : i32
        %get3A_2747 = arith.index_cast %add3A_2746 : i32 to index
        %get3A_2748 = tpu.vector_load %arg18[%get3A_2747] {strides = array<i32>} : memref<2592xf32, #tpu.memory_space<vmem>>, vector<16xf32>,
        %add3A_2749 = arith.addf %get3A_2744, %get3A_2748 : vector<16xf32>
        %get3A_2750 = arith.index_cast %add3A_2729 : i32 to index
        %get3A_2751 = arith.constant 32 : index
        %get3A_2752 = tpu.vector_load %arg15[%get3A_2750, %get3A_2751] {strides = array<i32>} : memref<128x64xf32, #tpu.memory_space<vmem>>, vector<16xf32>,
        %add3A_2753 = arith.constant 32 : i32
        %add3A_2754 = arith.addi %mul3A_2733, %add3A_2753 : i32
        %get3A_2755 = arith.index_cast %add3A_2754 : i32 to index
        %get3A_2756 = tpu.vector_load %arg18[%get3A_2755] {strides = array<i32>} : memref<2592xf32, #tpu.memory_space<vmem>>, vector<16xf32>,
        %add3A_2757 = arith.addf %get3A_2752, %get3A_2756 : vector<16xf32>
        %get3A_2758 = arith.index_cast %add3A_2729 : i32 to index
        %get3A_2759 = arith.constant 48 : index
        %get3A_2760 = tpu.vector_load %arg15[%get3A_2758, %get3A_2759] {strides = array<i32>} : memref<128x64xf32, #tpu.memory_space<vmem>>, vector<16xf32>,
        %add3A_2761 = arith.constant 48 : i32
        %add3A_2762 = arith.addi %mul3A_2733, %add3A_2761 : i32
        %get3A_2763 = arith.index_cast %add3A_2762 : i32 to index
        %get3A_2764 = tpu.vector_load %arg18[%get3A_2763] {strides = array<i32>} : memref<2592xf32, #tpu.memory_space<vmem>>, vector<16xf32>,
        %add3A_2765 = arith.addf %get3A_2760, %get3A_2764 : vector<16xf32>
        %get3A_2766 = arith.index_cast %add3A_2729 : i32 to index
        %get3A_2767 = arith.constant 0 : index
        %get3A_2768 = tpu.vector_load %arg16[%get3A_2766, %get3A_2767] {strides = array<i32>} : memref<128x64xf32, #tpu.memory_space<vmem>>, vector<16xf32>,
        %add3A_2769 = arith.constant 64 : i32
        %add3A_2770 = arith.addi %mul3A_2733, %add3A_2769 : i32
        %add3A_2771 = arith.constant 0 : i32
        %add3A_2772 = arith.addi %add3A_2770, %add3A_2771 : i32
        %get3A_2773 = arith.index_cast %add3A_2772 : i32 to index
        %get3A_2774 = tpu.vector_load %arg18[%get3A_2773] {strides = array<i32>} : memref<2592xf32, #tpu.memory_space<vmem>>, vector<16xf32>,
        %add3A_2775 = arith.addf %get3A_2768, %get3A_2774 : vector<16xf32>
        %get3A_2776 = arith.index_cast %add3A_2729 : i32 to index
        %get3A_2777 = arith.constant 16 : index
        %get3A_2778 = tpu.vector_load %arg16[%get3A_2776, %get3A_2777] {strides = array<i32>} : memref<128x64xf32, #tpu.memory_space<vmem>>, vector<16xf32>,
        %add3A_2779 = arith.constant 64 : i32
        %add3A_2780 = arith.addi %mul3A_2733, %add3A_2779 : i32
        %add3A_2781 = arith.constant 16 : i32
        %add3A_2782 = arith.addi %add3A_2780, %add3A_2781 : i32
        %get3A_2783 = arith.index_cast %add3A_2782 : i32 to index
        %get3A_2784 = tpu.vector_load %arg18[%get3A_2783] {strides = array<i32>} : memref<2592xf32, #tpu.memory_space<vmem>>, vector<16xf32>,
        %add3A_2785 = arith.addf %get3A_2778, %get3A_2784 : vector<16xf32>
        %get3A_2786 = arith.index_cast %add3A_2729 : i32 to index
        %get3A_2787 = arith.constant 32 : index
        %get3A_2788 = tpu.vector_load %arg16[%get3A_2786, %get3A_2787] {strides = array<i32>} : memref<128x64xf32, #tpu.memory_space<vmem>>, vector<16xf32>,
        %add3A_2789 = arith.constant 64 : i32
        %add3A_2790 = arith.addi %mul3A_2733, %add3A_2789 : i32
        %add3A_2791 = arith.constant 32 : i32
        %add3A_2792 = arith.addi %add3A_2790, %add3A_2791 : i32
        %get3A_2793 = arith.index_cast %add3A_2792 : i32 to index
        %get3A_2794 = tpu.vector_load %arg18[%get3A_2793] {strides = array<i32>} : memref<2592xf32, #tpu.memory_space<vmem>>, vector<16xf32>,
        %add3A_2795 = arith.addf %get3A_2788, %get3A_2794 : vector<16xf32>
        %get3A_2796 = arith.index_cast %add3A_2729 : i32 to index
        %get3A_2797 = arith.constant 48 : index
        %get3A_2798 = tpu.vector_load %arg16[%get3A_2796, %get3A_2797] {strides = array<i32>} : memref<128x64xf32, #tpu.memory_space<vmem>>, vector<16xf32>,
        %add3A_2799 = arith.constant 64 : i32
        %add3A_2800 = arith.addi %mul3A_2733, %add3A_2799 : i32
        %add3A_2801 = arith.constant 48 : i32
        %add3A_2802 = arith.addi %add3A_2800, %add3A_2801 : i32
        %get3A_2803 = arith.index_cast %add3A_2802 : i32 to index
        %get3A_2804 = tpu.vector_load %arg18[%get3A_2803] {strides = array<i32>} : memref<2592xf32, #tpu.memory_space<vmem>>, vector<16xf32>,
        %add3A_2805 = arith.addf %get3A_2798, %get3A_2804 : vector<16xf32>
        %slice3A_2806 = vector.extract_strided_slice %select_n3A {offsets = [11], sizes = [1], strides = [1]} : vector<16xf32> to vector<1xf32>
        %squeeze3A_2807 = vector.extract %slice3A_2806[0] : f32 from vector<1xf32>
        %add3A_2808 = arith.constant 128 : i32
        %add3A_2809 = arith.addi %mul3A_2733, %add3A_2808 : i32
        %get3A_2810 = arith.index_cast %add3A_2809 : i32 to index
        %get3A_2811 = tpu.vector_load %arg18[%get3A_2810] {strides = array<i32>} : memref<2592xf32, #tpu.memory_space<vmem>>, vector<16xf32>,
        %slice3A_2812 = vector.extract_strided_slice %get3A_2811 {offsets = [0], sizes = [1], strides = [1]} : vector<16xf32> to vector<1xf32>
        %squeeze3A_2813 = vector.extract %slice3A_2812[0] : f32 from vector<1xf32>
        %add3A_2814 = arith.addf %squeeze3A_2807, %squeeze3A_2813 : f32
        %add3A_2815 = arith.addf %add3A_2741, %add3A_2749 : vector<16xf32>
        %add3A_2816 = arith.addf %add3A_2757, %add3A_2765 : vector<16xf32>
        %add3A_2817 = arith.addf %add3A_2815, %add3A_2816 : vector<16xf32>
        %add3A_2818 = arith.addf %add3A_2775, %add3A_2785 : vector<16xf32>
        %add3A_2819 = arith.addf %add3A_2795, %add3A_2805 : vector<16xf32>
        %add3A_2820 = arith.addf %add3A_2818, %add3A_2819 : vector<16xf32>
        %add3A_2821 = arith.addf %add3A_2817, %add3A_2820 : vector<16xf32>
        %mul3A_2822 = arith.mulf %add3A_2741, %add3A_2741 : vector<16xf32>
        %mul3A_2823 = arith.mulf %add3A_2749, %add3A_2749 : vector<16xf32>
        %mul3A_2824 = arith.mulf %add3A_2757, %add3A_2757 : vector<16xf32>
        %mul3A_2825 = arith.mulf %add3A_2765, %add3A_2765 : vector<16xf32>
        %mul3A_2826 = arith.mulf %add3A_2775, %add3A_2775 : vector<16xf32>
        %mul3A_2827 = arith.mulf %add3A_2785, %add3A_2785 : vector<16xf32>
        %mul3A_2828 = arith.mulf %add3A_2795, %add3A_2795 : vector<16xf32>
        %mul3A_2829 = arith.mulf %add3A_2805, %add3A_2805 : vector<16xf32>
        %add3A_2830 = arith.addf %mul3A_2822, %mul3A_2823 : vector<16xf32>
        %add3A_2831 = arith.addf %mul3A_2824, %mul3A_2825 : vector<16xf32>
        %add3A_2832 = arith.addf %add3A_2830, %add3A_2831 : vector<16xf32>
        %add3A_2833 = arith.addf %mul3A_2826, %mul3A_2827 : vector<16xf32>
        %add3A_2834 = arith.addf %mul3A_2828, %mul3A_2829 : vector<16xf32>
        %add3A_2835 = arith.addf %add3A_2833, %add3A_2834 : vector<16xf32>
        %add3A_2836 = arith.addf %add3A_2832, %add3A_2835 : vector<16xf32>
        %reduce_sum3A_2837 = arith.constant true
        %reduce_sum3A_2838 = vector.broadcast %reduce_sum3A_2837 : i1 to vector<16xi1>
        %reduce_sum3A_2839 = tpu.scan <sum>, %add3A_2821 masked %reduce_sum3A_2838 : vector<16xf32>, vector<16xi1> -> vector<16xf32>
        %reduce_sum3A_2840 = vector.extract %reduce_sum3A_2839[15] : f32 from vector<16xf32>
        %add3A_2841 = arith.addf %reduce_sum3A_2840, %add3A_2814 : f32
        %reduce_sum3A_2842 = arith.constant true
        %reduce_sum3A_2843 = vector.broadcast %reduce_sum3A_2842 : i1 to vector<16xi1>
        %reduce_sum3A_2844 = tpu.scan <sum>, %add3A_2836 masked %reduce_sum3A_2843 : vector<16xf32>, vector<16xi1> -> vector<16xf32>
        %reduce_sum3A_2845 = vector.extract %reduce_sum3A_2844[15] : f32 from vector<16xf32>
        %mul3A_2846 = arith.mulf %add3A_2814, %add3A_2814 : f32
        %add3A_2847 = arith.addf %reduce_sum3A_2845, %mul3A_2846 : f32
        %mul3A_2848 = arith.mulf %add3A_2841, %scan3A_44 : f32
        %mul3A_2849 = arith.mulf %add3A_2847, %scan3A_44 : f32
        %mul3A_2850 = arith.mulf %mul3A_2848, %mul3A_2848 : f32
        %sub3A_2851 = arith.subf %mul3A_2849, %mul3A_2850 : f32
        %add3A_2852 = arith.constant 9.99999974E-6 : f32
        %add3A_2853 = arith.addf %sub3A_2851, %add3A_2852 : f32
        %broadcast_in_dim3A_2854 = vector.broadcast %add3A_2853 : f32 to vector<16xf32>
        %bitcast3A_2855 = vector.bitcast %broadcast_in_dim3A_2854 : vector<16xf32> to vector<16xi32>
        %shift_right_logical3A_2856 = arith.constant 1 : i32
        %shift_right_logical3A_2857 = vector.broadcast %shift_right_logical3A_2856 : i32 to vector<16xi32>
        %shift_right_logical3A_2858 = arith.shrui %bitcast3A_2855, %shift_right_logical3A_2857 : vector<16xi32>
        %sub3A_2859 = arith.constant 1597463007 : i32
        %sub3A_2860 = vector.broadcast %sub3A_2859 : i32 to vector<16xi32>
        %sub3A_2861 = arith.subi %sub3A_2860, %shift_right_logical3A_2858 : vector<16xi32>
        %bitcast3A_2862 = vector.bitcast %sub3A_2861 : vector<16xi32> to vector<16xf32>
        %mul3A_2863 = arith.constant 5.000000e-01 : f32
        %mul3A_2864 = vector.broadcast %mul3A_2863 : f32 to vector<16xf32>
        %mul3A_2865 = arith.mulf %mul3A_2864, %broadcast_in_dim3A_2854 : vector<16xf32>
        %mul3A_2866 = arith.mulf %mul3A_2865, %bitcast3A_2862 : vector<16xf32>
        %mul3A_2867 = arith.mulf %mul3A_2866, %bitcast3A_2862 : vector<16xf32>
        %sub3A_2868 = arith.constant 1.500000e+00 : f32
        %sub3A_2869 = vector.broadcast %sub3A_2868 : f32 to vector<16xf32>
        %sub3A_2870 = arith.subf %sub3A_2869, %mul3A_2867 : vector<16xf32>
        %mul3A_2871 = arith.mulf %bitcast3A_2862, %sub3A_2870 : vector<16xf32>
        %mul3A_2872 = arith.constant 5.000000e-01 : f32
        %mul3A_2873 = vector.broadcast %mul3A_2872 : f32 to vector<16xf32>
        %mul3A_2874 = arith.mulf %mul3A_2873, %broadcast_in_dim3A_2854 : vector<16xf32>
        %mul3A_2875 = arith.mulf %mul3A_2874, %mul3A_2871 : vector<16xf32>
        %mul3A_2876 = arith.mulf %mul3A_2875, %mul3A_2871 : vector<16xf32>
        %sub3A_2877 = arith.constant 1.500000e+00 : f32
        %sub3A_2878 = vector.broadcast %sub3A_2877 : f32 to vector<16xf32>
        %sub3A_2879 = arith.subf %sub3A_2878, %mul3A_2876 : vector<16xf32>
        %mul3A_2880 = arith.mulf %mul3A_2871, %sub3A_2879 : vector<16xf32>
        %mul3A_2881 = arith.constant 5.000000e-01 : f32
        %mul3A_2882 = vector.broadcast %mul3A_2881 : f32 to vector<16xf32>
        %mul3A_2883 = arith.mulf %mul3A_2882, %broadcast_in_dim3A_2854 : vector<16xf32>
        %mul3A_2884 = arith.mulf %mul3A_2883, %mul3A_2880 : vector<16xf32>
        %mul3A_2885 = arith.mulf %mul3A_2884, %mul3A_2880 : vector<16xf32>
        %sub3A_2886 = arith.constant 1.500000e+00 : f32
        %sub3A_2887 = vector.broadcast %sub3A_2886 : f32 to vector<16xf32>
        %sub3A_2888 = arith.subf %sub3A_2887, %mul3A_2885 : vector<16xf32>
        %mul3A_2889 = arith.mulf %mul3A_2880, %sub3A_2888 : vector<16xf32>
        %broadcast_in_dim3A_2890 = vector.broadcast %mul3A_2848 : f32 to vector<16xf32>
        %mul3A_2891 = arith.constant 129 : i32
        %mul3A_2892 = arith.muli %add3A_2729, %mul3A_2891 : i32
        %sub3A_2893 = arith.subf %add3A_2741, %broadcast_in_dim3A_2890 : vector<16xf32>
        %mul3A_2894 = arith.mulf %sub3A_2893, %mul3A_2889 : vector<16xf32>
        %mul3A_2895 = arith.mulf %mul3A_2894, %get3A_7 : vector<16xf32>
        %add3A_2896 = arith.addf %mul3A_2895, %get3A_23 : vector<16xf32>
        %add3A_2897 = arith.constant 0 : i32
        %add3A_2898 = arith.addi %mul3A_2892, %add3A_2897 : i32
        %swap3A_2899 = arith.index_cast %add3A_2898 : i32 to index
        %swap3A_2900 = tpu.vector_load %arg17[%swap3A_2899] {strides = array<i32>} : memref<16528xf32, #tpu.memory_space<vmem>>, vector<16xf32>,
        tpu.vector_store %arg17[%swap3A_2899], %add3A_2896 {strides = array<i32>} : memref<16528xf32, #tpu.memory_space<vmem>>, vector<16xf32>,
        %sub3A_2901 = arith.subf %add3A_2749, %broadcast_in_dim3A_2890 : vector<16xf32>
        %mul3A_2902 = arith.mulf %sub3A_2901, %mul3A_2889 : vector<16xf32>
        %mul3A_2903 = arith.mulf %mul3A_2902, %get3A_9 : vector<16xf32>
        %add3A_2904 = arith.addf %mul3A_2903, %get3A_25 : vector<16xf32>
        %add3A_2905 = arith.constant 16 : i32
        %add3A_2906 = arith.addi %mul3A_2892, %add3A_2905 : i32
        %swap3A_2907 = arith.index_cast %add3A_2906 : i32 to index
        %swap3A_2908 = tpu.vector_load %arg17[%swap3A_2907] {strides = array<i32>} : memref<16528xf32, #tpu.memory_space<vmem>>, vector<16xf32>,
        tpu.vector_store %arg17[%swap3A_2907], %add3A_2904 {strides = array<i32>} : memref<16528xf32, #tpu.memory_space<vmem>>, vector<16xf32>,
        %sub3A_2909 = arith.subf %add3A_2757, %broadcast_in_dim3A_2890 : vector<16xf32>
        %mul3A_2910 = arith.mulf %sub3A_2909, %mul3A_2889 : vector<16xf32>
        %mul3A_2911 = arith.mulf %mul3A_2910, %get3A_11 : vector<16xf32>
        %add3A_2912 = arith.addf %mul3A_2911, %get3A_27 : vector<16xf32>
        %add3A_2913 = arith.constant 32 : i32
        %add3A_2914 = arith.addi %mul3A_2892, %add3A_2913 : i32
        %swap3A_2915 = arith.index_cast %add3A_2914 : i32 to index
        %swap3A_2916 = tpu.vector_load %arg17[%swap3A_2915] {strides = array<i32>} : memref<16528xf32, #tpu.memory_space<vmem>>, vector<16xf32>,
        tpu.vector_store %arg17[%swap3A_2915], %add3A_2912 {strides = array<i32>} : memref<16528xf32, #tpu.memory_space<vmem>>, vector<16xf32>,
        %sub3A_2917 = arith.subf %add3A_2765, %broadcast_in_dim3A_2890 : vector<16xf32>
        %mul3A_2918 = arith.mulf %sub3A_2917, %mul3A_2889 : vector<16xf32>
        %mul3A_2919 = arith.mulf %mul3A_2918, %get3A_13 : vector<16xf32>
        %add3A_2920 = arith.addf %mul3A_2919, %get3A_29 : vector<16xf32>
        %add3A_2921 = arith.constant 48 : i32
        %add3A_2922 = arith.addi %mul3A_2892, %add3A_2921 : i32
        %swap3A_2923 = arith.index_cast %add3A_2922 : i32 to index
        %swap3A_2924 = tpu.vector_load %arg17[%swap3A_2923] {strides = array<i32>} : memref<16528xf32, #tpu.memory_space<vmem>>, vector<16xf32>,
        tpu.vector_store %arg17[%swap3A_2923], %add3A_2920 {strides = array<i32>} : memref<16528xf32, #tpu.memory_space<vmem>>, vector<16xf32>,
        %sub3A_2925 = arith.subf %add3A_2775, %broadcast_in_dim3A_2890 : vector<16xf32>
        %mul3A_2926 = arith.mulf %sub3A_2925, %mul3A_2889 : vector<16xf32>
        %mul3A_2927 = arith.mulf %mul3A_2926, %get3A_15 : vector<16xf32>
        %add3A_2928 = arith.addf %mul3A_2927, %get3A_31 : vector<16xf32>
        %add3A_2929 = arith.constant 64 : i32
        %add3A_2930 = arith.addi %mul3A_2892, %add3A_2929 : i32
        %swap3A_2931 = arith.index_cast %add3A_2930 : i32 to index
        %swap3A_2932 = tpu.vector_load %arg17[%swap3A_2931] {strides = array<i32>} : memref<16528xf32, #tpu.memory_space<vmem>>, vector<16xf32>,
        tpu.vector_store %arg17[%swap3A_2931], %add3A_2928 {strides = array<i32>} : memref<16528xf32, #tpu.memory_space<vmem>>, vector<16xf32>,
        %sub3A_2933 = arith.subf %add3A_2785, %broadcast_in_dim3A_2890 : vector<16xf32>
        %mul3A_2934 = arith.mulf %sub3A_2933, %mul3A_2889 : vector<16xf32>
        %mul3A_2935 = arith.mulf %mul3A_2934, %get3A_17 : vector<16xf32>
        %add3A_2936 = arith.addf %mul3A_2935, %get3A_33 : vector<16xf32>
        %add3A_2937 = arith.constant 80 : i32
        %add3A_2938 = arith.addi %mul3A_2892, %add3A_2937 : i32
        %swap3A_2939 = arith.index_cast %add3A_2938 : i32 to index
        %swap3A_2940 = tpu.vector_load %arg17[%swap3A_2939] {strides = array<i32>} : memref<16528xf32, #tpu.memory_space<vmem>>, vector<16xf32>,
        tpu.vector_store %arg17[%swap3A_2939], %add3A_2936 {strides = array<i32>} : memref<16528xf32, #tpu.memory_space<vmem>>, vector<16xf32>,
        %sub3A_2941 = arith.subf %add3A_2795, %broadcast_in_dim3A_2890 : vector<16xf32>
        %mul3A_2942 = arith.mulf %sub3A_2941, %mul3A_2889 : vector<16xf32>
        %mul3A_2943 = arith.mulf %mul3A_2942, %get3A_19 : vector<16xf32>
        %add3A_2944 = arith.addf %mul3A_2943, %get3A_35 : vector<16xf32>
        %add3A_2945 = arith.constant 96 : i32
        %add3A_2946 = arith.addi %mul3A_2892, %add3A_2945 : i32
        %swap3A_2947 = arith.index_cast %add3A_2946 : i32 to index
        %swap3A_2948 = tpu.vector_load %arg17[%swap3A_2947] {strides = array<i32>} : memref<16528xf32, #tpu.memory_space<vmem>>, vector<16xf32>,
        tpu.vector_store %arg17[%swap3A_2947], %add3A_2944 {strides = array<i32>} : memref<16528xf32, #tpu.memory_space<vmem>>, vector<16xf32>,
        %sub3A_2949 = arith.subf %add3A_2805, %broadcast_in_dim3A_2890 : vector<16xf32>
        %mul3A_2950 = arith.mulf %sub3A_2949, %mul3A_2889 : vector<16xf32>
        %mul3A_2951 = arith.mulf %mul3A_2950, %get3A_21 : vector<16xf32>
        %add3A_2952 = arith.addf %mul3A_2951, %get3A_37 : vector<16xf32>
        %add3A_2953 = arith.constant 112 : i32
        %add3A_2954 = arith.addi %mul3A_2892, %add3A_2953 : i32
        %swap3A_2955 = arith.index_cast %add3A_2954 : i32 to index
        %swap3A_2956 = tpu.vector_load %arg17[%swap3A_2955] {strides = array<i32>} : memref<16528xf32, #tpu.memory_space<vmem>>, vector<16xf32>,
        tpu.vector_store %arg17[%swap3A_2955], %add3A_2952 {strides = array<i32>} : memref<16528xf32, #tpu.memory_space<vmem>>, vector<16xf32>,
        %sub3A_2957 = arith.subf %add3A_2814, %mul3A_2848 : f32
        %broadcast_in_dim3A_2958 = vector.broadcast %sub3A_2957 : f32 to vector<16xf32>
        %mul3A_2959 = arith.mulf %broadcast_in_dim3A_2958, %mul3A_2889 : vector<16xf32>
        %mul3A_2960 = vector.broadcast %squeeze3A : f32 to vector<16xf32>
        %mul3A_2961 = arith.mulf %mul3A_2959, %mul3A_2960 : vector<16xf32>
        %add3A_2962 = vector.broadcast %squeeze3A_43 : f32 to vector<16xf32>
        %add3A_2963 = arith.addf %mul3A_2961, %add3A_2962 : vector<16xf32>
        %add3A_2964 = arith.constant 128 : i32
        %add3A_2965 = arith.addi %mul3A_2892, %add3A_2964 : i32
        %swap3A_2966 = arith.index_cast %add3A_2965 : i32 to index
        %swap3A_2967 = tpu.vector_load %arg17[%swap3A_2966] {strides = array<i32>} : memref<16528xf32, #tpu.memory_space<vmem>>, vector<16xf32>,
        tpu.vector_store %arg17[%swap3A_2966], %add3A_2963 {strides = array<i32>} : memref<16528xf32, #tpu.memory_space<vmem>>, vector<16xf32>,
        %add3A_2968 = arith.constant 12 : i32
        %add3A_2969 = arith.addi %mul3A_81, %add3A_2968 : i32
        %slice3A_2970 = vector.extract_strided_slice %rem3A_92 {offsets = [12], sizes = [1], strides = [1]} : vector<16xi32> to vector<1xi32>
        %squeeze3A_2971 = vector.extract %slice3A_2970[0] : i32 from vector<1xi32>
        %mul3A_2972 = arith.constant 144 : i32
        %mul3A_2973 = arith.muli %squeeze3A_2971, %mul3A_2972 : i32
        %get3A_2974 = arith.index_cast %add3A_2969 : i32 to index
        %get3A_2975 = arith.constant 0 : index
        %get3A_2976 = tpu.vector_load %arg15[%get3A_2974, %get3A_2975] {strides = array<i32>} : memref<128x64xf32, #tpu.memory_space<vmem>>, vector<16xf32>,
        %add3A_2977 = arith.constant 0 : i32
        %add3A_2978 = arith.addi %mul3A_2973, %add3A_2977 : i32
        %get3A_2979 = arith.index_cast %add3A_2978 : i32 to index
        %get3A_2980 = tpu.vector_load %arg18[%get3A_2979] {strides = array<i32>} : memref<2592xf32, #tpu.memory_space<vmem>>, vector<16xf32>,
        %add3A_2981 = arith.addf %get3A_2976, %get3A_2980 : vector<16xf32>
        %get3A_2982 = arith.index_cast %add3A_2969 : i32 to index
        %get3A_2983 = arith.constant 16 : index
        %get3A_2984 = tpu.vector_load %arg15[%get3A_2982, %get3A_2983] {strides = array<i32>} : memref<128x64xf32, #tpu.memory_space<vmem>>, vector<16xf32>,
        %add3A_2985 = arith.constant 16 : i32
        %add3A_2986 = arith.addi %mul3A_2973, %add3A_2985 : i32
        %get3A_2987 = arith.index_cast %add3A_2986 : i32 to index
        %get3A_2988 = tpu.vector_load %arg18[%get3A_2987] {strides = array<i32>} : memref<2592xf32, #tpu.memory_space<vmem>>, vector<16xf32>,
        %add3A_2989 = arith.addf %get3A_2984, %get3A_2988 : vector<16xf32>
        %get3A_2990 = arith.index_cast %add3A_2969 : i32 to index
        %get3A_2991 = arith.constant 32 : index
        %get3A_2992 = tpu.vector_load %arg15[%get3A_2990, %get3A_2991] {strides = array<i32>} : memref<128x64xf32, #tpu.memory_space<vmem>>, vector<16xf32>,
        %add3A_2993 = arith.constant 32 : i32
        %add3A_2994 = arith.addi %mul3A_2973, %add3A_2993 : i32
        %get3A_2995 = arith.index_cast %add3A_2994 : i32 to index
        %get3A_2996 = tpu.vector_load %arg18[%get3A_2995] {strides = array<i32>} : memref<2592xf32, #tpu.memory_space<vmem>>, vector<16xf32>,
        %add3A_2997 = arith.addf %get3A_2992, %get3A_2996 : vector<16xf32>
        %get3A_2998 = arith.index_cast %add3A_2969 : i32 to index
        %get3A_2999 = arith.constant 48 : index
        %get3A_3000 = tpu.vector_load %arg15[%get3A_2998, %get3A_2999] {strides = array<i32>} : memref<128x64xf32, #tpu.memory_space<vmem>>, vector<16xf32>,
        %add3A_3001 = arith.constant 48 : i32
        %add3A_3002 = arith.addi %mul3A_2973, %add3A_3001 : i32
        %get3A_3003 = arith.index_cast %add3A_3002 : i32 to index
        %get3A_3004 = tpu.vector_load %arg18[%get3A_3003] {strides = array<i32>} : memref<2592xf32, #tpu.memory_space<vmem>>, vector<16xf32>,
        %add3A_3005 = arith.addf %get3A_3000, %get3A_3004 : vector<16xf32>
        %get3A_3006 = arith.index_cast %add3A_2969 : i32 to index
        %get3A_3007 = arith.constant 0 : index
        %get3A_3008 = tpu.vector_load %arg16[%get3A_3006, %get3A_3007] {strides = array<i32>} : memref<128x64xf32, #tpu.memory_space<vmem>>, vector<16xf32>,
        %add3A_3009 = arith.constant 64 : i32
        %add3A_3010 = arith.addi %mul3A_2973, %add3A_3009 : i32
        %add3A_3011 = arith.constant 0 : i32
        %add3A_3012 = arith.addi %add3A_3010, %add3A_3011 : i32
        %get3A_3013 = arith.index_cast %add3A_3012 : i32 to index
        %get3A_3014 = tpu.vector_load %arg18[%get3A_3013] {strides = array<i32>} : memref<2592xf32, #tpu.memory_space<vmem>>, vector<16xf32>,
        %add3A_3015 = arith.addf %get3A_3008, %get3A_3014 : vector<16xf32>
        %get3A_3016 = arith.index_cast %add3A_2969 : i32 to index
        %get3A_3017 = arith.constant 16 : index
        %get3A_3018 = tpu.vector_load %arg16[%get3A_3016, %get3A_3017] {strides = array<i32>} : memref<128x64xf32, #tpu.memory_space<vmem>>, vector<16xf32>,
        %add3A_3019 = arith.constant 64 : i32
        %add3A_3020 = arith.addi %mul3A_2973, %add3A_3019 : i32
        %add3A_3021 = arith.constant 16 : i32
        %add3A_3022 = arith.addi %add3A_3020, %add3A_3021 : i32
        %get3A_3023 = arith.index_cast %add3A_3022 : i32 to index
        %get3A_3024 = tpu.vector_load %arg18[%get3A_3023] {strides = array<i32>} : memref<2592xf32, #tpu.memory_space<vmem>>, vector<16xf32>,
        %add3A_3025 = arith.addf %get3A_3018, %get3A_3024 : vector<16xf32>
        %get3A_3026 = arith.index_cast %add3A_2969 : i32 to index
        %get3A_3027 = arith.constant 32 : index
        %get3A_3028 = tpu.vector_load %arg16[%get3A_3026, %get3A_3027] {strides = array<i32>} : memref<128x64xf32, #tpu.memory_space<vmem>>, vector<16xf32>,
        %add3A_3029 = arith.constant 64 : i32
        %add3A_3030 = arith.addi %mul3A_2973, %add3A_3029 : i32
        %add3A_3031 = arith.constant 32 : i32
        %add3A_3032 = arith.addi %add3A_3030, %add3A_3031 : i32
        %get3A_3033 = arith.index_cast %add3A_3032 : i32 to index
        %get3A_3034 = tpu.vector_load %arg18[%get3A_3033] {strides = array<i32>} : memref<2592xf32, #tpu.memory_space<vmem>>, vector<16xf32>,
        %add3A_3035 = arith.addf %get3A_3028, %get3A_3034 : vector<16xf32>
        %get3A_3036 = arith.index_cast %add3A_2969 : i32 to index
        %get3A_3037 = arith.constant 48 : index
        %get3A_3038 = tpu.vector_load %arg16[%get3A_3036, %get3A_3037] {strides = array<i32>} : memref<128x64xf32, #tpu.memory_space<vmem>>, vector<16xf32>,
        %add3A_3039 = arith.constant 64 : i32
        %add3A_3040 = arith.addi %mul3A_2973, %add3A_3039 : i32
        %add3A_3041 = arith.constant 48 : i32
        %add3A_3042 = arith.addi %add3A_3040, %add3A_3041 : i32
        %get3A_3043 = arith.index_cast %add3A_3042 : i32 to index
        %get3A_3044 = tpu.vector_load %arg18[%get3A_3043] {strides = array<i32>} : memref<2592xf32, #tpu.memory_space<vmem>>, vector<16xf32>,
        %add3A_3045 = arith.addf %get3A_3038, %get3A_3044 : vector<16xf32>
        %slice3A_3046 = vector.extract_strided_slice %select_n3A {offsets = [12], sizes = [1], strides = [1]} : vector<16xf32> to vector<1xf32>
        %squeeze3A_3047 = vector.extract %slice3A_3046[0] : f32 from vector<1xf32>
        %add3A_3048 = arith.constant 128 : i32
        %add3A_3049 = arith.addi %mul3A_2973, %add3A_3048 : i32
        %get3A_3050 = arith.index_cast %add3A_3049 : i32 to index
        %get3A_3051 = tpu.vector_load %arg18[%get3A_3050] {strides = array<i32>} : memref<2592xf32, #tpu.memory_space<vmem>>, vector<16xf32>,
        %slice3A_3052 = vector.extract_strided_slice %get3A_3051 {offsets = [0], sizes = [1], strides = [1]} : vector<16xf32> to vector<1xf32>
        %squeeze3A_3053 = vector.extract %slice3A_3052[0] : f32 from vector<1xf32>
        %add3A_3054 = arith.addf %squeeze3A_3047, %squeeze3A_3053 : f32
        %add3A_3055 = arith.addf %add3A_2981, %add3A_2989 : vector<16xf32>
        %add3A_3056 = arith.addf %add3A_2997, %add3A_3005 : vector<16xf32>
        %add3A_3057 = arith.addf %add3A_3055, %add3A_3056 : vector<16xf32>
        %add3A_3058 = arith.addf %add3A_3015, %add3A_3025 : vector<16xf32>
        %add3A_3059 = arith.addf %add3A_3035, %add3A_3045 : vector<16xf32>
        %add3A_3060 = arith.addf %add3A_3058, %add3A_3059 : vector<16xf32>
        %add3A_3061 = arith.addf %add3A_3057, %add3A_3060 : vector<16xf32>
        %mul3A_3062 = arith.mulf %add3A_2981, %add3A_2981 : vector<16xf32>
        %mul3A_3063 = arith.mulf %add3A_2989, %add3A_2989 : vector<16xf32>
        %mul3A_3064 = arith.mulf %add3A_2997, %add3A_2997 : vector<16xf32>
        %mul3A_3065 = arith.mulf %add3A_3005, %add3A_3005 : vector<16xf32>
        %mul3A_3066 = arith.mulf %add3A_3015, %add3A_3015 : vector<16xf32>
        %mul3A_3067 = arith.mulf %add3A_3025, %add3A_3025 : vector<16xf32>
        %mul3A_3068 = arith.mulf %add3A_3035, %add3A_3035 : vector<16xf32>
        %mul3A_3069 = arith.mulf %add3A_3045, %add3A_3045 : vector<16xf32>
        %add3A_3070 = arith.addf %mul3A_3062, %mul3A_3063 : vector<16xf32>
        %add3A_3071 = arith.addf %mul3A_3064, %mul3A_3065 : vector<16xf32>
        %add3A_3072 = arith.addf %add3A_3070, %add3A_3071 : vector<16xf32>
        %add3A_3073 = arith.addf %mul3A_3066, %mul3A_3067 : vector<16xf32>
        %add3A_3074 = arith.addf %mul3A_3068, %mul3A_3069 : vector<16xf32>
        %add3A_3075 = arith.addf %add3A_3073, %add3A_3074 : vector<16xf32>
        %add3A_3076 = arith.addf %add3A_3072, %add3A_3075 : vector<16xf32>
        %reduce_sum3A_3077 = arith.constant true
        %reduce_sum3A_3078 = vector.broadcast %reduce_sum3A_3077 : i1 to vector<16xi1>
        %reduce_sum3A_3079 = tpu.scan <sum>, %add3A_3061 masked %reduce_sum3A_3078 : vector<16xf32>, vector<16xi1> -> vector<16xf32>
        %reduce_sum3A_3080 = vector.extract %reduce_sum3A_3079[15] : f32 from vector<16xf32>
        %add3A_3081 = arith.addf %reduce_sum3A_3080, %add3A_3054 : f32
        %reduce_sum3A_3082 = arith.constant true
        %reduce_sum3A_3083 = vector.broadcast %reduce_sum3A_3082 : i1 to vector<16xi1>
        %reduce_sum3A_3084 = tpu.scan <sum>, %add3A_3076 masked %reduce_sum3A_3083 : vector<16xf32>, vector<16xi1> -> vector<16xf32>
        %reduce_sum3A_3085 = vector.extract %reduce_sum3A_3084[15] : f32 from vector<16xf32>
        %mul3A_3086 = arith.mulf %add3A_3054, %add3A_3054 : f32
        %add3A_3087 = arith.addf %reduce_sum3A_3085, %mul3A_3086 : f32
        %mul3A_3088 = arith.mulf %add3A_3081, %scan3A_44 : f32
        %mul3A_3089 = arith.mulf %add3A_3087, %scan3A_44 : f32
        %mul3A_3090 = arith.mulf %mul3A_3088, %mul3A_3088 : f32
        %sub3A_3091 = arith.subf %mul3A_3089, %mul3A_3090 : f32
        %add3A_3092 = arith.constant 9.99999974E-6 : f32
        %add3A_3093 = arith.addf %sub3A_3091, %add3A_3092 : f32
        %broadcast_in_dim3A_3094 = vector.broadcast %add3A_3093 : f32 to vector<16xf32>
        %bitcast3A_3095 = vector.bitcast %broadcast_in_dim3A_3094 : vector<16xf32> to vector<16xi32>
        %shift_right_logical3A_3096 = arith.constant 1 : i32
        %shift_right_logical3A_3097 = vector.broadcast %shift_right_logical3A_3096 : i32 to vector<16xi32>
        %shift_right_logical3A_3098 = arith.shrui %bitcast3A_3095, %shift_right_logical3A_3097 : vector<16xi32>
        %sub3A_3099 = arith.constant 1597463007 : i32
        %sub3A_3100 = vector.broadcast %sub3A_3099 : i32 to vector<16xi32>
        %sub3A_3101 = arith.subi %sub3A_3100, %shift_right_logical3A_3098 : vector<16xi32>
        %bitcast3A_3102 = vector.bitcast %sub3A_3101 : vector<16xi32> to vector<16xf32>
        %mul3A_3103 = arith.constant 5.000000e-01 : f32
        %mul3A_3104 = vector.broadcast %mul3A_3103 : f32 to vector<16xf32>
        %mul3A_3105 = arith.mulf %mul3A_3104, %broadcast_in_dim3A_3094 : vector<16xf32>
        %mul3A_3106 = arith.mulf %mul3A_3105, %bitcast3A_3102 : vector<16xf32>
        %mul3A_3107 = arith.mulf %mul3A_3106, %bitcast3A_3102 : vector<16xf32>
        %sub3A_3108 = arith.constant 1.500000e+00 : f32
        %sub3A_3109 = vector.broadcast %sub3A_3108 : f32 to vector<16xf32>
        %sub3A_3110 = arith.subf %sub3A_3109, %mul3A_3107 : vector<16xf32>
        %mul3A_3111 = arith.mulf %bitcast3A_3102, %sub3A_3110 : vector<16xf32>
        %mul3A_3112 = arith.constant 5.000000e-01 : f32
        %mul3A_3113 = vector.broadcast %mul3A_3112 : f32 to vector<16xf32>
        %mul3A_3114 = arith.mulf %mul3A_3113, %broadcast_in_dim3A_3094 : vector<16xf32>
        %mul3A_3115 = arith.mulf %mul3A_3114, %mul3A_3111 : vector<16xf32>
        %mul3A_3116 = arith.mulf %mul3A_3115, %mul3A_3111 : vector<16xf32>
        %sub3A_3117 = arith.constant 1.500000e+00 : f32
        %sub3A_3118 = vector.broadcast %sub3A_3117 : f32 to vector<16xf32>
        %sub3A_3119 = arith.subf %sub3A_3118, %mul3A_3116 : vector<16xf32>
        %mul3A_3120 = arith.mulf %mul3A_3111, %sub3A_3119 : vector<16xf32>
        %mul3A_3121 = arith.constant 5.000000e-01 : f32
        %mul3A_3122 = vector.broadcast %mul3A_3121 : f32 to vector<16xf32>
        %mul3A_3123 = arith.mulf %mul3A_3122, %broadcast_in_dim3A_3094 : vector<16xf32>
        %mul3A_3124 = arith.mulf %mul3A_3123, %mul3A_3120 : vector<16xf32>
        %mul3A_3125 = arith.mulf %mul3A_3124, %mul3A_3120 : vector<16xf32>
        %sub3A_3126 = arith.constant 1.500000e+00 : f32
        %sub3A_3127 = vector.broadcast %sub3A_3126 : f32 to vector<16xf32>
        %sub3A_3128 = arith.subf %sub3A_3127, %mul3A_3125 : vector<16xf32>
        %mul3A_3129 = arith.mulf %mul3A_3120, %sub3A_3128 : vector<16xf32>
        %broadcast_in_dim3A_3130 = vector.broadcast %mul3A_3088 : f32 to vector<16xf32>
        %mul3A_3131 = arith.constant 129 : i32
        %mul3A_3132 = arith.muli %add3A_2969, %mul3A_3131 : i32
        %sub3A_3133 = arith.subf %add3A_2981, %broadcast_in_dim3A_3130 : vector<16xf32>
        %mul3A_3134 = arith.mulf %sub3A_3133, %mul3A_3129 : vector<16xf32>
        %mul3A_3135 = arith.mulf %mul3A_3134, %get3A_7 : vector<16xf32>
        %add3A_3136 = arith.addf %mul3A_3135, %get3A_23 : vector<16xf32>
        %add3A_3137 = arith.constant 0 : i32
        %add3A_3138 = arith.addi %mul3A_3132, %add3A_3137 : i32
        %swap3A_3139 = arith.index_cast %add3A_3138 : i32 to index
        %swap3A_3140 = tpu.vector_load %arg17[%swap3A_3139] {strides = array<i32>} : memref<16528xf32, #tpu.memory_space<vmem>>, vector<16xf32>,
        tpu.vector_store %arg17[%swap3A_3139], %add3A_3136 {strides = array<i32>} : memref<16528xf32, #tpu.memory_space<vmem>>, vector<16xf32>,
        %sub3A_3141 = arith.subf %add3A_2989, %broadcast_in_dim3A_3130 : vector<16xf32>
        %mul3A_3142 = arith.mulf %sub3A_3141, %mul3A_3129 : vector<16xf32>
        %mul3A_3143 = arith.mulf %mul3A_3142, %get3A_9 : vector<16xf32>
        %add3A_3144 = arith.addf %mul3A_3143, %get3A_25 : vector<16xf32>
        %add3A_3145 = arith.constant 16 : i32
        %add3A_3146 = arith.addi %mul3A_3132, %add3A_3145 : i32
        %swap3A_3147 = arith.index_cast %add3A_3146 : i32 to index
        %swap3A_3148 = tpu.vector_load %arg17[%swap3A_3147] {strides = array<i32>} : memref<16528xf32, #tpu.memory_space<vmem>>, vector<16xf32>,
        tpu.vector_store %arg17[%swap3A_3147], %add3A_3144 {strides = array<i32>} : memref<16528xf32, #tpu.memory_space<vmem>>, vector<16xf32>,
        %sub3A_3149 = arith.subf %add3A_2997, %broadcast_in_dim3A_3130 : vector<16xf32>
        %mul3A_3150 = arith.mulf %sub3A_3149, %mul3A_3129 : vector<16xf32>
        %mul3A_3151 = arith.mulf %mul3A_3150, %get3A_11 : vector<16xf32>
        %add3A_3152 = arith.addf %mul3A_3151, %get3A_27 : vector<16xf32>
        %add3A_3153 = arith.constant 32 : i32
        %add3A_3154 = arith.addi %mul3A_3132, %add3A_3153 : i32
        %swap3A_3155 = arith.index_cast %add3A_3154 : i32 to index
        %swap3A_3156 = tpu.vector_load %arg17[%swap3A_3155] {strides = array<i32>} : memref<16528xf32, #tpu.memory_space<vmem>>, vector<16xf32>,
        tpu.vector_store %arg17[%swap3A_3155], %add3A_3152 {strides = array<i32>} : memref<16528xf32, #tpu.memory_space<vmem>>, vector<16xf32>,
        %sub3A_3157 = arith.subf %add3A_3005, %broadcast_in_dim3A_3130 : vector<16xf32>
        %mul3A_3158 = arith.mulf %sub3A_3157, %mul3A_3129 : vector<16xf32>
        %mul3A_3159 = arith.mulf %mul3A_3158, %get3A_13 : vector<16xf32>
        %add3A_3160 = arith.addf %mul3A_3159, %get3A_29 : vector<16xf32>
        %add3A_3161 = arith.constant 48 : i32
        %add3A_3162 = arith.addi %mul3A_3132, %add3A_3161 : i32
        %swap3A_3163 = arith.index_cast %add3A_3162 : i32 to index
        %swap3A_3164 = tpu.vector_load %arg17[%swap3A_3163] {strides = array<i32>} : memref<16528xf32, #tpu.memory_space<vmem>>, vector<16xf32>,
        tpu.vector_store %arg17[%swap3A_3163], %add3A_3160 {strides = array<i32>} : memref<16528xf32, #tpu.memory_space<vmem>>, vector<16xf32>,
        %sub3A_3165 = arith.subf %add3A_3015, %broadcast_in_dim3A_3130 : vector<16xf32>
        %mul3A_3166 = arith.mulf %sub3A_3165, %mul3A_3129 : vector<16xf32>
        %mul3A_3167 = arith.mulf %mul3A_3166, %get3A_15 : vector<16xf32>
        %add3A_3168 = arith.addf %mul3A_3167, %get3A_31 : vector<16xf32>
        %add3A_3169 = arith.constant 64 : i32
        %add3A_3170 = arith.addi %mul3A_3132, %add3A_3169 : i32
        %swap3A_3171 = arith.index_cast %add3A_3170 : i32 to index
        %swap3A_3172 = tpu.vector_load %arg17[%swap3A_3171] {strides = array<i32>} : memref<16528xf32, #tpu.memory_space<vmem>>, vector<16xf32>,
        tpu.vector_store %arg17[%swap3A_3171], %add3A_3168 {strides = array<i32>} : memref<16528xf32, #tpu.memory_space<vmem>>, vector<16xf32>,
        %sub3A_3173 = arith.subf %add3A_3025, %broadcast_in_dim3A_3130 : vector<16xf32>
        %mul3A_3174 = arith.mulf %sub3A_3173, %mul3A_3129 : vector<16xf32>
        %mul3A_3175 = arith.mulf %mul3A_3174, %get3A_17 : vector<16xf32>
        %add3A_3176 = arith.addf %mul3A_3175, %get3A_33 : vector<16xf32>
        %add3A_3177 = arith.constant 80 : i32
        %add3A_3178 = arith.addi %mul3A_3132, %add3A_3177 : i32
        %swap3A_3179 = arith.index_cast %add3A_3178 : i32 to index
        %swap3A_3180 = tpu.vector_load %arg17[%swap3A_3179] {strides = array<i32>} : memref<16528xf32, #tpu.memory_space<vmem>>, vector<16xf32>,
        tpu.vector_store %arg17[%swap3A_3179], %add3A_3176 {strides = array<i32>} : memref<16528xf32, #tpu.memory_space<vmem>>, vector<16xf32>,
        %sub3A_3181 = arith.subf %add3A_3035, %broadcast_in_dim3A_3130 : vector<16xf32>
        %mul3A_3182 = arith.mulf %sub3A_3181, %mul3A_3129 : vector<16xf32>
        %mul3A_3183 = arith.mulf %mul3A_3182, %get3A_19 : vector<16xf32>
        %add3A_3184 = arith.addf %mul3A_3183, %get3A_35 : vector<16xf32>
        %add3A_3185 = arith.constant 96 : i32
        %add3A_3186 = arith.addi %mul3A_3132, %add3A_3185 : i32
        %swap3A_3187 = arith.index_cast %add3A_3186 : i32 to index
        %swap3A_3188 = tpu.vector_load %arg17[%swap3A_3187] {strides = array<i32>} : memref<16528xf32, #tpu.memory_space<vmem>>, vector<16xf32>,
        tpu.vector_store %arg17[%swap3A_3187], %add3A_3184 {strides = array<i32>} : memref<16528xf32, #tpu.memory_space<vmem>>, vector<16xf32>,
        %sub3A_3189 = arith.subf %add3A_3045, %broadcast_in_dim3A_3130 : vector<16xf32>
        %mul3A_3190 = arith.mulf %sub3A_3189, %mul3A_3129 : vector<16xf32>
        %mul3A_3191 = arith.mulf %mul3A_3190, %get3A_21 : vector<16xf32>
        %add3A_3192 = arith.addf %mul3A_3191, %get3A_37 : vector<16xf32>
        %add3A_3193 = arith.constant 112 : i32
        %add3A_3194 = arith.addi %mul3A_3132, %add3A_3193 : i32
        %swap3A_3195 = arith.index_cast %add3A_3194 : i32 to index
        %swap3A_3196 = tpu.vector_load %arg17[%swap3A_3195] {strides = array<i32>} : memref<16528xf32, #tpu.memory_space<vmem>>, vector<16xf32>,
        tpu.vector_store %arg17[%swap3A_3195], %add3A_3192 {strides = array<i32>} : memref<16528xf32, #tpu.memory_space<vmem>>, vector<16xf32>,
        %sub3A_3197 = arith.subf %add3A_3054, %mul3A_3088 : f32
        %broadcast_in_dim3A_3198 = vector.broadcast %sub3A_3197 : f32 to vector<16xf32>
        %mul3A_3199 = arith.mulf %broadcast_in_dim3A_3198, %mul3A_3129 : vector<16xf32>
        %mul3A_3200 = vector.broadcast %squeeze3A : f32 to vector<16xf32>
        %mul3A_3201 = arith.mulf %mul3A_3199, %mul3A_3200 : vector<16xf32>
        %add3A_3202 = vector.broadcast %squeeze3A_43 : f32 to vector<16xf32>
        %add3A_3203 = arith.addf %mul3A_3201, %add3A_3202 : vector<16xf32>
        %add3A_3204 = arith.constant 128 : i32
        %add3A_3205 = arith.addi %mul3A_3132, %add3A_3204 : i32
        %swap3A_3206 = arith.index_cast %add3A_3205 : i32 to index
        %swap3A_3207 = tpu.vector_load %arg17[%swap3A_3206] {strides = array<i32>} : memref<16528xf32, #tpu.memory_space<vmem>>, vector<16xf32>,
        tpu.vector_store %arg17[%swap3A_3206], %add3A_3203 {strides = array<i32>} : memref<16528xf32, #tpu.memory_space<vmem>>, vector<16xf32>,
        %add3A_3208 = arith.constant 13 : i32
        %add3A_3209 = arith.addi %mul3A_81, %add3A_3208 : i32
        %slice3A_3210 = vector.extract_strided_slice %rem3A_92 {offsets = [13], sizes = [1], strides = [1]} : vector<16xi32> to vector<1xi32>
        %squeeze3A_3211 = vector.extract %slice3A_3210[0] : i32 from vector<1xi32>
        %mul3A_3212 = arith.constant 144 : i32
        %mul3A_3213 = arith.muli %squeeze3A_3211, %mul3A_3212 : i32
        %get3A_3214 = arith.index_cast %add3A_3209 : i32 to index
        %get3A_3215 = arith.constant 0 : index
        %get3A_3216 = tpu.vector_load %arg15[%get3A_3214, %get3A_3215] {strides = array<i32>} : memref<128x64xf32, #tpu.memory_space<vmem>>, vector<16xf32>,
        %add3A_3217 = arith.constant 0 : i32
        %add3A_3218 = arith.addi %mul3A_3213, %add3A_3217 : i32
        %get3A_3219 = arith.index_cast %add3A_3218 : i32 to index
        %get3A_3220 = tpu.vector_load %arg18[%get3A_3219] {strides = array<i32>} : memref<2592xf32, #tpu.memory_space<vmem>>, vector<16xf32>,
        %add3A_3221 = arith.addf %get3A_3216, %get3A_3220 : vector<16xf32>
        %get3A_3222 = arith.index_cast %add3A_3209 : i32 to index
        %get3A_3223 = arith.constant 16 : index
        %get3A_3224 = tpu.vector_load %arg15[%get3A_3222, %get3A_3223] {strides = array<i32>} : memref<128x64xf32, #tpu.memory_space<vmem>>, vector<16xf32>,
        %add3A_3225 = arith.constant 16 : i32
        %add3A_3226 = arith.addi %mul3A_3213, %add3A_3225 : i32
        %get3A_3227 = arith.index_cast %add3A_3226 : i32 to index
        %get3A_3228 = tpu.vector_load %arg18[%get3A_3227] {strides = array<i32>} : memref<2592xf32, #tpu.memory_space<vmem>>, vector<16xf32>,
        %add3A_3229 = arith.addf %get3A_3224, %get3A_3228 : vector<16xf32>
        %get3A_3230 = arith.index_cast %add3A_3209 : i32 to index
        %get3A_3231 = arith.constant 32 : index
        %get3A_3232 = tpu.vector_load %arg15[%get3A_3230, %get3A_3231] {strides = array<i32>} : memref<128x64xf32, #tpu.memory_space<vmem>>, vector<16xf32>,
        %add3A_3233 = arith.constant 32 : i32
        %add3A_3234 = arith.addi %mul3A_3213, %add3A_3233 : i32
        %get3A_3235 = arith.index_cast %add3A_3234 : i32 to index
        %get3A_3236 = tpu.vector_load %arg18[%get3A_3235] {strides = array<i32>} : memref<2592xf32, #tpu.memory_space<vmem>>, vector<16xf32>,
        %add3A_3237 = arith.addf %get3A_3232, %get3A_3236 : vector<16xf32>
        %get3A_3238 = arith.index_cast %add3A_3209 : i32 to index
        %get3A_3239 = arith.constant 48 : index
        %get3A_3240 = tpu.vector_load %arg15[%get3A_3238, %get3A_3239] {strides = array<i32>} : memref<128x64xf32, #tpu.memory_space<vmem>>, vector<16xf32>,
        %add3A_3241 = arith.constant 48 : i32
        %add3A_3242 = arith.addi %mul3A_3213, %add3A_3241 : i32
        %get3A_3243 = arith.index_cast %add3A_3242 : i32 to index
        %get3A_3244 = tpu.vector_load %arg18[%get3A_3243] {strides = array<i32>} : memref<2592xf32, #tpu.memory_space<vmem>>, vector<16xf32>,
        %add3A_3245 = arith.addf %get3A_3240, %get3A_3244 : vector<16xf32>
        %get3A_3246 = arith.index_cast %add3A_3209 : i32 to index
        %get3A_3247 = arith.constant 0 : index
        %get3A_3248 = tpu.vector_load %arg16[%get3A_3246, %get3A_3247] {strides = array<i32>} : memref<128x64xf32, #tpu.memory_space<vmem>>, vector<16xf32>,
        %add3A_3249 = arith.constant 64 : i32
        %add3A_3250 = arith.addi %mul3A_3213, %add3A_3249 : i32
        %add3A_3251 = arith.constant 0 : i32
        %add3A_3252 = arith.addi %add3A_3250, %add3A_3251 : i32
        %get3A_3253 = arith.index_cast %add3A_3252 : i32 to index
        %get3A_3254 = tpu.vector_load %arg18[%get3A_3253] {strides = array<i32>} : memref<2592xf32, #tpu.memory_space<vmem>>, vector<16xf32>,
        %add3A_3255 = arith.addf %get3A_3248, %get3A_3254 : vector<16xf32>
        %get3A_3256 = arith.index_cast %add3A_3209 : i32 to index
        %get3A_3257 = arith.constant 16 : index
        %get3A_3258 = tpu.vector_load %arg16[%get3A_3256, %get3A_3257] {strides = array<i32>} : memref<128x64xf32, #tpu.memory_space<vmem>>, vector<16xf32>,
        %add3A_3259 = arith.constant 64 : i32
        %add3A_3260 = arith.addi %mul3A_3213, %add3A_3259 : i32
        %add3A_3261 = arith.constant 16 : i32
        %add3A_3262 = arith.addi %add3A_3260, %add3A_3261 : i32
        %get3A_3263 = arith.index_cast %add3A_3262 : i32 to index
        %get3A_3264 = tpu.vector_load %arg18[%get3A_3263] {strides = array<i32>} : memref<2592xf32, #tpu.memory_space<vmem>>, vector<16xf32>,
        %add3A_3265 = arith.addf %get3A_3258, %get3A_3264 : vector<16xf32>
        %get3A_3266 = arith.index_cast %add3A_3209 : i32 to index
        %get3A_3267 = arith.constant 32 : index
        %get3A_3268 = tpu.vector_load %arg16[%get3A_3266, %get3A_3267] {strides = array<i32>} : memref<128x64xf32, #tpu.memory_space<vmem>>, vector<16xf32>,
        %add3A_3269 = arith.constant 64 : i32
        %add3A_3270 = arith.addi %mul3A_3213, %add3A_3269 : i32
        %add3A_3271 = arith.constant 32 : i32
        %add3A_3272 = arith.addi %add3A_3270, %add3A_3271 : i32
        %get3A_3273 = arith.index_cast %add3A_3272 : i32 to index
        %get3A_3274 = tpu.vector_load %arg18[%get3A_3273] {strides = array<i32>} : memref<2592xf32, #tpu.memory_space<vmem>>, vector<16xf32>,
        %add3A_3275 = arith.addf %get3A_3268, %get3A_3274 : vector<16xf32>
        %get3A_3276 = arith.index_cast %add3A_3209 : i32 to index
        %get3A_3277 = arith.constant 48 : index
        %get3A_3278 = tpu.vector_load %arg16[%get3A_3276, %get3A_3277] {strides = array<i32>} : memref<128x64xf32, #tpu.memory_space<vmem>>, vector<16xf32>,
        %add3A_3279 = arith.constant 64 : i32
        %add3A_3280 = arith.addi %mul3A_3213, %add3A_3279 : i32
        %add3A_3281 = arith.constant 48 : i32
        %add3A_3282 = arith.addi %add3A_3280, %add3A_3281 : i32
        %get3A_3283 = arith.index_cast %add3A_3282 : i32 to index
        %get3A_3284 = tpu.vector_load %arg18[%get3A_3283] {strides = array<i32>} : memref<2592xf32, #tpu.memory_space<vmem>>, vector<16xf32>,
        %add3A_3285 = arith.addf %get3A_3278, %get3A_3284 : vector<16xf32>
        %slice3A_3286 = vector.extract_strided_slice %select_n3A {offsets = [13], sizes = [1], strides = [1]} : vector<16xf32> to vector<1xf32>
        %squeeze3A_3287 = vector.extract %slice3A_3286[0] : f32 from vector<1xf32>
        %add3A_3288 = arith.constant 128 : i32
        %add3A_3289 = arith.addi %mul3A_3213, %add3A_3288 : i32
        %get3A_3290 = arith.index_cast %add3A_3289 : i32 to index
        %get3A_3291 = tpu.vector_load %arg18[%get3A_3290] {strides = array<i32>} : memref<2592xf32, #tpu.memory_space<vmem>>, vector<16xf32>,
        %slice3A_3292 = vector.extract_strided_slice %get3A_3291 {offsets = [0], sizes = [1], strides = [1]} : vector<16xf32> to vector<1xf32>
        %squeeze3A_3293 = vector.extract %slice3A_3292[0] : f32 from vector<1xf32>
        %add3A_3294 = arith.addf %squeeze3A_3287, %squeeze3A_3293 : f32
        %add3A_3295 = arith.addf %add3A_3221, %add3A_3229 : vector<16xf32>
        %add3A_3296 = arith.addf %add3A_3237, %add3A_3245 : vector<16xf32>
        %add3A_3297 = arith.addf %add3A_3295, %add3A_3296 : vector<16xf32>
        %add3A_3298 = arith.addf %add3A_3255, %add3A_3265 : vector<16xf32>
        %add3A_3299 = arith.addf %add3A_3275, %add3A_3285 : vector<16xf32>
        %add3A_3300 = arith.addf %add3A_3298, %add3A_3299 : vector<16xf32>
        %add3A_3301 = arith.addf %add3A_3297, %add3A_3300 : vector<16xf32>
        %mul3A_3302 = arith.mulf %add3A_3221, %add3A_3221 : vector<16xf32>
        %mul3A_3303 = arith.mulf %add3A_3229, %add3A_3229 : vector<16xf32>
        %mul3A_3304 = arith.mulf %add3A_3237, %add3A_3237 : vector<16xf32>
        %mul3A_3305 = arith.mulf %add3A_3245, %add3A_3245 : vector<16xf32>
        %mul3A_3306 = arith.mulf %add3A_3255, %add3A_3255 : vector<16xf32>
        %mul3A_3307 = arith.mulf %add3A_3265, %add3A_3265 : vector<16xf32>
        %mul3A_3308 = arith.mulf %add3A_3275, %add3A_3275 : vector<16xf32>
        %mul3A_3309 = arith.mulf %add3A_3285, %add3A_3285 : vector<16xf32>
        %add3A_3310 = arith.addf %mul3A_3302, %mul3A_3303 : vector<16xf32>
        %add3A_3311 = arith.addf %mul3A_3304, %mul3A_3305 : vector<16xf32>
        %add3A_3312 = arith.addf %add3A_3310, %add3A_3311 : vector<16xf32>
        %add3A_3313 = arith.addf %mul3A_3306, %mul3A_3307 : vector<16xf32>
        %add3A_3314 = arith.addf %mul3A_3308, %mul3A_3309 : vector<16xf32>
        %add3A_3315 = arith.addf %add3A_3313, %add3A_3314 : vector<16xf32>
        %add3A_3316 = arith.addf %add3A_3312, %add3A_3315 : vector<16xf32>
        %reduce_sum3A_3317 = arith.constant true
        %reduce_sum3A_3318 = vector.broadcast %reduce_sum3A_3317 : i1 to vector<16xi1>
        %reduce_sum3A_3319 = tpu.scan <sum>, %add3A_3301 masked %reduce_sum3A_3318 : vector<16xf32>, vector<16xi1> -> vector<16xf32>
        %reduce_sum3A_3320 = vector.extract %reduce_sum3A_3319[15] : f32 from vector<16xf32>
        %add3A_3321 = arith.addf %reduce_sum3A_3320, %add3A_3294 : f32
        %reduce_sum3A_3322 = arith.constant true
        %reduce_sum3A_3323 = vector.broadcast %reduce_sum3A_3322 : i1 to vector<16xi1>
        %reduce_sum3A_3324 = tpu.scan <sum>, %add3A_3316 masked %reduce_sum3A_3323 : vector<16xf32>, vector<16xi1> -> vector<16xf32>
        %reduce_sum3A_3325 = vector.extract %reduce_sum3A_3324[15] : f32 from vector<16xf32>
        %mul3A_3326 = arith.mulf %add3A_3294, %add3A_3294 : f32
        %add3A_3327 = arith.addf %reduce_sum3A_3325, %mul3A_3326 : f32
        %mul3A_3328 = arith.mulf %add3A_3321, %scan3A_44 : f32
        %mul3A_3329 = arith.mulf %add3A_3327, %scan3A_44 : f32
        %mul3A_3330 = arith.mulf %mul3A_3328, %mul3A_3328 : f32
        %sub3A_3331 = arith.subf %mul3A_3329, %mul3A_3330 : f32
        %add3A_3332 = arith.constant 9.99999974E-6 : f32
        %add3A_3333 = arith.addf %sub3A_3331, %add3A_3332 : f32
        %broadcast_in_dim3A_3334 = vector.broadcast %add3A_3333 : f32 to vector<16xf32>
        %bitcast3A_3335 = vector.bitcast %broadcast_in_dim3A_3334 : vector<16xf32> to vector<16xi32>
        %shift_right_logical3A_3336 = arith.constant 1 : i32
        %shift_right_logical3A_3337 = vector.broadcast %shift_right_logical3A_3336 : i32 to vector<16xi32>
        %shift_right_logical3A_3338 = arith.shrui %bitcast3A_3335, %shift_right_logical3A_3337 : vector<16xi32>
        %sub3A_3339 = arith.constant 1597463007 : i32
        %sub3A_3340 = vector.broadcast %sub3A_3339 : i32 to vector<16xi32>
        %sub3A_3341 = arith.subi %sub3A_3340, %shift_right_logical3A_3338 : vector<16xi32>
        %bitcast3A_3342 = vector.bitcast %sub3A_3341 : vector<16xi32> to vector<16xf32>
        %mul3A_3343 = arith.constant 5.000000e-01 : f32
        %mul3A_3344 = vector.broadcast %mul3A_3343 : f32 to vector<16xf32>
        %mul3A_3345 = arith.mulf %mul3A_3344, %broadcast_in_dim3A_3334 : vector<16xf32>
        %mul3A_3346 = arith.mulf %mul3A_3345, %bitcast3A_3342 : vector<16xf32>
        %mul3A_3347 = arith.mulf %mul3A_3346, %bitcast3A_3342 : vector<16xf32>
        %sub3A_3348 = arith.constant 1.500000e+00 : f32
        %sub3A_3349 = vector.broadcast %sub3A_3348 : f32 to vector<16xf32>
        %sub3A_3350 = arith.subf %sub3A_3349, %mul3A_3347 : vector<16xf32>
        %mul3A_3351 = arith.mulf %bitcast3A_3342, %sub3A_3350 : vector<16xf32>
        %mul3A_3352 = arith.constant 5.000000e-01 : f32
        %mul3A_3353 = vector.broadcast %mul3A_3352 : f32 to vector<16xf32>
        %mul3A_3354 = arith.mulf %mul3A_3353, %broadcast_in_dim3A_3334 : vector<16xf32>
        %mul3A_3355 = arith.mulf %mul3A_3354, %mul3A_3351 : vector<16xf32>
        %mul3A_3356 = arith.mulf %mul3A_3355, %mul3A_3351 : vector<16xf32>
        %sub3A_3357 = arith.constant 1.500000e+00 : f32
        %sub3A_3358 = vector.broadcast %sub3A_3357 : f32 to vector<16xf32>
        %sub3A_3359 = arith.subf %sub3A_3358, %mul3A_3356 : vector<16xf32>
        %mul3A_3360 = arith.mulf %mul3A_3351, %sub3A_3359 : vector<16xf32>
        %mul3A_3361 = arith.constant 5.000000e-01 : f32
        %mul3A_3362 = vector.broadcast %mul3A_3361 : f32 to vector<16xf32>
        %mul3A_3363 = arith.mulf %mul3A_3362, %broadcast_in_dim3A_3334 : vector<16xf32>
        %mul3A_3364 = arith.mulf %mul3A_3363, %mul3A_3360 : vector<16xf32>
        %mul3A_3365 = arith.mulf %mul3A_3364, %mul3A_3360 : vector<16xf32>
        %sub3A_3366 = arith.constant 1.500000e+00 : f32
        %sub3A_3367 = vector.broadcast %sub3A_3366 : f32 to vector<16xf32>
        %sub3A_3368 = arith.subf %sub3A_3367, %mul3A_3365 : vector<16xf32>
        %mul3A_3369 = arith.mulf %mul3A_3360, %sub3A_3368 : vector<16xf32>
        %broadcast_in_dim3A_3370 = vector.broadcast %mul3A_3328 : f32 to vector<16xf32>
        %mul3A_3371 = arith.constant 129 : i32
        %mul3A_3372 = arith.muli %add3A_3209, %mul3A_3371 : i32
        %sub3A_3373 = arith.subf %add3A_3221, %broadcast_in_dim3A_3370 : vector<16xf32>
        %mul3A_3374 = arith.mulf %sub3A_3373, %mul3A_3369 : vector<16xf32>
        %mul3A_3375 = arith.mulf %mul3A_3374, %get3A_7 : vector<16xf32>
        %add3A_3376 = arith.addf %mul3A_3375, %get3A_23 : vector<16xf32>
        %add3A_3377 = arith.constant 0 : i32
        %add3A_3378 = arith.addi %mul3A_3372, %add3A_3377 : i32
        %swap3A_3379 = arith.index_cast %add3A_3378 : i32 to index
        %swap3A_3380 = tpu.vector_load %arg17[%swap3A_3379] {strides = array<i32>} : memref<16528xf32, #tpu.memory_space<vmem>>, vector<16xf32>,
        tpu.vector_store %arg17[%swap3A_3379], %add3A_3376 {strides = array<i32>} : memref<16528xf32, #tpu.memory_space<vmem>>, vector<16xf32>,
        %sub3A_3381 = arith.subf %add3A_3229, %broadcast_in_dim3A_3370 : vector<16xf32>
        %mul3A_3382 = arith.mulf %sub3A_3381, %mul3A_3369 : vector<16xf32>
        %mul3A_3383 = arith.mulf %mul3A_3382, %get3A_9 : vector<16xf32>
        %add3A_3384 = arith.addf %mul3A_3383, %get3A_25 : vector<16xf32>
        %add3A_3385 = arith.constant 16 : i32
        %add3A_3386 = arith.addi %mul3A_3372, %add3A_3385 : i32
        %swap3A_3387 = arith.index_cast %add3A_3386 : i32 to index
        %swap3A_3388 = tpu.vector_load %arg17[%swap3A_3387] {strides = array<i32>} : memref<16528xf32, #tpu.memory_space<vmem>>, vector<16xf32>,
        tpu.vector_store %arg17[%swap3A_3387], %add3A_3384 {strides = array<i32>} : memref<16528xf32, #tpu.memory_space<vmem>>, vector<16xf32>,
        %sub3A_3389 = arith.subf %add3A_3237, %broadcast_in_dim3A_3370 : vector<16xf32>
        %mul3A_3390 = arith.mulf %sub3A_3389, %mul3A_3369 : vector<16xf32>
        %mul3A_3391 = arith.mulf %mul3A_3390, %get3A_11 : vector<16xf32>
        %add3A_3392 = arith.addf %mul3A_3391, %get3A_27 : vector<16xf32>
        %add3A_3393 = arith.constant 32 : i32
        %add3A_3394 = arith.addi %mul3A_3372, %add3A_3393 : i32
        %swap3A_3395 = arith.index_cast %add3A_3394 : i32 to index
        %swap3A_3396 = tpu.vector_load %arg17[%swap3A_3395] {strides = array<i32>} : memref<16528xf32, #tpu.memory_space<vmem>>, vector<16xf32>,
        tpu.vector_store %arg17[%swap3A_3395], %add3A_3392 {strides = array<i32>} : memref<16528xf32, #tpu.memory_space<vmem>>, vector<16xf32>,
        %sub3A_3397 = arith.subf %add3A_3245, %broadcast_in_dim3A_3370 : vector<16xf32>
        %mul3A_3398 = arith.mulf %sub3A_3397, %mul3A_3369 : vector<16xf32>
        %mul3A_3399 = arith.mulf %mul3A_3398, %get3A_13 : vector<16xf32>
        %add3A_3400 = arith.addf %mul3A_3399, %get3A_29 : vector<16xf32>
        %add3A_3401 = arith.constant 48 : i32
        %add3A_3402 = arith.addi %mul3A_3372, %add3A_3401 : i32
        %swap3A_3403 = arith.index_cast %add3A_3402 : i32 to index
        %swap3A_3404 = tpu.vector_load %arg17[%swap3A_3403] {strides = array<i32>} : memref<16528xf32, #tpu.memory_space<vmem>>, vector<16xf32>,
        tpu.vector_store %arg17[%swap3A_3403], %add3A_3400 {strides = array<i32>} : memref<16528xf32, #tpu.memory_space<vmem>>, vector<16xf32>,
        %sub3A_3405 = arith.subf %add3A_3255, %broadcast_in_dim3A_3370 : vector<16xf32>
        %mul3A_3406 = arith.mulf %sub3A_3405, %mul3A_3369 : vector<16xf32>
        %mul3A_3407 = arith.mulf %mul3A_3406, %get3A_15 : vector<16xf32>
        %add3A_3408 = arith.addf %mul3A_3407, %get3A_31 : vector<16xf32>
        %add3A_3409 = arith.constant 64 : i32
        %add3A_3410 = arith.addi %mul3A_3372, %add3A_3409 : i32
        %swap3A_3411 = arith.index_cast %add3A_3410 : i32 to index
        %swap3A_3412 = tpu.vector_load %arg17[%swap3A_3411] {strides = array<i32>} : memref<16528xf32, #tpu.memory_space<vmem>>, vector<16xf32>,
        tpu.vector_store %arg17[%swap3A_3411], %add3A_3408 {strides = array<i32>} : memref<16528xf32, #tpu.memory_space<vmem>>, vector<16xf32>,
        %sub3A_3413 = arith.subf %add3A_3265, %broadcast_in_dim3A_3370 : vector<16xf32>
        %mul3A_3414 = arith.mulf %sub3A_3413, %mul3A_3369 : vector<16xf32>
        %mul3A_3415 = arith.mulf %mul3A_3414, %get3A_17 : vector<16xf32>
        %add3A_3416 = arith.addf %mul3A_3415, %get3A_33 : vector<16xf32>
        %add3A_3417 = arith.constant 80 : i32
        %add3A_3418 = arith.addi %mul3A_3372, %add3A_3417 : i32
        %swap3A_3419 = arith.index_cast %add3A_3418 : i32 to index
        %swap3A_3420 = tpu.vector_load %arg17[%swap3A_3419] {strides = array<i32>} : memref<16528xf32, #tpu.memory_space<vmem>>, vector<16xf32>,
        tpu.vector_store %arg17[%swap3A_3419], %add3A_3416 {strides = array<i32>} : memref<16528xf32, #tpu.memory_space<vmem>>, vector<16xf32>,
        %sub3A_3421 = arith.subf %add3A_3275, %broadcast_in_dim3A_3370 : vector<16xf32>
        %mul3A_3422 = arith.mulf %sub3A_3421, %mul3A_3369 : vector<16xf32>
        %mul3A_3423 = arith.mulf %mul3A_3422, %get3A_19 : vector<16xf32>
        %add3A_3424 = arith.addf %mul3A_3423, %get3A_35 : vector<16xf32>
        %add3A_3425 = arith.constant 96 : i32
        %add3A_3426 = arith.addi %mul3A_3372, %add3A_3425 : i32
        %swap3A_3427 = arith.index_cast %add3A_3426 : i32 to index
        %swap3A_3428 = tpu.vector_load %arg17[%swap3A_3427] {strides = array<i32>} : memref<16528xf32, #tpu.memory_space<vmem>>, vector<16xf32>,
        tpu.vector_store %arg17[%swap3A_3427], %add3A_3424 {strides = array<i32>} : memref<16528xf32, #tpu.memory_space<vmem>>, vector<16xf32>,
        %sub3A_3429 = arith.subf %add3A_3285, %broadcast_in_dim3A_3370 : vector<16xf32>
        %mul3A_3430 = arith.mulf %sub3A_3429, %mul3A_3369 : vector<16xf32>
        %mul3A_3431 = arith.mulf %mul3A_3430, %get3A_21 : vector<16xf32>
        %add3A_3432 = arith.addf %mul3A_3431, %get3A_37 : vector<16xf32>
        %add3A_3433 = arith.constant 112 : i32
        %add3A_3434 = arith.addi %mul3A_3372, %add3A_3433 : i32
        %swap3A_3435 = arith.index_cast %add3A_3434 : i32 to index
        %swap3A_3436 = tpu.vector_load %arg17[%swap3A_3435] {strides = array<i32>} : memref<16528xf32, #tpu.memory_space<vmem>>, vector<16xf32>,
        tpu.vector_store %arg17[%swap3A_3435], %add3A_3432 {strides = array<i32>} : memref<16528xf32, #tpu.memory_space<vmem>>, vector<16xf32>,
        %sub3A_3437 = arith.subf %add3A_3294, %mul3A_3328 : f32
        %broadcast_in_dim3A_3438 = vector.broadcast %sub3A_3437 : f32 to vector<16xf32>
        %mul3A_3439 = arith.mulf %broadcast_in_dim3A_3438, %mul3A_3369 : vector<16xf32>
        %mul3A_3440 = vector.broadcast %squeeze3A : f32 to vector<16xf32>
        %mul3A_3441 = arith.mulf %mul3A_3439, %mul3A_3440 : vector<16xf32>
        %add3A_3442 = vector.broadcast %squeeze3A_43 : f32 to vector<16xf32>
        %add3A_3443 = arith.addf %mul3A_3441, %add3A_3442 : vector<16xf32>
        %add3A_3444 = arith.constant 128 : i32
        %add3A_3445 = arith.addi %mul3A_3372, %add3A_3444 : i32
        %swap3A_3446 = arith.index_cast %add3A_3445 : i32 to index
        %swap3A_3447 = tpu.vector_load %arg17[%swap3A_3446] {strides = array<i32>} : memref<16528xf32, #tpu.memory_space<vmem>>, vector<16xf32>,
        tpu.vector_store %arg17[%swap3A_3446], %add3A_3443 {strides = array<i32>} : memref<16528xf32, #tpu.memory_space<vmem>>, vector<16xf32>,
        %add3A_3448 = arith.constant 14 : i32
        %add3A_3449 = arith.addi %mul3A_81, %add3A_3448 : i32
        %slice3A_3450 = vector.extract_strided_slice %rem3A_92 {offsets = [14], sizes = [1], strides = [1]} : vector<16xi32> to vector<1xi32>
        %squeeze3A_3451 = vector.extract %slice3A_3450[0] : i32 from vector<1xi32>
        %mul3A_3452 = arith.constant 144 : i32
        %mul3A_3453 = arith.muli %squeeze3A_3451, %mul3A_3452 : i32
        %get3A_3454 = arith.index_cast %add3A_3449 : i32 to index
        %get3A_3455 = arith.constant 0 : index
        %get3A_3456 = tpu.vector_load %arg15[%get3A_3454, %get3A_3455] {strides = array<i32>} : memref<128x64xf32, #tpu.memory_space<vmem>>, vector<16xf32>,
        %add3A_3457 = arith.constant 0 : i32
        %add3A_3458 = arith.addi %mul3A_3453, %add3A_3457 : i32
        %get3A_3459 = arith.index_cast %add3A_3458 : i32 to index
        %get3A_3460 = tpu.vector_load %arg18[%get3A_3459] {strides = array<i32>} : memref<2592xf32, #tpu.memory_space<vmem>>, vector<16xf32>,
        %add3A_3461 = arith.addf %get3A_3456, %get3A_3460 : vector<16xf32>
        %get3A_3462 = arith.index_cast %add3A_3449 : i32 to index
        %get3A_3463 = arith.constant 16 : index
        %get3A_3464 = tpu.vector_load %arg15[%get3A_3462, %get3A_3463] {strides = array<i32>} : memref<128x64xf32, #tpu.memory_space<vmem>>, vector<16xf32>,
        %add3A_3465 = arith.constant 16 : i32
        %add3A_3466 = arith.addi %mul3A_3453, %add3A_3465 : i32
        %get3A_3467 = arith.index_cast %add3A_3466 : i32 to index
        %get3A_3468 = tpu.vector_load %arg18[%get3A_3467] {strides = array<i32>} : memref<2592xf32, #tpu.memory_space<vmem>>, vector<16xf32>,
        %add3A_3469 = arith.addf %get3A_3464, %get3A_3468 : vector<16xf32>
        %get3A_3470 = arith.index_cast %add3A_3449 : i32 to index
        %get3A_3471 = arith.constant 32 : index
        %get3A_3472 = tpu.vector_load %arg15[%get3A_3470, %get3A_3471] {strides = array<i32>} : memref<128x64xf32, #tpu.memory_space<vmem>>, vector<16xf32>,
        %add3A_3473 = arith.constant 32 : i32
        %add3A_3474 = arith.addi %mul3A_3453, %add3A_3473 : i32
        %get3A_3475 = arith.index_cast %add3A_3474 : i32 to index
        %get3A_3476 = tpu.vector_load %arg18[%get3A_3475] {strides = array<i32>} : memref<2592xf32, #tpu.memory_space<vmem>>, vector<16xf32>,
        %add3A_3477 = arith.addf %get3A_3472, %get3A_3476 : vector<16xf32>
        %get3A_3478 = arith.index_cast %add3A_3449 : i32 to index
        %get3A_3479 = arith.constant 48 : index
        %get3A_3480 = tpu.vector_load %arg15[%get3A_3478, %get3A_3479] {strides = array<i32>} : memref<128x64xf32, #tpu.memory_space<vmem>>, vector<16xf32>,
        %add3A_3481 = arith.constant 48 : i32
        %add3A_3482 = arith.addi %mul3A_3453, %add3A_3481 : i32
        %get3A_3483 = arith.index_cast %add3A_3482 : i32 to index
        %get3A_3484 = tpu.vector_load %arg18[%get3A_3483] {strides = array<i32>} : memref<2592xf32, #tpu.memory_space<vmem>>, vector<16xf32>,
        %add3A_3485 = arith.addf %get3A_3480, %get3A_3484 : vector<16xf32>
        %get3A_3486 = arith.index_cast %add3A_3449 : i32 to index
        %get3A_3487 = arith.constant 0 : index
        %get3A_3488 = tpu.vector_load %arg16[%get3A_3486, %get3A_3487] {strides = array<i32>} : memref<128x64xf32, #tpu.memory_space<vmem>>, vector<16xf32>,
        %add3A_3489 = arith.constant 64 : i32
        %add3A_3490 = arith.addi %mul3A_3453, %add3A_3489 : i32
        %add3A_3491 = arith.constant 0 : i32
        %add3A_3492 = arith.addi %add3A_3490, %add3A_3491 : i32
        %get3A_3493 = arith.index_cast %add3A_3492 : i32 to index
        %get3A_3494 = tpu.vector_load %arg18[%get3A_3493] {strides = array<i32>} : memref<2592xf32, #tpu.memory_space<vmem>>, vector<16xf32>,
        %add3A_3495 = arith.addf %get3A_3488, %get3A_3494 : vector<16xf32>
        %get3A_3496 = arith.index_cast %add3A_3449 : i32 to index
        %get3A_3497 = arith.constant 16 : index
        %get3A_3498 = tpu.vector_load %arg16[%get3A_3496, %get3A_3497] {strides = array<i32>} : memref<128x64xf32, #tpu.memory_space<vmem>>, vector<16xf32>,
        %add3A_3499 = arith.constant 64 : i32
        %add3A_3500 = arith.addi %mul3A_3453, %add3A_3499 : i32
        %add3A_3501 = arith.constant 16 : i32
        %add3A_3502 = arith.addi %add3A_3500, %add3A_3501 : i32
        %get3A_3503 = arith.index_cast %add3A_3502 : i32 to index
        %get3A_3504 = tpu.vector_load %arg18[%get3A_3503] {strides = array<i32>} : memref<2592xf32, #tpu.memory_space<vmem>>, vector<16xf32>,
        %add3A_3505 = arith.addf %get3A_3498, %get3A_3504 : vector<16xf32>
        %get3A_3506 = arith.index_cast %add3A_3449 : i32 to index
        %get3A_3507 = arith.constant 32 : index
        %get3A_3508 = tpu.vector_load %arg16[%get3A_3506, %get3A_3507] {strides = array<i32>} : memref<128x64xf32, #tpu.memory_space<vmem>>, vector<16xf32>,
        %add3A_3509 = arith.constant 64 : i32
        %add3A_3510 = arith.addi %mul3A_3453, %add3A_3509 : i32
        %add3A_3511 = arith.constant 32 : i32
        %add3A_3512 = arith.addi %add3A_3510, %add3A_3511 : i32
        %get3A_3513 = arith.index_cast %add3A_3512 : i32 to index
        %get3A_3514 = tpu.vector_load %arg18[%get3A_3513] {strides = array<i32>} : memref<2592xf32, #tpu.memory_space<vmem>>, vector<16xf32>,
        %add3A_3515 = arith.addf %get3A_3508, %get3A_3514 : vector<16xf32>
        %get3A_3516 = arith.index_cast %add3A_3449 : i32 to index
        %get3A_3517 = arith.constant 48 : index
        %get3A_3518 = tpu.vector_load %arg16[%get3A_3516, %get3A_3517] {strides = array<i32>} : memref<128x64xf32, #tpu.memory_space<vmem>>, vector<16xf32>,
        %add3A_3519 = arith.constant 64 : i32
        %add3A_3520 = arith.addi %mul3A_3453, %add3A_3519 : i32
        %add3A_3521 = arith.constant 48 : i32
        %add3A_3522 = arith.addi %add3A_3520, %add3A_3521 : i32
        %get3A_3523 = arith.index_cast %add3A_3522 : i32 to index
        %get3A_3524 = tpu.vector_load %arg18[%get3A_3523] {strides = array<i32>} : memref<2592xf32, #tpu.memory_space<vmem>>, vector<16xf32>,
        %add3A_3525 = arith.addf %get3A_3518, %get3A_3524 : vector<16xf32>
        %slice3A_3526 = vector.extract_strided_slice %select_n3A {offsets = [14], sizes = [1], strides = [1]} : vector<16xf32> to vector<1xf32>
        %squeeze3A_3527 = vector.extract %slice3A_3526[0] : f32 from vector<1xf32>
        %add3A_3528 = arith.constant 128 : i32
        %add3A_3529 = arith.addi %mul3A_3453, %add3A_3528 : i32
        %get3A_3530 = arith.index_cast %add3A_3529 : i32 to index
        %get3A_3531 = tpu.vector_load %arg18[%get3A_3530] {strides = array<i32>} : memref<2592xf32, #tpu.memory_space<vmem>>, vector<16xf32>,
        %slice3A_3532 = vector.extract_strided_slice %get3A_3531 {offsets = [0], sizes = [1], strides = [1]} : vector<16xf32> to vector<1xf32>
        %squeeze3A_3533 = vector.extract %slice3A_3532[0] : f32 from vector<1xf32>
        %add3A_3534 = arith.addf %squeeze3A_3527, %squeeze3A_3533 : f32
        %add3A_3535 = arith.addf %add3A_3461, %add3A_3469 : vector<16xf32>
        %add3A_3536 = arith.addf %add3A_3477, %add3A_3485 : vector<16xf32>
        %add3A_3537 = arith.addf %add3A_3535, %add3A_3536 : vector<16xf32>
        %add3A_3538 = arith.addf %add3A_3495, %add3A_3505 : vector<16xf32>
        %add3A_3539 = arith.addf %add3A_3515, %add3A_3525 : vector<16xf32>
        %add3A_3540 = arith.addf %add3A_3538, %add3A_3539 : vector<16xf32>
        %add3A_3541 = arith.addf %add3A_3537, %add3A_3540 : vector<16xf32>
        %mul3A_3542 = arith.mulf %add3A_3461, %add3A_3461 : vector<16xf32>
        %mul3A_3543 = arith.mulf %add3A_3469, %add3A_3469 : vector<16xf32>
        %mul3A_3544 = arith.mulf %add3A_3477, %add3A_3477 : vector<16xf32>
        %mul3A_3545 = arith.mulf %add3A_3485, %add3A_3485 : vector<16xf32>
        %mul3A_3546 = arith.mulf %add3A_3495, %add3A_3495 : vector<16xf32>
        %mul3A_3547 = arith.mulf %add3A_3505, %add3A_3505 : vector<16xf32>
        %mul3A_3548 = arith.mulf %add3A_3515, %add3A_3515 : vector<16xf32>
        %mul3A_3549 = arith.mulf %add3A_3525, %add3A_3525 : vector<16xf32>
        %add3A_3550 = arith.addf %mul3A_3542, %mul3A_3543 : vector<16xf32>
        %add3A_3551 = arith.addf %mul3A_3544, %mul3A_3545 : vector<16xf32>
        %add3A_3552 = arith.addf %add3A_3550, %add3A_3551 : vector<16xf32>
        %add3A_3553 = arith.addf %mul3A_3546, %mul3A_3547 : vector<16xf32>
        %add3A_3554 = arith.addf %mul3A_3548, %mul3A_3549 : vector<16xf32>
        %add3A_3555 = arith.addf %add3A_3553, %add3A_3554 : vector<16xf32>
        %add3A_3556 = arith.addf %add3A_3552, %add3A_3555 : vector<16xf32>
        %reduce_sum3A_3557 = arith.constant true
        %reduce_sum3A_3558 = vector.broadcast %reduce_sum3A_3557 : i1 to vector<16xi1>
        %reduce_sum3A_3559 = tpu.scan <sum>, %add3A_3541 masked %reduce_sum3A_3558 : vector<16xf32>, vector<16xi1> -> vector<16xf32>
        %reduce_sum3A_3560 = vector.extract %reduce_sum3A_3559[15] : f32 from vector<16xf32>
        %add3A_3561 = arith.addf %reduce_sum3A_3560, %add3A_3534 : f32
        %reduce_sum3A_3562 = arith.constant true
        %reduce_sum3A_3563 = vector.broadcast %reduce_sum3A_3562 : i1 to vector<16xi1>
        %reduce_sum3A_3564 = tpu.scan <sum>, %add3A_3556 masked %reduce_sum3A_3563 : vector<16xf32>, vector<16xi1> -> vector<16xf32>
        %reduce_sum3A_3565 = vector.extract %reduce_sum3A_3564[15] : f32 from vector<16xf32>
        %mul3A_3566 = arith.mulf %add3A_3534, %add3A_3534 : f32
        %add3A_3567 = arith.addf %reduce_sum3A_3565, %mul3A_3566 : f32
        %mul3A_3568 = arith.mulf %add3A_3561, %scan3A_44 : f32
        %mul3A_3569 = arith.mulf %add3A_3567, %scan3A_44 : f32
        %mul3A_3570 = arith.mulf %mul3A_3568, %mul3A_3568 : f32
        %sub3A_3571 = arith.subf %mul3A_3569, %mul3A_3570 : f32
        %add3A_3572 = arith.constant 9.99999974E-6 : f32
        %add3A_3573 = arith.addf %sub3A_3571, %add3A_3572 : f32
        %broadcast_in_dim3A_3574 = vector.broadcast %add3A_3573 : f32 to vector<16xf32>
        %bitcast3A_3575 = vector.bitcast %broadcast_in_dim3A_3574 : vector<16xf32> to vector<16xi32>
        %shift_right_logical3A_3576 = arith.constant 1 : i32
        %shift_right_logical3A_3577 = vector.broadcast %shift_right_logical3A_3576 : i32 to vector<16xi32>
        %shift_right_logical3A_3578 = arith.shrui %bitcast3A_3575, %shift_right_logical3A_3577 : vector<16xi32>
        %sub3A_3579 = arith.constant 1597463007 : i32
        %sub3A_3580 = vector.broadcast %sub3A_3579 : i32 to vector<16xi32>
        %sub3A_3581 = arith.subi %sub3A_3580, %shift_right_logical3A_3578 : vector<16xi32>
        %bitcast3A_3582 = vector.bitcast %sub3A_3581 : vector<16xi32> to vector<16xf32>
        %mul3A_3583 = arith.constant 5.000000e-01 : f32
        %mul3A_3584 = vector.broadcast %mul3A_3583 : f32 to vector<16xf32>
        %mul3A_3585 = arith.mulf %mul3A_3584, %broadcast_in_dim3A_3574 : vector<16xf32>
        %mul3A_3586 = arith.mulf %mul3A_3585, %bitcast3A_3582 : vector<16xf32>
        %mul3A_3587 = arith.mulf %mul3A_3586, %bitcast3A_3582 : vector<16xf32>
        %sub3A_3588 = arith.constant 1.500000e+00 : f32
        %sub3A_3589 = vector.broadcast %sub3A_3588 : f32 to vector<16xf32>
        %sub3A_3590 = arith.subf %sub3A_3589, %mul3A_3587 : vector<16xf32>
        %mul3A_3591 = arith.mulf %bitcast3A_3582, %sub3A_3590 : vector<16xf32>
        %mul3A_3592 = arith.constant 5.000000e-01 : f32
        %mul3A_3593 = vector.broadcast %mul3A_3592 : f32 to vector<16xf32>
        %mul3A_3594 = arith.mulf %mul3A_3593, %broadcast_in_dim3A_3574 : vector<16xf32>
        %mul3A_3595 = arith.mulf %mul3A_3594, %mul3A_3591 : vector<16xf32>
        %mul3A_3596 = arith.mulf %mul3A_3595, %mul3A_3591 : vector<16xf32>
        %sub3A_3597 = arith.constant 1.500000e+00 : f32
        %sub3A_3598 = vector.broadcast %sub3A_3597 : f32 to vector<16xf32>
        %sub3A_3599 = arith.subf %sub3A_3598, %mul3A_3596 : vector<16xf32>
        %mul3A_3600 = arith.mulf %mul3A_3591, %sub3A_3599 : vector<16xf32>
        %mul3A_3601 = arith.constant 5.000000e-01 : f32
        %mul3A_3602 = vector.broadcast %mul3A_3601 : f32 to vector<16xf32>
        %mul3A_3603 = arith.mulf %mul3A_3602, %broadcast_in_dim3A_3574 : vector<16xf32>
        %mul3A_3604 = arith.mulf %mul3A_3603, %mul3A_3600 : vector<16xf32>
        %mul3A_3605 = arith.mulf %mul3A_3604, %mul3A_3600 : vector<16xf32>
        %sub3A_3606 = arith.constant 1.500000e+00 : f32
        %sub3A_3607 = vector.broadcast %sub3A_3606 : f32 to vector<16xf32>
        %sub3A_3608 = arith.subf %sub3A_3607, %mul3A_3605 : vector<16xf32>
        %mul3A_3609 = arith.mulf %mul3A_3600, %sub3A_3608 : vector<16xf32>
        %broadcast_in_dim3A_3610 = vector.broadcast %mul3A_3568 : f32 to vector<16xf32>
        %mul3A_3611 = arith.constant 129 : i32
        %mul3A_3612 = arith.muli %add3A_3449, %mul3A_3611 : i32
        %sub3A_3613 = arith.subf %add3A_3461, %broadcast_in_dim3A_3610 : vector<16xf32>
        %mul3A_3614 = arith.mulf %sub3A_3613, %mul3A_3609 : vector<16xf32>
        %mul3A_3615 = arith.mulf %mul3A_3614, %get3A_7 : vector<16xf32>
        %add3A_3616 = arith.addf %mul3A_3615, %get3A_23 : vector<16xf32>
        %add3A_3617 = arith.constant 0 : i32
        %add3A_3618 = arith.addi %mul3A_3612, %add3A_3617 : i32
        %swap3A_3619 = arith.index_cast %add3A_3618 : i32 to index
        %swap3A_3620 = tpu.vector_load %arg17[%swap3A_3619] {strides = array<i32>} : memref<16528xf32, #tpu.memory_space<vmem>>, vector<16xf32>,
        tpu.vector_store %arg17[%swap3A_3619], %add3A_3616 {strides = array<i32>} : memref<16528xf32, #tpu.memory_space<vmem>>, vector<16xf32>,
        %sub3A_3621 = arith.subf %add3A_3469, %broadcast_in_dim3A_3610 : vector<16xf32>
        %mul3A_3622 = arith.mulf %sub3A_3621, %mul3A_3609 : vector<16xf32>
        %mul3A_3623 = arith.mulf %mul3A_3622, %get3A_9 : vector<16xf32>
        %add3A_3624 = arith.addf %mul3A_3623, %get3A_25 : vector<16xf32>
        %add3A_3625 = arith.constant 16 : i32
        %add3A_3626 = arith.addi %mul3A_3612, %add3A_3625 : i32
        %swap3A_3627 = arith.index_cast %add3A_3626 : i32 to index
        %swap3A_3628 = tpu.vector_load %arg17[%swap3A_3627] {strides = array<i32>} : memref<16528xf32, #tpu.memory_space<vmem>>, vector<16xf32>,
        tpu.vector_store %arg17[%swap3A_3627], %add3A_3624 {strides = array<i32>} : memref<16528xf32, #tpu.memory_space<vmem>>, vector<16xf32>,
        %sub3A_3629 = arith.subf %add3A_3477, %broadcast_in_dim3A_3610 : vector<16xf32>
        %mul3A_3630 = arith.mulf %sub3A_3629, %mul3A_3609 : vector<16xf32>
        %mul3A_3631 = arith.mulf %mul3A_3630, %get3A_11 : vector<16xf32>
        %add3A_3632 = arith.addf %mul3A_3631, %get3A_27 : vector<16xf32>
        %add3A_3633 = arith.constant 32 : i32
        %add3A_3634 = arith.addi %mul3A_3612, %add3A_3633 : i32
        %swap3A_3635 = arith.index_cast %add3A_3634 : i32 to index
        %swap3A_3636 = tpu.vector_load %arg17[%swap3A_3635] {strides = array<i32>} : memref<16528xf32, #tpu.memory_space<vmem>>, vector<16xf32>,
        tpu.vector_store %arg17[%swap3A_3635], %add3A_3632 {strides = array<i32>} : memref<16528xf32, #tpu.memory_space<vmem>>, vector<16xf32>,
        %sub3A_3637 = arith.subf %add3A_3485, %broadcast_in_dim3A_3610 : vector<16xf32>
        %mul3A_3638 = arith.mulf %sub3A_3637, %mul3A_3609 : vector<16xf32>
        %mul3A_3639 = arith.mulf %mul3A_3638, %get3A_13 : vector<16xf32>
        %add3A_3640 = arith.addf %mul3A_3639, %get3A_29 : vector<16xf32>
        %add3A_3641 = arith.constant 48 : i32
        %add3A_3642 = arith.addi %mul3A_3612, %add3A_3641 : i32
        %swap3A_3643 = arith.index_cast %add3A_3642 : i32 to index
        %swap3A_3644 = tpu.vector_load %arg17[%swap3A_3643] {strides = array<i32>} : memref<16528xf32, #tpu.memory_space<vmem>>, vector<16xf32>,
        tpu.vector_store %arg17[%swap3A_3643], %add3A_3640 {strides = array<i32>} : memref<16528xf32, #tpu.memory_space<vmem>>, vector<16xf32>,
        %sub3A_3645 = arith.subf %add3A_3495, %broadcast_in_dim3A_3610 : vector<16xf32>
        %mul3A_3646 = arith.mulf %sub3A_3645, %mul3A_3609 : vector<16xf32>
        %mul3A_3647 = arith.mulf %mul3A_3646, %get3A_15 : vector<16xf32>
        %add3A_3648 = arith.addf %mul3A_3647, %get3A_31 : vector<16xf32>
        %add3A_3649 = arith.constant 64 : i32
        %add3A_3650 = arith.addi %mul3A_3612, %add3A_3649 : i32
        %swap3A_3651 = arith.index_cast %add3A_3650 : i32 to index
        %swap3A_3652 = tpu.vector_load %arg17[%swap3A_3651] {strides = array<i32>} : memref<16528xf32, #tpu.memory_space<vmem>>, vector<16xf32>,
        tpu.vector_store %arg17[%swap3A_3651], %add3A_3648 {strides = array<i32>} : memref<16528xf32, #tpu.memory_space<vmem>>, vector<16xf32>,
        %sub3A_3653 = arith.subf %add3A_3505, %broadcast_in_dim3A_3610 : vector<16xf32>
        %mul3A_3654 = arith.mulf %sub3A_3653, %mul3A_3609 : vector<16xf32>
        %mul3A_3655 = arith.mulf %mul3A_3654, %get3A_17 : vector<16xf32>
        %add3A_3656 = arith.addf %mul3A_3655, %get3A_33 : vector<16xf32>
        %add3A_3657 = arith.constant 80 : i32
        %add3A_3658 = arith.addi %mul3A_3612, %add3A_3657 : i32
        %swap3A_3659 = arith.index_cast %add3A_3658 : i32 to index
        %swap3A_3660 = tpu.vector_load %arg17[%swap3A_3659] {strides = array<i32>} : memref<16528xf32, #tpu.memory_space<vmem>>, vector<16xf32>,
        tpu.vector_store %arg17[%swap3A_3659], %add3A_3656 {strides = array<i32>} : memref<16528xf32, #tpu.memory_space<vmem>>, vector<16xf32>,
        %sub3A_3661 = arith.subf %add3A_3515, %broadcast_in_dim3A_3610 : vector<16xf32>
        %mul3A_3662 = arith.mulf %sub3A_3661, %mul3A_3609 : vector<16xf32>
        %mul3A_3663 = arith.mulf %mul3A_3662, %get3A_19 : vector<16xf32>
        %add3A_3664 = arith.addf %mul3A_3663, %get3A_35 : vector<16xf32>
        %add3A_3665 = arith.constant 96 : i32
        %add3A_3666 = arith.addi %mul3A_3612, %add3A_3665 : i32
        %swap3A_3667 = arith.index_cast %add3A_3666 : i32 to index
        %swap3A_3668 = tpu.vector_load %arg17[%swap3A_3667] {strides = array<i32>} : memref<16528xf32, #tpu.memory_space<vmem>>, vector<16xf32>,
        tpu.vector_store %arg17[%swap3A_3667], %add3A_3664 {strides = array<i32>} : memref<16528xf32, #tpu.memory_space<vmem>>, vector<16xf32>,
        %sub3A_3669 = arith.subf %add3A_3525, %broadcast_in_dim3A_3610 : vector<16xf32>
        %mul3A_3670 = arith.mulf %sub3A_3669, %mul3A_3609 : vector<16xf32>
        %mul3A_3671 = arith.mulf %mul3A_3670, %get3A_21 : vector<16xf32>
        %add3A_3672 = arith.addf %mul3A_3671, %get3A_37 : vector<16xf32>
        %add3A_3673 = arith.constant 112 : i32
        %add3A_3674 = arith.addi %mul3A_3612, %add3A_3673 : i32
        %swap3A_3675 = arith.index_cast %add3A_3674 : i32 to index
        %swap3A_3676 = tpu.vector_load %arg17[%swap3A_3675] {strides = array<i32>} : memref<16528xf32, #tpu.memory_space<vmem>>, vector<16xf32>,
        tpu.vector_store %arg17[%swap3A_3675], %add3A_3672 {strides = array<i32>} : memref<16528xf32, #tpu.memory_space<vmem>>, vector<16xf32>,
        %sub3A_3677 = arith.subf %add3A_3534, %mul3A_3568 : f32
        %broadcast_in_dim3A_3678 = vector.broadcast %sub3A_3677 : f32 to vector<16xf32>
        %mul3A_3679 = arith.mulf %broadcast_in_dim3A_3678, %mul3A_3609 : vector<16xf32>
        %mul3A_3680 = vector.broadcast %squeeze3A : f32 to vector<16xf32>
        %mul3A_3681 = arith.mulf %mul3A_3679, %mul3A_3680 : vector<16xf32>
        %add3A_3682 = vector.broadcast %squeeze3A_43 : f32 to vector<16xf32>
        %add3A_3683 = arith.addf %mul3A_3681, %add3A_3682 : vector<16xf32>
        %add3A_3684 = arith.constant 128 : i32
        %add3A_3685 = arith.addi %mul3A_3612, %add3A_3684 : i32
        %swap3A_3686 = arith.index_cast %add3A_3685 : i32 to index
        %swap3A_3687 = tpu.vector_load %arg17[%swap3A_3686] {strides = array<i32>} : memref<16528xf32, #tpu.memory_space<vmem>>, vector<16xf32>,
        tpu.vector_store %arg17[%swap3A_3686], %add3A_3683 {strides = array<i32>} : memref<16528xf32, #tpu.memory_space<vmem>>, vector<16xf32>,
        %add3A_3688 = arith.constant 15 : i32
        %add3A_3689 = arith.addi %mul3A_81, %add3A_3688 : i32
        %slice3A_3690 = vector.extract_strided_slice %rem3A_92 {offsets = [15], sizes = [1], strides = [1]} : vector<16xi32> to vector<1xi32>
        %squeeze3A_3691 = vector.extract %slice3A_3690[0] : i32 from vector<1xi32>
        %mul3A_3692 = arith.constant 144 : i32
        %mul3A_3693 = arith.muli %squeeze3A_3691, %mul3A_3692 : i32
        %get3A_3694 = arith.index_cast %add3A_3689 : i32 to index
        %get3A_3695 = arith.constant 0 : index
        %get3A_3696 = tpu.vector_load %arg15[%get3A_3694, %get3A_3695] {strides = array<i32>} : memref<128x64xf32, #tpu.memory_space<vmem>>, vector<16xf32>,
        %add3A_3697 = arith.constant 0 : i32
        %add3A_3698 = arith.addi %mul3A_3693, %add3A_3697 : i32
        %get3A_3699 = arith.index_cast %add3A_3698 : i32 to index
        %get3A_3700 = tpu.vector_load %arg18[%get3A_3699] {strides = array<i32>} : memref<2592xf32, #tpu.memory_space<vmem>>, vector<16xf32>,
        %add3A_3701 = arith.addf %get3A_3696, %get3A_3700 : vector<16xf32>
        %get3A_3702 = arith.index_cast %add3A_3689 : i32 to index
        %get3A_3703 = arith.constant 16 : index
        %get3A_3704 = tpu.vector_load %arg15[%get3A_3702, %get3A_3703] {strides = array<i32>} : memref<128x64xf32, #tpu.memory_space<vmem>>, vector<16xf32>,
        %add3A_3705 = arith.constant 16 : i32
        %add3A_3706 = arith.addi %mul3A_3693, %add3A_3705 : i32
        %get3A_3707 = arith.index_cast %add3A_3706 : i32 to index
        %get3A_3708 = tpu.vector_load %arg18[%get3A_3707] {strides = array<i32>} : memref<2592xf32, #tpu.memory_space<vmem>>, vector<16xf32>,
        %add3A_3709 = arith.addf %get3A_3704, %get3A_3708 : vector<16xf32>
        %get3A_3710 = arith.index_cast %add3A_3689 : i32 to index
        %get3A_3711 = arith.constant 32 : index
        %get3A_3712 = tpu.vector_load %arg15[%get3A_3710, %get3A_3711] {strides = array<i32>} : memref<128x64xf32, #tpu.memory_space<vmem>>, vector<16xf32>,
        %add3A_3713 = arith.constant 32 : i32
        %add3A_3714 = arith.addi %mul3A_3693, %add3A_3713 : i32
        %get3A_3715 = arith.index_cast %add3A_3714 : i32 to index
        %get3A_3716 = tpu.vector_load %arg18[%get3A_3715] {strides = array<i32>} : memref<2592xf32, #tpu.memory_space<vmem>>, vector<16xf32>,
        %add3A_3717 = arith.addf %get3A_3712, %get3A_3716 : vector<16xf32>
        %get3A_3718 = arith.index_cast %add3A_3689 : i32 to index
        %get3A_3719 = arith.constant 48 : index
        %get3A_3720 = tpu.vector_load %arg15[%get3A_3718, %get3A_3719] {strides = array<i32>} : memref<128x64xf32, #tpu.memory_space<vmem>>, vector<16xf32>,
        %add3A_3721 = arith.constant 48 : i32
        %add3A_3722 = arith.addi %mul3A_3693, %add3A_3721 : i32
        %get3A_3723 = arith.index_cast %add3A_3722 : i32 to index
        %get3A_3724 = tpu.vector_load %arg18[%get3A_3723] {strides = array<i32>} : memref<2592xf32, #tpu.memory_space<vmem>>, vector<16xf32>,
        %add3A_3725 = arith.addf %get3A_3720, %get3A_3724 : vector<16xf32>
        %get3A_3726 = arith.index_cast %add3A_3689 : i32 to index
        %get3A_3727 = arith.constant 0 : index
        %get3A_3728 = tpu.vector_load %arg16[%get3A_3726, %get3A_3727] {strides = array<i32>} : memref<128x64xf32, #tpu.memory_space<vmem>>, vector<16xf32>,
        %add3A_3729 = arith.constant 64 : i32
        %add3A_3730 = arith.addi %mul3A_3693, %add3A_3729 : i32
        %add3A_3731 = arith.constant 0 : i32
        %add3A_3732 = arith.addi %add3A_3730, %add3A_3731 : i32
        %get3A_3733 = arith.index_cast %add3A_3732 : i32 to index
        %get3A_3734 = tpu.vector_load %arg18[%get3A_3733] {strides = array<i32>} : memref<2592xf32, #tpu.memory_space<vmem>>, vector<16xf32>,
        %add3A_3735 = arith.addf %get3A_3728, %get3A_3734 : vector<16xf32>
        %get3A_3736 = arith.index_cast %add3A_3689 : i32 to index
        %get3A_3737 = arith.constant 16 : index
        %get3A_3738 = tpu.vector_load %arg16[%get3A_3736, %get3A_3737] {strides = array<i32>} : memref<128x64xf32, #tpu.memory_space<vmem>>, vector<16xf32>,
        %add3A_3739 = arith.constant 64 : i32
        %add3A_3740 = arith.addi %mul3A_3693, %add3A_3739 : i32
        %add3A_3741 = arith.constant 16 : i32
        %add3A_3742 = arith.addi %add3A_3740, %add3A_3741 : i32
        %get3A_3743 = arith.index_cast %add3A_3742 : i32 to index
        %get3A_3744 = tpu.vector_load %arg18[%get3A_3743] {strides = array<i32>} : memref<2592xf32, #tpu.memory_space<vmem>>, vector<16xf32>,
        %add3A_3745 = arith.addf %get3A_3738, %get3A_3744 : vector<16xf32>
        %get3A_3746 = arith.index_cast %add3A_3689 : i32 to index
        %get3A_3747 = arith.constant 32 : index
        %get3A_3748 = tpu.vector_load %arg16[%get3A_3746, %get3A_3747] {strides = array<i32>} : memref<128x64xf32, #tpu.memory_space<vmem>>, vector<16xf32>,
        %add3A_3749 = arith.constant 64 : i32
        %add3A_3750 = arith.addi %mul3A_3693, %add3A_3749 : i32
        %add3A_3751 = arith.constant 32 : i32
        %add3A_3752 = arith.addi %add3A_3750, %add3A_3751 : i32
        %get3A_3753 = arith.index_cast %add3A_3752 : i32 to index
        %get3A_3754 = tpu.vector_load %arg18[%get3A_3753] {strides = array<i32>} : memref<2592xf32, #tpu.memory_space<vmem>>, vector<16xf32>,
        %add3A_3755 = arith.addf %get3A_3748, %get3A_3754 : vector<16xf32>
        %get3A_3756 = arith.index_cast %add3A_3689 : i32 to index
        %get3A_3757 = arith.constant 48 : index
        %get3A_3758 = tpu.vector_load %arg16[%get3A_3756, %get3A_3757] {strides = array<i32>} : memref<128x64xf32, #tpu.memory_space<vmem>>, vector<16xf32>,
        %add3A_3759 = arith.constant 64 : i32
        %add3A_3760 = arith.addi %mul3A_3693, %add3A_3759 : i32
        %add3A_3761 = arith.constant 48 : i32
        %add3A_3762 = arith.addi %add3A_3760, %add3A_3761 : i32
        %get3A_3763 = arith.index_cast %add3A_3762 : i32 to index
        %get3A_3764 = tpu.vector_load %arg18[%get3A_3763] {strides = array<i32>} : memref<2592xf32, #tpu.memory_space<vmem>>, vector<16xf32>,
        %add3A_3765 = arith.addf %get3A_3758, %get3A_3764 : vector<16xf32>
        %slice3A_3766 = vector.extract_strided_slice %select_n3A {offsets = [15], sizes = [1], strides = [1]} : vector<16xf32> to vector<1xf32>
        %squeeze3A_3767 = vector.extract %slice3A_3766[0] : f32 from vector<1xf32>
        %add3A_3768 = arith.constant 128 : i32
        %add3A_3769 = arith.addi %mul3A_3693, %add3A_3768 : i32
        %get3A_3770 = arith.index_cast %add3A_3769 : i32 to index
        %get3A_3771 = tpu.vector_load %arg18[%get3A_3770] {strides = array<i32>} : memref<2592xf32, #tpu.memory_space<vmem>>, vector<16xf32>,
        %slice3A_3772 = vector.extract_strided_slice %get3A_3771 {offsets = [0], sizes = [1], strides = [1]} : vector<16xf32> to vector<1xf32>
        %squeeze3A_3773 = vector.extract %slice3A_3772[0] : f32 from vector<1xf32>
        %add3A_3774 = arith.addf %squeeze3A_3767, %squeeze3A_3773 : f32
        %add3A_3775 = arith.addf %add3A_3701, %add3A_3709 : vector<16xf32>
        %add3A_3776 = arith.addf %add3A_3717, %add3A_3725 : vector<16xf32>
        %add3A_3777 = arith.addf %add3A_3775, %add3A_3776 : vector<16xf32>
        %add3A_3778 = arith.addf %add3A_3735, %add3A_3745 : vector<16xf32>
        %add3A_3779 = arith.addf %add3A_3755, %add3A_3765 : vector<16xf32>
        %add3A_3780 = arith.addf %add3A_3778, %add3A_3779 : vector<16xf32>
        %add3A_3781 = arith.addf %add3A_3777, %add3A_3780 : vector<16xf32>
        %mul3A_3782 = arith.mulf %add3A_3701, %add3A_3701 : vector<16xf32>
        %mul3A_3783 = arith.mulf %add3A_3709, %add3A_3709 : vector<16xf32>
        %mul3A_3784 = arith.mulf %add3A_3717, %add3A_3717 : vector<16xf32>
        %mul3A_3785 = arith.mulf %add3A_3725, %add3A_3725 : vector<16xf32>
        %mul3A_3786 = arith.mulf %add3A_3735, %add3A_3735 : vector<16xf32>
        %mul3A_3787 = arith.mulf %add3A_3745, %add3A_3745 : vector<16xf32>
        %mul3A_3788 = arith.mulf %add3A_3755, %add3A_3755 : vector<16xf32>
        %mul3A_3789 = arith.mulf %add3A_3765, %add3A_3765 : vector<16xf32>
        %add3A_3790 = arith.addf %mul3A_3782, %mul3A_3783 : vector<16xf32>
        %add3A_3791 = arith.addf %mul3A_3784, %mul3A_3785 : vector<16xf32>
        %add3A_3792 = arith.addf %add3A_3790, %add3A_3791 : vector<16xf32>
        %add3A_3793 = arith.addf %mul3A_3786, %mul3A_3787 : vector<16xf32>
        %add3A_3794 = arith.addf %mul3A_3788, %mul3A_3789 : vector<16xf32>
        %add3A_3795 = arith.addf %add3A_3793, %add3A_3794 : vector<16xf32>
        %add3A_3796 = arith.addf %add3A_3792, %add3A_3795 : vector<16xf32>
        %reduce_sum3A_3797 = arith.constant true
        %reduce_sum3A_3798 = vector.broadcast %reduce_sum3A_3797 : i1 to vector<16xi1>
        %reduce_sum3A_3799 = tpu.scan <sum>, %add3A_3781 masked %reduce_sum3A_3798 : vector<16xf32>, vector<16xi1> -> vector<16xf32>
        %reduce_sum3A_3800 = vector.extract %reduce_sum3A_3799[15] : f32 from vector<16xf32>
        %add3A_3801 = arith.addf %reduce_sum3A_3800, %add3A_3774 : f32
        %reduce_sum3A_3802 = arith.constant true
        %reduce_sum3A_3803 = vector.broadcast %reduce_sum3A_3802 : i1 to vector<16xi1>
        %reduce_sum3A_3804 = tpu.scan <sum>, %add3A_3796 masked %reduce_sum3A_3803 : vector<16xf32>, vector<16xi1> -> vector<16xf32>
        %reduce_sum3A_3805 = vector.extract %reduce_sum3A_3804[15] : f32 from vector<16xf32>
        %mul3A_3806 = arith.mulf %add3A_3774, %add3A_3774 : f32
        %add3A_3807 = arith.addf %reduce_sum3A_3805, %mul3A_3806 : f32
        %mul3A_3808 = arith.mulf %add3A_3801, %scan3A_44 : f32
        %mul3A_3809 = arith.mulf %add3A_3807, %scan3A_44 : f32
        %mul3A_3810 = arith.mulf %mul3A_3808, %mul3A_3808 : f32
        %sub3A_3811 = arith.subf %mul3A_3809, %mul3A_3810 : f32
        %add3A_3812 = arith.constant 9.99999974E-6 : f32
        %add3A_3813 = arith.addf %sub3A_3811, %add3A_3812 : f32
        %broadcast_in_dim3A_3814 = vector.broadcast %add3A_3813 : f32 to vector<16xf32>
        %bitcast3A_3815 = vector.bitcast %broadcast_in_dim3A_3814 : vector<16xf32> to vector<16xi32>
        %shift_right_logical3A_3816 = arith.constant 1 : i32
        %shift_right_logical3A_3817 = vector.broadcast %shift_right_logical3A_3816 : i32 to vector<16xi32>
        %shift_right_logical3A_3818 = arith.shrui %bitcast3A_3815, %shift_right_logical3A_3817 : vector<16xi32>
        %sub3A_3819 = arith.constant 1597463007 : i32
        %sub3A_3820 = vector.broadcast %sub3A_3819 : i32 to vector<16xi32>
        %sub3A_3821 = arith.subi %sub3A_3820, %shift_right_logical3A_3818 : vector<16xi32>
        %bitcast3A_3822 = vector.bitcast %sub3A_3821 : vector<16xi32> to vector<16xf32>
        %mul3A_3823 = arith.constant 5.000000e-01 : f32
        %mul3A_3824 = vector.broadcast %mul3A_3823 : f32 to vector<16xf32>
        %mul3A_3825 = arith.mulf %mul3A_3824, %broadcast_in_dim3A_3814 : vector<16xf32>
        %mul3A_3826 = arith.mulf %mul3A_3825, %bitcast3A_3822 : vector<16xf32>
        %mul3A_3827 = arith.mulf %mul3A_3826, %bitcast3A_3822 : vector<16xf32>
        %sub3A_3828 = arith.constant 1.500000e+00 : f32
        %sub3A_3829 = vector.broadcast %sub3A_3828 : f32 to vector<16xf32>
        %sub3A_3830 = arith.subf %sub3A_3829, %mul3A_3827 : vector<16xf32>
        %mul3A_3831 = arith.mulf %bitcast3A_3822, %sub3A_3830 : vector<16xf32>
        %mul3A_3832 = arith.constant 5.000000e-01 : f32
        %mul3A_3833 = vector.broadcast %mul3A_3832 : f32 to vector<16xf32>
        %mul3A_3834 = arith.mulf %mul3A_3833, %broadcast_in_dim3A_3814 : vector<16xf32>
        %mul3A_3835 = arith.mulf %mul3A_3834, %mul3A_3831 : vector<16xf32>
        %mul3A_3836 = arith.mulf %mul3A_3835, %mul3A_3831 : vector<16xf32>
        %sub3A_3837 = arith.constant 1.500000e+00 : f32
        %sub3A_3838 = vector.broadcast %sub3A_3837 : f32 to vector<16xf32>
        %sub3A_3839 = arith.subf %sub3A_3838, %mul3A_3836 : vector<16xf32>
        %mul3A_3840 = arith.mulf %mul3A_3831, %sub3A_3839 : vector<16xf32>
        %mul3A_3841 = arith.constant 5.000000e-01 : f32
        %mul3A_3842 = vector.broadcast %mul3A_3841 : f32 to vector<16xf32>
        %mul3A_3843 = arith.mulf %mul3A_3842, %broadcast_in_dim3A_3814 : vector<16xf32>
        %mul3A_3844 = arith.mulf %mul3A_3843, %mul3A_3840 : vector<16xf32>
        %mul3A_3845 = arith.mulf %mul3A_3844, %mul3A_3840 : vector<16xf32>
        %sub3A_3846 = arith.constant 1.500000e+00 : f32
        %sub3A_3847 = vector.broadcast %sub3A_3846 : f32 to vector<16xf32>
        %sub3A_3848 = arith.subf %sub3A_3847, %mul3A_3845 : vector<16xf32>
        %mul3A_3849 = arith.mulf %mul3A_3840, %sub3A_3848 : vector<16xf32>
        %broadcast_in_dim3A_3850 = vector.broadcast %mul3A_3808 : f32 to vector<16xf32>
        %mul3A_3851 = arith.constant 129 : i32
        %mul3A_3852 = arith.muli %add3A_3689, %mul3A_3851 : i32
        %sub3A_3853 = arith.subf %add3A_3701, %broadcast_in_dim3A_3850 : vector<16xf32>
        %mul3A_3854 = arith.mulf %sub3A_3853, %mul3A_3849 : vector<16xf32>
        %mul3A_3855 = arith.mulf %mul3A_3854, %get3A_7 : vector<16xf32>
        %add3A_3856 = arith.addf %mul3A_3855, %get3A_23 : vector<16xf32>
        %add3A_3857 = arith.constant 0 : i32
        %add3A_3858 = arith.addi %mul3A_3852, %add3A_3857 : i32
        %swap3A_3859 = arith.index_cast %add3A_3858 : i32 to index
        %swap3A_3860 = tpu.vector_load %arg17[%swap3A_3859] {strides = array<i32>} : memref<16528xf32, #tpu.memory_space<vmem>>, vector<16xf32>,
        tpu.vector_store %arg17[%swap3A_3859], %add3A_3856 {strides = array<i32>} : memref<16528xf32, #tpu.memory_space<vmem>>, vector<16xf32>,
        %sub3A_3861 = arith.subf %add3A_3709, %broadcast_in_dim3A_3850 : vector<16xf32>
        %mul3A_3862 = arith.mulf %sub3A_3861, %mul3A_3849 : vector<16xf32>
        %mul3A_3863 = arith.mulf %mul3A_3862, %get3A_9 : vector<16xf32>
        %add3A_3864 = arith.addf %mul3A_3863, %get3A_25 : vector<16xf32>
        %add3A_3865 = arith.constant 16 : i32
        %add3A_3866 = arith.addi %mul3A_3852, %add3A_3865 : i32
        %swap3A_3867 = arith.index_cast %add3A_3866 : i32 to index
        %swap3A_3868 = tpu.vector_load %arg17[%swap3A_3867] {strides = array<i32>} : memref<16528xf32, #tpu.memory_space<vmem>>, vector<16xf32>,
        tpu.vector_store %arg17[%swap3A_3867], %add3A_3864 {strides = array<i32>} : memref<16528xf32, #tpu.memory_space<vmem>>, vector<16xf32>,
        %sub3A_3869 = arith.subf %add3A_3717, %broadcast_in_dim3A_3850 : vector<16xf32>
        %mul3A_3870 = arith.mulf %sub3A_3869, %mul3A_3849 : vector<16xf32>
        %mul3A_3871 = arith.mulf %mul3A_3870, %get3A_11 : vector<16xf32>
        %add3A_3872 = arith.addf %mul3A_3871, %get3A_27 : vector<16xf32>
        %add3A_3873 = arith.constant 32 : i32
        %add3A_3874 = arith.addi %mul3A_3852, %add3A_3873 : i32
        %swap3A_3875 = arith.index_cast %add3A_3874 : i32 to index
        %swap3A_3876 = tpu.vector_load %arg17[%swap3A_3875] {strides = array<i32>} : memref<16528xf32, #tpu.memory_space<vmem>>, vector<16xf32>,
        tpu.vector_store %arg17[%swap3A_3875], %add3A_3872 {strides = array<i32>} : memref<16528xf32, #tpu.memory_space<vmem>>, vector<16xf32>,
        %sub3A_3877 = arith.subf %add3A_3725, %broadcast_in_dim3A_3850 : vector<16xf32>
        %mul3A_3878 = arith.mulf %sub3A_3877, %mul3A_3849 : vector<16xf32>
        %mul3A_3879 = arith.mulf %mul3A_3878, %get3A_13 : vector<16xf32>
        %add3A_3880 = arith.addf %mul3A_3879, %get3A_29 : vector<16xf32>
        %add3A_3881 = arith.constant 48 : i32
        %add3A_3882 = arith.addi %mul3A_3852, %add3A_3881 : i32
        %swap3A_3883 = arith.index_cast %add3A_3882 : i32 to index
        %swap3A_3884 = tpu.vector_load %arg17[%swap3A_3883] {strides = array<i32>} : memref<16528xf32, #tpu.memory_space<vmem>>, vector<16xf32>,
        tpu.vector_store %arg17[%swap3A_3883], %add3A_3880 {strides = array<i32>} : memref<16528xf32, #tpu.memory_space<vmem>>, vector<16xf32>,
        %sub3A_3885 = arith.subf %add3A_3735, %broadcast_in_dim3A_3850 : vector<16xf32>
        %mul3A_3886 = arith.mulf %sub3A_3885, %mul3A_3849 : vector<16xf32>
        %mul3A_3887 = arith.mulf %mul3A_3886, %get3A_15 : vector<16xf32>
        %add3A_3888 = arith.addf %mul3A_3887, %get3A_31 : vector<16xf32>
        %add3A_3889 = arith.constant 64 : i32
        %add3A_3890 = arith.addi %mul3A_3852, %add3A_3889 : i32
        %swap3A_3891 = arith.index_cast %add3A_3890 : i32 to index
        %swap3A_3892 = tpu.vector_load %arg17[%swap3A_3891] {strides = array<i32>} : memref<16528xf32, #tpu.memory_space<vmem>>, vector<16xf32>,
        tpu.vector_store %arg17[%swap3A_3891], %add3A_3888 {strides = array<i32>} : memref<16528xf32, #tpu.memory_space<vmem>>, vector<16xf32>,
        %sub3A_3893 = arith.subf %add3A_3745, %broadcast_in_dim3A_3850 : vector<16xf32>
        %mul3A_3894 = arith.mulf %sub3A_3893, %mul3A_3849 : vector<16xf32>
        %mul3A_3895 = arith.mulf %mul3A_3894, %get3A_17 : vector<16xf32>
        %add3A_3896 = arith.addf %mul3A_3895, %get3A_33 : vector<16xf32>
        %add3A_3897 = arith.constant 80 : i32
        %add3A_3898 = arith.addi %mul3A_3852, %add3A_3897 : i32
        %swap3A_3899 = arith.index_cast %add3A_3898 : i32 to index
        %swap3A_3900 = tpu.vector_load %arg17[%swap3A_3899] {strides = array<i32>} : memref<16528xf32, #tpu.memory_space<vmem>>, vector<16xf32>,
        tpu.vector_store %arg17[%swap3A_3899], %add3A_3896 {strides = array<i32>} : memref<16528xf32, #tpu.memory_space<vmem>>, vector<16xf32>,
        %sub3A_3901 = arith.subf %add3A_3755, %broadcast_in_dim3A_3850 : vector<16xf32>
        %mul3A_3902 = arith.mulf %sub3A_3901, %mul3A_3849 : vector<16xf32>
        %mul3A_3903 = arith.mulf %mul3A_3902, %get3A_19 : vector<16xf32>
        %add3A_3904 = arith.addf %mul3A_3903, %get3A_35 : vector<16xf32>
        %add3A_3905 = arith.constant 96 : i32
        %add3A_3906 = arith.addi %mul3A_3852, %add3A_3905 : i32
        %swap3A_3907 = arith.index_cast %add3A_3906 : i32 to index
        %swap3A_3908 = tpu.vector_load %arg17[%swap3A_3907] {strides = array<i32>} : memref<16528xf32, #tpu.memory_space<vmem>>, vector<16xf32>,
        tpu.vector_store %arg17[%swap3A_3907], %add3A_3904 {strides = array<i32>} : memref<16528xf32, #tpu.memory_space<vmem>>, vector<16xf32>,
        %sub3A_3909 = arith.subf %add3A_3765, %broadcast_in_dim3A_3850 : vector<16xf32>
        %mul3A_3910 = arith.mulf %sub3A_3909, %mul3A_3849 : vector<16xf32>
        %mul3A_3911 = arith.mulf %mul3A_3910, %get3A_21 : vector<16xf32>
        %add3A_3912 = arith.addf %mul3A_3911, %get3A_37 : vector<16xf32>
        %add3A_3913 = arith.constant 112 : i32
        %add3A_3914 = arith.addi %mul3A_3852, %add3A_3913 : i32
        %swap3A_3915 = arith.index_cast %add3A_3914 : i32 to index
        %swap3A_3916 = tpu.vector_load %arg17[%swap3A_3915] {strides = array<i32>} : memref<16528xf32, #tpu.memory_space<vmem>>, vector<16xf32>,
        tpu.vector_store %arg17[%swap3A_3915], %add3A_3912 {strides = array<i32>} : memref<16528xf32, #tpu.memory_space<vmem>>, vector<16xf32>,
        %sub3A_3917 = arith.subf %add3A_3774, %mul3A_3808 : f32
        %broadcast_in_dim3A_3918 = vector.broadcast %sub3A_3917 : f32 to vector<16xf32>
        %mul3A_3919 = arith.mulf %broadcast_in_dim3A_3918, %mul3A_3849 : vector<16xf32>
        %mul3A_3920 = vector.broadcast %squeeze3A : f32 to vector<16xf32>
        %mul3A_3921 = arith.mulf %mul3A_3919, %mul3A_3920 : vector<16xf32>
        %add3A_3922 = vector.broadcast %squeeze3A_43 : f32 to vector<16xf32>
        %add3A_3923 = arith.addf %mul3A_3921, %add3A_3922 : vector<16xf32>
        %add3A_3924 = arith.constant 128 : i32
        %add3A_3925 = arith.addi %mul3A_3852, %add3A_3924 : i32
        %swap3A_3926 = arith.index_cast %add3A_3925 : i32 to index
        %swap3A_3927 = tpu.vector_load %arg17[%swap3A_3926] {strides = array<i32>} : memref<16528xf32, #tpu.memory_space<vmem>>, vector<16xf32>,
        tpu.vector_store %arg17[%swap3A_3926], %add3A_3923 {strides = array<i32>} : memref<16528xf32, #tpu.memory_space<vmem>>, vector<16xf32>,
      }
      %scan3A_75 = arith.constant 8 : i32
      %mul3A_76 = arith.constant 129 : i32
      %mul3A_77 = arith.muli %multiple_of3A, %mul3A_76 : i32
      %multiple_of3A_78 = tpu.assume_multiple %mul3A_77, 128 : i32
      "tpu.region"() ({
        %run_scoped3A = tpu.sem_alloc : memref<!tpu.dma_semaphore, #tpu.memory_space<semaphore_mem>>
        %dma_start3A_79 = arith.constant 0 : i32
        %dma_start3A_80 = tpu.memref_slice %arg17[%dma_start3A_79] : memref<16528xf32, #tpu.memory_space<vmem>> -> memref<16512xf32, #tpu.memory_space<vmem>>
        %dma_start3A_81 = tpu.memref_slice %arg10[%multiple_of3A_78] : memref<38043648xf32, #tpu.memory_space<hbm>> -> memref<16512xf32, #tpu.memory_space<hbm>>
        %dma_start3A_82 = tpu.memref_slice %arg10[%multiple_of3A_78] : memref<38043648xf32, #tpu.memory_space<hbm>> -> memref<16512xf32, #tpu.memory_space<hbm>>
        %dma_start3A_83 = arith.constant 0 : i32
        %dma_start3A_84 = tpu.memref_slice %arg17[%dma_start3A_83] : memref<16528xf32, #tpu.memory_space<vmem>> -> memref<16512xf32, #tpu.memory_space<vmem>>
        tpu.enqueue_dma source(%dma_start3A_84 : memref<16512xf32, #tpu.memory_space<vmem>>) target(%dma_start3A_82 : memref<16512xf32, #tpu.memory_space<hbm>>) target_semaphore(%run_scoped3A : memref<!tpu.dma_semaphore, #tpu.memory_space<semaphore_mem>>)
        %dma_wait3A_85 = arith.constant 0 : i32
        %dma_wait3A_86 = tpu.memref_slice %arg17[%dma_wait3A_85] : memref<16528xf32, #tpu.memory_space<vmem>> -> memref<16512xf32, #tpu.memory_space<vmem>>
        %dma_wait3A_87 = tpu.memref_slice %arg10[%multiple_of3A_78] : memref<38043648xf32, #tpu.memory_space<hbm>> -> memref<16512xf32, #tpu.memory_space<hbm>>
        %dma_wait3A_88 = tpu.memref_slice %arg10[%multiple_of3A_78] : memref<38043648xf32, #tpu.memory_space<hbm>> -> memref<16512xf32, #tpu.memory_space<hbm>>
        %dma_wait3A_89 = arith.constant 0 : i32
        %dma_wait3A_90 = tpu.memref_slice %arg17[%dma_wait3A_89] : memref<16528xf32, #tpu.memory_space<vmem>> -> memref<16512xf32, #tpu.memory_space<vmem>>
        tpu.wait_dma2 semaphore(%run_scoped3A : memref<!tpu.dma_semaphore, #tpu.memory_space<semaphore_mem>>) src(%dma_wait3A_90 : memref<16512xf32, #tpu.memory_space<vmem>>) dst(%dma_wait3A_88 : memref<16512xf32, #tpu.memory_space<hbm>>)
        tpu.yield
      }) : () -> ()
    }
    %scan3A_49 = arith.constant 72 : i32
    return
  }
}

</mosaic_0001>

<sc_bundles>
// kernel: kernel.3.cloned.1.call-start
scs
__scs_entry_jumppad:
0x0: {  	(pc) =	sbr.rel $0x88, $3  }
0x1: {  	(tag) =	ssettag $0x0;
	lr =	simm.s32 $0x1  }
0x2: {  	[smem:$0x3F9A] =	sst lr;
	_ =	strace $0xD0000000  }
0x3: {  	_ = 	snop  }
0x4: {  	_ = 	snop  }
0x5: {  	_ = 	snop  }
0x6: {  	_ = 	snop  }
0x7: {  	_ = 	snop  }
__scs_overlays_trampoline_lowered:
0x8: {  	[smem:$0x3FA9] =	sst s0  }
0x9: {  	[smem:$0x3FAA] =	sst s1  }
0xa: {  	[smem:$0x3FAB] =	sst s2  }
0xb: {  	[smem:$0x3FAC] =	sst s3  }
0xc: {  	[smem:$0x3FAD] =	sst s4  }
0xd: {  	[smem:$0x3FAE] =	sst s5  }
0xe: {  	[smem:$0x3FAF] =	sst s6  }
0xf: {  	[smem:$0x3FB0] =	sst s7  }
0x10: {  	[smem:$0x3FB1] =	sst s8  }
0x11: {  	[smem:$0x3FB2] =	sst s9;
	s0 =	simm.s32 @!p0 $0x0  }
0x12: {  	s1 =	sld [smem:$0x3F98];
	s0 =	simm.s32 @p0 $0x1  }
0x13: {  	[smem:$0x3FB3] =	sst s0;
	s0 =	simm.s32 @!p1 $0x0  }
0x14: {  	s2 =	sld [smem:$0x3F97];
	s0 =	simm.s32 @p1 $0x1  }
0x15: {  	[smem:$0x3FB4] =	sst s0;
	s0 =	simm.s32 @!p2 $0x0  }
0x16: {  	s3 =	sld [smem:$0x3FDB];
	s0 =	simm.s32 @p2 $0x1  }
0x17: {  	s4 =	simm.s32 $0x1BF5;
	[smem:$0x3FB6] =	sst s0  }
0x18: {  	s0 =	sld [smem:$0x3F99];
	_ =	swait.ge [sflag:s4], $0x0  }
0x19: {  	s7 =	sld [smem:$0x3F9A]  }
0x1a: {  	s8 =	sadd.s32 $0xFFFFE003, lr  }
0x1b: {  	s9 =	sadd.s32 $0xFFFFFEF7, lr;
	s5 =	simm.s32 $0xFFFFFFFF;
	p2 =	slt.u32 s8, $0xFFFFF086  }
0x1c: {  	p1 =	slt.u32 s9, $0xF7A;
	s5 =	simm.s32 @!p2 $0x0  }
0x1d: {  	s5 =	simm.s32 @p1 $0x1;
	p0 =	seq.s32 s7, s2  }
0x1e: {  	s7 =	smul.u32 @!p0 $0xF7A, s2;
	p2 =	seq.s32 @!p0 s5, $0x0  }
0x1f: {  	s9 =	smul.u32 $0xF7A, s1;
	s8 =	simm.s32 @!p0 $0x1BF5;
	p2 =	por !p2, p0  }
0x20: {  	[sflag:s8] =	ssyncset.s32 @!p0 $0xFFFFF086;
	s6 =	sadd.s32 @!p0 s3, s7;
	s7 =	simm.s32 @!p0 $0x108  }
0x21: {  	s3 =	sadd.s32 s3, s9;
	s6 =	sadd.s32 @!p0 $0x88, s6;
	s7 =	simm.s32 @p2 $0x1082  }
0x22: {  	[simem:s7], [sflag:s8] =	dma.local @!p0 [hbm:s6], $0xF7A  }
0x23: {  	s9 =	sor.u32 $0xD0000000, s2;
	s6 =	simm.s32 $0x108;
	_ =	swait.ge @!p0 [sflag:s8], $0x0  }
0x24: {  	s3 =	sadd.s32 $0x88, s3;
	s6 =	simm.s32 @!p1 $0x1082;
	[sflag:s4] =	ssyncset.s32 $0xFFFFF086  }
0x25: {  	[simem:s6], [sflag:s4] =	dma.local [hbm:s3], $0xF7A  }
0x26: {  	[smem:$0x3F9A] =	sst s1;
	(tag) =	ssettag s2;
	_ =	strace s9  }
0x27: {  	s1 =	sld [smem:$0x3FAA]  }
0x28: {  	s2 =	sld [smem:$0x3FAB]  }
0x29: {  	s4 =	sld [smem:$0x3FAD]  }
0x2a: {  	p0 =	seq.s32 s5, $0x0;
	s5 =	sld [smem:$0x3FAE]  }
0x2b: {  	s6 =	sld [smem:$0x3FAF]  }
0x2c: {  	s7 =	sld [smem:$0x3FB0]  }
0x2d: {  	s3 =	simm.s32 $0x108;
	s8 =	sld [smem:$0x3FB1]  }
0x2e: {  	s3 =	simm.s32 @!p0 $0x1082;
	s9 =	sld [smem:$0x3FB2]  }
0x2f: {  	lr =	sadd.s32 s0, s3;
	s0 =	sld [smem:$0x3FA9]  }
0x30: {  	s3 =	sld [smem:$0x3FAC]  }
0x31: {  	[smem:$0x3FB5] =	sst s10  }
0x32: {  	s10 =	sld [smem:$0x3FB3];
	_ =	sdelay $0x3  }
0x33: {  	p0 =	seq.s32 s10, $0x1;
	s10 =	sld [smem:$0x3FB5];
	_ =	sdelay $0x3  }
0x34: {  	[smem:$0x3FB5] =	sst s10  }
0x35: {  	s10 =	sld [smem:$0x3FB4];
	_ =	sdelay $0x3  }
0x36: {  	p1 =	seq.s32 s10, $0x1;
	s10 =	sld [smem:$0x3FB5];
	_ =	sdelay $0x3  }
0x37: {  	[smem:$0x3FB5] =	sst s10  }
0x38: {  	s10 =	sld [smem:$0x3FB6]  }
0x39: {  	_ = 	snop;
	(pc) =	sbr.ind lr, $3  }
0x3a: {  	_ = 	snop  }
0x3b: {  	_ = 	snop  }
0x3c: {  	p2 =	seq.s32 s10, $0x1;
	s10 =	sld [smem:$0x3FB5]  }
0x3d: {  	_ =	shalt  }
0x3e: {  	_ =	shalt  }
0x3f: {  	_ =	shalt  }
0x40: {  	_ =	shalt  }
0x41: {  	_ =	shalt  }
0x42: {  	_ =	shalt  }
0x43: {  	_ =	shalt  }
0x44: {  	_ =	shalt  }
0x45: {  	_ =	shalt  }
0x46: {  	_ =	shalt  }
0x47: {  	_ =	shalt  }
0x48: {  	_ =	shalt  }
0x49: {  	_ =	shalt  }
0x4a: {  	_ =	shalt  }
0x4b: {  	_ =	shalt  }
0x4c: {  	_ =	shalt  }
0x4d: {  	_ =	shalt  }
0x4e: {  	_ =	shalt  }
0x4f: {  	_ =	shalt  }
0x50: {  	_ =	shalt  }
0x51: {  	_ =	shalt  }
0x52: {  	_ =	shalt  }
0x53: {  	_ =	shalt  }
0x54: {  	_ =	shalt  }
0x55: {  	_ =	shalt  }
0x56: {  	_ =	shalt  }
0x57: {  	_ =	shalt  }
0x58: {  	_ =	shalt  }
0x59: {  	_ =	shalt  }
0x5a: {  	_ =	shalt  }
0x5b: {  	_ =	shalt  }
0x5c: {  	_ =	shalt  }
0x5d: {  	_ =	shalt  }
0x5e: {  	_ =	shalt  }
0x5f: {  	_ =	shalt  }
0x60: {  	_ =	shalt  }
0x61: {  	_ =	shalt  }
0x62: {  	_ =	shalt  }
0x63: {  	_ =	shalt  }
0x64: {  	_ =	shalt  }
0x65: {  	_ =	shalt  }
0x66: {  	_ =	shalt  }
0x67: {  	_ =	shalt  }
0x68: {  	_ =	shalt  }
0x69: {  	_ =	shalt  }
0x6a: {  	_ =	shalt  }
0x6b: {  	_ =	shalt  }
0x6c: {  	_ =	shalt  }
0x6d: {  	_ =	shalt  }
0x6e: {  	_ =	shalt  }
0x6f: {  	_ =	shalt  }
0x70: {  	_ =	shalt  }
0x71: {  	_ =	shalt  }
0x72: {  	_ =	shalt  }
0x73: {  	_ =	shalt  }
0x74: {  	_ =	shalt  }
0x75: {  	_ =	shalt  }
0x76: {  	_ =	shalt  }
0x77: {  	_ =	shalt  }
0x78: {  	_ =	shalt  }
0x79: {  	_ =	shalt  }
0x7a: {  	_ =	shalt  }
0x7b: {  	_ =	shalt  }
0x7c: {  	_ =	shalt  }
0x7d: {  	_ =	shalt  }
0x7e: {  	_ =	shalt  }
0x7f: {  	_ =	shalt  }
0x80: {  	_ =	shalt  }
0x81: {  	_ =	shalt  }
0x82: {  	_ =	shalt  }
0x83: {  	_ =	shalt  }
0x84: {  	_ =	shalt  }
0x85: {  	_ =	shalt  }
0x86: {  	_ =	shalt  }
0x87: {  	_ =	shalt  }
.Lfunc_end0:
.L_simem_size_0:
called_computation.1_lowered:
.L_overlay_start_0:
0x88: {  	s2 =	sld [smem:$0x3FD9]  }
0x89: {  	s3 =	sld [smem:$0x3FFE];
	_ =	sdelay $0x1  }
0x8a: {  	s1 =	srdreg.scid  }
0x8b: {  	s0 =	sand.u32 $0x1, s1  }
0x8c: {  	s17 =	sshll.u32 s0, $0xA;
	s2 =	sadd.s32 s3, s2  }
0x8d: {  	s2 =	sadd.s32 s2, s17  }
0x8e: {  	[smem:$0x3FC1] =	sst s2  }
0x8f: {  	_ = 	snop  }
0x90: {  	s2 =	sld [smem:$0x3FD0];
	(tm) =	ssettm $0x1  }
0x91: {  	s18 =	sld [smem:$0x3FFB];
	_ =	sdelay $0x3  }
0x92: {  	_ =	strace s18  }
0x93: {  	s3 =	sld [smem:$0x3FFC];
	_ =	sdelay $0x3  }
0x94: {  	_ =	strace s3  }
0x95: {  	s3 =	sld [smem:$0x3FFD];
	_ =	sdelay $0x3  }
0x96: {  	_ =	strace s3  }
0x97: {  	_ =	strace $0x8FFFFFFF  }
0x98: {  	s19 =	sld [smem:$0x3FDB];
	_ =	sdelay $0x1  }
0x99: {  	s4 =	simm.s32 $_scs_section_size  }
0x9a: {  	s5 =	simm.s32 $_size__tile_overlayer_lowered;
	s6 =	simm.s32 $_tile_overlayer_lowered  }
0x9b: {  	s22 =	simm.s32 $0x1BFF;
	s21 =	sshll.u32 s6, $0x1;
	s3 =	sadd.s32 s4, s19  }
0x9c: {  	s7 =	simm.s32 $0x0;
	s20 =	sshll.u32 s5, $0x1;
	s5 =	sadd.s32 s21, s3  }
0x9d: {  	[timem:s7], [sflag:s22] =	dma.local [hbm:s5], s20  }
0x9e: {  	_ =	swait.ge [sflag:s22], s20  }
0x9f: {  	s4 =	ssub.s32 $0x0, s20;
	[sflag:s22] =	ssyncset.done $0x0  }
0xa0: {  	[sflag:s22] =	ssyncadd.s32 s4;
	_ =	sdelay $0x1  }
0xa1: {  	s23 =	simm.s32 $0x1B8B  }
0xa2: {  	_ =	swait.ge [sflag:s23], $0x1  }
0xa3: {  	[sflag:s23] =	ssyncset.done $0x0  }
0xa4: {  	s25 =	simm.s32 $0x1B8E;
	s24 =	sld [smem:$0x3FFE];
	[sflag:s23] =	ssyncadd.s32 $0xFFFFFFFF  }
0xa5: {  	s26 =	simm.s32 $execute0_lowered;
	[smem:$0x3FD2] =	sst s25  }
0xa6: {  	s5 =	sshll.u32 s26, $0x1;
	_ =	strace $0x80000046;
	[dreg:$0x1] =	wrdreg $0xFFFFFFFF  }
0xa7: {  	s28 =	simm.s32 $_size_execute0_lowered;
	s3 =	sadd.s32 s3, s5;
	[dreg:$0x0] =	wrdreg $0x0  }
0xa8: {  	s5 =	sshll.u32 s28, $0x1;
	[dreg:$0x2] =	wrdreg s3  }
0xa9: {  	[dreg:$0x3] =	wrdreg s5  }
0xaa: {  	[dreg:$0x4] =	wrdreg $0xC0  }
0xab: {  	_ =	task [dreg:s7], $0x5FFFF  }
0xac: {  	[dreg:$0x1] =	wrdreg $0xFFFFFFFF  }
0xad: {  	[dreg:$0x0] =	wrdreg $0x60  }
0xae: {  	[dreg:$0x2] =	wrdreg s24  }
0xaf: {  	[dreg:$0x3] =	wrdreg s2  }
0xb0: {  	[dreg:$0x4] =	wrdreg $0x9  }
0xb1: {  	_ =	task.clear_ibuf [dreg:s7], $0x5FFFF;
	_ =	strace $0x90000046  }
0xb2: {  	s29 =	simm.s32 $0x9;
	_ =	strace $0x80000048  }
0xb3: {  	_ =	swait.ge [sflag:s29], $0x1  }
0xb4: {  	[sflag:s29] =	ssyncadd.s32 $0xFFFFFFFF  }
0xb5: {  	_ =	strace $0x90000048  }
0xb6: {  	_ =	sfence  }
0xb7: {  	s30 =	sld [smem:$0x0];
	_ =	sdelay $0x2  }
0xb8: {  	s31 =	sshll.u32 s1, $0xD;
	s1 =	sshrl.u32 s1, $0x2  }
0xb9: {  	s3 =	sand.u32 $0x4000, s31;
	s1 =	sadd.s32 s1, s30  }
0xba: {  	s0 =	sor.u32 s3, s0;
	s1 =	sshll.u32 s1, $0x11  }
0xbb: {  	s0 =	sor.u32 s1, s0  }
0xbc: {  	s0 =	sadd.s32 $0x8F2B, s0  }
0xbd: {  	[sflag:s0] =	ssyncadd.remote.s32 $0x1  }
0xbe: {  	_ =	sfence.sel $0xFFFF  }
0xbf: {  	[dreg:$0x0] =	wrdreg $0xFFFFFFFF;
	(pc) =	sbr.abs _section_cstart, $3  }
0xc0: {  	[dreg:$0x1] =	wrdreg $0xFFFFFFFF  }
0xc1: {  	_ =	task.clear_ibuf [dreg:s7], $0x2FFFF;
	_ =	strace $0x9FFFFFFF  }
0xc2: {  	(tm) =	ssettm $0x7FFFFFFF  }
0xc3: {  	_ =	shalt  }
tec
execute0_lowered:
.L_overlay_start_1:
0x0: {  	(tag) =	ssettag $0x1  }
0x1: {  	s0 =	rddreg [dreg:$0x0]  }
0x2: {  	s1 =	rddreg [dreg:$0x1];
	s2 =	simm.s32 $0x0;
	s30 =	srdreg.scid  }
0x3: {  	s6 =	stileid.u32;
	s15 =	simm.s32 $0x3;
	s19 =	simm.s32 $0x80  }
0x4: {  	s20 =	simm.s32 $0x100;
	s21 =	simm.s32 $0x200;
	s22 =	simm.s32 $0x180  }
0x5: {  	s23 =	simm.s32 $0x2200;
	s24 =	simm.s32 $0x1;
	s25 =	simm.s32 $0x2  }
0x6: {  	s26 =	simm.s32 $0x4200;
	s28 =	simm.s32 $0x0;
	[smem:$0x7FF] =	sst s2  }
0x7: {  	s3 =	sadd.s32 $0xC200, s0;
	s4 =	sadd.s32 $0x3200, s0;
	s5 =	sadd.s32 $0x2C00, s0  }
0x8: {  	_ =	strace $0x80000047;
	[dreg:$0x3] =	wrdreg s5;
	s5 =	sand.u32 $0x1, s30  }
0x9: {  	s7 =	sadd.s32 $0x15200, s0;
	s8 =	sadd.s32 $0xD8800, s0;
	s12 =	ssub.s32 $0x2, s5  }
0xa: {  	s9 =	sadd.s32 $0x3000, s0;
	s11 =	sshll.u32 s6, $0x1;
	s13 =	sshrl.u32 s12, $0x1  }
0xb: {  	s10 =	sadd.s32 $0x2800, s0;
	s5 =	sor.u32 s5, s11;
	s31 =	ssub.s32 s12, s13  }
0xc: {  	v0 =	vimm.f32 $0.0e+00;
	v1 =	vlaneseq.u32;
	s11 =	sadd.s32 $0x2A00, s0;
	s12 =	smul.u32 $0x2400, s5;
	s13 =	smax.u32 s31, $0x1  }
.LBB2_1:
0xd: {  	s0 =	simm.s32 $0x8290  }
0xe: {  	[tilespmem:s0], [sflag:$0x3] =	stream.linear.gather [hbm4b:s9+s2], $0xA20, $0x38;
	[tilespmem:$0x8DF0] =	vst v63  }
0xf: {  	_ =	swait.ge [sflag:s15], $0xA20  }
0x10: {  	[sflag:s15] =	ssyncset.done $0x0  }
0x11: {  	s18 =	simm.s32 $0x8CB0;
	[sflag:s15] =	ssyncadd.s32 $0xFFFFF5E0  }
0x12: {  	[tilespmem:s18], [sflag:$0x3] =	stream.linear.gather [hbm4b:s10+s2], $0x90, $0x38;
	[tilespmem:$0x8DF0] =	vst v63  }
0x13: {  	_ =	swait.ge [sflag:s15], $0x90  }
0x14: {  	[sflag:s15] =	ssyncset.done $0x0  }
0x15: {  	s30 =	simm.s32 $0x8D40;
	[sflag:s15] =	ssyncadd.s32 $0xFFFFFF70  }
0x16: {  	[tilespmem:s30], [sflag:$0x3] =	stream.linear.gather [hbm4b:s11+s2], $0x90, $0x38;
	[tilespmem:$0x8DF0] =	vst v63  }
0x17: {  	_ =	swait.ge [sflag:s15], $0x90  }
0x18: {  	[sflag:s15] =	ssyncset.done $0x0  }
0x19: {  	s5 =	simm.s32 $0x8DD0;
	s31 =	rddreg [dreg:$0x3];
	[sflag:s15] =	ssyncadd.s32 $0xFFFFFF70  }
0x1a: {  	[tilespmem:s5], [sflag:$0x3] =	stream.linear.gather [hbm4b:s31+s2], $0x20, $0x38;
	[tilespmem:$0x8DF0] =	vst v63  }
0x1b: {  	_ =	swait.ge [sflag:s15], $0x20  }
0x1c: {  	[sflag:s15] =	ssyncset.done $0x0  }
0x1d: {  	[sflag:s15] =	ssyncadd.s32 $0xFFFFFFE0  }
0x1e: {  	v10 =	vld [tilespmem:$0x8DD0]  }
0x1f: {  	v11 =	vld [tilespmem:$0x8DE0]  }
0x20: {  	v2 =	vld [tilespmem:$0x8CB0]  }
0x21: {  	v3 =	vld [tilespmem:$0x8CC0]  }
0x22: {  	v4 =	vld [tilespmem:$0x8CD0]  }
0x23: {  	v5 =	vld [tilespmem:$0x8CE0]  }
0x24: {  	v6 =	vld [tilespmem:$0x8CF0]  }
0x25: {  	v7 =	vld [tilespmem:$0x8D00]  }
0x26: {  	v8 =	vld [tilespmem:$0x8D10]  }
0x27: {  	v9 =	vld [tilespmem:$0x8D20];
	(erf) = vrcp.f32 v10  }
0x28: {  	v12 =	vld [tilespmem:$0x8D60];
	(erf) = vrcp.f32 v11  }
0x29: {  	v13 =	vld [tilespmem:$0x8D70]  }
0x2a: {  	v14 =	vld [tilespmem:$0x8D80]  }
0x2b: {  	v15 =	vld [tilespmem:$0x8D90]  }
0x2c: {  	v16 =	vld [tilespmem:$0x8DA0]  }
0x2d: {  	v17 =	vld [tilespmem:$0x8DB0]  }
0x2e: {  	v19 =	vld.msk [tilespmem:$0x8D30 ss:$0x0], $0xffff  }
0x2f: {  	v21 =	vld.msk [tilespmem:$0x8DC0 ss:$0x0], $0xffff  }
0x30: {  	v10 =	vld [tilespmem:$0x8D40];
	v18 =	vpop (erf)  }
0x31: {  	s29 =	simm.s32 $0x0;
	v11 =	vld [tilespmem:$0x8D50];
	v20 =	vpop (erf)  }
.LBB2_2:
0x32: {  	s0 =	sshll.u32 s29, $0x7  }
0x33: {  	s30 =	sadd.s32 s12, s0  }
0x34: {  	s0 =	sshrl.u32 s30, $0x3  }
0x35: {  	s31 =	simm.s32 $0x0;
	s5 =	sadd.s32 s3, s0  }
0x36: {  	[tilespmem:s31], [sflag:$0x3] =	stream.linear.gather [hbm4b:s5+s31], $0x80, $0x38;
	[tilespmem:$0x8DF0] =	vst v63  }
0x37: {  	_ =	swait.ge [sflag:s15], $0x80  }
0x38: {  	[sflag:s15] =	ssyncset.done $0x0  }
0x39: {  	s0 =	sadd.s32 s4, s0;
	[sflag:s15] =	ssyncadd.s32 $0xFFFFFF80  }
0x3a: {  	[tilespmem:s19], [sflag:$0x3] =	stream.linear.gather [hbm4b:s0+s31], $0x80, $0x38;
	[tilespmem:$0x8DF0] =	vst v63  }
0x3b: {  	_ =	swait.ge [sflag:s15], $0x80  }
0x3c: {  	[sflag:s15] =	ssyncset.done $0x0  }
0x3d: {  	[sflag:s15] =	ssyncadd.s32 $0xFFFFFF80  }
0x3e: {  	v22 =	vld [tilespmem:$0x0]  }
0x3f: {  	v23 =	vld [tilespmem:$0x80]  }
0x40: {  	v24 =	vld [tilespmem:$0x10]  }
0x41: {  	v25 =	vld [tilespmem:$0x90]  }
0x42: {  	v26 =	vld [tilespmem:$0x20]  }
0x43: {  	v27 =	vld [tilespmem:$0xA0]  }
0x44: {  	v28 =	vld [tilespmem:$0x30]  }
0x45: {  	v29 =	vld [tilespmem:$0xB0]  }
0x46: {  	v30 =	vld [tilespmem:$0x40]  }
0x47: {  	v31 =	vld [tilespmem:$0xC0];
	v22 =	vadd.f32 $1.000000000e+00, v22  }
0x48: {  	v32 =	vld [tilespmem:$0x50];
	v23 =	vadd.f32 $1.000000000e+00, v23;
	v24 =	vadd.f32 $1.000000000e+00, v24  }
0x49: {  	v33 =	vld [tilespmem:$0xD0];
	v25 =	vadd.f32 $1.000000000e+00, v25;
	v26 =	vadd.f32 $1.000000000e+00, v26  }
0x4a: {  	v34 =	vld [tilespmem:$0x60];
	v27 =	vadd.f32 $1.000000000e+00, v27;
	v28 =	vadd.f32 $1.000000000e+00, v28  }
0x4b: {  	v47 =	vld [tilespmem:$0xE0];
	v29 =	vadd.f32 $1.000000000e+00, v29;
	v30 =	vadd.f32 $1.000000000e+00, v30;
	v22 =	vmul.f32 v22, v18  }
0x4c: {  	v45 =	vadd.f32 $1.000000000e+00, v31;
	v23 =	vmul.f32 v23, v20;
	v24 =	vmul.f32 v24, v18  }
0x4d: {  	v46 =	vadd.f32 $1.000000000e+00, v32;
	v25 =	vmul.f32 v25, v20;
	v26 =	vmul.f32 v26, v18  }
0x4e: {  	v50 =	vadd.f32 $1.000000000e+00, v33;
	v27 =	vmul.f32 v27, v20;
	v28 =	vmul.f32 v28, v18  }
0x4f: {  	v56 =	vadd.f32 $1.000000000e+00, v34;
	v29 =	vmul.f32 v29, v20;
	v44 =	vmul.f32 v30, v18  }
0x50: {  	v58 =	vadd.f32 $1.000000000e+00, v47;
	v49 =	vmul.f32 v45, v20;
	v52 =	vmul.f32 v46, v18  }
0x51: {  	v55 =	vmul.f32 v50, v20;
	v57 =	vmul.f32 v56, v18  }
0x52: {  	v61 =	vmul.f32 v58, v20;
	v22 =	vtrunc.f32 v22  }
0x53: {  	v23 =	vtrunc.f32 v23;
	v24 =	vtrunc.f32 v24  }
0x54: {  	v25 =	vtrunc.f32 v25;
	v22 =	vcvt.f32.s32 v22  }
0x55: {  	v26 =	vtrunc.f32 v26;
	v23 =	vcvt.f32.s32 v23  }
0x56: {  	v27 =	vtrunc.f32 v27;
	v24 =	vcvt.f32.s32 v24;
	[tilespmem:$0x100] =	vst v22  }
0x57: {  	v28 =	vtrunc.f32 v28;
	v25 =	vcvt.f32.s32 v25;
	[tilespmem:$0x180] =	vst v23  }
0x58: {  	v51 =	vld [tilespmem:$0x70];
	v48 =	vtrunc.f32 v44;
	v26 =	vcvt.f32.s32 v26;
	[tilespmem:$0x110] =	vst v24  }
0x59: {  	v53 =	vld [tilespmem:$0xF0];
	v54 =	vtrunc.f32 v49;
	v27 =	vcvt.f32.s32 v27;
	[tilespmem:$0x190] =	vst v25  }
0x5a: {  	v60 =	vtrunc.f32 v57;
	v23 =	vcvt.f32.s32 v28;
	[tilespmem:$0x120] =	vst v26  }
0x5b: {  	v22 =	vtrunc.f32 v29;
	v24 =	vcvt.f32.s32 v48;
	[tilespmem:$0x1A0] =	vst v27  }
0x5c: {  	v26 =	vcvt.f32.s32 v54;
	v22 =	vcvt.f32.s32 v22;
	[tilespmem:$0x130] =	vst v23  }
0x5d: {  	v59 =	vadd.f32 $1.000000000e+00, v51;
	v25 =	vtrunc.f32 v52;
	v23 =	vtrunc.f32 v55;
	[tilespmem:$0x140] =	vst v24  }
0x5e: {  	v28 =	vadd.f32 $1.000000000e+00, v53;
	v24 =	vcvt.f32.s32 v60;
	[tilespmem:$0x1B0] =	vst v22;
	v22 =	vcvt.f32.s32 v25  }
0x5f: {  	[tilespmem:$0x1C0] =	vst v26;
	v23 =	vcvt.f32.s32 v23;
	v25 =	vmul.f32 v59, v18  }
0x60: {  	v62 =	vmul.f32 v28, v20;
	[tilespmem:$0x150] =	vst v22;
	v22 =	vtrunc.f32 v61  }
0x61: {  	[tilespmem:$0x1D0] =	vst v23;
	v23 =	vtrunc.f32 v25;
	v22 =	vcvt.f32.s32 v22  }
0x62: {  	[tilespmem:$0x160] =	vst v24;
	v63 =	vtrunc.f32 v62;
	v23 =	vcvt.f32.s32 v23  }
0x63: {  	[tilespmem:$0x1E0] =	vst v22;
	v22 =	vcvt.f32.s32 v63  }
0x64: {  	[tilespmem:$0x170] =	vst v23  }
0x65: {  	[tilespmem:$0x1F0] =	vst v22  }
0x66: {  	[tilespmem:s21], [sflag:$0x1] =	stream.indirect.gather [hbm4b:s7+s19], $0x40, s20, s19, $0xb8;
	[tilespmem:$0x8DF0] =	vst v63  }
0x67: {  	_ = 	snop  }
0x68: {  	[tilespmem:s23], [sflag:$0x2] =	stream.indirect.gather [hbm4b:s8+s19], $0x40, s22, s19, $0xb8;
	[tilespmem:$0x8DF0] =	vst v63  }
0x69: {  	_ =	swait.ge [sflag:s24], $0x2000  }
0x6a: {  	[sflag:s24] =	ssyncset.done $0x0  }
0x6b: {  	[sflag:s24] =	ssyncadd.s32 $0xFFFFE000  }
0x6c: {  	_ =	swait.ge [sflag:s25], $0x2000  }
0x6d: {  	[sflag:s25] =	ssyncset.done $0x0  }
0x6e: {  	[sflag:s25] =	ssyncadd.s32 $0xFFFFE000  }
.LBB2_3:
0x6f: {  	s0 =	sshll.u32 s31, $0x4  }
0x70: {  	s5 =	sor.u32 s30, s0  }
0x71: {  	v22 =	vor.u32 s5, v1  }
0x72: {  	v23 =	vmulhi.u32 $0x38E38E39, v22;
	_ =	sdelay $0x1  }
0x73: {  	v23 =	vshrl.u32 v23, $0x2  }
0x74: {  	v23 =	vmul.u32 $0x12, v23;
	_ =	sdelay $0x1  }
0x75: {  	v22 =	vsub.s32 v22, v23  }
0x76: {  	v22 =	vmul.u32 $0x240, v22;
	_ =	sdelay $0x1  }
0x77: {  	v23 =	vshrl.u32 v22, $0x2  }
0x78: {  	(v2sf) =	vpush v23, $0x1  }
0x79: {  	(v2sf) =	vpush v23, $0x0;
	_ =	sdelay $0x6  }
0x7a: {  	s14 =	sshll.u32 s31, $0xA  }
0x7b: {  	v25 =	vld [tilespmem:s14+$0x210]  }
0x7c: {  	v27 =	vld [tilespmem:s14+$0x220]  }
0x7d: {  	v29 =	vld [tilespmem:s14+$0x230]  }
0x7e: {  	v31 =	vld [tilespmem:s14+$0x2200]  }
0x7f: {  	v33 =	vld [tilespmem:s14+$0x2210]  }
0x80: {  	v35 =	vld [tilespmem:s14+$0x2220]  }
0x81: {  	v37 =	vld [tilespmem:s14+$0x2230];
	s5 =	spop (v2sf)  }
0x82: {  	v22 =	vld [tilespmem:s14+$0x200];
	s16 =	spop (v2sf)  }
0x83: {  	v24 =	vld [tilespmem:s16+$0x8290]  }
0x84: {  	v26 =	vld [tilespmem:s16+$0x82A0]  }
0x85: {  	v28 =	vld [tilespmem:s16+$0x82B0]  }
0x86: {  	v30 =	vld [tilespmem:s16+$0x82C0]  }
0x87: {  	v32 =	vld [tilespmem:s16+$0x82D0]  }
0x88: {  	v34 =	vld [tilespmem:s16+$0x82E0]  }
0x89: {  	v36 =	vld [tilespmem:s16+$0x82F0]  }
0x8a: {  	v38 =	vld [tilespmem:s16+$0x8300];
	_ =	sdelay $0x1  }
0x8b: {  	v24 =	vadd.f32 v24, v22;
	v25 =	vadd.f32 v26, v25  }
0x8c: {  	v26 =	vadd.f32 v28, v27;
	v27 =	vadd.f32 v30, v29  }
0x8d: {  	v28 =	vadd.f32 v32, v31;
	v29 =	vadd.f32 v34, v33  }
0x8e: {  	v44 =	vadd.f32 v36, v35;
	v45 =	vadd.f32 v38, v37  }
0x8f: {  	v22 =	vadd.f32 v25, v24;
	v46 =	vmul.f32 v24, v24;
	v47 =	vmul.f32 v25, v25  }
0x90: {  	v48 =	vadd.f32 v27, v26;
	v49 =	vmul.f32 v26, v26;
	v50 =	vmul.f32 v27, v27  }
0x91: {  	v51 =	vadd.f32 v29, v28;
	v52 =	vmul.f32 v28, v28;
	v39 =	vmul.f32 v29, v29  }
0x92: {  	v40 =	vmul.f32 v44, v44;
	v41 =	vmul.f32 v45, v45;
	v53 =	vadd.f32 v45, v44  }
0x93: {  	v32 =	vadd.f32 v47, v46;
	v35 =	vadd.f32 v50, v49  }
0x94: {  	v54 =	vadd.f32 v39, v52;
	v55 =	vadd.f32 v41, v40  }
0x95: {  	v22 =	vadd.f32 v48, v22;
	v33 =	vadd.f32 v53, v51  }
0x96: {  	v32 =	vadd.f32 v35, v32;
	v56 =	vadd.f32 v55, v54  }
0x97: {  	v22 =	vadd.f32 v33, v22  }
0x98: {  	v32 =	vadd.f32 v56, v32  }
0x99: {  	v57 =	vld [tilespmem:s0+$0x0];
	(xrf2) =	vadd.scan.msk.f32 $0xffff, v22  }
0x9a: {  	(xrf2) =	vadd.scan.msk.f32 $0xffff, v32;
	_ =	sdelay $0x1  }
0x9b: {  	v58 =	vld [tilespmem:s16+$0x8310];
	_ =	sdelay $0x1  }
0x9c: {  	vm0 =	vgt.f32 v57, $1.000000000e+00  }
0x9d: {  	v22 =	vsel vm0, $0x3F800000, v0  }
0x9e: {  	(v2sf) =	vpush v22, $0x0  }
0x9f: {  	(v2sf) =	vpush v58, $0x0;
	_ =	sdelay $0x1  }
0xa0: {  	v59, _, _ =	vpop (xrf2)  }
0xa1: {  	(v2sf) =	vpush v59, $0xF;
	v60, _, _ =	vpop (xrf2)  }
0xa2: {  	(v2sf) =	vpush v60, $0xF;
	_ =	sdelay $0x9  }
0xa3: {  	s16 =	spop (v2sf)  }
0xa4: {  	s17 =	spop (v2sf)  }
0xa5: {  	s14 =	sadd.f32 s17, s16;
	_ =	sdelay $0x1  }
0xa6: {  	s17 =	smul.f32 s14, s14;
	s18 =	spop (v2sf)  }
0xa7: {  	s16 =	sadd.f32 s18, s14;
	s18 =	spop (v2sf)  }
0xa8: {  	s17 =	sadd.f32 s18, s17  }
0xa9: {  	s16 =	smul.f32 $7.751937950e-03, s16  }
0xaa: {  	s17 =	smul.f32 $7.751937950e-03, s17  }
0xab: {  	s6 =	smul.f32 s16, s16;
	_ =	sdelay $0x1  }
0xac: {  	s17 =	ssub.f32 s17, s6;
	_ =	sdelay $0x1  }
0xad: {  	s17 =	sadd.f32 $9.999999740e-06, s17;
	_ =	sdelay $0x1  }
0xae: {  	v61 =	vmov s17  }
0xaf: {  	v62 =	vshrl.u32 v61, $0x1;
	v32 =	vmul.f32 $5.000000000e-01, v61  }
0xb0: {  	v33 =	vsub.s32 $0x5F3759DF, v62  }
0xb1: {  	v63 =	vmul.f32 v33, v32;
	_ =	sdelay $0x1  }
0xb2: {  	v34 =	vmul.f32 v33, v63;
	_ =	sdelay $0x1  }
0xb3: {  	v34 =	vsub.f32 $1.500000000e+00, v34;
	_ =	sdelay $0x1  }
0xb4: {  	v33 =	vmul.f32 v33, v34;
	_ =	sdelay $0x1  }
0xb5: {  	v34 =	vmul.f32 v33, v32;
	_ =	sdelay $0x1  }
0xb6: {  	v34 =	vmul.f32 v34, v33;
	_ =	sdelay $0x1  }
0xb7: {  	v34 =	vsub.f32 $1.500000000e+00, v34;
	_ =	sdelay $0x1  }
0xb8: {  	v33 =	vmul.f32 v34, v33;
	_ =	sdelay $0x1  }
0xb9: {  	v32 =	vmul.f32 v33, v32;
	_ =	sdelay $0x1  }
0xba: {  	v32 =	vmul.f32 v32, v33;
	_ =	sdelay $0x1  }
0xbb: {  	v32 =	vsub.f32 $1.500000000e+00, v32  }
0xbc: {  	v36 =	vmov s16  }
0xbd: {  	v24 =	vsub.f32 v24, v36;
	v32 =	vmul.f32 v32, v33  }
0xbe: {  	v25 =	vsub.f32 v25, v36  }
0xbf: {  	v26 =	vsub.f32 v26, v36;
	v27 =	vsub.f32 v27, v36;
	v24 =	vmul.f32 v32, v24  }
0xc0: {  	v28 =	vsub.f32 v28, v36;
	v29 =	vsub.f32 v29, v36;
	v25 =	vmul.f32 v32, v25  }
0xc1: {  	v30 =	vsub.f32 v44, v36;
	v26 =	vmul.f32 v32, v26;
	v24 =	vmul.f32 v24, v2  }
0xc2: {  	v31 =	vsub.f32 v45, v36;
	s6 =	smul.u32 $0x2040, s31;
	v27 =	vmul.f32 v32, v27;
	v25 =	vmul.f32 v25, v3  }
0xc3: {  	v28 =	vmul.f32 v32, v28;
	v26 =	vmul.f32 v26, v4;
	v24 =	vadd.f32 v24, v10  }
0xc4: {  	s17 =	sshra.s32 s6, $0x2;
	v29 =	vmul.f32 v32, v29;
	v27 =	vmul.f32 v27, v5;
	v25 =	vadd.f32 v25, v11  }
0xc5: {  	s14 =	ssub.f32 s14, s16;
	v39 =	vmul.f32 v32, v30;
	v38 =	vmul.f32 v28, v6;
	v37 =	vadd.f32 v26, v12;
	[tilespmem:s17+$0x4200] =	vst v24  }
0xc6: {  	v42 =	vmul.f32 v32, v31;
	v41 =	vmul.f32 v29, v7;
	v40 =	vadd.f32 v27, v13;
	[tilespmem:s17+$0x4210] =	vst v25  }
0xc7: {  	v45 =	vmul.f32 s14, v32;
	v44 =	vmul.f32 v39, v8;
	v43 =	vadd.f32 v38, v14;
	[tilespmem:s17+$0x4220] =	vst v37  }
0xc8: {  	v47 =	vmul.f32 v42, v9;
	v46 =	vadd.f32 v41, v15;
	[tilespmem:s17+$0x4230] =	vst v40  }
0xc9: {  	v49 =	vmul.f32 v45, v19;
	v48 =	vadd.f32 v44, v16;
	[tilespmem:s17+$0x4240] =	vst v43  }
0xca: {  	v50 =	vadd.f32 v47, v17;
	[tilespmem:s17+$0x4250] =	vst v46  }
0xcb: {  	v51 =	vadd.f32 v49, v21;
	[tilespmem:s17+$0x4260] =	vst v48  }
0xcc: {  	s14 =	sor.u32 $0x1, s0;
	[tilespmem:s17+$0x4270] =	vst v50  }
0xcd: {  	[tilespmem:s17+$0x4280] =	vst v51;
	s17 =	sshll.u32 s14, $0x6  }
0xce: {  	v24 =	vld [tilespmem:s17+$0x200]  }
0xcf: {  	v25 =	vld [tilespmem:s5+$0x8290]  }
0xd0: {  	v52 =	vld [tilespmem:s17+$0x210]  }
0xd1: {  	v53 =	vld [tilespmem:s5+$0x82A0]  }
0xd2: {  	v54 =	vld [tilespmem:s17+$0x220]  }
0xd3: {  	v55 =	vld [tilespmem:s5+$0x82B0]  }
0xd4: {  	v56 =	vld [tilespmem:s17+$0x230]  }
0xd5: {  	v57 =	vld [tilespmem:s5+$0x82C0]  }
0xd6: {  	v58 =	vld [tilespmem:s17+$0x2200]  }
0xd7: {  	v59 =	vld [tilespmem:s5+$0x82D0]  }
0xd8: {  	v60 =	vld [tilespmem:s17+$0x2210]  }
0xd9: {  	v61 =	vld [tilespmem:s5+$0x82E0]  }
0xda: {  	v62 =	vld [tilespmem:s17+$0x2220]  }
0xdb: {  	v63 =	vld [tilespmem:s5+$0x82F0]  }
0xdc: {  	v42 =	vld [tilespmem:s17+$0x2230]  }
0xdd: {  	v43 =	vld [tilespmem:s5+$0x8300];
	_ =	sdelay $0x1  }
0xde: {  	v24 =	vadd.f32 v25, v24;
	v25 =	vadd.f32 v53, v52  }
0xdf: {  	v26 =	vadd.f32 v55, v54;
	v27 =	vadd.f32 v57, v56  }
0xe0: {  	v28 =	vadd.f32 v59, v58;
	v29 =	vadd.f32 v61, v60  }
0xe1: {  	v30 =	vadd.f32 v63, v62;
	v44 =	vadd.f32 v43, v42  }
0xe2: {  	v45 =	vadd.f32 v25, v24;
	v46 =	vmul.f32 v24, v24;
	v47 =	vmul.f32 v25, v25  }
0xe3: {  	v48 =	vadd.f32 v27, v26;
	v49 =	vmul.f32 v26, v26;
	v50 =	vmul.f32 v27, v27  }
0xe4: {  	v51 =	vadd.f32 v29, v28;
	v52 =	vmul.f32 v28, v28;
	v53 =	vmul.f32 v29, v29  }
0xe5: {  	v54 =	vmul.f32 v30, v30;
	v55 =	vmul.f32 v44, v44;
	v56 =	vadd.f32 v44, v30  }
0xe6: {  	v33 =	vadd.f32 v47, v46;
	v36 =	vadd.f32 v50, v49  }
0xe7: {  	v39 =	vadd.f32 v53, v52;
	v34 =	vadd.f32 v55, v54  }
0xe8: {  	v32 =	vadd.f32 v48, v45;
	v57 =	vadd.f32 v56, v51  }
0xe9: {  	v33 =	vadd.f32 v36, v33;
	v34 =	vadd.f32 v34, v39  }
0xea: {  	v32 =	vadd.f32 v57, v32  }
0xeb: {  	v33 =	vadd.f32 v34, v33  }
0xec: {  	(xrf2) =	vadd.scan.msk.f32 $0xffff, v32  }
0xed: {  	(xrf2) =	vadd.scan.msk.f32 $0xffff, v33;
	_ =	sdelay $0x1  }
0xee: {  	v58 =	vld [tilespmem:s5+$0x8310];
	_ =	sdelay $0x3  }
0xef: {  	(v2sf) =	vpush v22, $0x1  }
0xf0: {  	(v2sf) =	vpush v58, $0x0;
	_ =	sdelay $0x1  }
0xf1: {  	v59, _, _ =	vpop (xrf2)  }
0xf2: {  	(v2sf) =	vpush v59, $0xF;
	v60, _, _ =	vpop (xrf2)  }
0xf3: {  	(v2sf) =	vpush v60, $0xF;
	_ =	sdelay $0x9  }
0xf4: {  	s18 =	spop (v2sf)  }
0xf5: {  	s6 =	spop (v2sf)  }
0xf6: {  	s5 =	sadd.f32 s6, s18;
	_ =	sdelay $0x1  }
0xf7: {  	s18 =	smul.f32 s5, s5;
	s17 =	spop (v2sf)  }
0xf8: {  	s16 =	sadd.f32 s17, s5;
	s6 =	spop (v2sf)  }
0xf9: {  	s17 =	sadd.f32 s6, s18  }
0xfa: {  	s16 =	smul.f32 $7.751937950e-03, s16  }
0xfb: {  	s17 =	smul.f32 $7.751937950e-03, s17  }
0xfc: {  	s6 =	smul.f32 s16, s16;
	_ =	sdelay $0x1  }
0xfd: {  	s17 =	ssub.f32 s17, s6;
	_ =	sdelay $0x1  }
0xfe: {  	s17 =	sadd.f32 $9.999999740e-06, s17;
	_ =	sdelay $0x1  }
0xff: {  	v61 =	vmov s17  }
0x100: {  	v62 =	vshrl.u32 v61, $0x1;
	v32 =	vmul.f32 $5.000000000e-01, v61  }
0x101: {  	v33 =	vsub.s32 $0x5F3759DF, v62  }
0x102: {  	v63 =	vmul.f32 v33, v32;
	_ =	sdelay $0x1  }
0x103: {  	v34 =	vmul.f32 v33, v63;
	_ =	sdelay $0x1  }
0x104: {  	v34 =	vsub.f32 $1.500000000e+00, v34;
	_ =	sdelay $0x1  }
0x105: {  	v33 =	vmul.f32 v33, v34;
	_ =	sdelay $0x1  }
0x106: {  	v34 =	vmul.f32 v33, v32;
	_ =	sdelay $0x1  }
0x107: {  	v34 =	vmul.f32 v34, v33;
	_ =	sdelay $0x1  }
0x108: {  	v34 =	vsub.f32 $1.500000000e+00, v34;
	_ =	sdelay $0x1  }
0x109: {  	v33 =	vmul.f32 v34, v33;
	_ =	sdelay $0x1  }
0x10a: {  	v32 =	vmul.f32 v33, v32;
	_ =	sdelay $0x1  }
0x10b: {  	v32 =	vmul.f32 v32, v33;
	_ =	sdelay $0x1  }
0x10c: {  	v32 =	vsub.f32 $1.500000000e+00, v32  }
0x10d: {  	v36 =	vmov s16  }
0x10e: {  	(v2sf) =	vpush v23, $0x3;
	v24 =	vsub.f32 v24, v36;
	v32 =	vmul.f32 v32, v33  }
0x10f: {  	(v2sf) =	vpush v23, $0x2;
	v25 =	vsub.f32 v25, v36  }
0x110: {  	v26 =	vsub.f32 v26, v36;
	v27 =	vsub.f32 v27, v36;
	v24 =	vmul.f32 v32, v24  }
0x111: {  	v28 =	vsub.f32 v28, v36;
	v29 =	vsub.f32 v29, v36;
	v25 =	vmul.f32 v32, v25  }
0x112: {  	v30 =	vsub.f32 v30, v36;
	v26 =	vmul.f32 v32, v26;
	v24 =	vmul.f32 v24, v2  }
0x113: {  	v31 =	vsub.f32 v44, v36;
	v27 =	vmul.f32 v32, v27;
	v25 =	vmul.f32 v25, v3  }
0x114: {  	s14 =	smul.u32 $0x81, s14;
	v28 =	vmul.f32 v32, v28;
	v26 =	vmul.f32 v26, v4;
	v24 =	vadd.f32 v24, v10  }
0x115: {  	v29 =	vmul.f32 v32, v29;
	v27 =	vmul.f32 v27, v5;
	v25 =	vadd.f32 v25, v11  }
0x116: {  	s5 =	ssub.f32 s5, s16;
	s6 =	sand.u32 $0x3FF0, s14;
	v39 =	vmul.f32 v32, v30;
	v38 =	vmul.f32 v28, v6;
	v37 =	vadd.f32 v26, v12;
	[tilespmem:s14+$0x4200] =	vst v24  }
0x117: {  	v42 =	vmul.f32 v32, v31;
	v41 =	vmul.f32 v29, v7;
	v40 =	vadd.f32 v27, v13;
	[tilespmem:s6+$0x4211] =	vst v25  }
0x118: {  	v45 =	vmul.f32 s5, v32;
	v44 =	vmul.f32 v39, v8;
	v43 =	vadd.f32 v38, v14;
	[tilespmem:s6+$0x4221] =	vst v37  }
0x119: {  	v47 =	vmul.f32 v42, v9;
	v46 =	vadd.f32 v41, v15;
	[tilespmem:s6+$0x4231] =	vst v40  }
0x11a: {  	v49 =	vmul.f32 v45, v19;
	v48 =	vadd.f32 v44, v16;
	[tilespmem:s6+$0x4241] =	vst v43  }
0x11b: {  	v50 =	vadd.f32 v47, v17;
	[tilespmem:s6+$0x4251] =	vst v46  }
0x11c: {  	v51 =	vadd.f32 v49, v21;
	[tilespmem:s6+$0x4261] =	vst v48  }
0x11d: {  	s14 =	sor.u32 $0x2, s0;
	[tilespmem:s6+$0x4271] =	vst v50  }
0x11e: {  	s5 =	spop (v2sf);
	[tilespmem:s6+$0x4281] =	vst v51;
	s18 =	sshll.u32 s14, $0x6  }
0x11f: {  	s6 =	spop (v2sf);
	v24 =	vld [tilespmem:s18+$0x200]  }
0x120: {  	v25 =	vld [tilespmem:s6+$0x8290]  }
0x121: {  	v52 =	vld [tilespmem:s18+$0x210]  }
0x122: {  	v53 =	vld [tilespmem:s6+$0x82A0]  }
0x123: {  	v54 =	vld [tilespmem:s18+$0x220]  }
0x124: {  	v55 =	vld [tilespmem:s6+$0x82B0]  }
0x125: {  	v56 =	vld [tilespmem:s18+$0x230]  }
0x126: {  	v57 =	vld [tilespmem:s6+$0x82C0]  }
0x127: {  	v58 =	vld [tilespmem:s18+$0x2200]  }
0x128: {  	v59 =	vld [tilespmem:s6+$0x82D0]  }
0x129: {  	v60 =	vld [tilespmem:s18+$0x2210]  }
0x12a: {  	v61 =	vld [tilespmem:s6+$0x82E0]  }
0x12b: {  	v62 =	vld [tilespmem:s18+$0x2220]  }
0x12c: {  	v63 =	vld [tilespmem:s6+$0x82F0]  }
0x12d: {  	v42 =	vld [tilespmem:s18+$0x2230]  }
0x12e: {  	v43 =	vld [tilespmem:s6+$0x8300];
	_ =	sdelay $0x1  }
0x12f: {  	v24 =	vadd.f32 v25, v24;
	v25 =	vadd.f32 v53, v52  }
0x130: {  	v26 =	vadd.f32 v55, v54;
	v27 =	vadd.f32 v57, v56  }
0x131: {  	v28 =	vadd.f32 v59, v58;
	v29 =	vadd.f32 v61, v60  }
0x132: {  	v30 =	vadd.f32 v63, v62;
	v44 =	vadd.f32 v43, v42  }
0x133: {  	v45 =	vadd.f32 v25, v24;
	v46 =	vmul.f32 v24, v24;
	v47 =	vmul.f32 v25, v25  }
0x134: {  	v48 =	vadd.f32 v27, v26;
	v49 =	vmul.f32 v26, v26;
	v50 =	vmul.f32 v27, v27  }
0x135: {  	v51 =	vadd.f32 v29, v28;
	v52 =	vmul.f32 v28, v28;
	v53 =	vmul.f32 v29, v29  }
0x136: {  	v54 =	vmul.f32 v30, v30;
	v55 =	vmul.f32 v44, v44;
	v56 =	vadd.f32 v44, v30  }
0x137: {  	v33 =	vadd.f32 v47, v46;
	v36 =	vadd.f32 v50, v49  }
0x138: {  	v39 =	vadd.f32 v53, v52;
	v34 =	vadd.f32 v55, v54  }
0x139: {  	v32 =	vadd.f32 v48, v45;
	v57 =	vadd.f32 v56, v51  }
0x13a: {  	v33 =	vadd.f32 v36, v33;
	v34 =	vadd.f32 v34, v39  }
0x13b: {  	v32 =	vadd.f32 v57, v32  }
0x13c: {  	v33 =	vadd.f32 v34, v33  }
0x13d: {  	(xrf2) =	vadd.scan.msk.f32 $0xffff, v32  }
0x13e: {  	(xrf2) =	vadd.scan.msk.f32 $0xffff, v33;
	_ =	sdelay $0x1  }
0x13f: {  	v58 =	vld [tilespmem:s6+$0x8310];
	_ =	sdelay $0x3  }
0x140: {  	(v2sf) =	vpush v22, $0x2  }
0x141: {  	(v2sf) =	vpush v58, $0x0;
	_ =	sdelay $0x1  }
0x142: {  	v59, _, _ =	vpop (xrf2)  }
0x143: {  	(v2sf) =	vpush v59, $0xF;
	v60, _, _ =	vpop (xrf2)  }
0x144: {  	(v2sf) =	vpush v60, $0xF;
	_ =	sdelay $0x9  }
0x145: {  	s17 =	spop (v2sf)  }
0x146: {  	s18 =	spop (v2sf)  }
0x147: {  	s16 =	sadd.f32 s18, s17;
	_ =	sdelay $0x1  }
0x148: {  	s18 =	smul.f32 s16, s16;
	s6 =	spop (v2sf)  }
0x149: {  	s17 =	sadd.f32 s6, s16;
	s6 =	spop (v2sf)  }
0x14a: {  	s6 =	sadd.f32 s6, s18  }
0x14b: {  	s17 =	smul.f32 $7.751937950e-03, s17  }
0x14c: {  	s6 =	smul.f32 $7.751937950e-03, s6  }
0x14d: {  	s18 =	smul.f32 s17, s17;
	_ =	sdelay $0x1  }
0x14e: {  	s6 =	ssub.f32 s6, s18;
	_ =	sdelay $0x1  }
0x14f: {  	s6 =	sadd.f32 $9.999999740e-06, s6;
	_ =	sdelay $0x1  }
0x150: {  	v61 =	vmov s6  }
0x151: {  	v62 =	vshrl.u32 v61, $0x1;
	v32 =	vmul.f32 $5.000000000e-01, v61  }
0x152: {  	v33 =	vsub.s32 $0x5F3759DF, v62  }
0x153: {  	v63 =	vmul.f32 v33, v32;
	_ =	sdelay $0x1  }
0x154: {  	v34 =	vmul.f32 v33, v63;
	_ =	sdelay $0x1  }
0x155: {  	v34 =	vsub.f32 $1.500000000e+00, v34;
	_ =	sdelay $0x1  }
0x156: {  	v33 =	vmul.f32 v33, v34;
	_ =	sdelay $0x1  }
0x157: {  	v34 =	vmul.f32 v33, v32;
	_ =	sdelay $0x1  }
0x158: {  	v34 =	vmul.f32 v34, v33;
	_ =	sdelay $0x1  }
0x159: {  	v34 =	vsub.f32 $1.500000000e+00, v34;
	_ =	sdelay $0x1  }
0x15a: {  	v33 =	vmul.f32 v34, v33;
	_ =	sdelay $0x1  }
0x15b: {  	v32 =	vmul.f32 v33, v32;
	_ =	sdelay $0x1  }
0x15c: {  	v32 =	vmul.f32 v32, v33;
	_ =	sdelay $0x1  }
0x15d: {  	v32 =	vsub.f32 $1.500000000e+00, v32  }
0x15e: {  	v36 =	vmov s17  }
0x15f: {  	v24 =	vsub.f32 v24, v36;
	v32 =	vmul.f32 v32, v33  }
0x160: {  	v25 =	vsub.f32 v25, v36  }
0x161: {  	v26 =	vsub.f32 v26, v36;
	v27 =	vsub.f32 v27, v36;
	v24 =	vmul.f32 v32, v24  }
0x162: {  	v28 =	vsub.f32 v28, v36;
	v29 =	vsub.f32 v29, v36;
	v25 =	vmul.f32 v32, v25  }
0x163: {  	v30 =	vsub.f32 v30, v36;
	v26 =	vmul.f32 v32, v26;
	v24 =	vmul.f32 v24, v2  }
0x164: {  	v31 =	vsub.f32 v44, v36;
	v27 =	vmul.f32 v32, v27;
	v25 =	vmul.f32 v25, v3  }
0x165: {  	s14 =	smul.u32 $0x81, s14;
	v28 =	vmul.f32 v32, v28;
	v26 =	vmul.f32 v26, v4;
	v24 =	vadd.f32 v24, v10  }
0x166: {  	v29 =	vmul.f32 v32, v29;
	v27 =	vmul.f32 v27, v5;
	v25 =	vadd.f32 v25, v11  }
0x167: {  	s16 =	ssub.f32 s16, s17;
	s6 =	sand.u32 $0x3FF0, s14;
	v39 =	vmul.f32 v32, v30;
	v38 =	vmul.f32 v28, v6;
	v37 =	vadd.f32 v26, v12;
	[tilespmem:s14+$0x4200] =	vst v24  }
0x168: {  	v42 =	vmul.f32 v32, v31;
	v41 =	vmul.f32 v29, v7;
	v40 =	vadd.f32 v27, v13;
	[tilespmem:s6+$0x4212] =	vst v25  }
0x169: {  	v45 =	vmul.f32 s16, v32;
	v44 =	vmul.f32 v39, v8;
	v43 =	vadd.f32 v38, v14;
	[tilespmem:s6+$0x4222] =	vst v37  }
0x16a: {  	v47 =	vmul.f32 v42, v9;
	v46 =	vadd.f32 v41, v15;
	[tilespmem:s6+$0x4232] =	vst v40  }
0x16b: {  	v49 =	vmul.f32 v45, v19;
	v48 =	vadd.f32 v44, v16;
	[tilespmem:s6+$0x4242] =	vst v43  }
0x16c: {  	v50 =	vadd.f32 v47, v17;
	[tilespmem:s6+$0x4252] =	vst v46  }
0x16d: {  	v51 =	vadd.f32 v49, v21;
	[tilespmem:s6+$0x4262] =	vst v48  }
0x16e: {  	s14 =	sor.u32 $0x3, s0;
	[tilespmem:s6+$0x4272] =	vst v50  }
0x16f: {  	[tilespmem:s6+$0x4282] =	vst v51;
	s17 =	sshll.u32 s14, $0x6  }
0x170: {  	v24 =	vld [tilespmem:s17+$0x200]  }
0x171: {  	v25 =	vld [tilespmem:s5+$0x8290]  }
0x172: {  	v52 =	vld [tilespmem:s17+$0x210]  }
0x173: {  	v53 =	vld [tilespmem:s5+$0x82A0]  }
0x174: {  	v54 =	vld [tilespmem:s17+$0x220]  }
0x175: {  	v55 =	vld [tilespmem:s5+$0x82B0]  }
0x176: {  	v56 =	vld [tilespmem:s17+$0x230]  }
0x177: {  	v57 =	vld [tilespmem:s5+$0x82C0]  }
0x178: {  	v58 =	vld [tilespmem:s17+$0x2200]  }
0x179: {  	v59 =	vld [tilespmem:s5+$0x82D0]  }
0x17a: {  	v60 =	vld [tilespmem:s17+$0x2210]  }
0x17b: {  	v61 =	vld [tilespmem:s5+$0x82E0]  }
0x17c: {  	v62 =	vld [tilespmem:s17+$0x2220]  }
0x17d: {  	v63 =	vld [tilespmem:s5+$0x82F0]  }
0x17e: {  	v42 =	vld [tilespmem:s17+$0x2230]  }
0x17f: {  	(v2sf) =	vpush v22, $0x3;
	v43 =	vld [tilespmem:s5+$0x8300];
	_ =	sdelay $0x1  }
0x180: {  	v24 =	vadd.f32 v25, v24;
	v25 =	vadd.f32 v53, v52  }
0x181: {  	v26 =	vadd.f32 v55, v54;
	v27 =	vadd.f32 v57, v56  }
0x182: {  	v28 =	vadd.f32 v59, v58;
	v29 =	vadd.f32 v61, v60  }
0x183: {  	v44 =	vadd.f32 v63, v62;
	v45 =	vadd.f32 v43, v42  }
0x184: {  	v46 =	vadd.f32 v25, v24;
	v47 =	vmul.f32 v24, v24;
	v48 =	vmul.f32 v25, v25  }
0x185: {  	v49 =	vadd.f32 v27, v26;
	v50 =	vmul.f32 v26, v26;
	v51 =	vmul.f32 v27, v27  }
0x186: {  	v52 =	vadd.f32 v29, v28;
	v53 =	vmul.f32 v28, v28;
	v54 =	vmul.f32 v29, v29  }
0x187: {  	v55 =	vmul.f32 v44, v44;
	v56 =	vmul.f32 v45, v45;
	v57 =	vadd.f32 v45, v44  }
0x188: {  	v33 =	vadd.f32 v48, v47;
	v36 =	vadd.f32 v51, v50  }
0x189: {  	v39 =	vadd.f32 v54, v53;
	v34 =	vadd.f32 v56, v55  }
0x18a: {  	v32 =	vadd.f32 v49, v46;
	v58 =	vadd.f32 v57, v52  }
0x18b: {  	v33 =	vadd.f32 v36, v33;
	v34 =	vadd.f32 v34, v39  }
0x18c: {  	v32 =	vadd.f32 v58, v32  }
0x18d: {  	s18 =	spop (v2sf);
	v33 =	vadd.f32 v34, v33  }
0x18e: {  	v59 =	vld [tilespmem:s5+$0x8310];
	(xrf2) =	vadd.scan.msk.f32 $0xffff, v32  }
0x18f: {  	(xrf2) =	vadd.scan.msk.f32 $0xffff, v33;
	_ =	sdelay $0x6  }
0x190: {  	(v2sf) =	vpush v59, $0x0;
	_ =	sdelay $0x1  }
0x191: {  	v32, _, _ =	vpop (xrf2)  }
0x192: {  	(v2sf) =	vpush v32, $0xF;
	v60, _, _ =	vpop (xrf2)  }
0x193: {  	(v2sf) =	vpush v60, $0xF;
	_ =	sdelay $0xa  }
0x194: {  	s5 =	spop (v2sf)  }
0x195: {  	s5 =	sadd.f32 s5, s18;
	_ =	sdelay $0x1  }
0x196: {  	s17 =	smul.f32 s5, s5;
	s16 =	spop (v2sf)  }
0x197: {  	s6 =	sadd.f32 s16, s5;
	s18 =	spop (v2sf)  }
0x198: {  	s16 =	sadd.f32 s18, s17  }
0x199: {  	s6 =	smul.f32 $7.751937950e-03, s6  }
0x19a: {  	s16 =	smul.f32 $7.751937950e-03, s16  }
0x19b: {  	s18 =	smul.f32 s6, s6;
	_ =	sdelay $0x1  }
0x19c: {  	s16 =	ssub.f32 s16, s18;
	_ =	sdelay $0x1  }
0x19d: {  	s16 =	sadd.f32 $9.999999740e-06, s16;
	_ =	sdelay $0x1  }
0x19e: {  	v61 =	vmov s16  }
0x19f: {  	v62 =	vshrl.u32 v61, $0x1;
	v32 =	vmul.f32 $5.000000000e-01, v61  }
0x1a0: {  	v33 =	vsub.s32 $0x5F3759DF, v62  }
0x1a1: {  	v63 =	vmul.f32 v33, v32;
	_ =	sdelay $0x1  }
0x1a2: {  	v34 =	vmul.f32 v33, v63;
	_ =	sdelay $0x1  }
0x1a3: {  	v34 =	vsub.f32 $1.500000000e+00, v34;
	_ =	sdelay $0x1  }
0x1a4: {  	v33 =	vmul.f32 v33, v34;
	_ =	sdelay $0x1  }
0x1a5: {  	v34 =	vmul.f32 v33, v32;
	_ =	sdelay $0x1  }
0x1a6: {  	v34 =	vmul.f32 v34, v33;
	_ =	sdelay $0x1  }
0x1a7: {  	v34 =	vsub.f32 $1.500000000e+00, v34;
	_ =	sdelay $0x1  }
0x1a8: {  	v33 =	vmul.f32 v34, v33;
	_ =	sdelay $0x1  }
0x1a9: {  	v32 =	vmul.f32 v33, v32;
	_ =	sdelay $0x1  }
0x1aa: {  	v32 =	vmul.f32 v32, v33;
	_ =	sdelay $0x1  }
0x1ab: {  	v32 =	vsub.f32 $1.500000000e+00, v32  }
0x1ac: {  	v36 =	vmov s6  }
0x1ad: {  	(v2sf) =	vpush v23, $0x5;
	v24 =	vsub.f32 v24, v36;
	v32 =	vmul.f32 v32, v33  }
0x1ae: {  	(v2sf) =	vpush v23, $0x4;
	v25 =	vsub.f32 v25, v36  }
0x1af: {  	v26 =	vsub.f32 v26, v36;
	v27 =	vsub.f32 v27, v36;
	v24 =	vmul.f32 v32, v24  }
0x1b0: {  	v28 =	vsub.f32 v28, v36;
	v29 =	vsub.f32 v29, v36;
	v25 =	vmul.f32 v32, v25  }
0x1b1: {  	v30 =	vsub.f32 v44, v36;
	v26 =	vmul.f32 v32, v26;
	v24 =	vmul.f32 v24, v2  }
0x1b2: {  	v31 =	vsub.f32 v45, v36;
	v27 =	vmul.f32 v32, v27;
	v25 =	vmul.f32 v25, v3  }
0x1b3: {  	s14 =	smul.u32 $0x81, s14;
	v28 =	vmul.f32 v32, v28;
	v26 =	vmul.f32 v26, v4;
	v24 =	vadd.f32 v24, v10  }
0x1b4: {  	v29 =	vmul.f32 v32, v29;
	v27 =	vmul.f32 v27, v5;
	v25 =	vadd.f32 v25, v11  }
0x1b5: {  	s5 =	ssub.f32 s5, s6;
	s18 =	sand.u32 $0x3FF0, s14;
	v39 =	vmul.f32 v32, v30;
	v38 =	vmul.f32 v28, v6;
	v37 =	vadd.f32 v26, v12;
	[tilespmem:s14+$0x4200] =	vst v24  }
0x1b6: {  	v42 =	vmul.f32 v32, v31;
	v41 =	vmul.f32 v29, v7;
	v40 =	vadd.f32 v27, v13;
	[tilespmem:s18+$0x4213] =	vst v25  }
0x1b7: {  	v45 =	vmul.f32 s5, v32;
	v44 =	vmul.f32 v39, v8;
	v43 =	vadd.f32 v38, v14;
	[tilespmem:s18+$0x4223] =	vst v37  }
0x1b8: {  	v47 =	vmul.f32 v42, v9;
	v46 =	vadd.f32 v41, v15;
	[tilespmem:s18+$0x4233] =	vst v40  }
0x1b9: {  	v49 =	vmul.f32 v45, v19;
	v48 =	vadd.f32 v44, v16;
	[tilespmem:s18+$0x4243] =	vst v43  }
0x1ba: {  	v50 =	vadd.f32 v47, v17;
	[tilespmem:s18+$0x4253] =	vst v46  }
0x1bb: {  	v51 =	vadd.f32 v49, v21;
	[tilespmem:s18+$0x4263] =	vst v48  }
0x1bc: {  	s14 =	sor.u32 $0x4, s0;
	[tilespmem:s18+$0x4273] =	vst v50  }
0x1bd: {  	s5 =	spop (v2sf);
	[tilespmem:s18+$0x4283] =	vst v51;
	s17 =	sshll.u32 s14, $0x6  }
0x1be: {  	s18 =	spop (v2sf);
	v24 =	vld [tilespmem:s17+$0x200]  }
0x1bf: {  	v25 =	vld [tilespmem:s18+$0x8290]  }
0x1c0: {  	v52 =	vld [tilespmem:s17+$0x210]  }
0x1c1: {  	v53 =	vld [tilespmem:s18+$0x82A0]  }
0x1c2: {  	v54 =	vld [tilespmem:s17+$0x220]  }
0x1c3: {  	v55 =	vld [tilespmem:s18+$0x82B0]  }
0x1c4: {  	v56 =	vld [tilespmem:s17+$0x230]  }
0x1c5: {  	v57 =	vld [tilespmem:s18+$0x82C0]  }
0x1c6: {  	v58 =	vld [tilespmem:s17+$0x2200]  }
0x1c7: {  	v59 =	vld [tilespmem:s18+$0x82D0]  }
0x1c8: {  	v60 =	vld [tilespmem:s17+$0x2210]  }
0x1c9: {  	v61 =	vld [tilespmem:s18+$0x82E0]  }
0x1ca: {  	v62 =	vld [tilespmem:s17+$0x2220]  }
0x1cb: {  	v63 =	vld [tilespmem:s18+$0x82F0]  }
0x1cc: {  	v42 =	vld [tilespmem:s17+$0x2230]  }
0x1cd: {  	v43 =	vld [tilespmem:s18+$0x8300];
	_ =	sdelay $0x1  }
0x1ce: {  	v24 =	vadd.f32 v25, v24;
	v25 =	vadd.f32 v53, v52  }
0x1cf: {  	v26 =	vadd.f32 v55, v54;
	v27 =	vadd.f32 v57, v56  }
0x1d0: {  	v28 =	vadd.f32 v59, v58;
	v29 =	vadd.f32 v61, v60  }
0x1d1: {  	v30 =	vadd.f32 v63, v62;
	v44 =	vadd.f32 v43, v42  }
0x1d2: {  	v45 =	vadd.f32 v25, v24;
	v46 =	vmul.f32 v24, v24;
	v47 =	vmul.f32 v25, v25  }
0x1d3: {  	v48 =	vadd.f32 v27, v26;
	v49 =	vmul.f32 v26, v26;
	v50 =	vmul.f32 v27, v27  }
0x1d4: {  	v51 =	vadd.f32 v29, v28;
	v52 =	vmul.f32 v28, v28;
	v53 =	vmul.f32 v29, v29  }
0x1d5: {  	v54 =	vmul.f32 v30, v30;
	v55 =	vmul.f32 v44, v44;
	v56 =	vadd.f32 v44, v30  }
0x1d6: {  	v33 =	vadd.f32 v47, v46;
	v36 =	vadd.f32 v50, v49  }
0x1d7: {  	v39 =	vadd.f32 v53, v52;
	v34 =	vadd.f32 v55, v54  }
0x1d8: {  	v32 =	vadd.f32 v48, v45;
	v57 =	vadd.f32 v56, v51  }
0x1d9: {  	v33 =	vadd.f32 v36, v33;
	v34 =	vadd.f32 v34, v39  }
0x1da: {  	v32 =	vadd.f32 v57, v32  }
0x1db: {  	v33 =	vadd.f32 v34, v33  }
0x1dc: {  	(xrf2) =	vadd.scan.msk.f32 $0xffff, v32  }
0x1dd: {  	(xrf2) =	vadd.scan.msk.f32 $0xffff, v33;
	_ =	sdelay $0x1  }
0x1de: {  	v58 =	vld [tilespmem:s18+$0x8310];
	_ =	sdelay $0x3  }
0x1df: {  	(v2sf) =	vpush v22, $0x4  }
0x1e0: {  	(v2sf) =	vpush v58, $0x0;
	_ =	sdelay $0x1  }
0x1e1: {  	v59, _, _ =	vpop (xrf2)  }
0x1e2: {  	(v2sf) =	vpush v59, $0xF;
	v60, _, _ =	vpop (xrf2)  }
0x1e3: {  	(v2sf) =	vpush v60, $0xF;
	_ =	sdelay $0x9  }
0x1e4: {  	s16 =	spop (v2sf)  }
0x1e5: {  	s17 =	spop (v2sf)  }
0x1e6: {  	s6 =	sadd.f32 s17, s16;
	_ =	sdelay $0x1  }
0x1e7: {  	s17 =	smul.f32 s6, s6;
	s18 =	spop (v2sf)  }
0x1e8: {  	s16 =	sadd.f32 s18, s6;
	s18 =	spop (v2sf)  }
0x1e9: {  	s17 =	sadd.f32 s18, s17  }
0x1ea: {  	s16 =	smul.f32 $7.751937950e-03, s16  }
0x1eb: {  	s17 =	smul.f32 $7.751937950e-03, s17  }
0x1ec: {  	s18 =	smul.f32 s16, s16;
	_ =	sdelay $0x1  }
0x1ed: {  	s17 =	ssub.f32 s17, s18;
	_ =	sdelay $0x1  }
0x1ee: {  	s17 =	sadd.f32 $9.999999740e-06, s17;
	_ =	sdelay $0x1  }
0x1ef: {  	v61 =	vmov s17  }
0x1f0: {  	v62 =	vshrl.u32 v61, $0x1;
	v32 =	vmul.f32 $5.000000000e-01, v61  }
0x1f1: {  	v33 =	vsub.s32 $0x5F3759DF, v62  }
0x1f2: {  	v63 =	vmul.f32 v33, v32;
	_ =	sdelay $0x1  }
0x1f3: {  	v34 =	vmul.f32 v33, v63;
	_ =	sdelay $0x1  }
0x1f4: {  	v34 =	vsub.f32 $1.500000000e+00, v34;
	_ =	sdelay $0x1  }
0x1f5: {  	v33 =	vmul.f32 v33, v34;
	_ =	sdelay $0x1  }
0x1f6: {  	v34 =	vmul.f32 v33, v32;
	_ =	sdelay $0x1  }
0x1f7: {  	v34 =	vmul.f32 v34, v33;
	_ =	sdelay $0x1  }
0x1f8: {  	v34 =	vsub.f32 $1.500000000e+00, v34;
	_ =	sdelay $0x1  }
0x1f9: {  	v33 =	vmul.f32 v34, v33;
	_ =	sdelay $0x1  }
0x1fa: {  	v32 =	vmul.f32 v33, v32;
	_ =	sdelay $0x1  }
0x1fb: {  	v32 =	vmul.f32 v32, v33;
	_ =	sdelay $0x1  }
0x1fc: {  	v32 =	vsub.f32 $1.500000000e+00, v32  }
0x1fd: {  	v36 =	vmov s16  }
0x1fe: {  	v24 =	vsub.f32 v24, v36;
	v32 =	vmul.f32 v32, v33  }
0x1ff: {  	v25 =	vsub.f32 v25, v36  }
0x200: {  	v26 =	vsub.f32 v26, v36;
	v27 =	vsub.f32 v27, v36;
	v24 =	vmul.f32 v32, v24  }
0x201: {  	v28 =	vsub.f32 v28, v36;
	v29 =	vsub.f32 v29, v36;
	v25 =	vmul.f32 v32, v25  }
0x202: {  	v30 =	vsub.f32 v30, v36;
	v26 =	vmul.f32 v32, v26;
	v24 =	vmul.f32 v24, v2  }
0x203: {  	v31 =	vsub.f32 v44, v36;
	v27 =	vmul.f32 v32, v27;
	v25 =	vmul.f32 v25, v3  }
0x204: {  	s14 =	smul.u32 $0x81, s14;
	v28 =	vmul.f32 v32, v28;
	v26 =	vmul.f32 v26, v4;
	v24 =	vadd.f32 v24, v10  }
0x205: {  	v29 =	vmul.f32 v32, v29;
	v27 =	vmul.f32 v27, v5;
	v25 =	vadd.f32 v25, v11  }
0x206: {  	s6 =	ssub.f32 s6, s16;
	s18 =	sand.u32 $0x3FF0, s14;
	v39 =	vmul.f32 v32, v30;
	v38 =	vmul.f32 v28, v6;
	v37 =	vadd.f32 v26, v12;
	[tilespmem:s14+$0x4200] =	vst v24  }
0x207: {  	v42 =	vmul.f32 v32, v31;
	v41 =	vmul.f32 v29, v7;
	v40 =	vadd.f32 v27, v13;
	[tilespmem:s18+$0x4214] =	vst v25  }
0x208: {  	v45 =	vmul.f32 s6, v32;
	v44 =	vmul.f32 v39, v8;
	v43 =	vadd.f32 v38, v14;
	[tilespmem:s18+$0x4224] =	vst v37  }
0x209: {  	v47 =	vmul.f32 v42, v9;
	v46 =	vadd.f32 v41, v15;
	[tilespmem:s18+$0x4234] =	vst v40  }
0x20a: {  	v49 =	vmul.f32 v45, v19;
	v48 =	vadd.f32 v44, v16;
	[tilespmem:s18+$0x4244] =	vst v43  }
0x20b: {  	v50 =	vadd.f32 v47, v17;
	[tilespmem:s18+$0x4254] =	vst v46  }
0x20c: {  	v51 =	vadd.f32 v49, v21;
	[tilespmem:s18+$0x4264] =	vst v48  }
0x20d: {  	s14 =	sor.u32 $0x5, s0;
	[tilespmem:s18+$0x4274] =	vst v50  }
0x20e: {  	[tilespmem:s18+$0x4284] =	vst v51;
	s16 =	sshll.u32 s14, $0x6  }
0x20f: {  	v24 =	vld [tilespmem:s16+$0x200]  }
0x210: {  	v25 =	vld [tilespmem:s5+$0x8290]  }
0x211: {  	v52 =	vld [tilespmem:s16+$0x210]  }
0x212: {  	v53 =	vld [tilespmem:s5+$0x82A0]  }
0x213: {  	v54 =	vld [tilespmem:s16+$0x220]  }
0x214: {  	v55 =	vld [tilespmem:s5+$0x82B0]  }
0x215: {  	v56 =	vld [tilespmem:s16+$0x230]  }
0x216: {  	v57 =	vld [tilespmem:s5+$0x82C0]  }
0x217: {  	v58 =	vld [tilespmem:s16+$0x2200]  }
0x218: {  	v59 =	vld [tilespmem:s5+$0x82D0]  }
0x219: {  	v60 =	vld [tilespmem:s16+$0x2210]  }
0x21a: {  	v61 =	vld [tilespmem:s5+$0x82E0]  }
0x21b: {  	v62 =	vld [tilespmem:s16+$0x2220]  }
0x21c: {  	v63 =	vld [tilespmem:s5+$0x82F0]  }
0x21d: {  	v42 =	vld [tilespmem:s16+$0x2230]  }
0x21e: {  	v43 =	vld [tilespmem:s5+$0x8300];
	_ =	sdelay $0x1  }
0x21f: {  	v24 =	vadd.f32 v25, v24;
	v25 =	vadd.f32 v53, v52  }
0x220: {  	v26 =	vadd.f32 v55, v54;
	v27 =	vadd.f32 v57, v56  }
0x221: {  	v28 =	vadd.f32 v59, v58;
	v29 =	vadd.f32 v61, v60  }
0x222: {  	v30 =	vadd.f32 v63, v62;
	v44 =	vadd.f32 v43, v42  }
0x223: {  	v45 =	vadd.f32 v25, v24;
	v46 =	vmul.f32 v24, v24;
	v47 =	vmul.f32 v25, v25  }
0x224: {  	v48 =	vadd.f32 v27, v26;
	v49 =	vmul.f32 v26, v26;
	v50 =	vmul.f32 v27, v27  }
0x225: {  	v51 =	vadd.f32 v29, v28;
	v52 =	vmul.f32 v28, v28;
	v53 =	vmul.f32 v29, v29  }
0x226: {  	v54 =	vmul.f32 v30, v30;
	v55 =	vmul.f32 v44, v44;
	v56 =	vadd.f32 v44, v30  }
0x227: {  	v33 =	vadd.f32 v47, v46;
	v36 =	vadd.f32 v50, v49  }
0x228: {  	v39 =	vadd.f32 v53, v52;
	v34 =	vadd.f32 v55, v54  }
0x229: {  	v32 =	vadd.f32 v48, v45;
	v57 =	vadd.f32 v56, v51  }
0x22a: {  	v33 =	vadd.f32 v36, v33;
	v34 =	vadd.f32 v34, v39  }
0x22b: {  	v32 =	vadd.f32 v57, v32  }
0x22c: {  	v33 =	vadd.f32 v34, v33  }
0x22d: {  	(xrf2) =	vadd.scan.msk.f32 $0xffff, v32  }
0x22e: {  	(xrf2) =	vadd.scan.msk.f32 $0xffff, v33;
	_ =	sdelay $0x1  }
0x22f: {  	v58 =	vld [tilespmem:s5+$0x8310];
	_ =	sdelay $0x3  }
0x230: {  	(v2sf) =	vpush v22, $0x5  }
0x231: {  	(v2sf) =	vpush v58, $0x0;
	_ =	sdelay $0x1  }
0x232: {  	v59, _, _ =	vpop (xrf2)  }
0x233: {  	(v2sf) =	vpush v59, $0xF;
	v60, _, _ =	vpop (xrf2)  }
0x234: {  	(v2sf) =	vpush v60, $0xF;
	_ =	sdelay $0x9  }
0x235: {  	s17 =	spop (v2sf)  }
0x236: {  	s18 =	spop (v2sf)  }
0x237: {  	s5 =	sadd.f32 s18, s17;
	_ =	sdelay $0x1  }
0x238: {  	s17 =	smul.f32 s5, s5;
	s16 =	spop (v2sf)  }
0x239: {  	s6 =	sadd.f32 s16, s5;
	s18 =	spop (v2sf)  }
0x23a: {  	s16 =	sadd.f32 s18, s17  }
0x23b: {  	s6 =	smul.f32 $7.751937950e-03, s6  }
0x23c: {  	s16 =	smul.f32 $7.751937950e-03, s16  }
0x23d: {  	s18 =	smul.f32 s6, s6;
	_ =	sdelay $0x1  }
0x23e: {  	s16 =	ssub.f32 s16, s18;
	_ =	sdelay $0x1  }
0x23f: {  	s16 =	sadd.f32 $9.999999740e-06, s16;
	_ =	sdelay $0x1  }
0x240: {  	v61 =	vmov s16  }
0x241: {  	v62 =	vshrl.u32 v61, $0x1;
	v32 =	vmul.f32 $5.000000000e-01, v61  }
0x242: {  	v33 =	vsub.s32 $0x5F3759DF, v62  }
0x243: {  	v63 =	vmul.f32 v33, v32;
	_ =	sdelay $0x1  }
0x244: {  	v34 =	vmul.f32 v33, v63;
	_ =	sdelay $0x1  }
0x245: {  	v34 =	vsub.f32 $1.500000000e+00, v34;
	_ =	sdelay $0x1  }
0x246: {  	v33 =	vmul.f32 v33, v34;
	_ =	sdelay $0x1  }
0x247: {  	v34 =	vmul.f32 v33, v32;
	_ =	sdelay $0x1  }
0x248: {  	v34 =	vmul.f32 v34, v33;
	_ =	sdelay $0x1  }
0x249: {  	v34 =	vsub.f32 $1.500000000e+00, v34;
	_ =	sdelay $0x1  }
0x24a: {  	v33 =	vmul.f32 v34, v33;
	_ =	sdelay $0x1  }
0x24b: {  	v32 =	vmul.f32 v33, v32;
	_ =	sdelay $0x1  }
0x24c: {  	v32 =	vmul.f32 v32, v33;
	_ =	sdelay $0x1  }
0x24d: {  	v32 =	vsub.f32 $1.500000000e+00, v32  }
0x24e: {  	v36 =	vmov s6  }
0x24f: {  	(v2sf) =	vpush v23, $0x7;
	v24 =	vsub.f32 v24, v36;
	v32 =	vmul.f32 v32, v33  }
0x250: {  	(v2sf) =	vpush v23, $0x6;
	v25 =	vsub.f32 v25, v36  }
0x251: {  	v26 =	vsub.f32 v26, v36;
	v27 =	vsub.f32 v27, v36;
	v24 =	vmul.f32 v32, v24  }
0x252: {  	v28 =	vsub.f32 v28, v36;
	v29 =	vsub.f32 v29, v36;
	v25 =	vmul.f32 v32, v25  }
0x253: {  	v30 =	vsub.f32 v30, v36;
	v26 =	vmul.f32 v32, v26;
	v24 =	vmul.f32 v24, v2  }
0x254: {  	v31 =	vsub.f32 v44, v36;
	v27 =	vmul.f32 v32, v27;
	v25 =	vmul.f32 v25, v3  }
0x255: {  	s14 =	smul.u32 $0x81, s14;
	v28 =	vmul.f32 v32, v28;
	v26 =	vmul.f32 v26, v4;
	v24 =	vadd.f32 v24, v10  }
0x256: {  	v29 =	vmul.f32 v32, v29;
	v27 =	vmul.f32 v27, v5;
	v25 =	vadd.f32 v25, v11  }
0x257: {  	s5 =	ssub.f32 s5, s6;
	s18 =	sand.u32 $0x3FF0, s14;
	v39 =	vmul.f32 v32, v30;
	v38 =	vmul.f32 v28, v6;
	v37 =	vadd.f32 v26, v12;
	[tilespmem:s14+$0x4200] =	vst v24  }
0x258: {  	v42 =	vmul.f32 v32, v31;
	v41 =	vmul.f32 v29, v7;
	v40 =	vadd.f32 v27, v13;
	[tilespmem:s18+$0x4215] =	vst v25  }
0x259: {  	v45 =	vmul.f32 s5, v32;
	v44 =	vmul.f32 v39, v8;
	v43 =	vadd.f32 v38, v14;
	[tilespmem:s18+$0x4225] =	vst v37  }
0x25a: {  	v47 =	vmul.f32 v42, v9;
	v46 =	vadd.f32 v41, v15;
	[tilespmem:s18+$0x4235] =	vst v40  }
0x25b: {  	v49 =	vmul.f32 v45, v19;
	v48 =	vadd.f32 v44, v16;
	[tilespmem:s18+$0x4245] =	vst v43  }
0x25c: {  	v50 =	vadd.f32 v47, v17;
	[tilespmem:s18+$0x4255] =	vst v46  }
0x25d: {  	v51 =	vadd.f32 v49, v21;
	[tilespmem:s18+$0x4265] =	vst v48  }
0x25e: {  	s14 =	sor.u32 $0x6, s0;
	[tilespmem:s18+$0x4275] =	vst v50  }
0x25f: {  	s5 =	spop (v2sf);
	[tilespmem:s18+$0x4285] =	vst v51;
	s17 =	sshll.u32 s14, $0x6  }
0x260: {  	s18 =	spop (v2sf);
	v24 =	vld [tilespmem:s17+$0x200]  }
0x261: {  	v25 =	vld [tilespmem:s18+$0x8290]  }
0x262: {  	v52 =	vld [tilespmem:s17+$0x210]  }
0x263: {  	v53 =	vld [tilespmem:s18+$0x82A0]  }
0x264: {  	v54 =	vld [tilespmem:s17+$0x220]  }
0x265: {  	v55 =	vld [tilespmem:s18+$0x82B0]  }
0x266: {  	v56 =	vld [tilespmem:s17+$0x230]  }
0x267: {  	v57 =	vld [tilespmem:s18+$0x82C0]  }
0x268: {  	v58 =	vld [tilespmem:s17+$0x2200]  }
0x269: {  	v59 =	vld [tilespmem:s18+$0x82D0]  }
0x26a: {  	v60 =	vld [tilespmem:s17+$0x2210]  }
0x26b: {  	v61 =	vld [tilespmem:s18+$0x82E0]  }
0x26c: {  	v62 =	vld [tilespmem:s17+$0x2220]  }
0x26d: {  	v63 =	vld [tilespmem:s18+$0x82F0]  }
0x26e: {  	v42 =	vld [tilespmem:s17+$0x2230]  }
0x26f: {  	v43 =	vld [tilespmem:s18+$0x8300];
	_ =	sdelay $0x1  }
0x270: {  	v24 =	vadd.f32 v25, v24;
	v25 =	vadd.f32 v53, v52  }
0x271: {  	v26 =	vadd.f32 v55, v54;
	v27 =	vadd.f32 v57, v56  }
0x272: {  	v28 =	vadd.f32 v59, v58;
	v29 =	vadd.f32 v61, v60  }
0x273: {  	v30 =	vadd.f32 v63, v62;
	v44 =	vadd.f32 v43, v42  }
0x274: {  	v45 =	vadd.f32 v25, v24;
	v46 =	vmul.f32 v24, v24;
	v47 =	vmul.f32 v25, v25  }
0x275: {  	v48 =	vadd.f32 v27, v26;
	v49 =	vmul.f32 v26, v26;
	v50 =	vmul.f32 v27, v27  }
0x276: {  	v51 =	vadd.f32 v29, v28;
	v52 =	vmul.f32 v28, v28;
	v53 =	vmul.f32 v29, v29  }
0x277: {  	v54 =	vmul.f32 v30, v30;
	v55 =	vmul.f32 v44, v44;
	v56 =	vadd.f32 v44, v30  }
0x278: {  	v33 =	vadd.f32 v47, v46;
	v36 =	vadd.f32 v50, v49  }
0x279: {  	v39 =	vadd.f32 v53, v52;
	v34 =	vadd.f32 v55, v54  }
0x27a: {  	v32 =	vadd.f32 v48, v45;
	v57 =	vadd.f32 v56, v51  }
0x27b: {  	v33 =	vadd.f32 v36, v33;
	v34 =	vadd.f32 v34, v39  }
0x27c: {  	v32 =	vadd.f32 v57, v32  }
0x27d: {  	v33 =	vadd.f32 v34, v33  }
0x27e: {  	(xrf2) =	vadd.scan.msk.f32 $0xffff, v32  }
0x27f: {  	(xrf2) =	vadd.scan.msk.f32 $0xffff, v33;
	_ =	sdelay $0x1  }
0x280: {  	v58 =	vld [tilespmem:s18+$0x8310];
	_ =	sdelay $0x3  }
0x281: {  	(v2sf) =	vpush v22, $0x6  }
0x282: {  	(v2sf) =	vpush v58, $0x0;
	_ =	sdelay $0x1  }
0x283: {  	v59, _, _ =	vpop (xrf2)  }
0x284: {  	(v2sf) =	vpush v59, $0xF;
	v60, _, _ =	vpop (xrf2)  }
0x285: {  	(v2sf) =	vpush v60, $0xF;
	_ =	sdelay $0x9  }
0x286: {  	s16 =	spop (v2sf)  }
0x287: {  	s17 =	spop (v2sf)  }
0x288: {  	s6 =	sadd.f32 s17, s16;
	_ =	sdelay $0x1  }
0x289: {  	s17 =	smul.f32 s6, s6;
	s18 =	spop (v2sf)  }
0x28a: {  	s16 =	sadd.f32 s18, s6;
	s18 =	spop (v2sf)  }
0x28b: {  	s17 =	sadd.f32 s18, s17  }
0x28c: {  	s16 =	smul.f32 $7.751937950e-03, s16  }
0x28d: {  	s17 =	smul.f32 $7.751937950e-03, s17  }
0x28e: {  	s18 =	smul.f32 s16, s16;
	_ =	sdelay $0x1  }
0x28f: {  	s17 =	ssub.f32 s17, s18;
	_ =	sdelay $0x1  }
0x290: {  	s17 =	sadd.f32 $9.999999740e-06, s17;
	_ =	sdelay $0x1  }
0x291: {  	v61 =	vmov s17  }
0x292: {  	v62 =	vshrl.u32 v61, $0x1;
	v32 =	vmul.f32 $5.000000000e-01, v61  }
0x293: {  	v33 =	vsub.s32 $0x5F3759DF, v62  }
0x294: {  	v63 =	vmul.f32 v33, v32;
	_ =	sdelay $0x1  }
0x295: {  	v34 =	vmul.f32 v33, v63;
	_ =	sdelay $0x1  }
0x296: {  	v34 =	vsub.f32 $1.500000000e+00, v34;
	_ =	sdelay $0x1  }
0x297: {  	v33 =	vmul.f32 v33, v34;
	_ =	sdelay $0x1  }
0x298: {  	v34 =	vmul.f32 v33, v32;
	_ =	sdelay $0x1  }
0x299: {  	v34 =	vmul.f32 v34, v33;
	_ =	sdelay $0x1  }
0x29a: {  	v34 =	vsub.f32 $1.500000000e+00, v34;
	_ =	sdelay $0x1  }
0x29b: {  	v33 =	vmul.f32 v34, v33;
	_ =	sdelay $0x1  }
0x29c: {  	v32 =	vmul.f32 v33, v32;
	_ =	sdelay $0x1  }
0x29d: {  	v32 =	vmul.f32 v32, v33;
	_ =	sdelay $0x1  }
0x29e: {  	v32 =	vsub.f32 $1.500000000e+00, v32  }
0x29f: {  	v36 =	vmov s16  }
0x2a0: {  	v24 =	vsub.f32 v24, v36;
	v32 =	vmul.f32 v32, v33  }
0x2a1: {  	v25 =	vsub.f32 v25, v36  }
0x2a2: {  	v26 =	vsub.f32 v26, v36;
	v27 =	vsub.f32 v27, v36;
	v24 =	vmul.f32 v32, v24  }
0x2a3: {  	v28 =	vsub.f32 v28, v36;
	v29 =	vsub.f32 v29, v36;
	v25 =	vmul.f32 v32, v25  }
0x2a4: {  	v30 =	vsub.f32 v30, v36;
	v26 =	vmul.f32 v32, v26;
	v24 =	vmul.f32 v24, v2  }
0x2a5: {  	v31 =	vsub.f32 v44, v36;
	v27 =	vmul.f32 v32, v27;
	v25 =	vmul.f32 v25, v3  }
0x2a6: {  	s14 =	smul.u32 $0x81, s14;
	v28 =	vmul.f32 v32, v28;
	v26 =	vmul.f32 v26, v4;
	v24 =	vadd.f32 v24, v10  }
0x2a7: {  	v29 =	vmul.f32 v32, v29;
	v27 =	vmul.f32 v27, v5;
	v25 =	vadd.f32 v25, v11  }
0x2a8: {  	s6 =	ssub.f32 s6, s16;
	s18 =	sand.u32 $0x3FF0, s14;
	v39 =	vmul.f32 v32, v30;
	v38 =	vmul.f32 v28, v6;
	v37 =	vadd.f32 v26, v12;
	[tilespmem:s14+$0x4200] =	vst v24  }
0x2a9: {  	v42 =	vmul.f32 v32, v31;
	v41 =	vmul.f32 v29, v7;
	v40 =	vadd.f32 v27, v13;
	[tilespmem:s18+$0x4216] =	vst v25  }
0x2aa: {  	v45 =	vmul.f32 s6, v32;
	v44 =	vmul.f32 v39, v8;
	v43 =	vadd.f32 v38, v14;
	[tilespmem:s18+$0x4226] =	vst v37  }
0x2ab: {  	v47 =	vmul.f32 v42, v9;
	v46 =	vadd.f32 v41, v15;
	[tilespmem:s18+$0x4236] =	vst v40  }
0x2ac: {  	v49 =	vmul.f32 v45, v19;
	v48 =	vadd.f32 v44, v16;
	[tilespmem:s18+$0x4246] =	vst v43  }
0x2ad: {  	v50 =	vadd.f32 v47, v17;
	[tilespmem:s18+$0x4256] =	vst v46  }
0x2ae: {  	v51 =	vadd.f32 v49, v21;
	[tilespmem:s18+$0x4266] =	vst v48  }
0x2af: {  	s14 =	sor.u32 $0x7, s0;
	[tilespmem:s18+$0x4276] =	vst v50  }
0x2b0: {  	[tilespmem:s18+$0x4286] =	vst v51;
	s16 =	sshll.u32 s14, $0x6  }
0x2b1: {  	v24 =	vld [tilespmem:s16+$0x200]  }
0x2b2: {  	v25 =	vld [tilespmem:s5+$0x8290]  }
0x2b3: {  	v52 =	vld [tilespmem:s16+$0x210]  }
0x2b4: {  	v53 =	vld [tilespmem:s5+$0x82A0]  }
0x2b5: {  	v54 =	vld [tilespmem:s16+$0x220]  }
0x2b6: {  	v55 =	vld [tilespmem:s5+$0x82B0]  }
0x2b7: {  	v56 =	vld [tilespmem:s16+$0x230]  }
0x2b8: {  	v57 =	vld [tilespmem:s5+$0x82C0]  }
0x2b9: {  	v58 =	vld [tilespmem:s16+$0x2200]  }
0x2ba: {  	v59 =	vld [tilespmem:s5+$0x82D0]  }
0x2bb: {  	v60 =	vld [tilespmem:s16+$0x2210]  }
0x2bc: {  	v61 =	vld [tilespmem:s5+$0x82E0]  }
0x2bd: {  	v62 =	vld [tilespmem:s16+$0x2220]  }
0x2be: {  	v63 =	vld [tilespmem:s5+$0x82F0]  }
0x2bf: {  	v42 =	vld [tilespmem:s16+$0x2230]  }
0x2c0: {  	v43 =	vld [tilespmem:s5+$0x8300];
	_ =	sdelay $0x1  }
0x2c1: {  	v24 =	vadd.f32 v25, v24;
	v25 =	vadd.f32 v53, v52  }
0x2c2: {  	v26 =	vadd.f32 v55, v54;
	v27 =	vadd.f32 v57, v56  }
0x2c3: {  	v28 =	vadd.f32 v59, v58;
	v29 =	vadd.f32 v61, v60  }
0x2c4: {  	v30 =	vadd.f32 v63, v62;
	v44 =	vadd.f32 v43, v42  }
0x2c5: {  	v45 =	vadd.f32 v25, v24;
	v46 =	vmul.f32 v24, v24;
	v47 =	vmul.f32 v25, v25  }
0x2c6: {  	v48 =	vadd.f32 v27, v26;
	v49 =	vmul.f32 v26, v26;
	v50 =	vmul.f32 v27, v27  }
0x2c7: {  	v51 =	vadd.f32 v29, v28;
	v52 =	vmul.f32 v28, v28;
	v53 =	vmul.f32 v29, v29  }
0x2c8: {  	v54 =	vmul.f32 v30, v30;
	v55 =	vmul.f32 v44, v44;
	v56 =	vadd.f32 v44, v30  }
0x2c9: {  	v33 =	vadd.f32 v47, v46;
	v36 =	vadd.f32 v50, v49  }
0x2ca: {  	v39 =	vadd.f32 v53, v52;
	v34 =	vadd.f32 v55, v54  }
0x2cb: {  	v32 =	vadd.f32 v48, v45;
	v57 =	vadd.f32 v56, v51  }
0x2cc: {  	v33 =	vadd.f32 v36, v33;
	v34 =	vadd.f32 v34, v39  }
0x2cd: {  	v32 =	vadd.f32 v57, v32  }
0x2ce: {  	v33 =	vadd.f32 v34, v33  }
0x2cf: {  	(xrf2) =	vadd.scan.msk.f32 $0xffff, v32  }
0x2d0: {  	(xrf2) =	vadd.scan.msk.f32 $0xffff, v33;
	_ =	sdelay $0x1  }
0x2d1: {  	v58 =	vld [tilespmem:s5+$0x8310];
	_ =	sdelay $0x3  }
0x2d2: {  	(v2sf) =	vpush v22, $0x7  }
0x2d3: {  	(v2sf) =	vpush v58, $0x0;
	_ =	sdelay $0x1  }
0x2d4: {  	v59, _, _ =	vpop (xrf2)  }
0x2d5: {  	(v2sf) =	vpush v59, $0xF;
	v60, _, _ =	vpop (xrf2)  }
0x2d6: {  	(v2sf) =	vpush v60, $0xF;
	_ =	sdelay $0x9  }
0x2d7: {  	s17 =	spop (v2sf)  }
0x2d8: {  	s18 =	spop (v2sf)  }
0x2d9: {  	s5 =	sadd.f32 s18, s17;
	_ =	sdelay $0x1  }
0x2da: {  	s17 =	smul.f32 s5, s5;
	s16 =	spop (v2sf)  }
0x2db: {  	s6 =	sadd.f32 s16, s5;
	s18 =	spop (v2sf)  }
0x2dc: {  	s16 =	sadd.f32 s18, s17  }
0x2dd: {  	s6 =	smul.f32 $7.751937950e-03, s6  }
0x2de: {  	s16 =	smul.f32 $7.751937950e-03, s16  }
0x2df: {  	s18 =	smul.f32 s6, s6;
	_ =	sdelay $0x1  }
0x2e0: {  	s16 =	ssub.f32 s16, s18;
	_ =	sdelay $0x1  }
0x2e1: {  	s16 =	sadd.f32 $9.999999740e-06, s16;
	_ =	sdelay $0x1  }
0x2e2: {  	v61 =	vmov s16  }
0x2e3: {  	v62 =	vshrl.u32 v61, $0x1;
	v32 =	vmul.f32 $5.000000000e-01, v61  }
0x2e4: {  	v33 =	vsub.s32 $0x5F3759DF, v62  }
0x2e5: {  	v63 =	vmul.f32 v33, v32;
	_ =	sdelay $0x1  }
0x2e6: {  	v34 =	vmul.f32 v33, v63;
	_ =	sdelay $0x1  }
0x2e7: {  	v34 =	vsub.f32 $1.500000000e+00, v34;
	_ =	sdelay $0x1  }
0x2e8: {  	v33 =	vmul.f32 v33, v34;
	_ =	sdelay $0x1  }
0x2e9: {  	v34 =	vmul.f32 v33, v32;
	_ =	sdelay $0x1  }
0x2ea: {  	v34 =	vmul.f32 v34, v33;
	_ =	sdelay $0x1  }
0x2eb: {  	v34 =	vsub.f32 $1.500000000e+00, v34;
	_ =	sdelay $0x1  }
0x2ec: {  	v33 =	vmul.f32 v34, v33;
	_ =	sdelay $0x1  }
0x2ed: {  	v32 =	vmul.f32 v33, v32;
	_ =	sdelay $0x1  }
0x2ee: {  	v32 =	vmul.f32 v32, v33;
	_ =	sdelay $0x1  }
0x2ef: {  	v32 =	vsub.f32 $1.500000000e+00, v32  }
0x2f0: {  	v36 =	vmov s6  }
0x2f1: {  	(v2sf) =	vpush v23, $0x9;
	v24 =	vsub.f32 v24, v36;
	v32 =	vmul.f32 v32, v33  }
0x2f2: {  	(v2sf) =	vpush v23, $0x8;
	v25 =	vsub.f32 v25, v36  }
0x2f3: {  	v26 =	vsub.f32 v26, v36;
	v27 =	vsub.f32 v27, v36;
	v24 =	vmul.f32 v32, v24  }
0x2f4: {  	v28 =	vsub.f32 v28, v36;
	v29 =	vsub.f32 v29, v36;
	v25 =	vmul.f32 v32, v25  }
0x2f5: {  	v30 =	vsub.f32 v30, v36;
	v26 =	vmul.f32 v32, v26;
	v24 =	vmul.f32 v24, v2  }
0x2f6: {  	v31 =	vsub.f32 v44, v36;
	v27 =	vmul.f32 v32, v27;
	v25 =	vmul.f32 v25, v3  }
0x2f7: {  	s14 =	smul.u32 $0x81, s14;
	v28 =	vmul.f32 v32, v28;
	v26 =	vmul.f32 v26, v4;
	v24 =	vadd.f32 v24, v10  }
0x2f8: {  	v29 =	vmul.f32 v32, v29;
	v27 =	vmul.f32 v27, v5;
	v25 =	vadd.f32 v25, v11  }
0x2f9: {  	s5 =	ssub.f32 s5, s6;
	s18 =	sand.u32 $0x3FF0, s14;
	v39 =	vmul.f32 v32, v30;
	v38 =	vmul.f32 v28, v6;
	v37 =	vadd.f32 v26, v12;
	[tilespmem:s14+$0x4200] =	vst v24  }
0x2fa: {  	v42 =	vmul.f32 v32, v31;
	v41 =	vmul.f32 v29, v7;
	v40 =	vadd.f32 v27, v13;
	[tilespmem:s18+$0x4217] =	vst v25  }
0x2fb: {  	v45 =	vmul.f32 s5, v32;
	v44 =	vmul.f32 v39, v8;
	v43 =	vadd.f32 v38, v14;
	[tilespmem:s18+$0x4227] =	vst v37  }
0x2fc: {  	v47 =	vmul.f32 v42, v9;
	v46 =	vadd.f32 v41, v15;
	[tilespmem:s18+$0x4237] =	vst v40  }
0x2fd: {  	v49 =	vmul.f32 v45, v19;
	v48 =	vadd.f32 v44, v16;
	[tilespmem:s18+$0x4247] =	vst v43  }
0x2fe: {  	v50 =	vadd.f32 v47, v17;
	[tilespmem:s18+$0x4257] =	vst v46  }
0x2ff: {  	v51 =	vadd.f32 v49, v21;
	[tilespmem:s18+$0x4267] =	vst v48  }
0x300: {  	s14 =	sor.u32 $0x8, s0;
	[tilespmem:s18+$0x4277] =	vst v50  }
0x301: {  	s5 =	spop (v2sf);
	[tilespmem:s18+$0x4287] =	vst v51;
	s17 =	sshll.u32 s14, $0x6  }
0x302: {  	s18 =	spop (v2sf);
	v24 =	vld [tilespmem:s17+$0x200]  }
0x303: {  	v25 =	vld [tilespmem:s18+$0x8290]  }
0x304: {  	v52 =	vld [tilespmem:s17+$0x210]  }
0x305: {  	v53 =	vld [tilespmem:s18+$0x82A0]  }
0x306: {  	v54 =	vld [tilespmem:s17+$0x220]  }
0x307: {  	v55 =	vld [tilespmem:s18+$0x82B0]  }
0x308: {  	v56 =	vld [tilespmem:s17+$0x230]  }
0x309: {  	v57 =	vld [tilespmem:s18+$0x82C0]  }
0x30a: {  	v58 =	vld [tilespmem:s17+$0x2200]  }
0x30b: {  	v59 =	vld [tilespmem:s18+$0x82D0]  }
0x30c: {  	v60 =	vld [tilespmem:s17+$0x2210]  }
0x30d: {  	v61 =	vld [tilespmem:s18+$0x82E0]  }
0x30e: {  	v62 =	vld [tilespmem:s17+$0x2220]  }
0x30f: {  	v63 =	vld [tilespmem:s18+$0x82F0]  }
0x310: {  	v42 =	vld [tilespmem:s17+$0x2230]  }
0x311: {  	v43 =	vld [tilespmem:s18+$0x8300];
	_ =	sdelay $0x1  }
0x312: {  	v24 =	vadd.f32 v25, v24;
	v25 =	vadd.f32 v53, v52  }
0x313: {  	v26 =	vadd.f32 v55, v54;
	v27 =	vadd.f32 v57, v56  }
0x314: {  	v28 =	vadd.f32 v59, v58;
	v29 =	vadd.f32 v61, v60  }
0x315: {  	v30 =	vadd.f32 v63, v62;
	v44 =	vadd.f32 v43, v42  }
0x316: {  	v45 =	vadd.f32 v25, v24;
	v46 =	vmul.f32 v24, v24;
	v47 =	vmul.f32 v25, v25  }
0x317: {  	v48 =	vadd.f32 v27, v26;
	v49 =	vmul.f32 v26, v26;
	v50 =	vmul.f32 v27, v27  }
0x318: {  	v51 =	vadd.f32 v29, v28;
	v52 =	vmul.f32 v28, v28;
	v53 =	vmul.f32 v29, v29  }
0x319: {  	v54 =	vmul.f32 v30, v30;
	v55 =	vmul.f32 v44, v44;
	v56 =	vadd.f32 v44, v30  }
0x31a: {  	v33 =	vadd.f32 v47, v46;
	v36 =	vadd.f32 v50, v49  }
0x31b: {  	v39 =	vadd.f32 v53, v52;
	v34 =	vadd.f32 v55, v54  }
0x31c: {  	v32 =	vadd.f32 v48, v45;
	v57 =	vadd.f32 v56, v51  }
0x31d: {  	v33 =	vadd.f32 v36, v33;
	v34 =	vadd.f32 v34, v39  }
0x31e: {  	v32 =	vadd.f32 v57, v32  }
0x31f: {  	v33 =	vadd.f32 v34, v33  }
0x320: {  	(xrf2) =	vadd.scan.msk.f32 $0xffff, v32  }
0x321: {  	(xrf2) =	vadd.scan.msk.f32 $0xffff, v33;
	_ =	sdelay $0x1  }
0x322: {  	v58 =	vld [tilespmem:s18+$0x8310];
	_ =	sdelay $0x3  }
0x323: {  	(v2sf) =	vpush v22, $0x8  }
0x324: {  	(v2sf) =	vpush v58, $0x0;
	_ =	sdelay $0x1  }
0x325: {  	v59, _, _ =	vpop (xrf2)  }
0x326: {  	(v2sf) =	vpush v59, $0xF;
	v60, _, _ =	vpop (xrf2)  }
0x327: {  	(v2sf) =	vpush v60, $0xF;
	_ =	sdelay $0x9  }
0x328: {  	s16 =	spop (v2sf)  }
0x329: {  	s17 =	spop (v2sf)  }
0x32a: {  	s6 =	sadd.f32 s17, s16;
	_ =	sdelay $0x1  }
0x32b: {  	s17 =	smul.f32 s6, s6;
	s18 =	spop (v2sf)  }
0x32c: {  	s16 =	sadd.f32 s18, s6;
	s18 =	spop (v2sf)  }
0x32d: {  	s17 =	sadd.f32 s18, s17  }
0x32e: {  	s16 =	smul.f32 $7.751937950e-03, s16  }
0x32f: {  	s17 =	smul.f32 $7.751937950e-03, s17  }
0x330: {  	s18 =	smul.f32 s16, s16;
	_ =	sdelay $0x1  }
0x331: {  	s17 =	ssub.f32 s17, s18;
	_ =	sdelay $0x1  }
0x332: {  	s17 =	sadd.f32 $9.999999740e-06, s17;
	_ =	sdelay $0x1  }
0x333: {  	v61 =	vmov s17  }
0x334: {  	v62 =	vshrl.u32 v61, $0x1;
	v32 =	vmul.f32 $5.000000000e-01, v61  }
0x335: {  	v33 =	vsub.s32 $0x5F3759DF, v62  }
0x336: {  	v63 =	vmul.f32 v33, v32;
	_ =	sdelay $0x1  }
0x337: {  	v34 =	vmul.f32 v33, v63;
	_ =	sdelay $0x1  }
0x338: {  	v34 =	vsub.f32 $1.500000000e+00, v34;
	_ =	sdelay $0x1  }
0x339: {  	v33 =	vmul.f32 v33, v34;
	_ =	sdelay $0x1  }
0x33a: {  	v34 =	vmul.f32 v33, v32;
	_ =	sdelay $0x1  }
0x33b: {  	v34 =	vmul.f32 v34, v33;
	_ =	sdelay $0x1  }
0x33c: {  	v34 =	vsub.f32 $1.500000000e+00, v34;
	_ =	sdelay $0x1  }
0x33d: {  	v33 =	vmul.f32 v34, v33;
	_ =	sdelay $0x1  }
0x33e: {  	v32 =	vmul.f32 v33, v32;
	_ =	sdelay $0x1  }
0x33f: {  	v32 =	vmul.f32 v32, v33;
	_ =	sdelay $0x1  }
0x340: {  	v32 =	vsub.f32 $1.500000000e+00, v32  }
0x341: {  	v36 =	vmov s16  }
0x342: {  	v24 =	vsub.f32 v24, v36;
	v32 =	vmul.f32 v32, v33  }
0x343: {  	v25 =	vsub.f32 v25, v36  }
0x344: {  	v26 =	vsub.f32 v26, v36;
	v27 =	vsub.f32 v27, v36;
	v24 =	vmul.f32 v32, v24  }
0x345: {  	v28 =	vsub.f32 v28, v36;
	v29 =	vsub.f32 v29, v36;
	v25 =	vmul.f32 v32, v25  }
0x346: {  	v30 =	vsub.f32 v30, v36;
	v26 =	vmul.f32 v32, v26;
	v24 =	vmul.f32 v24, v2  }
0x347: {  	s14 =	smul.u32 $0x204, s14;
	v31 =	vsub.f32 v44, v36;
	v27 =	vmul.f32 v32, v27;
	v25 =	vmul.f32 v25, v3  }
0x348: {  	v28 =	vmul.f32 v32, v28;
	v26 =	vmul.f32 v26, v4;
	v24 =	vadd.f32 v24, v10  }
0x349: {  	s18 =	sshra.s32 s14, $0x2;
	v29 =	vmul.f32 v32, v29;
	v27 =	vmul.f32 v27, v5;
	v25 =	vadd.f32 v25, v11  }
0x34a: {  	s6 =	ssub.f32 s6, s16;
	v39 =	vmul.f32 v32, v30;
	v38 =	vmul.f32 v28, v6;
	v37 =	vadd.f32 v26, v12;
	[tilespmem:s18+$0x4200] =	vst v24  }
0x34b: {  	v42 =	vmul.f32 v32, v31;
	v41 =	vmul.f32 v29, v7;
	v40 =	vadd.f32 v27, v13;
	[tilespmem:s18+$0x4210] =	vst v25  }
0x34c: {  	v45 =	vmul.f32 s6, v32;
	v44 =	vmul.f32 v39, v8;
	v43 =	vadd.f32 v38, v14;
	[tilespmem:s18+$0x4220] =	vst v37  }
0x34d: {  	v47 =	vmul.f32 v42, v9;
	v46 =	vadd.f32 v41, v15;
	[tilespmem:s18+$0x4230] =	vst v40  }
0x34e: {  	v49 =	vmul.f32 v45, v19;
	v48 =	vadd.f32 v44, v16;
	[tilespmem:s18+$0x4240] =	vst v43  }
0x34f: {  	v50 =	vadd.f32 v47, v17;
	[tilespmem:s18+$0x4250] =	vst v46  }
0x350: {  	v51 =	vadd.f32 v49, v21;
	[tilespmem:s18+$0x4260] =	vst v48  }
0x351: {  	s14 =	sor.u32 $0x9, s0;
	[tilespmem:s18+$0x4270] =	vst v50  }
0x352: {  	s16 =	sshll.u32 s14, $0x6;
	[tilespmem:s18+$0x4280] =	vst v51  }
0x353: {  	v24 =	vld [tilespmem:s16+$0x200]  }
0x354: {  	v25 =	vld [tilespmem:s5+$0x8290]  }
0x355: {  	v52 =	vld [tilespmem:s16+$0x210]  }
0x356: {  	v53 =	vld [tilespmem:s5+$0x82A0]  }
0x357: {  	v54 =	vld [tilespmem:s16+$0x220]  }
0x358: {  	v55 =	vld [tilespmem:s5+$0x82B0]  }
0x359: {  	v56 =	vld [tilespmem:s16+$0x230]  }
0x35a: {  	v57 =	vld [tilespmem:s5+$0x82C0]  }
0x35b: {  	v58 =	vld [tilespmem:s16+$0x2200]  }
0x35c: {  	v59 =	vld [tilespmem:s5+$0x82D0]  }
0x35d: {  	v60 =	vld [tilespmem:s16+$0x2210]  }
0x35e: {  	v61 =	vld [tilespmem:s5+$0x82E0]  }
0x35f: {  	v62 =	vld [tilespmem:s16+$0x2220]  }
0x360: {  	v63 =	vld [tilespmem:s5+$0x82F0]  }
0x361: {  	v42 =	vld [tilespmem:s16+$0x2230]  }
0x362: {  	v43 =	vld [tilespmem:s5+$0x8300];
	_ =	sdelay $0x1  }
0x363: {  	v24 =	vadd.f32 v25, v24;
	v25 =	vadd.f32 v53, v52  }
0x364: {  	v26 =	vadd.f32 v55, v54;
	v27 =	vadd.f32 v57, v56  }
0x365: {  	v28 =	vadd.f32 v59, v58;
	v29 =	vadd.f32 v61, v60  }
0x366: {  	v30 =	vadd.f32 v63, v62;
	v44 =	vadd.f32 v43, v42  }
0x367: {  	v45 =	vadd.f32 v25, v24;
	v46 =	vmul.f32 v24, v24;
	v47 =	vmul.f32 v25, v25  }
0x368: {  	v48 =	vadd.f32 v27, v26;
	v49 =	vmul.f32 v26, v26;
	v50 =	vmul.f32 v27, v27  }
0x369: {  	v51 =	vadd.f32 v29, v28;
	v52 =	vmul.f32 v28, v28;
	v53 =	vmul.f32 v29, v29  }
0x36a: {  	v54 =	vmul.f32 v30, v30;
	v55 =	vmul.f32 v44, v44;
	v56 =	vadd.f32 v44, v30  }
0x36b: {  	v33 =	vadd.f32 v47, v46;
	v36 =	vadd.f32 v50, v49  }
0x36c: {  	v39 =	vadd.f32 v53, v52;
	v34 =	vadd.f32 v55, v54  }
0x36d: {  	v32 =	vadd.f32 v48, v45;
	v57 =	vadd.f32 v56, v51  }
0x36e: {  	v33 =	vadd.f32 v36, v33;
	v34 =	vadd.f32 v34, v39  }
0x36f: {  	v32 =	vadd.f32 v57, v32  }
0x370: {  	v33 =	vadd.f32 v34, v33  }
0x371: {  	(xrf2) =	vadd.scan.msk.f32 $0xffff, v32  }
0x372: {  	(xrf2) =	vadd.scan.msk.f32 $0xffff, v33;
	_ =	sdelay $0x1  }
0x373: {  	v58 =	vld [tilespmem:s5+$0x8310];
	_ =	sdelay $0x3  }
0x374: {  	(v2sf) =	vpush v22, $0x9  }
0x375: {  	(v2sf) =	vpush v58, $0x0;
	_ =	sdelay $0x1  }
0x376: {  	v59, _, _ =	vpop (xrf2)  }
0x377: {  	(v2sf) =	vpush v59, $0xF;
	v60, _, _ =	vpop (xrf2)  }
0x378: {  	(v2sf) =	vpush v60, $0xF;
	_ =	sdelay $0x9  }
0x379: {  	s17 =	spop (v2sf)  }
0x37a: {  	s18 =	spop (v2sf)  }
0x37b: {  	s5 =	sadd.f32 s18, s17;
	_ =	sdelay $0x1  }
0x37c: {  	s17 =	smul.f32 s5, s5;
	s16 =	spop (v2sf)  }
0x37d: {  	s6 =	sadd.f32 s16, s5;
	s18 =	spop (v2sf)  }
0x37e: {  	s16 =	sadd.f32 s18, s17  }
0x37f: {  	s6 =	smul.f32 $7.751937950e-03, s6  }
0x380: {  	s16 =	smul.f32 $7.751937950e-03, s16  }
0x381: {  	s18 =	smul.f32 s6, s6;
	_ =	sdelay $0x1  }
0x382: {  	s16 =	ssub.f32 s16, s18;
	_ =	sdelay $0x1  }
0x383: {  	s16 =	sadd.f32 $9.999999740e-06, s16;
	_ =	sdelay $0x1  }
0x384: {  	v61 =	vmov s16  }
0x385: {  	v62 =	vshrl.u32 v61, $0x1;
	v32 =	vmul.f32 $5.000000000e-01, v61  }
0x386: {  	v33 =	vsub.s32 $0x5F3759DF, v62  }
0x387: {  	v63 =	vmul.f32 v33, v32;
	_ =	sdelay $0x1  }
0x388: {  	v34 =	vmul.f32 v33, v63;
	_ =	sdelay $0x1  }
0x389: {  	v34 =	vsub.f32 $1.500000000e+00, v34;
	_ =	sdelay $0x1  }
0x38a: {  	v33 =	vmul.f32 v33, v34;
	_ =	sdelay $0x1  }
0x38b: {  	v34 =	vmul.f32 v33, v32;
	_ =	sdelay $0x1  }
0x38c: {  	v34 =	vmul.f32 v34, v33;
	_ =	sdelay $0x1  }
0x38d: {  	v34 =	vsub.f32 $1.500000000e+00, v34;
	_ =	sdelay $0x1  }
0x38e: {  	v33 =	vmul.f32 v34, v33;
	_ =	sdelay $0x1  }
0x38f: {  	v32 =	vmul.f32 v33, v32;
	_ =	sdelay $0x1  }
0x390: {  	v32 =	vmul.f32 v32, v33;
	_ =	sdelay $0x1  }
0x391: {  	v32 =	vsub.f32 $1.500000000e+00, v32  }
0x392: {  	v36 =	vmov s6  }
0x393: {  	(v2sf) =	vpush v23, $0xB;
	v24 =	vsub.f32 v24, v36;
	v32 =	vmul.f32 v32, v33  }
0x394: {  	(v2sf) =	vpush v23, $0xA;
	v25 =	vsub.f32 v25, v36  }
0x395: {  	v26 =	vsub.f32 v26, v36;
	v27 =	vsub.f32 v27, v36;
	v24 =	vmul.f32 v32, v24  }
0x396: {  	v28 =	vsub.f32 v28, v36;
	v29 =	vsub.f32 v29, v36;
	v25 =	vmul.f32 v32, v25  }
0x397: {  	v30 =	vsub.f32 v30, v36;
	v26 =	vmul.f32 v32, v26;
	v24 =	vmul.f32 v24, v2  }
0x398: {  	v31 =	vsub.f32 v44, v36;
	v27 =	vmul.f32 v32, v27;
	v25 =	vmul.f32 v25, v3  }
0x399: {  	s14 =	smul.u32 $0x81, s14;
	v28 =	vmul.f32 v32, v28;
	v26 =	vmul.f32 v26, v4;
	v24 =	vadd.f32 v24, v10  }
0x39a: {  	v29 =	vmul.f32 v32, v29;
	v27 =	vmul.f32 v27, v5;
	v25 =	vadd.f32 v25, v11  }
0x39b: {  	s5 =	ssub.f32 s5, s6;
	s18 =	sand.u32 $0x3FF8, s14;
	v39 =	vmul.f32 v32, v30;
	v38 =	vmul.f32 v28, v6;
	v37 =	vadd.f32 v26, v12;
	[tilespmem:s14+$0x4200] =	vst v24  }
0x39c: {  	v42 =	vmul.f32 v32, v31;
	v41 =	vmul.f32 v29, v7;
	v40 =	vadd.f32 v27, v13;
	[tilespmem:s18+$0x4211] =	vst v25  }
0x39d: {  	v45 =	vmul.f32 s5, v32;
	v44 =	vmul.f32 v39, v8;
	v43 =	vadd.f32 v38, v14;
	[tilespmem:s18+$0x4221] =	vst v37  }
0x39e: {  	v47 =	vmul.f32 v42, v9;
	v46 =	vadd.f32 v41, v15;
	[tilespmem:s18+$0x4231] =	vst v40  }
0x39f: {  	v49 =	vmul.f32 v45, v19;
	v48 =	vadd.f32 v44, v16;
	[tilespmem:s18+$0x4241] =	vst v43  }
0x3a0: {  	v50 =	vadd.f32 v47, v17;
	[tilespmem:s18+$0x4251] =	vst v46  }
0x3a1: {  	v51 =	vadd.f32 v49, v21;
	[tilespmem:s18+$0x4261] =	vst v48  }
0x3a2: {  	s14 =	sor.u32 $0xA, s0;
	[tilespmem:s18+$0x4271] =	vst v50  }
0x3a3: {  	s5 =	spop (v2sf);
	[tilespmem:s18+$0x4281] =	vst v51;
	s17 =	sshll.u32 s14, $0x6  }
0x3a4: {  	s18 =	spop (v2sf);
	v24 =	vld [tilespmem:s17+$0x200]  }
0x3a5: {  	v25 =	vld [tilespmem:s18+$0x8290]  }
0x3a6: {  	v52 =	vld [tilespmem:s17+$0x210]  }
0x3a7: {  	v53 =	vld [tilespmem:s18+$0x82A0]  }
0x3a8: {  	v54 =	vld [tilespmem:s17+$0x220]  }
0x3a9: {  	v55 =	vld [tilespmem:s18+$0x82B0]  }
0x3aa: {  	v56 =	vld [tilespmem:s17+$0x230]  }
0x3ab: {  	v57 =	vld [tilespmem:s18+$0x82C0]  }
0x3ac: {  	v58 =	vld [tilespmem:s17+$0x2200]  }
0x3ad: {  	v59 =	vld [tilespmem:s18+$0x82D0]  }
0x3ae: {  	v60 =	vld [tilespmem:s17+$0x2210]  }
0x3af: {  	v61 =	vld [tilespmem:s18+$0x82E0]  }
0x3b0: {  	v62 =	vld [tilespmem:s17+$0x2220]  }
0x3b1: {  	v63 =	vld [tilespmem:s18+$0x82F0]  }
0x3b2: {  	v42 =	vld [tilespmem:s17+$0x2230]  }
0x3b3: {  	v43 =	vld [tilespmem:s18+$0x8300];
	_ =	sdelay $0x1  }
0x3b4: {  	v24 =	vadd.f32 v25, v24;
	v25 =	vadd.f32 v53, v52  }
0x3b5: {  	v26 =	vadd.f32 v55, v54;
	v27 =	vadd.f32 v57, v56  }
0x3b6: {  	v28 =	vadd.f32 v59, v58;
	v29 =	vadd.f32 v61, v60  }
0x3b7: {  	v30 =	vadd.f32 v63, v62;
	v44 =	vadd.f32 v43, v42  }
0x3b8: {  	v45 =	vadd.f32 v25, v24;
	v46 =	vmul.f32 v24, v24;
	v47 =	vmul.f32 v25, v25  }
0x3b9: {  	v48 =	vadd.f32 v27, v26;
	v49 =	vmul.f32 v26, v26;
	v50 =	vmul.f32 v27, v27  }
0x3ba: {  	v51 =	vadd.f32 v29, v28;
	v52 =	vmul.f32 v28, v28;
	v53 =	vmul.f32 v29, v29  }
0x3bb: {  	v54 =	vmul.f32 v30, v30;
	v55 =	vmul.f32 v44, v44;
	v56 =	vadd.f32 v44, v30  }
0x3bc: {  	v33 =	vadd.f32 v47, v46;
	v36 =	vadd.f32 v50, v49  }
0x3bd: {  	v39 =	vadd.f32 v53, v52;
	v34 =	vadd.f32 v55, v54  }
0x3be: {  	v32 =	vadd.f32 v48, v45;
	v57 =	vadd.f32 v56, v51  }
0x3bf: {  	v33 =	vadd.f32 v36, v33;
	v34 =	vadd.f32 v34, v39  }
0x3c0: {  	v32 =	vadd.f32 v57, v32  }
0x3c1: {  	v33 =	vadd.f32 v34, v33  }
0x3c2: {  	(xrf2) =	vadd.scan.msk.f32 $0xffff, v32  }
0x3c3: {  	(xrf2) =	vadd.scan.msk.f32 $0xffff, v33;
	_ =	sdelay $0x1  }
0x3c4: {  	v58 =	vld [tilespmem:s18+$0x8310];
	_ =	sdelay $0x3  }
0x3c5: {  	(v2sf) =	vpush v22, $0xA  }
0x3c6: {  	(v2sf) =	vpush v58, $0x0;
	_ =	sdelay $0x1  }
0x3c7: {  	v59, _, _ =	vpop (xrf2)  }
0x3c8: {  	(v2sf) =	vpush v59, $0xF;
	v60, _, _ =	vpop (xrf2)  }
0x3c9: {  	(v2sf) =	vpush v60, $0xF;
	_ =	sdelay $0x9  }
0x3ca: {  	s16 =	spop (v2sf)  }
0x3cb: {  	s17 =	spop (v2sf)  }
0x3cc: {  	s6 =	sadd.f32 s17, s16;
	_ =	sdelay $0x1  }
0x3cd: {  	s17 =	smul.f32 s6, s6;
	s18 =	spop (v2sf)  }
0x3ce: {  	s16 =	sadd.f32 s18, s6;
	s18 =	spop (v2sf)  }
0x3cf: {  	s17 =	sadd.f32 s18, s17  }
0x3d0: {  	s16 =	smul.f32 $7.751937950e-03, s16  }
0x3d1: {  	s17 =	smul.f32 $7.751937950e-03, s17  }
0x3d2: {  	s18 =	smul.f32 s16, s16;
	_ =	sdelay $0x1  }
0x3d3: {  	s17 =	ssub.f32 s17, s18;
	_ =	sdelay $0x1  }
0x3d4: {  	s17 =	sadd.f32 $9.999999740e-06, s17;
	_ =	sdelay $0x1  }
0x3d5: {  	v61 =	vmov s17  }
0x3d6: {  	v62 =	vshrl.u32 v61, $0x1;
	v32 =	vmul.f32 $5.000000000e-01, v61  }
0x3d7: {  	v33 =	vsub.s32 $0x5F3759DF, v62  }
0x3d8: {  	v63 =	vmul.f32 v33, v32;
	_ =	sdelay $0x1  }
0x3d9: {  	v34 =	vmul.f32 v33, v63;
	_ =	sdelay $0x1  }
0x3da: {  	v34 =	vsub.f32 $1.500000000e+00, v34;
	_ =	sdelay $0x1  }
0x3db: {  	v33 =	vmul.f32 v33, v34;
	_ =	sdelay $0x1  }
0x3dc: {  	v34 =	vmul.f32 v33, v32;
	_ =	sdelay $0x1  }
0x3dd: {  	v34 =	vmul.f32 v34, v33;
	_ =	sdelay $0x1  }
0x3de: {  	v34 =	vsub.f32 $1.500000000e+00, v34;
	_ =	sdelay $0x1  }
0x3df: {  	v33 =	vmul.f32 v34, v33;
	_ =	sdelay $0x1  }
0x3e0: {  	v32 =	vmul.f32 v33, v32;
	_ =	sdelay $0x1  }
0x3e1: {  	v32 =	vmul.f32 v32, v33;
	_ =	sdelay $0x1  }
0x3e2: {  	v32 =	vsub.f32 $1.500000000e+00, v32  }
0x3e3: {  	v36 =	vmov s16  }
0x3e4: {  	v24 =	vsub.f32 v24, v36;
	v32 =	vmul.f32 v32, v33  }
0x3e5: {  	v25 =	vsub.f32 v25, v36  }
0x3e6: {  	v26 =	vsub.f32 v26, v36;
	v27 =	vsub.f32 v27, v36;
	v24 =	vmul.f32 v32, v24  }
0x3e7: {  	v28 =	vsub.f32 v28, v36;
	v29 =	vsub.f32 v29, v36;
	v25 =	vmul.f32 v32, v25  }
0x3e8: {  	v30 =	vsub.f32 v30, v36;
	v26 =	vmul.f32 v32, v26;
	v24 =	vmul.f32 v24, v2  }
0x3e9: {  	v31 =	vsub.f32 v44, v36;
	v27 =	vmul.f32 v32, v27;
	v25 =	vmul.f32 v25, v3  }
0x3ea: {  	s14 =	smul.u32 $0x81, s14;
	v28 =	vmul.f32 v32, v28;
	v26 =	vmul.f32 v26, v4;
	v24 =	vadd.f32 v24, v10  }
0x3eb: {  	v29 =	vmul.f32 v32, v29;
	v27 =	vmul.f32 v27, v5;
	v25 =	vadd.f32 v25, v11  }
0x3ec: {  	s6 =	ssub.f32 s6, s16;
	s18 =	sand.u32 $0x3FF8, s14;
	v39 =	vmul.f32 v32, v30;
	v38 =	vmul.f32 v28, v6;
	v37 =	vadd.f32 v26, v12;
	[tilespmem:s14+$0x4200] =	vst v24  }
0x3ed: {  	v42 =	vmul.f32 v32, v31;
	v41 =	vmul.f32 v29, v7;
	v40 =	vadd.f32 v27, v13;
	[tilespmem:s18+$0x4212] =	vst v25  }
0x3ee: {  	v45 =	vmul.f32 s6, v32;
	v44 =	vmul.f32 v39, v8;
	v43 =	vadd.f32 v38, v14;
	[tilespmem:s18+$0x4222] =	vst v37  }
0x3ef: {  	v47 =	vmul.f32 v42, v9;
	v46 =	vadd.f32 v41, v15;
	[tilespmem:s18+$0x4232] =	vst v40  }
0x3f0: {  	v49 =	vmul.f32 v45, v19;
	v48 =	vadd.f32 v44, v16;
	[tilespmem:s18+$0x4242] =	vst v43  }
0x3f1: {  	v50 =	vadd.f32 v47, v17;
	[tilespmem:s18+$0x4252] =	vst v46  }
0x3f2: {  	v51 =	vadd.f32 v49, v21;
	[tilespmem:s18+$0x4262] =	vst v48  }
0x3f3: {  	s14 =	sor.u32 $0xB, s0;
	[tilespmem:s18+$0x4272] =	vst v50  }
0x3f4: {  	[tilespmem:s18+$0x4282] =	vst v51;
	s16 =	sshll.u32 s14, $0x6  }
0x3f5: {  	v24 =	vld [tilespmem:s16+$0x200]  }
0x3f6: {  	v25 =	vld [tilespmem:s5+$0x8290]  }
0x3f7: {  	v52 =	vld [tilespmem:s16+$0x210]  }
0x3f8: {  	v53 =	vld [tilespmem:s5+$0x82A0]  }
0x3f9: {  	v54 =	vld [tilespmem:s16+$0x220]  }
0x3fa: {  	v55 =	vld [tilespmem:s5+$0x82B0]  }
0x3fb: {  	v56 =	vld [tilespmem:s16+$0x230]  }
0x3fc: {  	v57 =	vld [tilespmem:s5+$0x82C0]  }
0x3fd: {  	v58 =	vld [tilespmem:s16+$0x2200]  }
0x3fe: {  	v59 =	vld [tilespmem:s5+$0x82D0]  }
0x3ff: {  	v60 =	vld [tilespmem:s16+$0x2210]  }
0x400: {  	v61 =	vld [tilespmem:s5+$0x82E0]  }
0x401: {  	v62 =	vld [tilespmem:s16+$0x2220]  }
0x402: {  	v63 =	vld [tilespmem:s5+$0x82F0]  }
0x403: {  	v42 =	vld [tilespmem:s16+$0x2230]  }
0x404: {  	v43 =	vld [tilespmem:s5+$0x8300];
	_ =	sdelay $0x1  }
0x405: {  	v24 =	vadd.f32 v25, v24;
	v25 =	vadd.f32 v53, v52  }
0x406: {  	v26 =	vadd.f32 v55, v54;
	v27 =	vadd.f32 v57, v56  }
0x407: {  	v28 =	vadd.f32 v59, v58;
	v29 =	vadd.f32 v61, v60  }
0x408: {  	v30 =	vadd.f32 v63, v62;
	v31 =	vadd.f32 v43, v42  }
0x409: {  	v44 =	vadd.f32 v25, v24;
	v45 =	vmul.f32 v24, v24;
	v46 =	vmul.f32 v25, v25  }
0x40a: {  	v47 =	vadd.f32 v27, v26;
	v48 =	vmul.f32 v26, v26;
	v49 =	vmul.f32 v27, v27  }
0x40b: {  	v50 =	vadd.f32 v29, v28;
	v51 =	vmul.f32 v28, v28;
	v52 =	vmul.f32 v29, v29  }
0x40c: {  	v53 =	vmul.f32 v30, v30;
	v54 =	vmul.f32 v31, v31;
	v55 =	vadd.f32 v31, v30  }
0x40d: {  	v33 =	vadd.f32 v46, v45;
	v36 =	vadd.f32 v49, v48  }
0x40e: {  	v39 =	vadd.f32 v52, v51;
	v34 =	vadd.f32 v54, v53  }
0x40f: {  	v32 =	vadd.f32 v47, v44;
	v56 =	vadd.f32 v55, v50  }
0x410: {  	v33 =	vadd.f32 v36, v33;
	v34 =	vadd.f32 v34, v39  }
0x411: {  	v32 =	vadd.f32 v56, v32  }
0x412: {  	v33 =	vadd.f32 v34, v33  }
0x413: {  	(xrf2) =	vadd.scan.msk.f32 $0xffff, v32  }
0x414: {  	(xrf2) =	vadd.scan.msk.f32 $0xffff, v33;
	_ =	sdelay $0x1  }
0x415: {  	v57 =	vld [tilespmem:s5+$0x8310];
	_ =	sdelay $0x3  }
0x416: {  	(v2sf) =	vpush v22, $0xB  }
0x417: {  	(v2sf) =	vpush v57, $0x0;
	_ =	sdelay $0x1  }
0x418: {  	v58, _, _ =	vpop (xrf2)  }
0x419: {  	(v2sf) =	vpush v58, $0xF;
	v59, _, _ =	vpop (xrf2)  }
0x41a: {  	(v2sf) =	vpush v59, $0xF;
	_ =	sdelay $0x9  }
0x41b: {  	s17 =	spop (v2sf)  }
0x41c: {  	s18 =	spop (v2sf)  }
0x41d: {  	s5 =	sadd.f32 s18, s17;
	_ =	sdelay $0x1  }
0x41e: {  	s17 =	smul.f32 s5, s5;
	s16 =	spop (v2sf)  }
0x41f: {  	s6 =	sadd.f32 s16, s5;
	s18 =	spop (v2sf)  }
0x420: {  	s16 =	sadd.f32 s18, s17  }
0x421: {  	s6 =	smul.f32 $7.751937950e-03, s6  }
0x422: {  	s16 =	smul.f32 $7.751937950e-03, s16  }
0x423: {  	s18 =	smul.f32 s6, s6;
	_ =	sdelay $0x1  }
0x424: {  	s16 =	ssub.f32 s16, s18;
	_ =	sdelay $0x1  }
0x425: {  	s16 =	sadd.f32 $9.999999740e-06, s16;
	_ =	sdelay $0x1  }
0x426: {  	v60 =	vmov s16  }
0x427: {  	v61 =	vshrl.u32 v60, $0x1;
	v32 =	vmul.f32 $5.000000000e-01, v60  }
0x428: {  	v33 =	vsub.s32 $0x5F3759DF, v61  }
0x429: {  	v62 =	vmul.f32 v33, v32;
	_ =	sdelay $0x1  }
0x42a: {  	v34 =	vmul.f32 v33, v62;
	_ =	sdelay $0x1  }
0x42b: {  	v34 =	vsub.f32 $1.500000000e+00, v34;
	_ =	sdelay $0x1  }
0x42c: {  	v33 =	vmul.f32 v33, v34;
	_ =	sdelay $0x1  }
0x42d: {  	v34 =	vmul.f32 v33, v32;
	_ =	sdelay $0x1  }
0x42e: {  	v34 =	vmul.f32 v34, v33;
	_ =	sdelay $0x1  }
0x42f: {  	v34 =	vsub.f32 $1.500000000e+00, v34;
	_ =	sdelay $0x1  }
0x430: {  	v33 =	vmul.f32 v34, v33;
	_ =	sdelay $0x1  }
0x431: {  	v32 =	vmul.f32 v33, v32;
	_ =	sdelay $0x1  }
0x432: {  	v32 =	vmul.f32 v32, v33;
	_ =	sdelay $0x1  }
0x433: {  	v32 =	vsub.f32 $1.500000000e+00, v32  }
0x434: {  	v63 =	vmov s6  }
0x435: {  	(v2sf) =	vpush v23, $0xD;
	v24 =	vsub.f32 v24, v63;
	v32 =	vmul.f32 v32, v33  }
0x436: {  	(v2sf) =	vpush v23, $0xC;
	v25 =	vsub.f32 v25, v63  }
0x437: {  	v26 =	vsub.f32 v26, v63;
	v27 =	vsub.f32 v27, v63;
	v24 =	vmul.f32 v32, v24  }
0x438: {  	v28 =	vsub.f32 v28, v63;
	v29 =	vsub.f32 v29, v63;
	v25 =	vmul.f32 v32, v25  }
0x439: {  	v30 =	vsub.f32 v30, v63;
	v26 =	vmul.f32 v32, v26;
	v24 =	vmul.f32 v24, v2  }
0x43a: {  	v31 =	vsub.f32 v31, v63;
	v27 =	vmul.f32 v32, v27;
	v25 =	vmul.f32 v25, v3  }
0x43b: {  	s14 =	smul.u32 $0x81, s14;
	v28 =	vmul.f32 v32, v28;
	v26 =	vmul.f32 v26, v4;
	v24 =	vadd.f32 v24, v10  }
0x43c: {  	v29 =	vmul.f32 v32, v29;
	v27 =	vmul.f32 v27, v5;
	v25 =	vadd.f32 v25, v11  }
0x43d: {  	s5 =	ssub.f32 s5, s6;
	s18 =	sand.u32 $0x3FF8, s14;
	v36 =	vmul.f32 v32, v30;
	v35 =	vmul.f32 v28, v6;
	v34 =	vadd.f32 v26, v12;
	[tilespmem:s14+$0x4200] =	vst v24  }
0x43e: {  	v39 =	vmul.f32 v32, v31;
	v38 =	vmul.f32 v29, v7;
	v37 =	vadd.f32 v27, v13;
	[tilespmem:s18+$0x4213] =	vst v25  }
0x43f: {  	v42 =	vmul.f32 s5, v32;
	v41 =	vmul.f32 v36, v8;
	v40 =	vadd.f32 v35, v14;
	[tilespmem:s18+$0x4223] =	vst v34  }
0x440: {  	v44 =	vmul.f32 v39, v9;
	v43 =	vadd.f32 v38, v15;
	[tilespmem:s18+$0x4233] =	vst v37  }
0x441: {  	v46 =	vmul.f32 v42, v19;
	v45 =	vadd.f32 v41, v16;
	[tilespmem:s18+$0x4243] =	vst v40  }
0x442: {  	v47 =	vadd.f32 v44, v17;
	[tilespmem:s18+$0x4253] =	vst v43  }
0x443: {  	v48 =	vadd.f32 v46, v21;
	[tilespmem:s18+$0x4263] =	vst v45  }
0x444: {  	s14 =	sor.u32 $0xC, s0;
	[tilespmem:s18+$0x4273] =	vst v47  }
0x445: {  	s5 =	spop (v2sf);
	[tilespmem:s18+$0x4283] =	vst v48;
	s17 =	sshll.u32 s14, $0x6  }
0x446: {  	s18 =	spop (v2sf);
	v24 =	vld [tilespmem:s17+$0x200]  }
0x447: {  	v25 =	vld [tilespmem:s18+$0x8290]  }
0x448: {  	v49 =	vld [tilespmem:s17+$0x210]  }
0x449: {  	v50 =	vld [tilespmem:s18+$0x82A0]  }
0x44a: {  	v51 =	vld [tilespmem:s17+$0x220]  }
0x44b: {  	v52 =	vld [tilespmem:s18+$0x82B0]  }
0x44c: {  	v53 =	vld [tilespmem:s17+$0x230]  }
0x44d: {  	v54 =	vld [tilespmem:s18+$0x82C0]  }
0x44e: {  	v55 =	vld [tilespmem:s17+$0x2200]  }
0x44f: {  	v56 =	vld [tilespmem:s18+$0x82D0]  }
0x450: {  	v57 =	vld [tilespmem:s17+$0x2210]  }
0x451: {  	v58 =	vld [tilespmem:s18+$0x82E0]  }
0x452: {  	v59 =	vld [tilespmem:s17+$0x2220]  }
0x453: {  	v60 =	vld [tilespmem:s18+$0x82F0]  }
0x454: {  	v61 =	vld [tilespmem:s17+$0x2230]  }
0x455: {  	v62 =	vld [tilespmem:s18+$0x8300];
	_ =	sdelay $0x1  }
0x456: {  	v24 =	vadd.f32 v25, v24;
	v25 =	vadd.f32 v50, v49  }
0x457: {  	v26 =	vadd.f32 v52, v51;
	v27 =	vadd.f32 v54, v53  }
0x458: {  	v28 =	vadd.f32 v56, v55;
	v29 =	vadd.f32 v58, v57  }
0x459: {  	v30 =	vadd.f32 v60, v59;
	v31 =	vadd.f32 v62, v61  }
0x45a: {  	v63 =	vadd.f32 v25, v24;
	v44 =	vmul.f32 v24, v24;
	v45 =	vmul.f32 v25, v25  }
0x45b: {  	v46 =	vadd.f32 v27, v26;
	v47 =	vmul.f32 v26, v26;
	v48 =	vmul.f32 v27, v27  }
0x45c: {  	v49 =	vadd.f32 v29, v28;
	v50 =	vmul.f32 v28, v28;
	v51 =	vmul.f32 v29, v29  }
0x45d: {  	v52 =	vmul.f32 v30, v30;
	v53 =	vmul.f32 v31, v31;
	v54 =	vadd.f32 v31, v30  }
0x45e: {  	v33 =	vadd.f32 v45, v44;
	v36 =	vadd.f32 v48, v47  }
0x45f: {  	v39 =	vadd.f32 v51, v50;
	v34 =	vadd.f32 v53, v52  }
0x460: {  	v32 =	vadd.f32 v46, v63;
	v55 =	vadd.f32 v54, v49  }
0x461: {  	v33 =	vadd.f32 v36, v33;
	v34 =	vadd.f32 v34, v39  }
0x462: {  	v32 =	vadd.f32 v55, v32  }
0x463: {  	v33 =	vadd.f32 v34, v33  }
0x464: {  	(xrf2) =	vadd.scan.msk.f32 $0xffff, v32  }
0x465: {  	(xrf2) =	vadd.scan.msk.f32 $0xffff, v33;
	_ =	sdelay $0x1  }
0x466: {  	v56 =	vld [tilespmem:s18+$0x8310];
	_ =	sdelay $0x3  }
0x467: {  	(v2sf) =	vpush v22, $0xC  }
0x468: {  	(v2sf) =	vpush v56, $0x0;
	_ =	sdelay $0x1  }
0x469: {  	v57, _, _ =	vpop (xrf2)  }
0x46a: {  	(v2sf) =	vpush v57, $0xF;
	v58, _, _ =	vpop (xrf2)  }
0x46b: {  	(v2sf) =	vpush v58, $0xF;
	_ =	sdelay $0x9  }
0x46c: {  	s16 =	spop (v2sf)  }
0x46d: {  	s17 =	spop (v2sf)  }
0x46e: {  	s6 =	sadd.f32 s17, s16;
	_ =	sdelay $0x1  }
0x46f: {  	s17 =	smul.f32 s6, s6;
	s18 =	spop (v2sf)  }
0x470: {  	s16 =	sadd.f32 s18, s6;
	s18 =	spop (v2sf)  }
0x471: {  	s17 =	sadd.f32 s18, s17  }
0x472: {  	s16 =	smul.f32 $7.751937950e-03, s16  }
0x473: {  	s17 =	smul.f32 $7.751937950e-03, s17  }
0x474: {  	s18 =	smul.f32 s16, s16;
	_ =	sdelay $0x1  }
0x475: {  	s17 =	ssub.f32 s17, s18;
	_ =	sdelay $0x1  }
0x476: {  	s17 =	sadd.f32 $9.999999740e-06, s17;
	_ =	sdelay $0x1  }
0x477: {  	v59 =	vmov s17  }
0x478: {  	v60 =	vshrl.u32 v59, $0x1;
	v32 =	vmul.f32 $5.000000000e-01, v59  }
0x479: {  	v33 =	vsub.s32 $0x5F3759DF, v60  }
0x47a: {  	v61 =	vmul.f32 v33, v32;
	_ =	sdelay $0x1  }
0x47b: {  	v34 =	vmul.f32 v33, v61;
	_ =	sdelay $0x1  }
0x47c: {  	v34 =	vsub.f32 $1.500000000e+00, v34;
	_ =	sdelay $0x1  }
0x47d: {  	v33 =	vmul.f32 v33, v34;
	_ =	sdelay $0x1  }
0x47e: {  	v34 =	vmul.f32 v33, v32;
	_ =	sdelay $0x1  }
0x47f: {  	v34 =	vmul.f32 v34, v33;
	_ =	sdelay $0x1  }
0x480: {  	v34 =	vsub.f32 $1.500000000e+00, v34;
	_ =	sdelay $0x1  }
0x481: {  	v33 =	vmul.f32 v34, v33;
	_ =	sdelay $0x1  }
0x482: {  	v32 =	vmul.f32 v33, v32;
	_ =	sdelay $0x1  }
0x483: {  	v32 =	vmul.f32 v32, v33;
	_ =	sdelay $0x1  }
0x484: {  	v32 =	vsub.f32 $1.500000000e+00, v32  }
0x485: {  	v62 =	vmov s16  }
0x486: {  	v24 =	vsub.f32 v24, v62;
	v32 =	vmul.f32 v32, v33  }
0x487: {  	v25 =	vsub.f32 v25, v62  }
0x488: {  	v26 =	vsub.f32 v26, v62;
	v27 =	vsub.f32 v27, v62;
	v24 =	vmul.f32 v32, v24  }
0x489: {  	v28 =	vsub.f32 v28, v62;
	v29 =	vsub.f32 v29, v62;
	v25 =	vmul.f32 v32, v25  }
0x48a: {  	v30 =	vsub.f32 v30, v62;
	v26 =	vmul.f32 v32, v26;
	v24 =	vmul.f32 v24, v2  }
0x48b: {  	v31 =	vsub.f32 v31, v62;
	v27 =	vmul.f32 v32, v27;
	v25 =	vmul.f32 v25, v3  }
0x48c: {  	s14 =	smul.u32 $0x81, s14;
	v28 =	vmul.f32 v32, v28;
	v26 =	vmul.f32 v26, v4;
	v24 =	vadd.f32 v24, v10  }
0x48d: {  	v29 =	vmul.f32 v32, v29;
	v27 =	vmul.f32 v27, v5;
	v25 =	vadd.f32 v25, v11  }
0x48e: {  	s6 =	ssub.f32 s6, s16;
	s18 =	sand.u32 $0x3FF8, s14;
	v34 =	vmul.f32 v32, v30;
	v33 =	vmul.f32 v28, v6;
	v63 =	vadd.f32 v26, v12;
	[tilespmem:s14+$0x4200] =	vst v24  }
0x48f: {  	v37 =	vmul.f32 v32, v31;
	v36 =	vmul.f32 v29, v7;
	v35 =	vadd.f32 v27, v13;
	[tilespmem:s18+$0x4214] =	vst v25  }
0x490: {  	v40 =	vmul.f32 s6, v32;
	v39 =	vmul.f32 v34, v8;
	v38 =	vadd.f32 v33, v14;
	[tilespmem:s18+$0x4224] =	vst v63  }
0x491: {  	v42 =	vmul.f32 v37, v9;
	v41 =	vadd.f32 v36, v15;
	[tilespmem:s18+$0x4234] =	vst v35  }
0x492: {  	v44 =	vmul.f32 v40, v19;
	v43 =	vadd.f32 v39, v16;
	[tilespmem:s18+$0x4244] =	vst v38  }
0x493: {  	v45 =	vadd.f32 v42, v17;
	[tilespmem:s18+$0x4254] =	vst v41  }
0x494: {  	v46 =	vadd.f32 v44, v21;
	[tilespmem:s18+$0x4264] =	vst v43  }
0x495: {  	s14 =	sor.u32 $0xD, s0;
	[tilespmem:s18+$0x4274] =	vst v45  }
0x496: {  	[tilespmem:s18+$0x4284] =	vst v46;
	s16 =	sshll.u32 s14, $0x6  }
0x497: {  	v24 =	vld [tilespmem:s16+$0x200]  }
0x498: {  	v25 =	vld [tilespmem:s5+$0x8290]  }
0x499: {  	v47 =	vld [tilespmem:s16+$0x210]  }
0x49a: {  	v48 =	vld [tilespmem:s5+$0x82A0]  }
0x49b: {  	v49 =	vld [tilespmem:s16+$0x220]  }
0x49c: {  	v50 =	vld [tilespmem:s5+$0x82B0]  }
0x49d: {  	v51 =	vld [tilespmem:s16+$0x230]  }
0x49e: {  	v52 =	vld [tilespmem:s5+$0x82C0]  }
0x49f: {  	v53 =	vld [tilespmem:s16+$0x2200]  }
0x4a0: {  	v54 =	vld [tilespmem:s5+$0x82D0]  }
0x4a1: {  	v55 =	vld [tilespmem:s16+$0x2210]  }
0x4a2: {  	v56 =	vld [tilespmem:s5+$0x82E0]  }
0x4a3: {  	v57 =	vld [tilespmem:s16+$0x2220]  }
0x4a4: {  	v58 =	vld [tilespmem:s5+$0x82F0]  }
0x4a5: {  	v59 =	vld [tilespmem:s16+$0x2230]  }
0x4a6: {  	v60 =	vld [tilespmem:s5+$0x8300];
	_ =	sdelay $0x1  }
0x4a7: {  	v24 =	vadd.f32 v25, v24;
	v25 =	vadd.f32 v48, v47  }
0x4a8: {  	v26 =	vadd.f32 v50, v49;
	v27 =	vadd.f32 v52, v51  }
0x4a9: {  	v28 =	vadd.f32 v54, v53;
	v29 =	vadd.f32 v56, v55  }
0x4aa: {  	v30 =	vadd.f32 v58, v57;
	v31 =	vadd.f32 v60, v59  }
0x4ab: {  	v61 =	vadd.f32 v25, v24;
	v62 =	vmul.f32 v24, v24;
	v63 =	vmul.f32 v25, v25  }
0x4ac: {  	v44 =	vadd.f32 v27, v26;
	v45 =	vmul.f32 v26, v26;
	v46 =	vmul.f32 v27, v27  }
0x4ad: {  	v47 =	vadd.f32 v29, v28;
	v48 =	vmul.f32 v28, v28;
	v49 =	vmul.f32 v29, v29  }
0x4ae: {  	v50 =	vmul.f32 v30, v30;
	v51 =	vmul.f32 v31, v31;
	v52 =	vadd.f32 v31, v30  }
0x4af: {  	v33 =	vadd.f32 v63, v62;
	v36 =	vadd.f32 v46, v45  }
0x4b0: {  	v39 =	vadd.f32 v49, v48;
	v34 =	vadd.f32 v51, v50  }
0x4b1: {  	v32 =	vadd.f32 v44, v61;
	v53 =	vadd.f32 v52, v47  }
0x4b2: {  	v33 =	vadd.f32 v36, v33;
	v34 =	vadd.f32 v34, v39  }
0x4b3: {  	v32 =	vadd.f32 v53, v32  }
0x4b4: {  	v33 =	vadd.f32 v34, v33  }
0x4b5: {  	(xrf2) =	vadd.scan.msk.f32 $0xffff, v32  }
0x4b6: {  	(xrf2) =	vadd.scan.msk.f32 $0xffff, v33;
	_ =	sdelay $0x1  }
0x4b7: {  	v54 =	vld [tilespmem:s5+$0x8310];
	_ =	sdelay $0x3  }
0x4b8: {  	(v2sf) =	vpush v22, $0xD  }
0x4b9: {  	(v2sf) =	vpush v54, $0x0;
	_ =	sdelay $0x1  }
0x4ba: {  	v55, _, _ =	vpop (xrf2)  }
0x4bb: {  	(v2sf) =	vpush v55, $0xF;
	v56, _, _ =	vpop (xrf2)  }
0x4bc: {  	(v2sf) =	vpush v56, $0xF;
	_ =	sdelay $0x9  }
0x4bd: {  	s17 =	spop (v2sf)  }
0x4be: {  	s18 =	spop (v2sf)  }
0x4bf: {  	s5 =	sadd.f32 s18, s17;
	_ =	sdelay $0x1  }
0x4c0: {  	s17 =	smul.f32 s5, s5;
	s16 =	spop (v2sf)  }
0x4c1: {  	s6 =	sadd.f32 s16, s5;
	s18 =	spop (v2sf)  }
0x4c2: {  	s16 =	sadd.f32 s18, s17  }
0x4c3: {  	s6 =	smul.f32 $7.751937950e-03, s6  }
0x4c4: {  	s16 =	smul.f32 $7.751937950e-03, s16  }
0x4c5: {  	s18 =	smul.f32 s6, s6;
	_ =	sdelay $0x1  }
0x4c6: {  	s16 =	ssub.f32 s16, s18;
	_ =	sdelay $0x1  }
0x4c7: {  	s16 =	sadd.f32 $9.999999740e-06, s16;
	_ =	sdelay $0x1  }
0x4c8: {  	v57 =	vmov s16  }
0x4c9: {  	v58 =	vshrl.u32 v57, $0x1;
	v32 =	vmul.f32 $5.000000000e-01, v57  }
0x4ca: {  	v33 =	vsub.s32 $0x5F3759DF, v58  }
0x4cb: {  	v59 =	vmul.f32 v33, v32;
	_ =	sdelay $0x1  }
0x4cc: {  	v34 =	vmul.f32 v33, v59;
	_ =	sdelay $0x1  }
0x4cd: {  	v34 =	vsub.f32 $1.500000000e+00, v34;
	_ =	sdelay $0x1  }
0x4ce: {  	v33 =	vmul.f32 v33, v34;
	_ =	sdelay $0x1  }
0x4cf: {  	v34 =	vmul.f32 v33, v32;
	_ =	sdelay $0x1  }
0x4d0: {  	v34 =	vmul.f32 v34, v33;
	_ =	sdelay $0x1  }
0x4d1: {  	v34 =	vsub.f32 $1.500000000e+00, v34;
	_ =	sdelay $0x1  }
0x4d2: {  	v33 =	vmul.f32 v34, v33;
	_ =	sdelay $0x1  }
0x4d3: {  	v32 =	vmul.f32 v33, v32;
	_ =	sdelay $0x1  }
0x4d4: {  	v32 =	vmul.f32 v32, v33;
	_ =	sdelay $0x1  }
0x4d5: {  	v32 =	vsub.f32 $1.500000000e+00, v32  }
0x4d6: {  	v60 =	vmov s6  }
0x4d7: {  	(v2sf) =	vpush v23, $0xF;
	v24 =	vsub.f32 v24, v60;
	v32 =	vmul.f32 v32, v33  }
0x4d8: {  	(v2sf) =	vpush v23, $0xE;
	v25 =	vsub.f32 v25, v60  }
0x4d9: {  	v26 =	vsub.f32 v26, v60;
	v61 =	vsub.f32 v27, v60;
	v24 =	vmul.f32 v32, v24  }
0x4da: {  	v62 =	vsub.f32 v28, v60;
	v63 =	vsub.f32 v29, v60;
	v25 =	vmul.f32 v32, v25  }
0x4db: {  	v35 =	vsub.f32 v31, v60;
	v26 =	vmul.f32 v32, v26;
	v24 =	vmul.f32 v24, v2  }
0x4dc: {  	v33 =	vsub.f32 v30, v60;
	v27 =	vmul.f32 v32, v62;
	v23 =	vmul.f32 v25, v3  }
0x4dd: {  	s14 =	smul.u32 $0x81, s14;
	v25 =	vmul.f32 v32, v61;
	v26 =	vmul.f32 v26, v4;
	v24 =	vadd.f32 v24, v10  }
0x4de: {  	s5 =	ssub.f32 s5, s6;
	v38 =	vmul.f32 v32, v33;
	v37 =	vmul.f32 v27, v6;
	v23 =	vadd.f32 v23, v11  }
0x4df: {  	v28 =	vmul.f32 v32, v63;
	v25 =	vmul.f32 v25, v5;
	v36 =	vadd.f32 v26, v12;
	[tilespmem:s14+$0x4200] =	vst v24;
	s14 =	sand.u32 $0x3FF8, s14  }
0x4e0: {  	v43 =	vmul.f32 s5, v32;
	v42 =	vmul.f32 v38, v8;
	v41 =	vadd.f32 v37, v14;
	[tilespmem:s14+$0x4215] =	vst v23  }
0x4e1: {  	v40 =	vmul.f32 v32, v35;
	v39 =	vmul.f32 v28, v7;
	v23 =	vadd.f32 v25, v13;
	[tilespmem:s14+$0x4225] =	vst v36  }
0x4e2: {  	v46 =	vmul.f32 v43, v19;
	v45 =	vadd.f32 v42, v16;
	[tilespmem:s14+$0x4245] =	vst v41  }
0x4e3: {  	v44 =	vmul.f32 v40, v9;
	[tilespmem:s14+$0x4235] =	vst v23;
	v23 =	vadd.f32 v39, v15  }
0x4e4: {  	v47 =	vadd.f32 v46, v21;
	[tilespmem:s14+$0x4265] =	vst v45  }
0x4e5: {  	[tilespmem:s14+$0x4255] =	vst v23;
	v23 =	vadd.f32 v44, v17  }
0x4e6: {  	s5 =	sor.u32 $0xE, s0;
	[tilespmem:s14+$0x4285] =	vst v47  }
0x4e7: {  	s0 =	spop (v2sf);
	[tilespmem:s14+$0x4275] =	vst v23;
	s14 =	sshll.u32 s5, $0x6  }
0x4e8: {  	s16 =	spop (v2sf);
	v23 =	vld [tilespmem:s14+$0x200]  }
0x4e9: {  	v24 =	vld [tilespmem:s16+$0x8290]  }
0x4ea: {  	v48 =	vld [tilespmem:s14+$0x210]  }
0x4eb: {  	v49 =	vld [tilespmem:s16+$0x82A0]  }
0x4ec: {  	v50 =	vld [tilespmem:s14+$0x220]  }
0x4ed: {  	v51 =	vld [tilespmem:s16+$0x82B0]  }
0x4ee: {  	v52 =	vld [tilespmem:s14+$0x230]  }
0x4ef: {  	v53 =	vld [tilespmem:s16+$0x82C0]  }
0x4f0: {  	v54 =	vld [tilespmem:s14+$0x2200]  }
0x4f1: {  	v55 =	vld [tilespmem:s16+$0x82D0]  }
0x4f2: {  	v56 =	vld [tilespmem:s14+$0x2210]  }
0x4f3: {  	v57 =	vld [tilespmem:s16+$0x82E0]  }
0x4f4: {  	v58 =	vld [tilespmem:s14+$0x2220]  }
0x4f5: {  	v59 =	vld [tilespmem:s16+$0x82F0]  }
0x4f6: {  	v60 =	vld [tilespmem:s14+$0x2230]  }
0x4f7: {  	v61 =	vld [tilespmem:s16+$0x8300];
	_ =	sdelay $0x1  }
0x4f8: {  	v23 =	vadd.f32 v24, v23;
	v24 =	vadd.f32 v49, v48  }
0x4f9: {  	v25 =	vadd.f32 v51, v50;
	v26 =	vadd.f32 v53, v52  }
0x4fa: {  	v27 =	vadd.f32 v55, v54;
	v28 =	vadd.f32 v57, v56  }
0x4fb: {  	v29 =	vadd.f32 v59, v58;
	v30 =	vadd.f32 v61, v60  }
0x4fc: {  	v62 =	vadd.f32 v24, v23;
	v63 =	vmul.f32 v23, v23;
	v44 =	vmul.f32 v24, v24  }
0x4fd: {  	v45 =	vadd.f32 v26, v25;
	v46 =	vmul.f32 v25, v25;
	v47 =	vmul.f32 v26, v26  }
0x4fe: {  	v48 =	vadd.f32 v28, v27;
	v49 =	vmul.f32 v27, v27;
	v50 =	vmul.f32 v28, v28  }
0x4ff: {  	v51 =	vmul.f32 v29, v29;
	v52 =	vmul.f32 v30, v30;
	v53 =	vadd.f32 v30, v29  }
0x500: {  	v32 =	vadd.f32 v44, v63;
	v35 =	vadd.f32 v47, v46  }
0x501: {  	v38 =	vadd.f32 v50, v49;
	v33 =	vadd.f32 v52, v51  }
0x502: {  	v31 =	vadd.f32 v45, v62;
	v54 =	vadd.f32 v53, v48  }
0x503: {  	v32 =	vadd.f32 v35, v32;
	v33 =	vadd.f32 v33, v38  }
0x504: {  	v31 =	vadd.f32 v54, v31  }
0x505: {  	v32 =	vadd.f32 v33, v32  }
0x506: {  	(xrf2) =	vadd.scan.msk.f32 $0xffff, v31  }
0x507: {  	(xrf2) =	vadd.scan.msk.f32 $0xffff, v32;
	_ =	sdelay $0x1  }
0x508: {  	v55 =	vld [tilespmem:s16+$0x8310];
	_ =	sdelay $0x3  }
0x509: {  	(v2sf) =	vpush v22, $0xE  }
0x50a: {  	(v2sf) =	vpush v55, $0x0;
	_ =	sdelay $0x1  }
0x50b: {  	v56, _, _ =	vpop (xrf2)  }
0x50c: {  	(v2sf) =	vpush v56, $0xF;
	v57, _, _ =	vpop (xrf2)  }
0x50d: {  	(v2sf) =	vpush v57, $0xF;
	_ =	sdelay $0x9  }
0x50e: {  	s17 =	spop (v2sf)  }
0x50f: {  	s18 =	spop (v2sf)  }
0x510: {  	s6 =	sadd.f32 s18, s17;
	_ =	sdelay $0x1  }
0x511: {  	s17 =	smul.f32 s6, s6;
	s16 =	spop (v2sf)  }
0x512: {  	s14 =	sadd.f32 s16, s6;
	s18 =	spop (v2sf)  }
0x513: {  	s16 =	sadd.f32 s18, s17  }
0x514: {  	s14 =	smul.f32 $7.751937950e-03, s14  }
0x515: {  	s16 =	smul.f32 $7.751937950e-03, s16  }
0x516: {  	s18 =	smul.f32 s14, s14;
	_ =	sdelay $0x1  }
0x517: {  	s16 =	ssub.f32 s16, s18;
	_ =	sdelay $0x1  }
0x518: {  	s16 =	sadd.f32 $9.999999740e-06, s16;
	_ =	sdelay $0x1  }
0x519: {  	v58 =	vmov s16  }
0x51a: {  	v59 =	vshrl.u32 v58, $0x1;
	v31 =	vmul.f32 $5.000000000e-01, v58  }
0x51b: {  	v32 =	vsub.s32 $0x5F3759DF, v59  }
0x51c: {  	v60 =	vmul.f32 v32, v31;
	_ =	sdelay $0x1  }
0x51d: {  	v33 =	vmul.f32 v32, v60;
	_ =	sdelay $0x1  }
0x51e: {  	v33 =	vsub.f32 $1.500000000e+00, v33;
	_ =	sdelay $0x1  }
0x51f: {  	v32 =	vmul.f32 v32, v33;
	_ =	sdelay $0x1  }
0x520: {  	v33 =	vmul.f32 v32, v31;
	_ =	sdelay $0x1  }
0x521: {  	v33 =	vmul.f32 v33, v32;
	_ =	sdelay $0x1  }
0x522: {  	v33 =	vsub.f32 $1.500000000e+00, v33;
	_ =	sdelay $0x1  }
0x523: {  	v32 =	vmul.f32 v33, v32;
	_ =	sdelay $0x1  }
0x524: {  	v31 =	vmul.f32 v32, v31;
	_ =	sdelay $0x1  }
0x525: {  	v31 =	vmul.f32 v31, v32;
	_ =	sdelay $0x1  }
0x526: {  	v31 =	vsub.f32 $1.500000000e+00, v31  }
0x527: {  	v61 =	vmov s14  }
0x528: {  	v23 =	vsub.f32 v23, v61;
	v31 =	vmul.f32 v31, v32  }
0x529: {  	v24 =	vsub.f32 v24, v61  }
0x52a: {  	v25 =	vsub.f32 v25, v61;
	v26 =	vsub.f32 v26, v61;
	v23 =	vmul.f32 v31, v23  }
0x52b: {  	v27 =	vsub.f32 v27, v61;
	v28 =	vsub.f32 v28, v61;
	v24 =	vmul.f32 v31, v24  }
0x52c: {  	v29 =	vsub.f32 v29, v61;
	v25 =	vmul.f32 v31, v25;
	v23 =	vmul.f32 v23, v2  }
0x52d: {  	v30 =	vsub.f32 v30, v61;
	v26 =	vmul.f32 v31, v26;
	v24 =	vmul.f32 v24, v3  }
0x52e: {  	s5 =	smul.u32 $0x81, s5;
	v27 =	vmul.f32 v31, v27;
	v25 =	vmul.f32 v25, v4;
	v23 =	vadd.f32 v23, v10  }
0x52f: {  	v28 =	vmul.f32 v31, v28;
	v26 =	vmul.f32 v26, v5;
	v24 =	vadd.f32 v24, v11  }
0x530: {  	s14 =	ssub.f32 s6, s14;
	s18 =	sand.u32 $0x3FF8, s5;
	v63 =	vmul.f32 v31, v29;
	v62 =	vmul.f32 v27, v6;
	[tilespmem:s5+$0x4200] =	vst v23;
	v23 =	vadd.f32 v25, v12  }
0x531: {  	v34 =	vmul.f32 v31, v30;
	v33 =	vmul.f32 v28, v7;
	v32 =	vadd.f32 v26, v13;
	[tilespmem:s18+$0x4216] =	vst v24  }
0x532: {  	v36 =	vmul.f32 s14, v31;
	v35 =	vmul.f32 v63, v8;
	[tilespmem:s18+$0x4226] =	vst v23;
	v23 =	vadd.f32 v62, v14  }
0x533: {  	v38 =	vmul.f32 v34, v9;
	v37 =	vadd.f32 v33, v15;
	[tilespmem:s18+$0x4236] =	vst v32  }
0x534: {  	v39 =	vmul.f32 v36, v19;
	[tilespmem:s18+$0x4246] =	vst v23;
	v23 =	vadd.f32 v35, v16  }
0x535: {  	v40 =	vadd.f32 v38, v17;
	[tilespmem:s18+$0x4256] =	vst v37  }
0x536: {  	[tilespmem:s18+$0x4266] =	vst v23;
	v23 =	vadd.f32 v39, v21  }
0x537: {  	s5 =	sshllo.u32 s31, $0x4;
	[tilespmem:s18+$0x4276] =	vst v40  }
0x538: {  	s16 =	sshll.u32 s5, $0x6;
	[tilespmem:s18+$0x4286] =	vst v23  }
0x539: {  	v23 =	vld [tilespmem:s16+$0x200]  }
0x53a: {  	v24 =	vld [tilespmem:s0+$0x8290]  }
0x53b: {  	v41 =	vld [tilespmem:s16+$0x210]  }
0x53c: {  	v42 =	vld [tilespmem:s0+$0x82A0]  }
0x53d: {  	v43 =	vld [tilespmem:s16+$0x220]  }
0x53e: {  	v44 =	vld [tilespmem:s0+$0x82B0]  }
0x53f: {  	v45 =	vld [tilespmem:s16+$0x230]  }
0x540: {  	v46 =	vld [tilespmem:s0+$0x82C0]  }
0x541: {  	v47 =	vld [tilespmem:s16+$0x2200]  }
0x542: {  	v48 =	vld [tilespmem:s0+$0x82D0]  }
0x543: {  	v49 =	vld [tilespmem:s16+$0x2210]  }
0x544: {  	v50 =	vld [tilespmem:s0+$0x82E0]  }
0x545: {  	v51 =	vld [tilespmem:s16+$0x2220]  }
0x546: {  	v52 =	vld [tilespmem:s0+$0x82F0]  }
0x547: {  	v53 =	vld [tilespmem:s16+$0x2230]  }
0x548: {  	v54 =	vld [tilespmem:s0+$0x8300];
	_ =	sdelay $0x1  }
0x549: {  	v23 =	vadd.f32 v24, v23;
	v24 =	vadd.f32 v42, v41  }
0x54a: {  	v25 =	vadd.f32 v44, v43;
	v26 =	vadd.f32 v46, v45  }
0x54b: {  	v27 =	vadd.f32 v48, v47;
	v55 =	vadd.f32 v50, v49  }
0x54c: {  	v56 =	vadd.f32 v52, v51;
	v57 =	vadd.f32 v54, v53  }
0x54d: {  	v58 =	vadd.f32 v24, v23;
	v59 =	vmul.f32 v23, v23;
	v60 =	vmul.f32 v24, v24  }
0x54e: {  	v61 =	vadd.f32 v26, v25;
	v62 =	vmul.f32 v25, v25;
	v63 =	vmul.f32 v26, v26  }
0x54f: {  	v44 =	vadd.f32 v55, v27;
	v45 =	vmul.f32 v27, v27;
	v46 =	vmul.f32 v55, v55  }
0x550: {  	v47 =	vmul.f32 v56, v56;
	v48 =	vmul.f32 v57, v57;
	v49 =	vadd.f32 v57, v56  }
0x551: {  	v32 =	vadd.f32 v60, v59;
	v35 =	vadd.f32 v63, v62  }
0x552: {  	v38 =	vadd.f32 v46, v45;
	v33 =	vadd.f32 v48, v47  }
0x553: {  	v31 =	vadd.f32 v61, v58;
	v50 =	vadd.f32 v49, v44  }
0x554: {  	v32 =	vadd.f32 v35, v32;
	v33 =	vadd.f32 v33, v38  }
0x555: {  	v31 =	vadd.f32 v50, v31  }
0x556: {  	v32 =	vadd.f32 v33, v32  }
0x557: {  	(xrf2) =	vadd.scan.msk.f32 $0xffff, v31  }
0x558: {  	(xrf2) =	vadd.scan.msk.f32 $0xffff, v32;
	_ =	sdelay $0x1  }
0x559: {  	v51 =	vld [tilespmem:s0+$0x8310];
	_ =	sdelay $0x3  }
0x55a: {  	(v2sf) =	vpush v22, $0xF  }
0x55b: {  	(v2sf) =	vpush v51, $0x0;
	_ =	sdelay $0x1  }
0x55c: {  	v22, _, _ =	vpop (xrf2)  }
0x55d: {  	(v2sf) =	vpush v22, $0xF;
	v22, _, _ =	vpop (xrf2)  }
0x55e: {  	(v2sf) =	vpush v22, $0xF;
	_ =	sdelay $0x9  }
0x55f: {  	s17 =	spop (v2sf)  }
0x560: {  	s18 =	spop (v2sf)  }
0x561: {  	s0 =	sadd.f32 s18, s17;
	_ =	sdelay $0x1  }
0x562: {  	s16 =	smul.f32 s0, s0;
	s14 =	spop (v2sf)  }
0x563: {  	s6 =	sadd.f32 s14, s0;
	s17 =	spop (v2sf)  }
0x564: {  	s14 =	sadd.f32 s17, s16  }
0x565: {  	s6 =	smul.f32 $7.751937950e-03, s6  }
0x566: {  	s14 =	smul.f32 $7.751937950e-03, s14  }
0x567: {  	s18 =	smul.f32 s6, s6;
	_ =	sdelay $0x1  }
0x568: {  	s14 =	ssub.f32 s14, s18;
	_ =	sdelay $0x1  }
0x569: {  	s14 =	sadd.f32 $9.999999740e-06, s14;
	_ =	sdelay $0x1  }
0x56a: {  	v22 =	vmov s14  }
0x56b: {  	v52 =	vshrl.u32 v22, $0x1;
	v22 =	vmul.f32 $5.000000000e-01, v22  }
0x56c: {  	v31 =	vsub.s32 $0x5F3759DF, v52  }
0x56d: {  	v53 =	vmul.f32 v31, v22;
	_ =	sdelay $0x1  }
0x56e: {  	v32 =	vmul.f32 v31, v53;
	_ =	sdelay $0x1  }
0x56f: {  	v32 =	vsub.f32 $1.500000000e+00, v32;
	_ =	sdelay $0x1  }
0x570: {  	v31 =	vmul.f32 v31, v32;
	_ =	sdelay $0x1  }
0x571: {  	v32 =	vmul.f32 v31, v22;
	_ =	sdelay $0x1  }
0x572: {  	v32 =	vmul.f32 v32, v31;
	_ =	sdelay $0x1  }
0x573: {  	v32 =	vsub.f32 $1.500000000e+00, v32;
	_ =	sdelay $0x1  }
0x574: {  	v31 =	vmul.f32 v32, v31;
	_ =	sdelay $0x1  }
0x575: {  	v22 =	vmul.f32 v31, v22;
	_ =	sdelay $0x1  }
0x576: {  	v22 =	vmul.f32 v22, v31;
	_ =	sdelay $0x1  }
0x577: {  	v22 =	vsub.f32 $1.500000000e+00, v22  }
0x578: {  	v54 =	vmov s6  }
0x579: {  	v23 =	vsub.f32 v23, v54;
	v22 =	vmul.f32 v22, v31  }
0x57a: {  	v24 =	vsub.f32 v24, v54;
	v25 =	vsub.f32 v25, v54  }
0x57b: {  	v26 =	vsub.f32 v26, v54;
	v27 =	vsub.f32 v27, v54;
	v23 =	vmul.f32 v22, v23  }
0x57c: {  	v28 =	vsub.f32 v55, v54;
	v24 =	vmul.f32 v22, v24;
	v25 =	vmul.f32 v22, v25  }
0x57d: {  	v29 =	vsub.f32 v56, v54;
	v26 =	vmul.f32 v22, v26;
	v23 =	vmul.f32 v23, v2  }
0x57e: {  	v30 =	vsub.f32 v57, v54;
	v28 =	vmul.f32 v22, v28;
	v24 =	vmul.f32 v24, v3  }
0x57f: {  	s5 =	smul.u32 $0x81, s5;
	v27 =	vmul.f32 v22, v27;
	v26 =	vmul.f32 v26, v5;
	v23 =	vadd.f32 v23, v10  }
0x580: {  	s0 =	ssub.f32 s0, s6;
	v59 =	vmul.f32 v22, v30;
	v58 =	vmul.f32 v28, v7;
	v24 =	vadd.f32 v24, v11  }
0x581: {  	v56 =	vmul.f32 v22, v29;
	v25 =	vmul.f32 v25, v4;
	v57 =	vadd.f32 v26, v13;
	[tilespmem:s5+$0x4200] =	vst v23;
	s5 =	sand.u32 $0x3FF8, s5  }
0x582: {  	v22 =	vmul.f32 s0, v22;
	v62 =	vmul.f32 v59, v9;
	v61 =	vadd.f32 v58, v15;
	[tilespmem:s5+$0x4217] =	vst v24  }
0x583: {  	v55 =	vmul.f32 v27, v6;
	v23 =	vadd.f32 v25, v12;
	[tilespmem:s5+$0x4237] =	vst v57  }
0x584: {  	p0 =	sne.s32 s31, $0x7;
	v22 =	vmul.f32 v22, v19;
	v63 =	vadd.f32 v62, v17;
	[tilespmem:s5+$0x4257] =	vst v61  }
.Ltmp0:
0x585: {  	v60 =	vmul.f32 v56, v8;
	[tilespmem:s5+$0x4227] =	vst v23;
	v23 =	vadd.f32 v55, v14;
	(pc) =	sbr.rel @p0 .LBB2_3-.Ltmp0, $4  }
0x586: {  	v22 =	vadd.f32 v22, v21;
	[tilespmem:s5+$0x4277] =	vst v63  }
0x587: {  	[tilespmem:s5+$0x4247] =	vst v23;
	v23 =	vadd.f32 v60, v16  }
0x588: {  	[tilespmem:s5+$0x4287] =	vst v22  }
0x589: {  	s31 =	sadd.s32 $0x1, s31;
	[tilespmem:s5+$0x4267] =	vst v23  }
0x58a: {  	s0 =	smul.u32 $0x81, s30  }
0x58b: {  	s29 =	sadd.s32 $0x1, s29  }
0x58c: {  	p0 =	sne.s32 s29, $0x48;
	s0 =	sshrl.u32 s0, $0x3  }
.Ltmp1:
0x58d: {  	s0 =	sadd.s32 s1, s0;
	(pc) =	sbr.rel @p0 .LBB2_2-.Ltmp1, $4  }
0x58e: {  	[hbm4b:s0+s2] =	stream.linear.scatter [tilespmem:s26], [sflag:$0x3], $0x4080, $0x38;
	[tilespmem:$0x8DF0] =	vst v63  }
0x58f: {  	_ =	swait.ge [sflag:s15], $0x4080  }
0x590: {  	[sflag:s15] =	ssyncset.done $0x0  }
0x591: {  	[sflag:s15] =	ssyncadd.s32 $0xFFFFBF80  }
0x592: {  	s28 =	sadd.s32 $0x1, s28  }
0x593: {  	p0 =	sne.s32 s28, s13  }
.Ltmp2:
0x594: {  	_ = 	snop;
	(pc) =	sbr.rel @p0 .LBB2_1-.Ltmp2, $1  }
0x595: {  	_ =	sdelay $0x3  }
0x596: {  	_ =	sfence.sel $0x180000  }
0x597: {  	[bflag:$0x0] =	sbarrier.arrive $0xFFFF  }
0x598: {  	_ =	strace $0x90000047  }
0x599: {  	s0 =	stileid.u32;
	[bflag:$0x2] =	sbarrier.arrive $0xFFFF  }
0x59a: {  	p0 =	sne.s32 s0, $0x0;
	s0 =	rddreg [dreg:$0x2]  }
0x59b: {  	s0 =	sadd.s32 @!p0 $0x100000, s0  }
0x59c: {  	[sflag:s0] =	ssyncadd.tile.s32 @!p0 $0x1;
	_ =	shalt  }
.Lfunc_end2:
_tile_overlayer_lowered:
.L_overlay_start_2:
0x59d: {  	(tag) =	ssettag $0x2  }
0x59e: {  	s0 =	rddreg [dreg:$0x0];
	s2 =	stileid.u32  }
0x59f: {  	s1 =	rddreg [dreg:$0x1];
	p0 =	sne.s32 s2, $0x0  }
0x5a0: {  	s3 =	rddreg [dreg:$0x2];
	[bflag:$0x3] =	sbarrier.arrive $0xFFFF;
	s2 =	simm.s32 @!p0 $0x1C03  }
0x5a1: {  	[timem:s3], [sflag:s2] =	dma.local @!p0 [hbm:s0], s1  }
0x5a2: {  	s0 =	simm.s32 @!p0 $0x3  }
0x5a3: {  	_ =	swait.ge @!p0 [sflag:s0], s1  }
0x5a4: {  	s1 =	ssub.s32 @!p0 $0x0, s1;
	[sflag:s0] =	ssyncset.done @!p0 $0x0  }
0x5a5: {  	[sflag:s0] =	ssyncadd.s32 @!p0 s1  }
0x5a6: {  	[bflag:$0x3] =	sbarrier.arrive $0xFFFF  }
0x5a7: {  	_ =	shalt  }

// kernel: sparse-core-data-format-call.cloned.1.call-start
scs
called_computation_lowered:
.L_overlay_start_0:
0x0: {  	s2 =	sld [smem:$0x3FD9]  }
0x1: {  	s3 =	sld [smem:$0x3FFE];
	_ =	sdelay $0x1  }
0x2: {  	s1 =	srdreg.scid  }
0x3: {  	s0 =	sand.u32 $0x1, s1  }
0x4: {  	s18 =	sshll.u32 s0, $0xA;
	s2 =	sadd.s32 s3, s2  }
0x5: {  	s2 =	sadd.s32 s2, s18  }
0x6: {  	[smem:$0x3FC1] =	sst s2  }
0x7: {  	_ = 	snop  }
0x8: {  	s2 =	sld [smem:$0x3FD0];
	(tm) =	ssettm $0x1  }
0x9: {  	s19 =	sld [smem:$0x3FFB];
	_ =	sdelay $0x3  }
0xa: {  	_ =	strace s19  }
0xb: {  	s3 =	sld [smem:$0x3FFC];
	_ =	sdelay $0x3  }
0xc: {  	_ =	strace s3  }
0xd: {  	s3 =	sld [smem:$0x3FFD];
	_ =	sdelay $0x3  }
0xe: {  	_ =	strace s3  }
0xf: {  	_ =	strace $0x8FFFFFFF  }
0x10: {  	s20 =	sld [smem:$0x3FDB];
	_ =	sdelay $0x1  }
0x11: {  	s4 =	simm.s32 $_scs_section_size  }
0x12: {  	s5 =	simm.s32 $_size__tile_overlayer_lowered;
	s6 =	simm.s32 $_tile_overlayer_lowered  }
0x13: {  	s23 =	simm.s32 $0x1BFF;
	s22 =	sshll.u32 s6, $0x1;
	s3 =	sadd.s32 s4, s20  }
0x14: {  	s7 =	simm.s32 $0x0;
	s21 =	sshll.u32 s5, $0x1;
	s5 =	sadd.s32 s22, s3  }
0x15: {  	[timem:s7], [sflag:s23] =	dma.local [hbm:s5], s21  }
0x16: {  	_ =	swait.ge [sflag:s23], s21  }
0x17: {  	s4 =	ssub.s32 $0x0, s21;
	[sflag:s23] =	ssyncset.done $0x0  }
0x18: {  	[sflag:s23] =	ssyncadd.s32 s4;
	_ =	sdelay $0x1  }
0x19: {  	s24 =	simm.s32 $0x1B8B  }
0x1a: {  	_ =	swait.ge [sflag:s24], $0x1  }
0x1b: {  	[sflag:s24] =	ssyncset.done $0x0  }
0x1c: {  	s26 =	simm.s32 $0x1B8E;
	s25 =	sld [smem:$0x3FFE];
	[sflag:s24] =	ssyncadd.s32 $0xFFFFFFFF  }
0x1d: {  	s27 =	simm.s32 $execute0_lowered;
	[smem:$0x3FD2] =	sst s26  }
0x1e: {  	s5 =	sshll.u32 s27, $0x1;
	_ =	strace $0x80000049;
	[dreg:$0x1] =	wrdreg $0xFFFFFFFF  }
0x1f: {  	s28 =	simm.s32 $_size_execute0_lowered;
	s3 =	sadd.s32 s3, s5;
	[dreg:$0x0] =	wrdreg $0x0  }
0x20: {  	s5 =	sshll.u32 s28, $0x1;
	[dreg:$0x2] =	wrdreg s3  }
0x21: {  	[dreg:$0x3] =	wrdreg s5  }
0x22: {  	[dreg:$0x4] =	wrdreg $0xC0  }
0x23: {  	_ =	task [dreg:s7], $0x5FFFF  }
0x24: {  	[dreg:$0x1] =	wrdreg $0xFFFFFFFF  }
0x25: {  	[dreg:$0x0] =	wrdreg $0x60  }
0x26: {  	[dreg:$0x2] =	wrdreg s25  }
0x27: {  	[dreg:$0x3] =	wrdreg s2  }
0x28: {  	[dreg:$0x4] =	wrdreg $0x9  }
0x29: {  	_ =	task.clear_ibuf [dreg:s7], $0x5FFFF;
	_ =	strace $0x90000049  }
0x2a: {  	s29 =	simm.s32 $0x9;
	_ =	strace $0x8000004B  }
0x2b: {  	_ =	swait.ge [sflag:s29], $0x1  }
0x2c: {  	[sflag:s29] =	ssyncadd.s32 $0xFFFFFFFF  }
0x2d: {  	_ =	strace $0x9000004B  }
0x2e: {  	_ =	sfence  }
0x2f: {  	s30 =	sld [smem:$0x0];
	_ =	sdelay $0x2  }
0x30: {  	s31 =	sshll.u32 s1, $0xD;
	s1 =	sshrl.u32 s1, $0x2  }
0x31: {  	s3 =	sand.u32 $0x4000, s31;
	s1 =	sadd.s32 s1, s30  }
0x32: {  	s0 =	sor.u32 s3, s0;
	s1 =	sshll.u32 s1, $0x11  }
0x33: {  	s0 =	sor.u32 s1, s0  }
0x34: {  	s0 =	sadd.s32 $0x8F2B, s0  }
0x35: {  	[sflag:s0] =	ssyncadd.remote.s32 $0x1  }
0x36: {  	_ =	sfence.sel $0xFFFF  }
0x37: {  	[dreg:$0x0] =	wrdreg $0xFFFFFFFF;
	(pc) =	sbr.abs _section_cstart, $3  }
0x38: {  	[dreg:$0x1] =	wrdreg $0xFFFFFFFF  }
0x39: {  	_ =	task.clear_ibuf [dreg:s7], $0x2FFFF;
	_ =	strace $0x9FFFFFFF  }
0x3a: {  	(tm) =	ssettm $0x7FFFFFFF  }
0x3b: {  	_ =	shalt  }
tec
execute0_lowered:
.L_overlay_start_1:
0x0: {  	(tag) =	ssettag $0x1  }
0x1: {  	s0 =	srdreg.scid;
	s6 =	rddreg [dreg:$0x0]  }
0x2: {  	s3 =	rddreg [dreg:$0x1];
	s1 =	sshll.u32 s0, $0x4  }
0x3: {  	s5 =	simm.s32 $0x1;
	s0 =	stileid.u32;
	s1 =	sand.u32 $0x10, s1  }
0x4: {  	s31 =	simm.s32 $0x2;
	s16 =	simm.s32 $0x0;
	s1 =	sor.u32 s0, s1  }
0x5: {  	s8 =	simm.s32 $0x20000;
	s18 =	simm.s32 $0x0;
	s2 =	sshll.u32 s1, $0x7  }
0x6: {  	s17 =	simm.s32 $0x0;
	s9 =	simm.s32 $0x0;
	s4 =	ssub.s32 $0x4000, s2  }
0x7: {  	s10 =	simm.s32 $0x0;
	s11 =	simm.s32 $0x0;
	s30 =	sand.u32 $0xF80, s4  }
0x8: {  	s12 =	simm.s32 $0x0;
	s13 =	simm.s32 $0x0;
	p0 =	sne.s32 s30, $0x0  }
.Ltmp0:
0x9: {  	s7 =	sshrl.u32 s4, $0xC;
	s5 =	simm.s32 @!p0 $0x0;
	(pc) =	sbr.rel .LBB1_1-.Ltmp0, $4  }
0xa: {  	s15 =	simm.s32 $0x0;
	s1 =	rddreg [dreg:$0x2];
	s5 =	sadd.s32 s5, s7  }
0xb: {  	_ =	strace $0x8000004A;
	s4 =	simm.s32 $0x1;
	s5 =	smul.u32 $0x24, s5  }
0xc: {  	s6 =	sadd.s32 $0x2800, s6;
	s14 =	smov.u32 s2;
	[sflag:s4] =	ssyncpa.u1 $0x0  }
0xd: {  	[sflag:s31] =	ssyncpa.u1 $0x0;
	p0 =	por $0x0, $0x0;
	s7 =	sor.u32 $0x1, s5  }
.LBB1_4:
0xe: {  	s23 =	sshra.s32 s23, $0x2;
	s30 =	sshll.u32 s9, $0xE  }
0xf: {  	p1 =	sgt.s32 s10, $0x11;
	s24 =	smov.u32 s10;
	s25 =	sshra.s32 s10, $0x1F  }
0x10: {  	s26 =	sshll.u32 s11, $0x3;
	s28 =	smov.u32 s11;
	s29 =	sshra.s32 s11, $0x1F  }
0x11: {  	s22 =	sadd.s32 s23, s22;
	s24 =	simm.s32 @!p1 $0x11;
	s25 =	sand.u32 s25, s10  }
0x12: {  	s23 =	sand.u32 $0xFFFE0000, s30;
	s27 =	sand.u32 $0xFFFFFC00, s26;
	p1 =	sgt.s32 s9, $0x8  }
0x13: {  	s31 =	sand.u32 s29, s11;
	s29 =	sshll.u32 s9, $0x7;
	s30 =	sshra.s32 s9, $0x1F  }
0x14: {  	[tilespmem:s21+$0x2040 ss:$0x81] =	vst.msk $0xffff, v4;
	s24 =	ssub.s32 s24, s25;
	s23 =	sadd.s32 s27, s23;
	s27 =	smov.u32 s9  }
0x15: {  	[tilespmem:s21+$0x2850 ss:$0x81] =	vst.msk $0xffff, v3;
	s29 =	sand.u32 $0x380, s29;
	s25 =	sadd.s32 $0xFFFFFFEF, s24;
	s27 =	simm.s32 @!p1 $0x8  }
0x16: {  	v5 =	vld [tilespmem:s20+$0xFFFFFFD0];
	[tilespmem:s21+$0x3060 ss:$0x81] =	vst.msk $0xffff, v2;
	p1 =	sgt.s32 s11, $0x3F80;
	s23 =	sshrl.u32 s23, $0xE;
	s24 =	ssub.s32 $0x12, s24  }
0x17: {  	v58 =	vld [tilespmem:s20+$0xFFFFFFE0];
	[tilespmem:s21+$0x0 ss:$0x81] =	vst.msk $0xffff, v1;
	s28 =	simm.s32 @!p1 $0x3F80;
	p1 =	sgt.s32 s25, $0x0;
	s21 =	smulhi.u32 $0x1E1E1E2, s23  }
0x18: {  	v59 =	vld [tilespmem:s20+$0xFFFFFFF0];
	s25 =	ssub.s32 s28, s31;
	s28 =	sand.u32 s30, s9;
	s24 =	simm.s32 @p1 $0x0  }
0x19: {  	v60 =	vld [tilespmem:s20+$0x0];
	s27 =	ssub.s32 s27, s28;
	s31 =	sadd.s32 $0xFFFFC080, s25;
	s25 =	ssub.s32 $0x4000, s25  }
0x1a: {  	v61 =	vld [tilespmem:s20+$0x10];
	[tilespmem:s22+$0x3870 ss:$0x81] =	vst.msk $0xffff, v0;
	s21 =	smul.u32 $0x88, s21;
	s28 =	sand.u32 $0x7, s11;
	p1 =	sgt.s32 s31, $0x7F  }
0x1b: {  	v62 =	vld [tilespmem:s20+$0x20];
	[tilespmem:s22+$0x810 ss:$0x81] =	vst.msk $0xffff, v5;
	s30 =	sadd.s32 $0xFFFFFFF8, s27;
	s31 =	sand.u32 $0x78, s11;
	s25 =	simm.s32 @p1 $0x0  }
0x1c: {  	v63 =	vld [tilespmem:s20+$0xFFFFFFC0];
	[tilespmem:s22+$0x1020 ss:$0x81] =	vst.msk $0xffff, v58;
	p1 =	sgt.s32 s30, $0x7F;
	s30 =	sand.u32 $0x3C00, s26;
	s24 =	smul.u32 s25, s24  }
0x1d: {  	[tilespmem:s22+$0x1830 ss:$0x81] =	vst.msk $0xffff, v59;
	s26 =	ssub.s32 $0x88, s27;
	s20 =	sor.u32 s31, s30;
	s31 =	smul.u32 $0x44000, s10  }
0x1e: {  	[tilespmem:s22+$0x2040 ss:$0x81] =	vst.msk $0xffff, v60;
	s21 =	ssub.s32 s23, s21;
	s26 =	simm.s32 @p1 $0x0;
	s20 =	sor.u32 s29, s20  }
0x1f: {  	[tilespmem:s22+$0x2850 ss:$0x81] =	vst.msk $0xffff, v61;
	s26 =	smul.u32 s26, s24;
	s20 =	sshrl.u32 s20, $0x3;
	s27 =	sadd.s32 s3, s31  }
0x20: {  	[tilespmem:s22+$0x3060 ss:$0x81] =	vst.msk $0xffff, v62;
	s21 =	sshll.u32 s21, $0xB;
	s29 =	sshll.u32 s28, $0x12;
	s20 =	sadd.s32 s20, s27  }
0x21: {  	[tilespmem:s22+$0x0 ss:$0x81] =	vst.msk $0xffff, v63;
	s31 =	sor.u32 $0x400, s29;
	s30 =	sand.u32 $0x3FFFFFFF, s26;
	s20 =	sadd.s32 s21, s20  }
0x22: {  	[hbm4b:s20+s31] =	stream.strided.scatter [tilespmem:s19], [sflag:$0x2], s30, s8, s31, $0x20;
	[tilespmem:$0x10100] =	vst v63  }
.LBB1_5:
0x23: {  	p1 =	slt.u32 s15, $0x2  }
0x24: {  	p2 =	sgt.s32 @!p1 s18, $0x11  }
0x25: {  	s19 =	smov.u32 s18;
	s20 =	sshra.s32 @!p1 s18, $0x1F;
	p2 =	por !p2, p1  }
0x26: {  	s18 =	sand.u32 @!p1 s20, s18;
	s19 =	simm.s32 @p2 $0x11  }
0x27: {  	p3 =	sgt.s32 @!p1 s16, $0x8;
	s18 =	ssub.s32 @!p1 s19, s18  }
0x28: {  	p4 =	sgt.s32 @!p1 s17, $0x3F80;
	s21 =	sshra.s32 @!p1 s17, $0x1F;
	s19 =	sadd.s32 @!p1 $0xFFFFFFEF, s18  }
0x29: {  	s20 =	smov.u32 s16;
	p2 =	sgt.s32 @!p1 s19, $0x0;
	s19 =	sshra.s32 @!p1 s16, $0x1F  }
0x2a: {  	p4 =	por !p4, p1;
	s16 =	sand.u32 @!p1 s19, s16;
	s19 =	smov.u32 s17  }
0x2b: {  	p3 =	por !p3, p1;
	s17 =	sand.u32 @!p1 s21, s17;
	s19 =	simm.s32 @p4 $0x3F80  }
0x2c: {  	s20 =	simm.s32 @p3 $0x8;
	s18 =	ssub.s32 @!p1 $0x12, s18;
	s17 =	ssub.s32 @!p1 s19, s17  }
0x2d: {  	p2 =	por !p2, p1;
	s16 =	ssub.s32 @!p1 s20, s16;
	s20 =	sadd.s32 @!p1 $0xFFFFC080, s17  }
0x2e: {  	s18 =	simm.s32 @!p2 $0x0;
	p3 =	sgt.s32 @!p1 s20, $0x7F  }
0x2f: {  	s19 =	sadd.s32 @!p1 $0xFFFFFFF8, s16;
	s17 =	ssub.s32 @!p1 $0x4000, s17;
	p3 =	por !p3, p1  }
0x30: {  	p2 =	sgt.s32 @!p1 s19, $0x7F;
	s19 =	sadd.s32 $0x80, s12;
	s17 =	simm.s32 @!p3 $0x0  }
0x31: {  	p3 =	sgt.s32 s19, $0x80;
	s17 =	smul.u32 @!p1 s17, s18;
	s18 =	simm.s32 $0x1  }
0x32: {  	s16 =	ssub.s32 @!p1 $0x88, s16;
	p2 =	por !p2, p1;
	s18 =	simm.s32 @!p3 $0x0  }
0x33: {  	s21 =	smov.u32 s14;
	s16 =	simm.s32 @!p2 $0x0;
	s20 =	sadd.s32 s18, s13  }
0x34: {  	s16 =	smul.u32 @!p1 s16, s17;
	s17 =	sadd.s32 $0x1000, s14;
	p2 =	sgt.s32 s20, $0x11  }
0x35: {  	p0 =	por !p0, !p0;
	s22 =	simm.s32 @!p1 $0x2;
	s21 =	smov.u32 @p2 s17  }
0x36: {  	s19 =	simm.s32 @p3 $0x0;
	s20 =	simm.s32 @p2 $0x0;
	p2 =	sgt.s32 s21, $0x3FFF  }
0x37: {  	s18 =	smov.u32 s10;
	s21 =	smov.u32 @p2 s2;
	p2 =	sne.s32 s15, s7  }
.Ltmp1:
0x38: {  	s10 =	smov.u32 s13;
	s16 =	sand.u32 @!p1 $0x3FFFFFFF, s16;
	(pc) =	sbr.rel @!p2 .LBB1_6-.Ltmp1, $4  }
0x39: {  	s17 =	smov.u32 s11;
	s11 =	smov.u32 s14;
	_ =	swait.ge @!p1 [sflag:s22], s16  }
0x3a: {  	s23 =	ssub.s32 @!p1 $0x0, s16;
	s16 =	smov.u32 s9;
	s9 =	smov.u32 s12  }
0x3b: {  	s12 =	smov.u32 s19;
	s13 =	smov.u32 s20;
	[sflag:s22] =	ssyncset.done @!p1 $0x0  }
0x3c: {  	s15 =	sadd.s32 $0x1, s15;
	[sflag:s22] =	ssyncadd.s32 @!p1 s23;
	s14 =	smov.u32 s21  }
.LBB1_1:
0x3d: {  	p1 =	sge.u32 s15, s5  }
0x3e: {  	s19 =	sshll.u32 @!p1 s13, $0x8;
	s20 =	sshll.u32 @!p1 s12, $0x3  }
0x3f: {  	s21 =	sshll.u32 @!p1 s13, $0x7;
	s19 =	sand.u32 @!p1 $0xFFFFF800, s19;
	s20 =	sand.u32 @!p1 $0xFFFFFC00, s20  }
0x40: {  	s19 =	sadd.s32 @!p1 s19, s20;
	s20 =	sand.u32 @!p1 $0x300, s21  }
0x41: {  	s19 =	sor.u32 @!p1 s20, s19  }
0x42: {  	s19 =	sshrl.u32 @!p1 s19, $0x8  }
0x43: {  	s31 =	sadd.s32 $0xFFFFFFFF, s15;
	s20 =	smulhi.u32 @!p1 $0xAAAAAAB, s19  }
0x44: {  	s22 =	sxor.u32 @!p1 $0xFFFFFFFF, s15;
	s23 =	sand.u32 @!p1 $0x78, s12;
	s24 =	smul.u32 @!p1 $0x300, s14  }
0x45: {  	s22 =	sshll.u32 @!p1 s22, $0xE;
	s21 =	sand.u32 @!p1 $0x80, s21;
	s20 =	smul.u32 @!p1 $0x18, s20  }
0x46: {  	s22 =	sand.u32 @!p1 $0x4000, s22;
	s21 =	sor.u32 @!p1 s23, s21;
	s23 =	sand.u32 @!p1 $0x7, s12  }
0x47: {  	s19 =	ssub.s32 @!p1 s19, s20;
	s20 =	sshrl.u32 @!p1 s21, $0x3;
	s21 =	sadd.s32 @!p1 s6, s24  }
0x48: {  	s19 =	sshll.u32 @!p1 s19, $0x5;
	s20 =	sadd.s32 @!p1 s20, s21;
	s21 =	sshll.u32 @!p1 s23, $0x12  }
0x49: {  	s19 =	sadd.s32 @!p1 s19, s20;
	s20 =	sor.u32 @!p1 $0x80, s21;
	s21 =	simm.s32 @!p1 $0x1800  }
0x4a: {  	[tilespmem:s22], [sflag:$0x1] =	stream.strided.gather @!p1 [hbm4b:s19+s20], $0x4000, s21, s20, $0x38;
	[tilespmem:$0x10100] =	vst v63  }
0x4b: {  	p1 =	sge.u32 s31, s5  }
.Ltmp2:
0x4c: {  	_ = 	snop;
	(pc) =	sbr.rel @p1 .LBB1_5-.Ltmp2, $1  }
0x4d: {  	_ =	sdelay $0x3  }
0x4e: {  	s19 =	simm.s32 $0x1  }
0x4f: {  	_ =	swait.ge [sflag:s4], $0x4000;
	s19 =	simm.s32 @!p0 $0x0  }
0x50: {  	[sflag:s4] =	ssyncset.done $0x0;
	s20 =	sshll.u32 s19, $0xE  }
0x51: {  	[sflag:s4] =	ssyncadd.s32 $0xFFFFC000;
	s20 =	sor.u32 $0x40, s20  }
0x52: {  	s19 =	smul.u32 $0x10200, s19;
	v0 =	vld [tilespmem:s20+$0x30]  }
0x53: {  	v1 =	vld [tilespmem:s20+$0xFFFFFFD0]  }
0x54: {  	s19 =	sshrl.u32 s19, $0x2;
	v5 =	vld [tilespmem:s20+$0xFFFFFFE0]  }
0x55: {  	v6 =	vld [tilespmem:s20+$0xFFFFFFF0];
	s22 =	sor.u32 $0x8000, s19  }
0x56: {  	s31 =	sand.u32 $0x1, s15;
	v4 =	vld [tilespmem:s20+$0x0];
	s21 =	sadd.s32 $0x0, s22  }
0x57: {  	v3 =	vld [tilespmem:s20+$0x10];
	s19 =	smul.u32 $0x10200, s31;
	[tilespmem:s21+$0x3870 ss:$0x81] =	vst.msk $0xffff, v0  }
0x58: {  	v2 =	vld [tilespmem:s20+$0x20];
	[tilespmem:s21+$0x810 ss:$0x81] =	vst.msk $0xffff, v1  }
0x59: {  	s19 =	sshrl.u32 s19, $0x2;
	v1 =	vld [tilespmem:s20+$0xFFFFFFC0];
	[tilespmem:s21+$0x1020 ss:$0x81] =	vst.msk $0xffff, v5;
	s20 =	sadd.s32 $0x80, s20  }
0x5a: {  	s23 =	simm.s32 $0x4;
	s24 =	simm.s32 $0x8;
	s19 =	sor.u32 $0x8000, s19;
	[tilespmem:s21+$0x1830 ss:$0x81] =	vst.msk $0xffff, v6;
	v0 =	vld [tilespmem:s20+$0x30]  }
.LBB1_3:
0x5b: {  	p1 =	sne.s32 s24, $0x1FC;
	v5 =	vld [tilespmem:s20+$0xFFFFFFD0];
	[tilespmem:s21+$0x2040 ss:$0x81] =	vst.msk $0xffff, v4  }
0x5c: {  	v6 =	vld [tilespmem:s20+$0xFFFFFFE0];
	[tilespmem:s21+$0x2850 ss:$0x81] =	vst.msk $0xffff, v3  }
0x5d: {  	s25 =	sshra.s32 s23, $0x2;
	s23 =	smov.u32 s24;
	v7 =	vld [tilespmem:s20+$0xFFFFFFF0];
	[tilespmem:s21+$0x3060 ss:$0x81] =	vst.msk $0xffff, v2  }
.Ltmp3:
0x5e: {  	v4 =	vld [tilespmem:s20+$0x0];
	[tilespmem:s21+$0x0 ss:$0x81] =	vst.msk $0xffff, v1;
	s21 =	sadd.s32 s25, s22;
	(pc) =	sbr.rel @p1 .LBB1_3-.Ltmp3, $4  }
0x5f: {  	v3 =	vld [tilespmem:s20+$0x10];
	[tilespmem:s21+$0x3870 ss:$0x81] =	vst.msk $0xffff, v0  }
0x60: {  	[tilespmem:s21+$0x810 ss:$0x81] =	vst.msk $0xffff, v5;
	v2 =	vld [tilespmem:s20+$0x20]  }
0x61: {  	v1 =	vld [tilespmem:s20+$0xFFFFFFC0];
	[tilespmem:s21+$0x1020 ss:$0x81] =	vst.msk $0xffff, v6;
	s20 =	sadd.s32 $0x80, s20  }
0x62: {  	s24 =	sadd.s32 $0x4, s24;
	v0 =	vld [tilespmem:s20+$0x30];
	[tilespmem:s21+$0x1830 ss:$0x81] =	vst.msk $0xffff, v7  }
.Ltmp4:
0x63: {  	_ = 	snop;
	(pc) =	sbr.rel .LBB1_4-.Ltmp4, $1  }
0x64: {  	_ =	sdelay $0x3  }
.LBB1_6:
0x65: {  	_ =	sfence.sel $0x180000  }
0x66: {  	s2 =	simm.s32 $0x1;
	[bflag:$0x0] =	sbarrier.arrive $0xFFFF  }
0x67: {  	s31 =	simm.s32 $0x2;
	[sflag:s2] =	ssyncpa.u1 $0x1  }
0x68: {  	[sflag:s31] =	ssyncpa.u1 $0x1  }
0x69: {  	p0 =	sne.s32 s0, $0x0;
	_ =	strace $0x9000004A  }
0x6a: {  	s0 =	sadd.s32 @!p0 $0x100000, s1;
	[bflag:$0x2] =	sbarrier.arrive $0xFFFF  }
0x6b: {  	[sflag:s0] =	ssyncadd.tile.s32 @!p0 $0x1;
	_ =	shalt  }
.Lfunc_end1:
_tile_overlayer_lowered:
.L_overlay_start_2:
0x6c: {  	(tag) =	ssettag $0x2  }
0x6d: {  	s0 =	rddreg [dreg:$0x0];
	s2 =	stileid.u32  }
0x6e: {  	s1 =	rddreg [dreg:$0x1];
	p0 =	sne.s32 s2, $0x0  }
0x6f: {  	s3 =	rddreg [dreg:$0x2];
	[bflag:$0x3] =	sbarrier.arrive $0xFFFF;
	s2 =	simm.s32 @!p0 $0x1C01  }
0x70: {  	[timem:s3], [sflag:s2] =	dma.local @!p0 [hbm:s0], s1  }
0x71: {  	s0 =	simm.s32 @!p0 $0x1  }
0x72: {  	_ =	swait.ge @!p0 [sflag:s0], s1  }
0x73: {  	s1 =	ssub.s32 @!p0 $0x0, s1;
	[sflag:s0] =	ssyncset.done @!p0 $0x0  }
0x74: {  	[sflag:s0] =	ssyncadd.s32 @!p0 s1  }
0x75: {  	[bflag:$0x3] =	sbarrier.arrive $0xFFFF  }
0x76: {  	_ =	shalt  }

</sc_bundles>
